<compile_context>
chip_gen: v7x
topology: tpu7x:2x2x1
jax: 0.10.2.dev20260603
libtpu: 0.0.44.dev20260713+nightly
codegen_flags: <defaults>
</compile_context>

<pallas_src>
import functools

import jax
import jax.numpy as jnp
from jax import lax
from jax.experimental import pallas as pl
from jax.experimental.pallas import tpu as pltpu
from jax.experimental.pallas import tpu_sc as plsc

_B, _N, _D = 8, 2048, 785
_M = _B * _N
_NW = 32
_RPW = _M // _NW
_CHUNK = 16
_NCHUNK = _RPW // _CHUNK
_NSUPER = _NCHUNK // 2
_NSLC = 49
_WPB = _N // _RPW


def _sc_body(cp_h, rp_h, l_h, u_h, lo_h, uo_h, plb_h, pub_h,
             cp_v, rp_v, la, ua, lb, ub, plbv, pubv, redv,
             s_in_la, s_in_ua, s_in_lb, s_in_ub,
             s_out_la, s_out_ua, s_out_lb, s_out_ub):
    nc = 2
    wid = lax.axis_index("s") * nc + lax.axis_index("c")
    b_idx = wid // _WPB
    n_base = (wid % _WPB) * _RPW

    pltpu.sync_copy(cp_h, cp_v)
    pltpu.sync_copy(rp_h, rp_v)
    zero16 = jnp.zeros((16,), jnp.float32)
    lane = lax.iota(jnp.int32, 16)
    bfly_idx = [(lane ^ sh, lane ^ sh + 16, lane ^ sh + 32, lane ^ sh + 48)
                for sh in (8, 4, 2, 1)]

    def _allreduce4(v0, v1, v2, v3):
        for i0, i1, i2, i3 in bfly_idx:
            redv[pl.ds(0, 16)] = v0
            redv[pl.ds(16, 16)] = v1
            redv[pl.ds(32, 16)] = v2
            redv[pl.ds(48, 16)] = v3
            v0 = v0 + plsc.load_gather(redv, [i0])
            v1 = v1 + plsc.load_gather(redv, [i1])
            v2 = v2 + plsc.load_gather(redv, [i2])
            v3 = v3 + plsc.load_gather(redv, [i3])
        return v0, v1, v2, v3

    def _src(c):
        n0 = n_base + c * _CHUNK
        return (l_h.at[b_idx, pl.ds(n0, _CHUNK)],
                u_h.at[b_idx, pl.ds(n0, _CHUNK)])

    def _dst(c):
        n0 = n_base + c * _CHUNK
        return (lo_h.at[b_idx, pl.ds(n0, _CHUNK)],
                uo_h.at[b_idx, pl.ds(n0, _CHUNK)])

    def _issue_in(lv, uv, sl, su, c):
        srl, sru = _src(c)
        pltpu.async_copy(srl, lv, sl)
        pltpu.async_copy(sru, uv, su)

    def _wait_in(lv, uv, sl, su, c):
        srl, sru = _src(c)
        pltpu.make_async_copy(srl, lv, sl).wait()
        pltpu.make_async_copy(sru, uv, su).wait()

    def _issue_out(lv, uv, sl, su, c):
        dsl, dsu = _dst(c)
        pltpu.async_copy(lv, dsl, sl)
        pltpu.async_copy(uv, dsu, su)

    def _wait_out(lv, uv, sl, su, c):
        dsl, dsu = _dst(c)
        pltpu.make_async_copy(lv, dsl, sl).wait()
        pltpu.make_async_copy(uv, dsu, su).wait()

    def _compute_chunk(lbuf, ubuf, k):
        def row_body(r, carry):
            plb_acc, pub_acc = carry
            acc_sl = zero16
            acc_tl = zero16
            acc_su = zero16
            acc_tu = zero16
            for j in range(_NSLC):
                off = 16 * j
                lv = lbuf[r, pl.ds(off, 16)]
                uv = ubuf[r, pl.ds(off, 16)]
                cj = cp_v[pl.ds(off, 16)]
                rj = rp_v[pl.ds(off, 16)]
                acc_sl = acc_sl + lv * cj
                acc_tl = acc_tl + jnp.abs(lv) * rj
                acc_su = acc_su + uv * cj
                acc_tu = acc_tu + jnp.abs(uv) * rj
            lane15 = lane == 15
            vb_l = lbuf[r, pl.ds(_D - 16, 16)]
            vb_u = ubuf[r, pl.ds(_D - 16, 16)]
            acc_sl = acc_sl + jnp.where(lane15, vb_l, zero16)
            acc_su = acc_su + jnp.where(lane15, vb_u, zero16)
            s_l, t_l, s_u, t_u = _allreduce4(acc_sl, acc_tl, acc_su, acc_tu)

            conc_lb = s_l - t_l
            max_lb = s_l + t_l
            conc_ub = s_u + t_u
            min_ub = s_u - t_u

            zf = jnp.zeros((16,), jnp.float32)
            onef = jnp.ones((16,), jnp.float32)
            inactive = conc_ub <= zf
            unstable = (conc_lb < zf) & (conc_ub > zf)
            mostly_inactive = unstable & (
                (jnp.abs(conc_lb) > jnp.abs(conc_ub)) | (max_lb <= zf))
            mostly_active = unstable & (jnp.abs(conc_lb) <= jnp.abs(conc_ub))

            denom_l = jnp.where(unstable, max_lb - conc_lb, onef)
            a_l = jnp.where(max_lb < zf, zf, max_lb / denom_l)
            scale_l = jnp.where(inactive | mostly_inactive, zf, onef)
            scale_l = jnp.where(mostly_active, a_l, scale_l)

            zero_x = unstable & (min_ub <= zf)
            denom_u = jnp.where(zero_x, conc_ub - min_ub, onef)
            a_u = conc_ub / denom_u
            scale_u = jnp.where(inactive, zf, onef)
            scale_u = jnp.where(zero_x, a_u, scale_u)
            bias_adj = jnp.where(zero_x, a_u * min_ub, zf)

            for j in range(_NSLC):
                off = 16 * j
                lv = lbuf[r, pl.ds(off, 16)]
                uv = ubuf[r, pl.ds(off, 16)]
                lbuf[r, pl.ds(off, 16)] = scale_l * lv
                ubuf[r, pl.ds(off, 16)] = scale_u * uv
            vb_l = lbuf[r, pl.ds(_D - 16, 16)]
            vb_u = ubuf[r, pl.ds(_D - 16, 16)]
            lbuf[r, pl.ds(_D - 16, 16)] = jnp.where(
                lane15, scale_l * vb_l, vb_l)
            ubuf[r, pl.ds(_D - 16, 16)] = jnp.where(
                lane15, scale_u * vb_u - bias_adj, vb_u)

            rm = lane == r
            plb_acc = jnp.where(rm, scale_l * conc_lb, plb_acc)
            pub_acc = jnp.where(rm, scale_u * conc_ub - bias_adj, pub_acc)
            return plb_acc, pub_acc

        plb_acc, pub_acc = lax.fori_loop(
            0, _CHUNK, row_body, (zero16, zero16))
        plbv[pl.ds(k * _CHUNK, _CHUNK)] = plb_acc
        pubv[pl.ds(k * _CHUNK, _CHUNK)] = pub_acc

    _issue_in(la, ua, s_in_la, s_in_ua, 0)
    _issue_in(lb, ub, s_in_lb, s_in_ub, 1)

    def super_body(i, _):
        ca = 2 * i
        cb = 2 * i + 1
        _wait_in(la, ua, s_in_la, s_in_ua, ca)
        _compute_chunk(la, ua, ca)
        _issue_out(la, ua, s_out_la, s_out_ua, ca)

        _wait_in(lb, ub, s_in_lb, s_in_ub, cb)
        _compute_chunk(lb, ub, cb)
        _issue_out(lb, ub, s_out_lb, s_out_ub, cb)

        @pl.when(i < _NSUPER - 1)
        def _prefetch():
            _wait_out(la, ua, s_out_la, s_out_ua, ca)
            _issue_in(la, ua, s_in_la, s_in_ua, ca + 2)
            _wait_out(lb, ub, s_out_lb, s_out_ub, cb)
            _issue_in(lb, ub, s_in_lb, s_in_ub, cb + 2)
        return 0

    lax.fori_loop(0, _NSUPER, super_body, 0)
    _wait_out(la, ua, s_out_la, s_out_ua, _NCHUNK - 2)
    _wait_out(lb, ub, s_out_lb, s_out_ub, _NCHUNK - 1)
    pltpu.sync_copy(plbv, plb_h.at[pl.ds(wid * _RPW, _RPW)])
    pltpu.sync_copy(pubv, pub_h.at[pl.ds(wid * _RPW, _RPW)])


_sc_call = functools.partial(
    pl.kernel,
    out_type=[
        jax.ShapeDtypeStruct((_B, _N, _D), jnp.float32),
        jax.ShapeDtypeStruct((_B, _N, _D), jnp.float32),
        jax.ShapeDtypeStruct((_M,), jnp.float32),
        jax.ShapeDtypeStruct((_M,), jnp.float32),
    ],
    mesh=plsc.VectorSubcoreMesh(core_axis_name="c", subcore_axis_name="s"),
    compiler_params=pltpu.CompilerParams(needs_layout_passes=False),
    scratch_types=[
        pltpu.VMEM((_NSLC * 16,), jnp.float32),
        pltpu.VMEM((_NSLC * 16,), jnp.float32),
        pltpu.VMEM((_CHUNK, _D), jnp.float32),
        pltpu.VMEM((_CHUNK, _D), jnp.float32),
        pltpu.VMEM((_CHUNK, _D), jnp.float32),
        pltpu.VMEM((_CHUNK, _D), jnp.float32),
        pltpu.VMEM((_RPW,), jnp.float32),
        pltpu.VMEM((_RPW,), jnp.float32),
        pltpu.VMEM((64,), jnp.float32),
    ] + [pltpu.SemaphoreType.DMA] * 8,
)(_sc_body)


def kernel(l, u, in_l, in_u):
    B, N, _ = l.shape
    cp = (in_l + in_u) * 0.5
    rp = (in_u - in_l) * 0.5
    l_new, u_new, post_lb, post_ub = _sc_call(cp, rp, l, u)
    return (l_new, u_new, post_lb.reshape(B, N), post_ub.reshape(B, N))

# --- scband reference (transcript-rebuilt; emitter-appended) ---
"""Pipeline reference for scband-re-lu-62758062129325 (READ-ONLY COPY).

The authoritative reference and input builder live on the scoring server;
editing this copy changes nothing except your own understanding.
"""

import jax, jax.numpy as jnp
import numpy as np

B, N, D = 8, 2048, 785


def _concretize(eq_l, eq_u, in_l, in_u):
    # eq[..., :-1] are coefficients over the input box, eq[..., -1] is the bias.
    cl, bl = eq_l[..., :-1], eq_l[..., -1]
    cu, bu = eq_u[..., :-1], eq_u[..., -1]
    clp = jnp.clip(cl, 0.0, None)
    cln = jnp.clip(cl, None, 0.0)
    cup = jnp.clip(cu, 0.0, None)
    cun = jnp.clip(cu, None, 0.0)
    conc_lb = clp @ in_l + cln @ in_u + bl   # tight lower bound of lower eq
    max_lb  = clp @ in_u + cln @ in_l + bl   # upper bound of lower eq
    conc_ub = cup @ in_u + cun @ in_l + bu   # tight upper bound of upper eq
    min_ub  = cup @ in_l + cun @ in_u + bu   # lower bound of upper eq
    return conc_lb, conc_ub, max_lb, min_ub


def setup_inputs(seed: int = 0):
    key = jax.random.key(seed)
    k1, k2, k3 = jax.random.split(key, 3)
    l = jax.random.normal(k1, (B, N, D), dtype=jnp.float32) * 0.1
    # coefficient-wise u >= l guarantees a valid symbolic interval
    u = l + jax.random.uniform(k2, (B, N, D), dtype=jnp.float32) * 0.2
    center = jax.random.uniform(k3, (D - 1,), dtype=jnp.float32)
    eps = 0.05
    in_l = center - eps
    in_u = center + eps
    return {"l": l, "u": u, "in_l": in_l, "in_u": in_u}


def reference(l, u, in_l, in_u):
    conc_lb, conc_ub, max_lb, min_ub = _concretize(l, u, in_l, in_u)

    inactive = conc_ub <= 0
    active = conc_lb > 0
    unstable = (conc_lb < 0) & (conc_ub > 0)

    # lower-bound relaxation choice for unstable neurons
    mostly_inactive = unstable & ((jnp.abs(conc_lb) > jnp.abs(conc_ub)) | (max_lb <= 0))
    mostly_active = unstable & (jnp.abs(conc_lb) <= jnp.abs(conc_ub))

    denom_l = jnp.where(unstable, max_lb - conc_lb, 1.0)  # > 0 when unstable
    a_l = max_lb / denom_l
    a_l = jnp.where(max_lb < 0, 0.0, a_l)

    # inactive neurons: zero out both equations; mostly_inactive: lower eq -> 0;
    # mostly_active (applied last, matching torch ordering): lower eq scaled by a_l.
    l_new = jnp.where((inactive | mostly_inactive)[..., None], 0.0, l)
    l_new = jnp.where(mostly_active[..., None], a_l[..., None] * l, l_new)

    # upper-bound relaxation: only if upper eq crosses zero over the box
    zero_crossing = unstable & (min_ub <= 0)
    denom_u = jnp.where(zero_crossing, conc_ub - min_ub, 1.0)  # > 0 when zero_crossing
    a_u = conc_ub / denom_u
    u_new = jnp.where(inactive[..., None], 0.0, u)
    u_new = jnp.where(zero_crossing[..., None], a_u[..., None] * u, u_new)
    bias_adj = jnp.where(zero_crossing, a_u * min_ub, 0.0)
    u_new = u_new.at[..., -1].add(-bias_adj)

    # post_interval.concretize()
    post_lb, post_ub, post_max_lb, post_min_ub = _concretize(l_new, u_new, in_l, in_u)
    return (l_new, u_new, post_lb, post_ub)

if __name__ == "__main__":
    import jax
    _d = setup_inputs()
    print(jax.jit(kernel)(*tuple(_d.values())))

</pallas_src>

<mosaic_0001>
#map = affine_map<(d0, d1) -> (0)>
#map1 = affine_map<(d0, d1) -> (0, 0, 0)>
module attributes {stable_mosaic.version = 14 : i64} {
  func.func @_sc_body(%arg0: i32, %arg1: i32, %arg2: memref<784xf32, #tpu.memory_space<hbm>>, %arg3: memref<784xf32, #tpu.memory_space<hbm>>, %arg4: memref<8x2048x785xf32, #tpu.memory_space<hbm>>, %arg5: memref<8x2048x785xf32, #tpu.memory_space<hbm>>, %arg6: memref<8x2048x785xf32, #tpu.memory_space<hbm>>, %arg7: memref<8x2048x785xf32, #tpu.memory_space<hbm>>, %arg8: memref<16384xf32, #tpu.memory_space<hbm>>, %arg9: memref<16384xf32, #tpu.memory_space<hbm>>, %arg10: memref<784xf32, #tpu.memory_space<vmem>>, %arg11: memref<784xf32, #tpu.memory_space<vmem>>, %arg12: memref<16x785xf32, #tpu.memory_space<vmem>>, %arg13: memref<16x785xf32, #tpu.memory_space<vmem>>, %arg14: memref<16x785xf32, #tpu.memory_space<vmem>>, %arg15: memref<16x785xf32, #tpu.memory_space<vmem>>, %arg16: memref<512xf32, #tpu.memory_space<vmem>>, %arg17: memref<512xf32, #tpu.memory_space<vmem>>, %arg18: memref<64xf32, #tpu.memory_space<vmem>>, %arg19: memref<!tpu.dma_semaphore, #tpu.memory_space<semaphore_mem>>, %arg20: memref<!tpu.dma_semaphore, #tpu.memory_space<semaphore_mem>>, %arg21: memref<!tpu.dma_semaphore, #tpu.memory_space<semaphore_mem>>, %arg22: memref<!tpu.dma_semaphore, #tpu.memory_space<semaphore_mem>>, %arg23: memref<!tpu.dma_semaphore, #tpu.memory_space<semaphore_mem>>, %arg24: memref<!tpu.dma_semaphore, #tpu.memory_space<semaphore_mem>>, %arg25: memref<!tpu.dma_semaphore, #tpu.memory_space<semaphore_mem>>, %arg26: memref<!tpu.dma_semaphore, #tpu.memory_space<semaphore_mem>>) attributes {dimension_semantics = [#tpu.dimension_semantics<core_parallel>, #tpu.dimension_semantics<subcore_parallel>], iteration_bounds = array<i64: 2, 16>, scalar_prefetch = 0 : i64, scratch_operands = 17 : i64, tpu.core_type = #tpu.core_type<sc_vector_subcore>, window_params = [{transform_indices = #map}, {transform_indices = #map}, {transform_indices = #map1}, {transform_indices = #map1}, {transform_indices = #map1}, {transform_indices = #map1}, {transform_indices = #map}, {transform_indices = #map}]} {
    %mul3A = arith.constant 2 : i32
    %mul3A_0 = arith.muli %arg1, %mul3A : i32
    %add3A = arith.addi %mul3A_0, %arg0 : i32
    %jit3A = arith.constant 4 : i32
    %div3A = arith.divsi %add3A, %jit3A : i32
    %sign3A = arith.constant 0 : i32
    %sign3A_1 = arith.cmpi sgt, %add3A, %sign3A : i32
    %sign3A_2 = arith.extui %sign3A_1 : i1 to i32
    %sign3A_3 = arith.constant 0 : i32
    %sign3A_4 = arith.cmpi slt, %add3A, %sign3A_3 : i32
    %sign3A_5 = arith.extui %sign3A_4 : i1 to i32
    %sign3A_6 = arith.subi %sign3A_2, %sign3A_5 : i32
    %sign3A_7 = arith.constant 0 : i32
    %sign3A_8 = arith.cmpi sgt, %jit3A, %sign3A_7 : i32
    %sign3A_9 = arith.extui %sign3A_8 : i1 to i32
    %sign3A_10 = arith.constant 0 : i32
    %sign3A_11 = arith.cmpi slt, %jit3A, %sign3A_10 : i32
    %sign3A_12 = arith.extui %sign3A_11 : i1 to i32
    %sign3A_13 = arith.subi %sign3A_9, %sign3A_12 : i32
    %ne3A = arith.cmpi ne, %sign3A_6, %sign3A_13 : i32
    %rem3A = arith.remsi %add3A, %jit3A : i32
    %ne3A_14 = arith.constant 0 : i32
    %ne3A_15 = arith.cmpi ne, %rem3A, %ne3A_14 : i32
    %and3A = arith.andi %ne3A, %ne3A_15 : i1
    %sub3A = arith.constant 1 : i32
    %sub3A_16 = arith.subi %div3A, %sub3A : i32
    %select_n3A = arith.select %and3A, %sub3A_16, %div3A : i32
    %jit3A_17 = arith.constant 4 : i32
    %eq3A = arith.constant 0 : i32
    %eq3A_18 = arith.cmpi eq, %jit3A_17, %eq3A : i32
    %jit3A_19 = arith.constant 1 : i32
    %select_n3A_20 = arith.select %eq3A_18, %jit3A_19, %jit3A_17 : i32
    %rem3A_21 = arith.remsi %add3A, %select_n3A_20 : i32
    %ne3A_22 = arith.constant 0 : i32
    %ne3A_23 = arith.cmpi ne, %rem3A_21, %ne3A_22 : i32
    %lt3A = arith.constant 0 : i32
    %lt3A_24 = arith.cmpi slt, %rem3A_21, %lt3A : i32
    %lt3A_25 = arith.constant 0 : i32
    %lt3A_26 = arith.cmpi slt, %select_n3A_20, %lt3A_25 : i32
    %ne3A_27 = arith.xori %lt3A_24, %lt3A_26 : i1
    %and3A_28 = arith.andi %ne3A_27, %ne3A_23 : i1
    %add3A_29 = arith.addi %rem3A_21, %select_n3A_20 : i32
    %select_n3A_30 = arith.select %and3A_28, %add3A_29, %rem3A_21 : i32
    %mul3A_31 = arith.constant 512 : i32
    %mul3A_32 = arith.muli %select_n3A_30, %mul3A_31 : i32
    "tpu.region"() ({
      %run_scoped3A = tpu.sem_alloc : memref<!tpu.dma_semaphore, #tpu.memory_space<semaphore_mem>>
      tpu.enqueue_dma source(%arg2 : memref<784xf32, #tpu.memory_space<hbm>>) target(%arg10 : memref<784xf32, #tpu.memory_space<vmem>>) target_semaphore(%run_scoped3A : memref<!tpu.dma_semaphore, #tpu.memory_space<semaphore_mem>>)
      tpu.wait_dma2 semaphore(%run_scoped3A : memref<!tpu.dma_semaphore, #tpu.memory_space<semaphore_mem>>) src(%arg2 : memref<784xf32, #tpu.memory_space<hbm>>) dst(%arg10 : memref<784xf32, #tpu.memory_space<vmem>>)
      tpu.yield
    }) : () -> ()
    "tpu.region"() ({
      %run_scoped3A = tpu.sem_alloc : memref<!tpu.dma_semaphore, #tpu.memory_space<semaphore_mem>>
      tpu.enqueue_dma source(%arg3 : memref<784xf32, #tpu.memory_space<hbm>>) target(%arg11 : memref<784xf32, #tpu.memory_space<vmem>>) target_semaphore(%run_scoped3A : memref<!tpu.dma_semaphore, #tpu.memory_space<semaphore_mem>>)
      tpu.wait_dma2 semaphore(%run_scoped3A : memref<!tpu.dma_semaphore, #tpu.memory_space<semaphore_mem>>) src(%arg3 : memref<784xf32, #tpu.memory_space<hbm>>) dst(%arg11 : memref<784xf32, #tpu.memory_space<vmem>>)
      tpu.yield
    }) : () -> ()
    %broadcast_in_dim3A = arith.constant 0.000000e+00 : f32
    %broadcast_in_dim3A_33 = vector.broadcast %broadcast_in_dim3A : f32 to vector<16xf32>
    %iota3A = tpu.iota {dimensions = array<i32: 0>} : vector<16xi32>
    %xor3A = arith.constant 8 : i32
    %xor3A_34 = vector.broadcast %xor3A : i32 to vector<16xi32>
    %xor3A_35 = arith.xori %iota3A, %xor3A_34 : vector<16xi32>
    %xor3A_36 = arith.constant 24 : i32
    %xor3A_37 = vector.broadcast %xor3A_36 : i32 to vector<16xi32>
    %xor3A_38 = arith.xori %iota3A, %xor3A_37 : vector<16xi32>
    %xor3A_39 = arith.constant 40 : i32
    %xor3A_40 = vector.broadcast %xor3A_39 : i32 to vector<16xi32>
    %xor3A_41 = arith.xori %iota3A, %xor3A_40 : vector<16xi32>
    %xor3A_42 = arith.constant 56 : i32
    %xor3A_43 = vector.broadcast %xor3A_42 : i32 to vector<16xi32>
    %xor3A_44 = arith.xori %iota3A, %xor3A_43 : vector<16xi32>
    %xor3A_45 = arith.constant 4 : i32
    %xor3A_46 = vector.broadcast %xor3A_45 : i32 to vector<16xi32>
    %xor3A_47 = arith.xori %iota3A, %xor3A_46 : vector<16xi32>
    %xor3A_48 = arith.constant 20 : i32
    %xor3A_49 = vector.broadcast %xor3A_48 : i32 to vector<16xi32>
    %xor3A_50 = arith.xori %iota3A, %xor3A_49 : vector<16xi32>
    %xor3A_51 = arith.constant 36 : i32
    %xor3A_52 = vector.broadcast %xor3A_51 : i32 to vector<16xi32>
    %xor3A_53 = arith.xori %iota3A, %xor3A_52 : vector<16xi32>
    %xor3A_54 = arith.constant 52 : i32
    %xor3A_55 = vector.broadcast %xor3A_54 : i32 to vector<16xi32>
    %xor3A_56 = arith.xori %iota3A, %xor3A_55 : vector<16xi32>
    %xor3A_57 = arith.constant 2 : i32
    %xor3A_58 = vector.broadcast %xor3A_57 : i32 to vector<16xi32>
    %xor3A_59 = arith.xori %iota3A, %xor3A_58 : vector<16xi32>
    %xor3A_60 = arith.constant 18 : i32
    %xor3A_61 = vector.broadcast %xor3A_60 : i32 to vector<16xi32>
    %xor3A_62 = arith.xori %iota3A, %xor3A_61 : vector<16xi32>
    %xor3A_63 = arith.constant 34 : i32
    %xor3A_64 = vector.broadcast %xor3A_63 : i32 to vector<16xi32>
    %xor3A_65 = arith.xori %iota3A, %xor3A_64 : vector<16xi32>
    %xor3A_66 = arith.constant 50 : i32
    %xor3A_67 = vector.broadcast %xor3A_66 : i32 to vector<16xi32>
    %xor3A_68 = arith.xori %iota3A, %xor3A_67 : vector<16xi32>
    %xor3A_69 = arith.constant 1 : i32
    %xor3A_70 = vector.broadcast %xor3A_69 : i32 to vector<16xi32>
    %xor3A_71 = arith.xori %iota3A, %xor3A_70 : vector<16xi32>
    %xor3A_72 = arith.constant 17 : i32
    %xor3A_73 = vector.broadcast %xor3A_72 : i32 to vector<16xi32>
    %xor3A_74 = arith.xori %iota3A, %xor3A_73 : vector<16xi32>
    %xor3A_75 = arith.constant 33 : i32
    %xor3A_76 = vector.broadcast %xor3A_75 : i32 to vector<16xi32>
    %xor3A_77 = arith.xori %iota3A, %xor3A_76 : vector<16xi32>
    %xor3A_78 = arith.constant 49 : i32
    %xor3A_79 = vector.broadcast %xor3A_78 : i32 to vector<16xi32>
    %xor3A_80 = arith.xori %iota3A, %xor3A_79 : vector<16xi32>
    %add3A_81 = arith.constant 0 : i32
    %add3A_82 = arith.addi %mul3A_32, %add3A_81 : i32
    %dma_start3A = arith.constant 0 : i32
    %dma_start3A_83 = tpu.memref_slice %arg4[%select_n3A, %add3A_82, %dma_start3A] : memref<8x2048x785xf32, #tpu.memory_space<hbm>> -> memref<1x16x785xf32, #tpu.memory_space<hbm>>
    %dma_start3A_84 = tpu.memref_squeeze %dma_start3A_83 : memref<1x16x785xf32, #tpu.memory_space<hbm>> -> memref<16x785xf32, #tpu.memory_space<hbm>>
    %dma_start3A_85 = arith.constant 0 : i32
    %dma_start3A_86 = tpu.memref_slice %arg4[%select_n3A, %add3A_82, %dma_start3A_85] : memref<8x2048x785xf32, #tpu.memory_space<hbm>> -> memref<1x16x785xf32, #tpu.memory_space<hbm>>
    %dma_start3A_87 = tpu.memref_squeeze %dma_start3A_86 : memref<1x16x785xf32, #tpu.memory_space<hbm>> -> memref<16x785xf32, #tpu.memory_space<hbm>>
    tpu.enqueue_dma source(%dma_start3A_87 : memref<16x785xf32, #tpu.memory_space<hbm>>) target(%arg12 : memref<16x785xf32, #tpu.memory_space<vmem>>) target_semaphore(%arg19 : memref<!tpu.dma_semaphore, #tpu.memory_space<semaphore_mem>>)
    %dma_start3A_88 = arith.constant 0 : i32
    %dma_start3A_89 = tpu.memref_slice %arg5[%select_n3A, %add3A_82, %dma_start3A_88] : memref<8x2048x785xf32, #tpu.memory_space<hbm>> -> memref<1x16x785xf32, #tpu.memory_space<hbm>>
    %dma_start3A_90 = tpu.memref_squeeze %dma_start3A_89 : memref<1x16x785xf32, #tpu.memory_space<hbm>> -> memref<16x785xf32, #tpu.memory_space<hbm>>
    %dma_start3A_91 = arith.constant 0 : i32
    %dma_start3A_92 = tpu.memref_slice %arg5[%select_n3A, %add3A_82, %dma_start3A_91] : memref<8x2048x785xf32, #tpu.memory_space<hbm>> -> memref<1x16x785xf32, #tpu.memory_space<hbm>>
    %dma_start3A_93 = tpu.memref_squeeze %dma_start3A_92 : memref<1x16x785xf32, #tpu.memory_space<hbm>> -> memref<16x785xf32, #tpu.memory_space<hbm>>
    tpu.enqueue_dma source(%dma_start3A_93 : memref<16x785xf32, #tpu.memory_space<hbm>>) target(%arg13 : memref<16x785xf32, #tpu.memory_space<vmem>>) target_semaphore(%arg20 : memref<!tpu.dma_semaphore, #tpu.memory_space<semaphore_mem>>)
    %add3A_94 = arith.constant 16 : i32
    %add3A_95 = arith.addi %mul3A_32, %add3A_94 : i32
    %dma_start3A_96 = arith.constant 0 : i32
    %dma_start3A_97 = tpu.memref_slice %arg4[%select_n3A, %add3A_95, %dma_start3A_96] : memref<8x2048x785xf32, #tpu.memory_space<hbm>> -> memref<1x16x785xf32, #tpu.memory_space<hbm>>
    %dma_start3A_98 = tpu.memref_squeeze %dma_start3A_97 : memref<1x16x785xf32, #tpu.memory_space<hbm>> -> memref<16x785xf32, #tpu.memory_space<hbm>>
    %dma_start3A_99 = arith.constant 0 : i32
    %dma_start3A_100 = tpu.memref_slice %arg4[%select_n3A, %add3A_95, %dma_start3A_99] : memref<8x2048x785xf32, #tpu.memory_space<hbm>> -> memref<1x16x785xf32, #tpu.memory_space<hbm>>
    %dma_start3A_101 = tpu.memref_squeeze %dma_start3A_100 : memref<1x16x785xf32, #tpu.memory_space<hbm>> -> memref<16x785xf32, #tpu.memory_space<hbm>>
    tpu.enqueue_dma source(%dma_start3A_101 : memref<16x785xf32, #tpu.memory_space<hbm>>) target(%arg14 : memref<16x785xf32, #tpu.memory_space<vmem>>) target_semaphore(%arg21 : memref<!tpu.dma_semaphore, #tpu.memory_space<semaphore_mem>>)
    %dma_start3A_102 = arith.constant 0 : i32
    %dma_start3A_103 = tpu.memref_slice %arg5[%select_n3A, %add3A_95, %dma_start3A_102] : memref<8x2048x785xf32, #tpu.memory_space<hbm>> -> memref<1x16x785xf32, #tpu.memory_space<hbm>>
    %dma_start3A_104 = tpu.memref_squeeze %dma_start3A_103 : memref<1x16x785xf32, #tpu.memory_space<hbm>> -> memref<16x785xf32, #tpu.memory_space<hbm>>
    %dma_start3A_105 = arith.constant 0 : i32
    %dma_start3A_106 = tpu.memref_slice %arg5[%select_n3A, %add3A_95, %dma_start3A_105] : memref<8x2048x785xf32, #tpu.memory_space<hbm>> -> memref<1x16x785xf32, #tpu.memory_space<hbm>>
    %dma_start3A_107 = tpu.memref_squeeze %dma_start3A_106 : memref<1x16x785xf32, #tpu.memory_space<hbm>> -> memref<16x785xf32, #tpu.memory_space<hbm>>
    tpu.enqueue_dma source(%dma_start3A_107 : memref<16x785xf32, #tpu.memory_space<hbm>>) target(%arg15 : memref<16x785xf32, #tpu.memory_space<vmem>>) target_semaphore(%arg22 : memref<!tpu.dma_semaphore, #tpu.memory_space<semaphore_mem>>)
    %scan3A = arith.constant 0 : i32
    %scan3A_108 = arith.constant 0 : i32
    %scan3A_109 = arith.constant 16 : i32
    %scan3A_110 = arith.addi %scan3A_108, %scan3A_109 : i32
    %scan3A_111 = arith.constant 1 : i32
    %scan3A_112 = scf.for %scan3A_145 = %scan3A_108 to %scan3A_110 step %scan3A_111 iter_args(%scan3A_146 = %scan3A) -> (i32)  : i32 {
      %mul3A_147 = arith.constant 2 : i32
      %mul3A_148 = arith.muli %mul3A_147, %scan3A_145 : i32
      %mul3A_149 = arith.constant 2 : i32
      %mul3A_150 = arith.muli %mul3A_149, %scan3A_145 : i32
      %add3A_151 = arith.constant 1 : i32
      %add3A_152 = arith.addi %mul3A_150, %add3A_151 : i32
      %mul3A_153 = arith.constant 16 : i32
      %mul3A_154 = arith.muli %mul3A_148, %mul3A_153 : i32
      %add3A_155 = arith.addi %mul3A_32, %mul3A_154 : i32
      %dma_wait3A_156 = arith.constant 0 : i32
      %dma_wait3A_157 = tpu.memref_slice %arg4[%select_n3A, %add3A_155, %dma_wait3A_156] : memref<8x2048x785xf32, #tpu.memory_space<hbm>> -> memref<1x16x785xf32, #tpu.memory_space<hbm>>
      %dma_wait3A_158 = tpu.memref_squeeze %dma_wait3A_157 : memref<1x16x785xf32, #tpu.memory_space<hbm>> -> memref<16x785xf32, #tpu.memory_space<hbm>>
      %dma_wait3A_159 = arith.constant 0 : i32
      %dma_wait3A_160 = tpu.memref_slice %arg4[%select_n3A, %add3A_155, %dma_wait3A_159] : memref<8x2048x785xf32, #tpu.memory_space<hbm>> -> memref<1x16x785xf32, #tpu.memory_space<hbm>>
      %dma_wait3A_161 = tpu.memref_squeeze %dma_wait3A_160 : memref<1x16x785xf32, #tpu.memory_space<hbm>> -> memref<16x785xf32, #tpu.memory_space<hbm>>
      tpu.wait_dma2 semaphore(%arg19 : memref<!tpu.dma_semaphore, #tpu.memory_space<semaphore_mem>>) src(%dma_wait3A_161 : memref<16x785xf32, #tpu.memory_space<hbm>>) dst(%arg12 : memref<16x785xf32, #tpu.memory_space<vmem>>)
      %dma_wait3A_162 = arith.constant 0 : i32
      %dma_wait3A_163 = tpu.memref_slice %arg5[%select_n3A, %add3A_155, %dma_wait3A_162] : memref<8x2048x785xf32, #tpu.memory_space<hbm>> -> memref<1x16x785xf32, #tpu.memory_space<hbm>>
      %dma_wait3A_164 = tpu.memref_squeeze %dma_wait3A_163 : memref<1x16x785xf32, #tpu.memory_space<hbm>> -> memref<16x785xf32, #tpu.memory_space<hbm>>
      %dma_wait3A_165 = arith.constant 0 : i32
      %dma_wait3A_166 = tpu.memref_slice %arg5[%select_n3A, %add3A_155, %dma_wait3A_165] : memref<8x2048x785xf32, #tpu.memory_space<hbm>> -> memref<1x16x785xf32, #tpu.memory_space<hbm>>
      %dma_wait3A_167 = tpu.memref_squeeze %dma_wait3A_166 : memref<1x16x785xf32, #tpu.memory_space<hbm>> -> memref<16x785xf32, #tpu.memory_space<hbm>>
      tpu.wait_dma2 semaphore(%arg20 : memref<!tpu.dma_semaphore, #tpu.memory_space<semaphore_mem>>) src(%dma_wait3A_167 : memref<16x785xf32, #tpu.memory_space<hbm>>) dst(%arg13 : memref<16x785xf32, #tpu.memory_space<vmem>>)
      %scan3A_168 = arith.constant 0 : i32
      %scan3A_169 = arith.constant 16 : i32
      %scan3A_170 = arith.addi %scan3A_168, %scan3A_169 : i32
      %scan3A_171 = arith.constant 1 : i32
      %scan3A_172:2 = scf.for %scan3A_244 = %scan3A_168 to %scan3A_170 step %scan3A_171 iter_args(%scan3A_245 = %broadcast_in_dim3A_33, %scan3A_246 = %broadcast_in_dim3A_33) -> (vector<16xf32>, vector<16xf32>)  : i32 {
        %get3A = arith.index_cast %scan3A_244 : i32 to index
        %get3A_247 = arith.constant 0 : index
        %get3A_248 = tpu.vector_load %arg12[%get3A, %get3A_247] {strides = array<i32>} : memref<16x785xf32, #tpu.memory_space<vmem>>, vector<16xf32>,
        %get3A_249 = arith.index_cast %scan3A_244 : i32 to index
        %get3A_250 = arith.constant 0 : index
        %get3A_251 = tpu.vector_load %arg13[%get3A_249, %get3A_250] {strides = array<i32>} : memref<16x785xf32, #tpu.memory_space<vmem>>, vector<16xf32>,
        %get3A_252 = arith.constant 0 : index
        %get3A_253 = tpu.vector_load %arg10[%get3A_252] {strides = array<i32>} : memref<784xf32, #tpu.memory_space<vmem>>, vector<16xf32>,
        %get3A_254 = arith.constant 0 : index
        %get3A_255 = tpu.vector_load %arg11[%get3A_254] {strides = array<i32>} : memref<784xf32, #tpu.memory_space<vmem>>, vector<16xf32>,
        %mul3A_256 = arith.mulf %get3A_248, %get3A_253 : vector<16xf32>
        %add3A_257 = arith.addf %broadcast_in_dim3A_33, %mul3A_256 : vector<16xf32>
        %abs3A = math.absf %get3A_248 : vector<16xf32>
        %mul3A_258 = arith.mulf %abs3A, %get3A_255 : vector<16xf32>
        %add3A_259 = arith.addf %broadcast_in_dim3A_33, %mul3A_258 : vector<16xf32>
        %mul3A_260 = arith.mulf %get3A_251, %get3A_253 : vector<16xf32>
        %add3A_261 = arith.addf %broadcast_in_dim3A_33, %mul3A_260 : vector<16xf32>
        %abs3A_262 = math.absf %get3A_251 : vector<16xf32>
        %mul3A_263 = arith.mulf %abs3A_262, %get3A_255 : vector<16xf32>
        %add3A_264 = arith.addf %broadcast_in_dim3A_33, %mul3A_263 : vector<16xf32>
        %get3A_265 = arith.index_cast %scan3A_244 : i32 to index
        %get3A_266 = arith.constant 16 : index
        %get3A_267 = tpu.vector_load %arg12[%get3A_265, %get3A_266] {strides = array<i32>} : memref<16x785xf32, #tpu.memory_space<vmem>>, vector<16xf32>,
        %get3A_268 = arith.index_cast %scan3A_244 : i32 to index
        %get3A_269 = arith.constant 16 : index
        %get3A_270 = tpu.vector_load %arg13[%get3A_268, %get3A_269] {strides = array<i32>} : memref<16x785xf32, #tpu.memory_space<vmem>>, vector<16xf32>,
        %get3A_271 = arith.constant 16 : index
        %get3A_272 = tpu.vector_load %arg10[%get3A_271] {strides = array<i32>} : memref<784xf32, #tpu.memory_space<vmem>>, vector<16xf32>,
        %get3A_273 = arith.constant 16 : index
        %get3A_274 = tpu.vector_load %arg11[%get3A_273] {strides = array<i32>} : memref<784xf32, #tpu.memory_space<vmem>>, vector<16xf32>,
        %mul3A_275 = arith.mulf %get3A_267, %get3A_272 : vector<16xf32>
        %add3A_276 = arith.addf %add3A_257, %mul3A_275 : vector<16xf32>
        %abs3A_277 = math.absf %get3A_267 : vector<16xf32>
        %mul3A_278 = arith.mulf %abs3A_277, %get3A_274 : vector<16xf32>
        %add3A_279 = arith.addf %add3A_259, %mul3A_278 : vector<16xf32>
        %mul3A_280 = arith.mulf %get3A_270, %get3A_272 : vector<16xf32>
        %add3A_281 = arith.addf %add3A_261, %mul3A_280 : vector<16xf32>
        %abs3A_282 = math.absf %get3A_270 : vector<16xf32>
        %mul3A_283 = arith.mulf %abs3A_282, %get3A_274 : vector<16xf32>
        %add3A_284 = arith.addf %add3A_264, %mul3A_283 : vector<16xf32>
        %get3A_285 = arith.index_cast %scan3A_244 : i32 to index
        %get3A_286 = arith.constant 32 : index
        %get3A_287 = tpu.vector_load %arg12[%get3A_285, %get3A_286] {strides = array<i32>} : memref<16x785xf32, #tpu.memory_space<vmem>>, vector<16xf32>,
        %get3A_288 = arith.index_cast %scan3A_244 : i32 to index
        %get3A_289 = arith.constant 32 : index
        %get3A_290 = tpu.vector_load %arg13[%get3A_288, %get3A_289] {strides = array<i32>} : memref<16x785xf32, #tpu.memory_space<vmem>>, vector<16xf32>,
        %get3A_291 = arith.constant 32 : index
        %get3A_292 = tpu.vector_load %arg10[%get3A_291] {strides = array<i32>} : memref<784xf32, #tpu.memory_space<vmem>>, vector<16xf32>,
        %get3A_293 = arith.constant 32 : index
        %get3A_294 = tpu.vector_load %arg11[%get3A_293] {strides = array<i32>} : memref<784xf32, #tpu.memory_space<vmem>>, vector<16xf32>,
        %mul3A_295 = arith.mulf %get3A_287, %get3A_292 : vector<16xf32>
        %add3A_296 = arith.addf %add3A_276, %mul3A_295 : vector<16xf32>
        %abs3A_297 = math.absf %get3A_287 : vector<16xf32>
        %mul3A_298 = arith.mulf %abs3A_297, %get3A_294 : vector<16xf32>
        %add3A_299 = arith.addf %add3A_279, %mul3A_298 : vector<16xf32>
        %mul3A_300 = arith.mulf %get3A_290, %get3A_292 : vector<16xf32>
        %add3A_301 = arith.addf %add3A_281, %mul3A_300 : vector<16xf32>
        %abs3A_302 = math.absf %get3A_290 : vector<16xf32>
        %mul3A_303 = arith.mulf %abs3A_302, %get3A_294 : vector<16xf32>
        %add3A_304 = arith.addf %add3A_284, %mul3A_303 : vector<16xf32>
        %get3A_305 = arith.index_cast %scan3A_244 : i32 to index
        %get3A_306 = arith.constant 48 : index
        %get3A_307 = tpu.vector_load %arg12[%get3A_305, %get3A_306] {strides = array<i32>} : memref<16x785xf32, #tpu.memory_space<vmem>>, vector<16xf32>,
        %get3A_308 = arith.index_cast %scan3A_244 : i32 to index
        %get3A_309 = arith.constant 48 : index
        %get3A_310 = tpu.vector_load %arg13[%get3A_308, %get3A_309] {strides = array<i32>} : memref<16x785xf32, #tpu.memory_space<vmem>>, vector<16xf32>,
        %get3A_311 = arith.constant 48 : index
        %get3A_312 = tpu.vector_load %arg10[%get3A_311] {strides = array<i32>} : memref<784xf32, #tpu.memory_space<vmem>>, vector<16xf32>,
        %get3A_313 = arith.constant 48 : index
        %get3A_314 = tpu.vector_load %arg11[%get3A_313] {strides = array<i32>} : memref<784xf32, #tpu.memory_space<vmem>>, vector<16xf32>,
        %mul3A_315 = arith.mulf %get3A_307, %get3A_312 : vector<16xf32>
        %add3A_316 = arith.addf %add3A_296, %mul3A_315 : vector<16xf32>
        %abs3A_317 = math.absf %get3A_307 : vector<16xf32>
        %mul3A_318 = arith.mulf %abs3A_317, %get3A_314 : vector<16xf32>
        %add3A_319 = arith.addf %add3A_299, %mul3A_318 : vector<16xf32>
        %mul3A_320 = arith.mulf %get3A_310, %get3A_312 : vector<16xf32>
        %add3A_321 = arith.addf %add3A_301, %mul3A_320 : vector<16xf32>
        %abs3A_322 = math.absf %get3A_310 : vector<16xf32>
        %mul3A_323 = arith.mulf %abs3A_322, %get3A_314 : vector<16xf32>
        %add3A_324 = arith.addf %add3A_304, %mul3A_323 : vector<16xf32>
        %get3A_325 = arith.index_cast %scan3A_244 : i32 to index
        %get3A_326 = arith.constant 64 : index
        %get3A_327 = tpu.vector_load %arg12[%get3A_325, %get3A_326] {strides = array<i32>} : memref<16x785xf32, #tpu.memory_space<vmem>>, vector<16xf32>,
        %get3A_328 = arith.index_cast %scan3A_244 : i32 to index
        %get3A_329 = arith.constant 64 : index
        %get3A_330 = tpu.vector_load %arg13[%get3A_328, %get3A_329] {strides = array<i32>} : memref<16x785xf32, #tpu.memory_space<vmem>>, vector<16xf32>,
        %get3A_331 = arith.constant 64 : index
        %get3A_332 = tpu.vector_load %arg10[%get3A_331] {strides = array<i32>} : memref<784xf32, #tpu.memory_space<vmem>>, vector<16xf32>,
        %get3A_333 = arith.constant 64 : index
        %get3A_334 = tpu.vector_load %arg11[%get3A_333] {strides = array<i32>} : memref<784xf32, #tpu.memory_space<vmem>>, vector<16xf32>,
        %mul3A_335 = arith.mulf %get3A_327, %get3A_332 : vector<16xf32>
        %add3A_336 = arith.addf %add3A_316, %mul3A_335 : vector<16xf32>
        %abs3A_337 = math.absf %get3A_327 : vector<16xf32>
        %mul3A_338 = arith.mulf %abs3A_337, %get3A_334 : vector<16xf32>
        %add3A_339 = arith.addf %add3A_319, %mul3A_338 : vector<16xf32>
        %mul3A_340 = arith.mulf %get3A_330, %get3A_332 : vector<16xf32>
        %add3A_341 = arith.addf %add3A_321, %mul3A_340 : vector<16xf32>
        %abs3A_342 = math.absf %get3A_330 : vector<16xf32>
        %mul3A_343 = arith.mulf %abs3A_342, %get3A_334 : vector<16xf32>
        %add3A_344 = arith.addf %add3A_324, %mul3A_343 : vector<16xf32>
        %get3A_345 = arith.index_cast %scan3A_244 : i32 to index
        %get3A_346 = arith.constant 80 : index
        %get3A_347 = tpu.vector_load %arg12[%get3A_345, %get3A_346] {strides = array<i32>} : memref<16x785xf32, #tpu.memory_space<vmem>>, vector<16xf32>,
        %get3A_348 = arith.index_cast %scan3A_244 : i32 to index
        %get3A_349 = arith.constant 80 : index
        %get3A_350 = tpu.vector_load %arg13[%get3A_348, %get3A_349] {strides = array<i32>} : memref<16x785xf32, #tpu.memory_space<vmem>>, vector<16xf32>,
        %get3A_351 = arith.constant 80 : index
        %get3A_352 = tpu.vector_load %arg10[%get3A_351] {strides = array<i32>} : memref<784xf32, #tpu.memory_space<vmem>>, vector<16xf32>,
        %get3A_353 = arith.constant 80 : index
        %get3A_354 = tpu.vector_load %arg11[%get3A_353] {strides = array<i32>} : memref<784xf32, #tpu.memory_space<vmem>>, vector<16xf32>,
        %mul3A_355 = arith.mulf %get3A_347, %get3A_352 : vector<16xf32>
        %add3A_356 = arith.addf %add3A_336, %mul3A_355 : vector<16xf32>
        %abs3A_357 = math.absf %get3A_347 : vector<16xf32>
        %mul3A_358 = arith.mulf %abs3A_357, %get3A_354 : vector<16xf32>
        %add3A_359 = arith.addf %add3A_339, %mul3A_358 : vector<16xf32>
        %mul3A_360 = arith.mulf %get3A_350, %get3A_352 : vector<16xf32>
        %add3A_361 = arith.addf %add3A_341, %mul3A_360 : vector<16xf32>
        %abs3A_362 = math.absf %get3A_350 : vector<16xf32>
        %mul3A_363 = arith.mulf %abs3A_362, %get3A_354 : vector<16xf32>
        %add3A_364 = arith.addf %add3A_344, %mul3A_363 : vector<16xf32>
        %get3A_365 = arith.index_cast %scan3A_244 : i32 to index
        %get3A_366 = arith.constant 96 : index
        %get3A_367 = tpu.vector_load %arg12[%get3A_365, %get3A_366] {strides = array<i32>} : memref<16x785xf32, #tpu.memory_space<vmem>>, vector<16xf32>,
        %get3A_368 = arith.index_cast %scan3A_244 : i32 to index
        %get3A_369 = arith.constant 96 : index
        %get3A_370 = tpu.vector_load %arg13[%get3A_368, %get3A_369] {strides = array<i32>} : memref<16x785xf32, #tpu.memory_space<vmem>>, vector<16xf32>,
        %get3A_371 = arith.constant 96 : index
        %get3A_372 = tpu.vector_load %arg10[%get3A_371] {strides = array<i32>} : memref<784xf32, #tpu.memory_space<vmem>>, vector<16xf32>,
        %get3A_373 = arith.constant 96 : index
        %get3A_374 = tpu.vector_load %arg11[%get3A_373] {strides = array<i32>} : memref<784xf32, #tpu.memory_space<vmem>>, vector<16xf32>,
        %mul3A_375 = arith.mulf %get3A_367, %get3A_372 : vector<16xf32>
        %add3A_376 = arith.addf %add3A_356, %mul3A_375 : vector<16xf32>
        %abs3A_377 = math.absf %get3A_367 : vector<16xf32>
        %mul3A_378 = arith.mulf %abs3A_377, %get3A_374 : vector<16xf32>
        %add3A_379 = arith.addf %add3A_359, %mul3A_378 : vector<16xf32>
        %mul3A_380 = arith.mulf %get3A_370, %get3A_372 : vector<16xf32>
        %add3A_381 = arith.addf %add3A_361, %mul3A_380 : vector<16xf32>
        %abs3A_382 = math.absf %get3A_370 : vector<16xf32>
        %mul3A_383 = arith.mulf %abs3A_382, %get3A_374 : vector<16xf32>
        %add3A_384 = arith.addf %add3A_364, %mul3A_383 : vector<16xf32>
        %get3A_385 = arith.index_cast %scan3A_244 : i32 to index
        %get3A_386 = arith.constant 112 : index
        %get3A_387 = tpu.vector_load %arg12[%get3A_385, %get3A_386] {strides = array<i32>} : memref<16x785xf32, #tpu.memory_space<vmem>>, vector<16xf32>,
        %get3A_388 = arith.index_cast %scan3A_244 : i32 to index
        %get3A_389 = arith.constant 112 : index
        %get3A_390 = tpu.vector_load %arg13[%get3A_388, %get3A_389] {strides = array<i32>} : memref<16x785xf32, #tpu.memory_space<vmem>>, vector<16xf32>,
        %get3A_391 = arith.constant 112 : index
        %get3A_392 = tpu.vector_load %arg10[%get3A_391] {strides = array<i32>} : memref<784xf32, #tpu.memory_space<vmem>>, vector<16xf32>,
        %get3A_393 = arith.constant 112 : index
        %get3A_394 = tpu.vector_load %arg11[%get3A_393] {strides = array<i32>} : memref<784xf32, #tpu.memory_space<vmem>>, vector<16xf32>,
        %mul3A_395 = arith.mulf %get3A_387, %get3A_392 : vector<16xf32>
        %add3A_396 = arith.addf %add3A_376, %mul3A_395 : vector<16xf32>
        %abs3A_397 = math.absf %get3A_387 : vector<16xf32>
        %mul3A_398 = arith.mulf %abs3A_397, %get3A_394 : vector<16xf32>
        %add3A_399 = arith.addf %add3A_379, %mul3A_398 : vector<16xf32>
        %mul3A_400 = arith.mulf %get3A_390, %get3A_392 : vector<16xf32>
        %add3A_401 = arith.addf %add3A_381, %mul3A_400 : vector<16xf32>
        %abs3A_402 = math.absf %get3A_390 : vector<16xf32>
        %mul3A_403 = arith.mulf %abs3A_402, %get3A_394 : vector<16xf32>
        %add3A_404 = arith.addf %add3A_384, %mul3A_403 : vector<16xf32>
        %get3A_405 = arith.index_cast %scan3A_244 : i32 to index
        %get3A_406 = arith.constant 128 : index
        %get3A_407 = tpu.vector_load %arg12[%get3A_405, %get3A_406] {strides = array<i32>} : memref<16x785xf32, #tpu.memory_space<vmem>>, vector<16xf32>,
        %get3A_408 = arith.index_cast %scan3A_244 : i32 to index
        %get3A_409 = arith.constant 128 : index
        %get3A_410 = tpu.vector_load %arg13[%get3A_408, %get3A_409] {strides = array<i32>} : memref<16x785xf32, #tpu.memory_space<vmem>>, vector<16xf32>,
        %get3A_411 = arith.constant 128 : index
        %get3A_412 = tpu.vector_load %arg10[%get3A_411] {strides = array<i32>} : memref<784xf32, #tpu.memory_space<vmem>>, vector<16xf32>,
        %get3A_413 = arith.constant 128 : index
        %get3A_414 = tpu.vector_load %arg11[%get3A_413] {strides = array<i32>} : memref<784xf32, #tpu.memory_space<vmem>>, vector<16xf32>,
        %mul3A_415 = arith.mulf %get3A_407, %get3A_412 : vector<16xf32>
        %add3A_416 = arith.addf %add3A_396, %mul3A_415 : vector<16xf32>
        %abs3A_417 = math.absf %get3A_407 : vector<16xf32>
        %mul3A_418 = arith.mulf %abs3A_417, %get3A_414 : vector<16xf32>
        %add3A_419 = arith.addf %add3A_399, %mul3A_418 : vector<16xf32>
        %mul3A_420 = arith.mulf %get3A_410, %get3A_412 : vector<16xf32>
        %add3A_421 = arith.addf %add3A_401, %mul3A_420 : vector<16xf32>
        %abs3A_422 = math.absf %get3A_410 : vector<16xf32>
        %mul3A_423 = arith.mulf %abs3A_422, %get3A_414 : vector<16xf32>
        %add3A_424 = arith.addf %add3A_404, %mul3A_423 : vector<16xf32>
        %get3A_425 = arith.index_cast %scan3A_244 : i32 to index
        %get3A_426 = arith.constant 144 : index
        %get3A_427 = tpu.vector_load %arg12[%get3A_425, %get3A_426] {strides = array<i32>} : memref<16x785xf32, #tpu.memory_space<vmem>>, vector<16xf32>,
        %get3A_428 = arith.index_cast %scan3A_244 : i32 to index
        %get3A_429 = arith.constant 144 : index
        %get3A_430 = tpu.vector_load %arg13[%get3A_428, %get3A_429] {strides = array<i32>} : memref<16x785xf32, #tpu.memory_space<vmem>>, vector<16xf32>,
        %get3A_431 = arith.constant 144 : index
        %get3A_432 = tpu.vector_load %arg10[%get3A_431] {strides = array<i32>} : memref<784xf32, #tpu.memory_space<vmem>>, vector<16xf32>,
        %get3A_433 = arith.constant 144 : index
        %get3A_434 = tpu.vector_load %arg11[%get3A_433] {strides = array<i32>} : memref<784xf32, #tpu.memory_space<vmem>>, vector<16xf32>,
        %mul3A_435 = arith.mulf %get3A_427, %get3A_432 : vector<16xf32>
        %add3A_436 = arith.addf %add3A_416, %mul3A_435 : vector<16xf32>
        %abs3A_437 = math.absf %get3A_427 : vector<16xf32>
        %mul3A_438 = arith.mulf %abs3A_437, %get3A_434 : vector<16xf32>
        %add3A_439 = arith.addf %add3A_419, %mul3A_438 : vector<16xf32>
        %mul3A_440 = arith.mulf %get3A_430, %get3A_432 : vector<16xf32>
        %add3A_441 = arith.addf %add3A_421, %mul3A_440 : vector<16xf32>
        %abs3A_442 = math.absf %get3A_430 : vector<16xf32>
        %mul3A_443 = arith.mulf %abs3A_442, %get3A_434 : vector<16xf32>
        %add3A_444 = arith.addf %add3A_424, %mul3A_443 : vector<16xf32>
        %get3A_445 = arith.index_cast %scan3A_244 : i32 to index
        %get3A_446 = arith.constant 160 : index
        %get3A_447 = tpu.vector_load %arg12[%get3A_445, %get3A_446] {strides = array<i32>} : memref<16x785xf32, #tpu.memory_space<vmem>>, vector<16xf32>,
        %get3A_448 = arith.index_cast %scan3A_244 : i32 to index
        %get3A_449 = arith.constant 160 : index
        %get3A_450 = tpu.vector_load %arg13[%get3A_448, %get3A_449] {strides = array<i32>} : memref<16x785xf32, #tpu.memory_space<vmem>>, vector<16xf32>,
        %get3A_451 = arith.constant 160 : index
        %get3A_452 = tpu.vector_load %arg10[%get3A_451] {strides = array<i32>} : memref<784xf32, #tpu.memory_space<vmem>>, vector<16xf32>,
        %get3A_453 = arith.constant 160 : index
        %get3A_454 = tpu.vector_load %arg11[%get3A_453] {strides = array<i32>} : memref<784xf32, #tpu.memory_space<vmem>>, vector<16xf32>,
        %mul3A_455 = arith.mulf %get3A_447, %get3A_452 : vector<16xf32>
        %add3A_456 = arith.addf %add3A_436, %mul3A_455 : vector<16xf32>
        %abs3A_457 = math.absf %get3A_447 : vector<16xf32>
        %mul3A_458 = arith.mulf %abs3A_457, %get3A_454 : vector<16xf32>
        %add3A_459 = arith.addf %add3A_439, %mul3A_458 : vector<16xf32>
        %mul3A_460 = arith.mulf %get3A_450, %get3A_452 : vector<16xf32>
        %add3A_461 = arith.addf %add3A_441, %mul3A_460 : vector<16xf32>
        %abs3A_462 = math.absf %get3A_450 : vector<16xf32>
        %mul3A_463 = arith.mulf %abs3A_462, %get3A_454 : vector<16xf32>
        %add3A_464 = arith.addf %add3A_444, %mul3A_463 : vector<16xf32>
        %get3A_465 = arith.index_cast %scan3A_244 : i32 to index
        %get3A_466 = arith.constant 176 : index
        %get3A_467 = tpu.vector_load %arg12[%get3A_465, %get3A_466] {strides = array<i32>} : memref<16x785xf32, #tpu.memory_space<vmem>>, vector<16xf32>,
        %get3A_468 = arith.index_cast %scan3A_244 : i32 to index
        %get3A_469 = arith.constant 176 : index
        %get3A_470 = tpu.vector_load %arg13[%get3A_468, %get3A_469] {strides = array<i32>} : memref<16x785xf32, #tpu.memory_space<vmem>>, vector<16xf32>,
        %get3A_471 = arith.constant 176 : index
        %get3A_472 = tpu.vector_load %arg10[%get3A_471] {strides = array<i32>} : memref<784xf32, #tpu.memory_space<vmem>>, vector<16xf32>,
        %get3A_473 = arith.constant 176 : index
        %get3A_474 = tpu.vector_load %arg11[%get3A_473] {strides = array<i32>} : memref<784xf32, #tpu.memory_space<vmem>>, vector<16xf32>,
        %mul3A_475 = arith.mulf %get3A_467, %get3A_472 : vector<16xf32>
        %add3A_476 = arith.addf %add3A_456, %mul3A_475 : vector<16xf32>
        %abs3A_477 = math.absf %get3A_467 : vector<16xf32>
        %mul3A_478 = arith.mulf %abs3A_477, %get3A_474 : vector<16xf32>
        %add3A_479 = arith.addf %add3A_459, %mul3A_478 : vector<16xf32>
        %mul3A_480 = arith.mulf %get3A_470, %get3A_472 : vector<16xf32>
        %add3A_481 = arith.addf %add3A_461, %mul3A_480 : vector<16xf32>
        %abs3A_482 = math.absf %get3A_470 : vector<16xf32>
        %mul3A_483 = arith.mulf %abs3A_482, %get3A_474 : vector<16xf32>
        %add3A_484 = arith.addf %add3A_464, %mul3A_483 : vector<16xf32>
        %get3A_485 = arith.index_cast %scan3A_244 : i32 to index
        %get3A_486 = arith.constant 192 : index
        %get3A_487 = tpu.vector_load %arg12[%get3A_485, %get3A_486] {strides = array<i32>} : memref<16x785xf32, #tpu.memory_space<vmem>>, vector<16xf32>,
        %get3A_488 = arith.index_cast %scan3A_244 : i32 to index
        %get3A_489 = arith.constant 192 : index
        %get3A_490 = tpu.vector_load %arg13[%get3A_488, %get3A_489] {strides = array<i32>} : memref<16x785xf32, #tpu.memory_space<vmem>>, vector<16xf32>,
        %get3A_491 = arith.constant 192 : index
        %get3A_492 = tpu.vector_load %arg10[%get3A_491] {strides = array<i32>} : memref<784xf32, #tpu.memory_space<vmem>>, vector<16xf32>,
        %get3A_493 = arith.constant 192 : index
        %get3A_494 = tpu.vector_load %arg11[%get3A_493] {strides = array<i32>} : memref<784xf32, #tpu.memory_space<vmem>>, vector<16xf32>,
        %mul3A_495 = arith.mulf %get3A_487, %get3A_492 : vector<16xf32>
        %add3A_496 = arith.addf %add3A_476, %mul3A_495 : vector<16xf32>
        %abs3A_497 = math.absf %get3A_487 : vector<16xf32>
        %mul3A_498 = arith.mulf %abs3A_497, %get3A_494 : vector<16xf32>
        %add3A_499 = arith.addf %add3A_479, %mul3A_498 : vector<16xf32>
        %mul3A_500 = arith.mulf %get3A_490, %get3A_492 : vector<16xf32>
        %add3A_501 = arith.addf %add3A_481, %mul3A_500 : vector<16xf32>
        %abs3A_502 = math.absf %get3A_490 : vector<16xf32>
        %mul3A_503 = arith.mulf %abs3A_502, %get3A_494 : vector<16xf32>
        %add3A_504 = arith.addf %add3A_484, %mul3A_503 : vector<16xf32>
        %get3A_505 = arith.index_cast %scan3A_244 : i32 to index
        %get3A_506 = arith.constant 208 : index
        %get3A_507 = tpu.vector_load %arg12[%get3A_505, %get3A_506] {strides = array<i32>} : memref<16x785xf32, #tpu.memory_space<vmem>>, vector<16xf32>,
        %get3A_508 = arith.index_cast %scan3A_244 : i32 to index
        %get3A_509 = arith.constant 208 : index
        %get3A_510 = tpu.vector_load %arg13[%get3A_508, %get3A_509] {strides = array<i32>} : memref<16x785xf32, #tpu.memory_space<vmem>>, vector<16xf32>,
        %get3A_511 = arith.constant 208 : index
        %get3A_512 = tpu.vector_load %arg10[%get3A_511] {strides = array<i32>} : memref<784xf32, #tpu.memory_space<vmem>>, vector<16xf32>,
        %get3A_513 = arith.constant 208 : index
        %get3A_514 = tpu.vector_load %arg11[%get3A_513] {strides = array<i32>} : memref<784xf32, #tpu.memory_space<vmem>>, vector<16xf32>,
        %mul3A_515 = arith.mulf %get3A_507, %get3A_512 : vector<16xf32>
        %add3A_516 = arith.addf %add3A_496, %mul3A_515 : vector<16xf32>
        %abs3A_517 = math.absf %get3A_507 : vector<16xf32>
        %mul3A_518 = arith.mulf %abs3A_517, %get3A_514 : vector<16xf32>
        %add3A_519 = arith.addf %add3A_499, %mul3A_518 : vector<16xf32>
        %mul3A_520 = arith.mulf %get3A_510, %get3A_512 : vector<16xf32>
        %add3A_521 = arith.addf %add3A_501, %mul3A_520 : vector<16xf32>
        %abs3A_522 = math.absf %get3A_510 : vector<16xf32>
        %mul3A_523 = arith.mulf %abs3A_522, %get3A_514 : vector<16xf32>
        %add3A_524 = arith.addf %add3A_504, %mul3A_523 : vector<16xf32>
        %get3A_525 = arith.index_cast %scan3A_244 : i32 to index
        %get3A_526 = arith.constant 224 : index
        %get3A_527 = tpu.vector_load %arg12[%get3A_525, %get3A_526] {strides = array<i32>} : memref<16x785xf32, #tpu.memory_space<vmem>>, vector<16xf32>,
        %get3A_528 = arith.index_cast %scan3A_244 : i32 to index
        %get3A_529 = arith.constant 224 : index
        %get3A_530 = tpu.vector_load %arg13[%get3A_528, %get3A_529] {strides = array<i32>} : memref<16x785xf32, #tpu.memory_space<vmem>>, vector<16xf32>,
        %get3A_531 = arith.constant 224 : index
        %get3A_532 = tpu.vector_load %arg10[%get3A_531] {strides = array<i32>} : memref<784xf32, #tpu.memory_space<vmem>>, vector<16xf32>,
        %get3A_533 = arith.constant 224 : index
        %get3A_534 = tpu.vector_load %arg11[%get3A_533] {strides = array<i32>} : memref<784xf32, #tpu.memory_space<vmem>>, vector<16xf32>,
        %mul3A_535 = arith.mulf %get3A_527, %get3A_532 : vector<16xf32>
        %add3A_536 = arith.addf %add3A_516, %mul3A_535 : vector<16xf32>
        %abs3A_537 = math.absf %get3A_527 : vector<16xf32>
        %mul3A_538 = arith.mulf %abs3A_537, %get3A_534 : vector<16xf32>
        %add3A_539 = arith.addf %add3A_519, %mul3A_538 : vector<16xf32>
        %mul3A_540 = arith.mulf %get3A_530, %get3A_532 : vector<16xf32>
        %add3A_541 = arith.addf %add3A_521, %mul3A_540 : vector<16xf32>
        %abs3A_542 = math.absf %get3A_530 : vector<16xf32>
        %mul3A_543 = arith.mulf %abs3A_542, %get3A_534 : vector<16xf32>
        %add3A_544 = arith.addf %add3A_524, %mul3A_543 : vector<16xf32>
        %get3A_545 = arith.index_cast %scan3A_244 : i32 to index
        %get3A_546 = arith.constant 240 : index
        %get3A_547 = tpu.vector_load %arg12[%get3A_545, %get3A_546] {strides = array<i32>} : memref<16x785xf32, #tpu.memory_space<vmem>>, vector<16xf32>,
        %get3A_548 = arith.index_cast %scan3A_244 : i32 to index
        %get3A_549 = arith.constant 240 : index
        %get3A_550 = tpu.vector_load %arg13[%get3A_548, %get3A_549] {strides = array<i32>} : memref<16x785xf32, #tpu.memory_space<vmem>>, vector<16xf32>,
        %get3A_551 = arith.constant 240 : index
        %get3A_552 = tpu.vector_load %arg10[%get3A_551] {strides = array<i32>} : memref<784xf32, #tpu.memory_space<vmem>>, vector<16xf32>,
        %get3A_553 = arith.constant 240 : index
        %get3A_554 = tpu.vector_load %arg11[%get3A_553] {strides = array<i32>} : memref<784xf32, #tpu.memory_space<vmem>>, vector<16xf32>,
        %mul3A_555 = arith.mulf %get3A_547, %get3A_552 : vector<16xf32>
        %add3A_556 = arith.addf %add3A_536, %mul3A_555 : vector<16xf32>
        %abs3A_557 = math.absf %get3A_547 : vector<16xf32>
        %mul3A_558 = arith.mulf %abs3A_557, %get3A_554 : vector<16xf32>
        %add3A_559 = arith.addf %add3A_539, %mul3A_558 : vector<16xf32>
        %mul3A_560 = arith.mulf %get3A_550, %get3A_552 : vector<16xf32>
        %add3A_561 = arith.addf %add3A_541, %mul3A_560 : vector<16xf32>
        %abs3A_562 = math.absf %get3A_550 : vector<16xf32>
        %mul3A_563 = arith.mulf %abs3A_562, %get3A_554 : vector<16xf32>
        %add3A_564 = arith.addf %add3A_544, %mul3A_563 : vector<16xf32>
        %get3A_565 = arith.index_cast %scan3A_244 : i32 to index
        %get3A_566 = arith.constant 256 : index
        %get3A_567 = tpu.vector_load %arg12[%get3A_565, %get3A_566] {strides = array<i32>} : memref<16x785xf32, #tpu.memory_space<vmem>>, vector<16xf32>,
        %get3A_568 = arith.index_cast %scan3A_244 : i32 to index
        %get3A_569 = arith.constant 256 : index
        %get3A_570 = tpu.vector_load %arg13[%get3A_568, %get3A_569] {strides = array<i32>} : memref<16x785xf32, #tpu.memory_space<vmem>>, vector<16xf32>,
        %get3A_571 = arith.constant 256 : index
        %get3A_572 = tpu.vector_load %arg10[%get3A_571] {strides = array<i32>} : memref<784xf32, #tpu.memory_space<vmem>>, vector<16xf32>,
        %get3A_573 = arith.constant 256 : index
        %get3A_574 = tpu.vector_load %arg11[%get3A_573] {strides = array<i32>} : memref<784xf32, #tpu.memory_space<vmem>>, vector<16xf32>,
        %mul3A_575 = arith.mulf %get3A_567, %get3A_572 : vector<16xf32>
        %add3A_576 = arith.addf %add3A_556, %mul3A_575 : vector<16xf32>
        %abs3A_577 = math.absf %get3A_567 : vector<16xf32>
        %mul3A_578 = arith.mulf %abs3A_577, %get3A_574 : vector<16xf32>
        %add3A_579 = arith.addf %add3A_559, %mul3A_578 : vector<16xf32>
        %mul3A_580 = arith.mulf %get3A_570, %get3A_572 : vector<16xf32>
        %add3A_581 = arith.addf %add3A_561, %mul3A_580 : vector<16xf32>
        %abs3A_582 = math.absf %get3A_570 : vector<16xf32>
        %mul3A_583 = arith.mulf %abs3A_582, %get3A_574 : vector<16xf32>
        %add3A_584 = arith.addf %add3A_564, %mul3A_583 : vector<16xf32>
        %get3A_585 = arith.index_cast %scan3A_244 : i32 to index
        %get3A_586 = arith.constant 272 : index
        %get3A_587 = tpu.vector_load %arg12[%get3A_585, %get3A_586] {strides = array<i32>} : memref<16x785xf32, #tpu.memory_space<vmem>>, vector<16xf32>,
        %get3A_588 = arith.index_cast %scan3A_244 : i32 to index
        %get3A_589 = arith.constant 272 : index
        %get3A_590 = tpu.vector_load %arg13[%get3A_588, %get3A_589] {strides = array<i32>} : memref<16x785xf32, #tpu.memory_space<vmem>>, vector<16xf32>,
        %get3A_591 = arith.constant 272 : index
        %get3A_592 = tpu.vector_load %arg10[%get3A_591] {strides = array<i32>} : memref<784xf32, #tpu.memory_space<vmem>>, vector<16xf32>,
        %get3A_593 = arith.constant 272 : index
        %get3A_594 = tpu.vector_load %arg11[%get3A_593] {strides = array<i32>} : memref<784xf32, #tpu.memory_space<vmem>>, vector<16xf32>,
        %mul3A_595 = arith.mulf %get3A_587, %get3A_592 : vector<16xf32>
        %add3A_596 = arith.addf %add3A_576, %mul3A_595 : vector<16xf32>
        %abs3A_597 = math.absf %get3A_587 : vector<16xf32>
        %mul3A_598 = arith.mulf %abs3A_597, %get3A_594 : vector<16xf32>
        %add3A_599 = arith.addf %add3A_579, %mul3A_598 : vector<16xf32>
        %mul3A_600 = arith.mulf %get3A_590, %get3A_592 : vector<16xf32>
        %add3A_601 = arith.addf %add3A_581, %mul3A_600 : vector<16xf32>
        %abs3A_602 = math.absf %get3A_590 : vector<16xf32>
        %mul3A_603 = arith.mulf %abs3A_602, %get3A_594 : vector<16xf32>
        %add3A_604 = arith.addf %add3A_584, %mul3A_603 : vector<16xf32>
        %get3A_605 = arith.index_cast %scan3A_244 : i32 to index
        %get3A_606 = arith.constant 288 : index
        %get3A_607 = tpu.vector_load %arg12[%get3A_605, %get3A_606] {strides = array<i32>} : memref<16x785xf32, #tpu.memory_space<vmem>>, vector<16xf32>,
        %get3A_608 = arith.index_cast %scan3A_244 : i32 to index
        %get3A_609 = arith.constant 288 : index
        %get3A_610 = tpu.vector_load %arg13[%get3A_608, %get3A_609] {strides = array<i32>} : memref<16x785xf32, #tpu.memory_space<vmem>>, vector<16xf32>,
        %get3A_611 = arith.constant 288 : index
        %get3A_612 = tpu.vector_load %arg10[%get3A_611] {strides = array<i32>} : memref<784xf32, #tpu.memory_space<vmem>>, vector<16xf32>,
        %get3A_613 = arith.constant 288 : index
        %get3A_614 = tpu.vector_load %arg11[%get3A_613] {strides = array<i32>} : memref<784xf32, #tpu.memory_space<vmem>>, vector<16xf32>,
        %mul3A_615 = arith.mulf %get3A_607, %get3A_612 : vector<16xf32>
        %add3A_616 = arith.addf %add3A_596, %mul3A_615 : vector<16xf32>
        %abs3A_617 = math.absf %get3A_607 : vector<16xf32>
        %mul3A_618 = arith.mulf %abs3A_617, %get3A_614 : vector<16xf32>
        %add3A_619 = arith.addf %add3A_599, %mul3A_618 : vector<16xf32>
        %mul3A_620 = arith.mulf %get3A_610, %get3A_612 : vector<16xf32>
        %add3A_621 = arith.addf %add3A_601, %mul3A_620 : vector<16xf32>
        %abs3A_622 = math.absf %get3A_610 : vector<16xf32>
        %mul3A_623 = arith.mulf %abs3A_622, %get3A_614 : vector<16xf32>
        %add3A_624 = arith.addf %add3A_604, %mul3A_623 : vector<16xf32>
        %get3A_625 = arith.index_cast %scan3A_244 : i32 to index
        %get3A_626 = arith.constant 304 : index
        %get3A_627 = tpu.vector_load %arg12[%get3A_625, %get3A_626] {strides = array<i32>} : memref<16x785xf32, #tpu.memory_space<vmem>>, vector<16xf32>,
        %get3A_628 = arith.index_cast %scan3A_244 : i32 to index
        %get3A_629 = arith.constant 304 : index
        %get3A_630 = tpu.vector_load %arg13[%get3A_628, %get3A_629] {strides = array<i32>} : memref<16x785xf32, #tpu.memory_space<vmem>>, vector<16xf32>,
        %get3A_631 = arith.constant 304 : index
        %get3A_632 = tpu.vector_load %arg10[%get3A_631] {strides = array<i32>} : memref<784xf32, #tpu.memory_space<vmem>>, vector<16xf32>,
        %get3A_633 = arith.constant 304 : index
        %get3A_634 = tpu.vector_load %arg11[%get3A_633] {strides = array<i32>} : memref<784xf32, #tpu.memory_space<vmem>>, vector<16xf32>,
        %mul3A_635 = arith.mulf %get3A_627, %get3A_632 : vector<16xf32>
        %add3A_636 = arith.addf %add3A_616, %mul3A_635 : vector<16xf32>
        %abs3A_637 = math.absf %get3A_627 : vector<16xf32>
        %mul3A_638 = arith.mulf %abs3A_637, %get3A_634 : vector<16xf32>
        %add3A_639 = arith.addf %add3A_619, %mul3A_638 : vector<16xf32>
        %mul3A_640 = arith.mulf %get3A_630, %get3A_632 : vector<16xf32>
        %add3A_641 = arith.addf %add3A_621, %mul3A_640 : vector<16xf32>
        %abs3A_642 = math.absf %get3A_630 : vector<16xf32>
        %mul3A_643 = arith.mulf %abs3A_642, %get3A_634 : vector<16xf32>
        %add3A_644 = arith.addf %add3A_624, %mul3A_643 : vector<16xf32>
        %get3A_645 = arith.index_cast %scan3A_244 : i32 to index
        %get3A_646 = arith.constant 320 : index
        %get3A_647 = tpu.vector_load %arg12[%get3A_645, %get3A_646] {strides = array<i32>} : memref<16x785xf32, #tpu.memory_space<vmem>>, vector<16xf32>,
        %get3A_648 = arith.index_cast %scan3A_244 : i32 to index
        %get3A_649 = arith.constant 320 : index
        %get3A_650 = tpu.vector_load %arg13[%get3A_648, %get3A_649] {strides = array<i32>} : memref<16x785xf32, #tpu.memory_space<vmem>>, vector<16xf32>,
        %get3A_651 = arith.constant 320 : index
        %get3A_652 = tpu.vector_load %arg10[%get3A_651] {strides = array<i32>} : memref<784xf32, #tpu.memory_space<vmem>>, vector<16xf32>,
        %get3A_653 = arith.constant 320 : index
        %get3A_654 = tpu.vector_load %arg11[%get3A_653] {strides = array<i32>} : memref<784xf32, #tpu.memory_space<vmem>>, vector<16xf32>,
        %mul3A_655 = arith.mulf %get3A_647, %get3A_652 : vector<16xf32>
        %add3A_656 = arith.addf %add3A_636, %mul3A_655 : vector<16xf32>
        %abs3A_657 = math.absf %get3A_647 : vector<16xf32>
        %mul3A_658 = arith.mulf %abs3A_657, %get3A_654 : vector<16xf32>
        %add3A_659 = arith.addf %add3A_639, %mul3A_658 : vector<16xf32>
        %mul3A_660 = arith.mulf %get3A_650, %get3A_652 : vector<16xf32>
        %add3A_661 = arith.addf %add3A_641, %mul3A_660 : vector<16xf32>
        %abs3A_662 = math.absf %get3A_650 : vector<16xf32>
        %mul3A_663 = arith.mulf %abs3A_662, %get3A_654 : vector<16xf32>
        %add3A_664 = arith.addf %add3A_644, %mul3A_663 : vector<16xf32>
        %get3A_665 = arith.index_cast %scan3A_244 : i32 to index
        %get3A_666 = arith.constant 336 : index
        %get3A_667 = tpu.vector_load %arg12[%get3A_665, %get3A_666] {strides = array<i32>} : memref<16x785xf32, #tpu.memory_space<vmem>>, vector<16xf32>,
        %get3A_668 = arith.index_cast %scan3A_244 : i32 to index
        %get3A_669 = arith.constant 336 : index
        %get3A_670 = tpu.vector_load %arg13[%get3A_668, %get3A_669] {strides = array<i32>} : memref<16x785xf32, #tpu.memory_space<vmem>>, vector<16xf32>,
        %get3A_671 = arith.constant 336 : index
        %get3A_672 = tpu.vector_load %arg10[%get3A_671] {strides = array<i32>} : memref<784xf32, #tpu.memory_space<vmem>>, vector<16xf32>,
        %get3A_673 = arith.constant 336 : index
        %get3A_674 = tpu.vector_load %arg11[%get3A_673] {strides = array<i32>} : memref<784xf32, #tpu.memory_space<vmem>>, vector<16xf32>,
        %mul3A_675 = arith.mulf %get3A_667, %get3A_672 : vector<16xf32>
        %add3A_676 = arith.addf %add3A_656, %mul3A_675 : vector<16xf32>
        %abs3A_677 = math.absf %get3A_667 : vector<16xf32>
        %mul3A_678 = arith.mulf %abs3A_677, %get3A_674 : vector<16xf32>
        %add3A_679 = arith.addf %add3A_659, %mul3A_678 : vector<16xf32>
        %mul3A_680 = arith.mulf %get3A_670, %get3A_672 : vector<16xf32>
        %add3A_681 = arith.addf %add3A_661, %mul3A_680 : vector<16xf32>
        %abs3A_682 = math.absf %get3A_670 : vector<16xf32>
        %mul3A_683 = arith.mulf %abs3A_682, %get3A_674 : vector<16xf32>
        %add3A_684 = arith.addf %add3A_664, %mul3A_683 : vector<16xf32>
        %get3A_685 = arith.index_cast %scan3A_244 : i32 to index
        %get3A_686 = arith.constant 352 : index
        %get3A_687 = tpu.vector_load %arg12[%get3A_685, %get3A_686] {strides = array<i32>} : memref<16x785xf32, #tpu.memory_space<vmem>>, vector<16xf32>,
        %get3A_688 = arith.index_cast %scan3A_244 : i32 to index
        %get3A_689 = arith.constant 352 : index
        %get3A_690 = tpu.vector_load %arg13[%get3A_688, %get3A_689] {strides = array<i32>} : memref<16x785xf32, #tpu.memory_space<vmem>>, vector<16xf32>,
        %get3A_691 = arith.constant 352 : index
        %get3A_692 = tpu.vector_load %arg10[%get3A_691] {strides = array<i32>} : memref<784xf32, #tpu.memory_space<vmem>>, vector<16xf32>,
        %get3A_693 = arith.constant 352 : index
        %get3A_694 = tpu.vector_load %arg11[%get3A_693] {strides = array<i32>} : memref<784xf32, #tpu.memory_space<vmem>>, vector<16xf32>,
        %mul3A_695 = arith.mulf %get3A_687, %get3A_692 : vector<16xf32>
        %add3A_696 = arith.addf %add3A_676, %mul3A_695 : vector<16xf32>
        %abs3A_697 = math.absf %get3A_687 : vector<16xf32>
        %mul3A_698 = arith.mulf %abs3A_697, %get3A_694 : vector<16xf32>
        %add3A_699 = arith.addf %add3A_679, %mul3A_698 : vector<16xf32>
        %mul3A_700 = arith.mulf %get3A_690, %get3A_692 : vector<16xf32>
        %add3A_701 = arith.addf %add3A_681, %mul3A_700 : vector<16xf32>
        %abs3A_702 = math.absf %get3A_690 : vector<16xf32>
        %mul3A_703 = arith.mulf %abs3A_702, %get3A_694 : vector<16xf32>
        %add3A_704 = arith.addf %add3A_684, %mul3A_703 : vector<16xf32>
        %get3A_705 = arith.index_cast %scan3A_244 : i32 to index
        %get3A_706 = arith.constant 368 : index
        %get3A_707 = tpu.vector_load %arg12[%get3A_705, %get3A_706] {strides = array<i32>} : memref<16x785xf32, #tpu.memory_space<vmem>>, vector<16xf32>,
        %get3A_708 = arith.index_cast %scan3A_244 : i32 to index
        %get3A_709 = arith.constant 368 : index
        %get3A_710 = tpu.vector_load %arg13[%get3A_708, %get3A_709] {strides = array<i32>} : memref<16x785xf32, #tpu.memory_space<vmem>>, vector<16xf32>,
        %get3A_711 = arith.constant 368 : index
        %get3A_712 = tpu.vector_load %arg10[%get3A_711] {strides = array<i32>} : memref<784xf32, #tpu.memory_space<vmem>>, vector<16xf32>,
        %get3A_713 = arith.constant 368 : index
        %get3A_714 = tpu.vector_load %arg11[%get3A_713] {strides = array<i32>} : memref<784xf32, #tpu.memory_space<vmem>>, vector<16xf32>,
        %mul3A_715 = arith.mulf %get3A_707, %get3A_712 : vector<16xf32>
        %add3A_716 = arith.addf %add3A_696, %mul3A_715 : vector<16xf32>
        %abs3A_717 = math.absf %get3A_707 : vector<16xf32>
        %mul3A_718 = arith.mulf %abs3A_717, %get3A_714 : vector<16xf32>
        %add3A_719 = arith.addf %add3A_699, %mul3A_718 : vector<16xf32>
        %mul3A_720 = arith.mulf %get3A_710, %get3A_712 : vector<16xf32>
        %add3A_721 = arith.addf %add3A_701, %mul3A_720 : vector<16xf32>
        %abs3A_722 = math.absf %get3A_710 : vector<16xf32>
        %mul3A_723 = arith.mulf %abs3A_722, %get3A_714 : vector<16xf32>
        %add3A_724 = arith.addf %add3A_704, %mul3A_723 : vector<16xf32>
        %get3A_725 = arith.index_cast %scan3A_244 : i32 to index
        %get3A_726 = arith.constant 384 : index
        %get3A_727 = tpu.vector_load %arg12[%get3A_725, %get3A_726] {strides = array<i32>} : memref<16x785xf32, #tpu.memory_space<vmem>>, vector<16xf32>,
        %get3A_728 = arith.index_cast %scan3A_244 : i32 to index
        %get3A_729 = arith.constant 384 : index
        %get3A_730 = tpu.vector_load %arg13[%get3A_728, %get3A_729] {strides = array<i32>} : memref<16x785xf32, #tpu.memory_space<vmem>>, vector<16xf32>,
        %get3A_731 = arith.constant 384 : index
        %get3A_732 = tpu.vector_load %arg10[%get3A_731] {strides = array<i32>} : memref<784xf32, #tpu.memory_space<vmem>>, vector<16xf32>,
        %get3A_733 = arith.constant 384 : index
        %get3A_734 = tpu.vector_load %arg11[%get3A_733] {strides = array<i32>} : memref<784xf32, #tpu.memory_space<vmem>>, vector<16xf32>,
        %mul3A_735 = arith.mulf %get3A_727, %get3A_732 : vector<16xf32>
        %add3A_736 = arith.addf %add3A_716, %mul3A_735 : vector<16xf32>
        %abs3A_737 = math.absf %get3A_727 : vector<16xf32>
        %mul3A_738 = arith.mulf %abs3A_737, %get3A_734 : vector<16xf32>
        %add3A_739 = arith.addf %add3A_719, %mul3A_738 : vector<16xf32>
        %mul3A_740 = arith.mulf %get3A_730, %get3A_732 : vector<16xf32>
        %add3A_741 = arith.addf %add3A_721, %mul3A_740 : vector<16xf32>
        %abs3A_742 = math.absf %get3A_730 : vector<16xf32>
        %mul3A_743 = arith.mulf %abs3A_742, %get3A_734 : vector<16xf32>
        %add3A_744 = arith.addf %add3A_724, %mul3A_743 : vector<16xf32>
        %get3A_745 = arith.index_cast %scan3A_244 : i32 to index
        %get3A_746 = arith.constant 400 : index
        %get3A_747 = tpu.vector_load %arg12[%get3A_745, %get3A_746] {strides = array<i32>} : memref<16x785xf32, #tpu.memory_space<vmem>>, vector<16xf32>,
        %get3A_748 = arith.index_cast %scan3A_244 : i32 to index
        %get3A_749 = arith.constant 400 : index
        %get3A_750 = tpu.vector_load %arg13[%get3A_748, %get3A_749] {strides = array<i32>} : memref<16x785xf32, #tpu.memory_space<vmem>>, vector<16xf32>,
        %get3A_751 = arith.constant 400 : index
        %get3A_752 = tpu.vector_load %arg10[%get3A_751] {strides = array<i32>} : memref<784xf32, #tpu.memory_space<vmem>>, vector<16xf32>,
        %get3A_753 = arith.constant 400 : index
        %get3A_754 = tpu.vector_load %arg11[%get3A_753] {strides = array<i32>} : memref<784xf32, #tpu.memory_space<vmem>>, vector<16xf32>,
        %mul3A_755 = arith.mulf %get3A_747, %get3A_752 : vector<16xf32>
        %add3A_756 = arith.addf %add3A_736, %mul3A_755 : vector<16xf32>
        %abs3A_757 = math.absf %get3A_747 : vector<16xf32>
        %mul3A_758 = arith.mulf %abs3A_757, %get3A_754 : vector<16xf32>
        %add3A_759 = arith.addf %add3A_739, %mul3A_758 : vector<16xf32>
        %mul3A_760 = arith.mulf %get3A_750, %get3A_752 : vector<16xf32>
        %add3A_761 = arith.addf %add3A_741, %mul3A_760 : vector<16xf32>
        %abs3A_762 = math.absf %get3A_750 : vector<16xf32>
        %mul3A_763 = arith.mulf %abs3A_762, %get3A_754 : vector<16xf32>
        %add3A_764 = arith.addf %add3A_744, %mul3A_763 : vector<16xf32>
        %get3A_765 = arith.index_cast %scan3A_244 : i32 to index
        %get3A_766 = arith.constant 416 : index
        %get3A_767 = tpu.vector_load %arg12[%get3A_765, %get3A_766] {strides = array<i32>} : memref<16x785xf32, #tpu.memory_space<vmem>>, vector<16xf32>,
        %get3A_768 = arith.index_cast %scan3A_244 : i32 to index
        %get3A_769 = arith.constant 416 : index
        %get3A_770 = tpu.vector_load %arg13[%get3A_768, %get3A_769] {strides = array<i32>} : memref<16x785xf32, #tpu.memory_space<vmem>>, vector<16xf32>,
        %get3A_771 = arith.constant 416 : index
        %get3A_772 = tpu.vector_load %arg10[%get3A_771] {strides = array<i32>} : memref<784xf32, #tpu.memory_space<vmem>>, vector<16xf32>,
        %get3A_773 = arith.constant 416 : index
        %get3A_774 = tpu.vector_load %arg11[%get3A_773] {strides = array<i32>} : memref<784xf32, #tpu.memory_space<vmem>>, vector<16xf32>,
        %mul3A_775 = arith.mulf %get3A_767, %get3A_772 : vector<16xf32>
        %add3A_776 = arith.addf %add3A_756, %mul3A_775 : vector<16xf32>
        %abs3A_777 = math.absf %get3A_767 : vector<16xf32>
        %mul3A_778 = arith.mulf %abs3A_777, %get3A_774 : vector<16xf32>
        %add3A_779 = arith.addf %add3A_759, %mul3A_778 : vector<16xf32>
        %mul3A_780 = arith.mulf %get3A_770, %get3A_772 : vector<16xf32>
        %add3A_781 = arith.addf %add3A_761, %mul3A_780 : vector<16xf32>
        %abs3A_782 = math.absf %get3A_770 : vector<16xf32>
        %mul3A_783 = arith.mulf %abs3A_782, %get3A_774 : vector<16xf32>
        %add3A_784 = arith.addf %add3A_764, %mul3A_783 : vector<16xf32>
        %get3A_785 = arith.index_cast %scan3A_244 : i32 to index
        %get3A_786 = arith.constant 432 : index
        %get3A_787 = tpu.vector_load %arg12[%get3A_785, %get3A_786] {strides = array<i32>} : memref<16x785xf32, #tpu.memory_space<vmem>>, vector<16xf32>,
        %get3A_788 = arith.index_cast %scan3A_244 : i32 to index
        %get3A_789 = arith.constant 432 : index
        %get3A_790 = tpu.vector_load %arg13[%get3A_788, %get3A_789] {strides = array<i32>} : memref<16x785xf32, #tpu.memory_space<vmem>>, vector<16xf32>,
        %get3A_791 = arith.constant 432 : index
        %get3A_792 = tpu.vector_load %arg10[%get3A_791] {strides = array<i32>} : memref<784xf32, #tpu.memory_space<vmem>>, vector<16xf32>,
        %get3A_793 = arith.constant 432 : index
        %get3A_794 = tpu.vector_load %arg11[%get3A_793] {strides = array<i32>} : memref<784xf32, #tpu.memory_space<vmem>>, vector<16xf32>,
        %mul3A_795 = arith.mulf %get3A_787, %get3A_792 : vector<16xf32>
        %add3A_796 = arith.addf %add3A_776, %mul3A_795 : vector<16xf32>
        %abs3A_797 = math.absf %get3A_787 : vector<16xf32>
        %mul3A_798 = arith.mulf %abs3A_797, %get3A_794 : vector<16xf32>
        %add3A_799 = arith.addf %add3A_779, %mul3A_798 : vector<16xf32>
        %mul3A_800 = arith.mulf %get3A_790, %get3A_792 : vector<16xf32>
        %add3A_801 = arith.addf %add3A_781, %mul3A_800 : vector<16xf32>
        %abs3A_802 = math.absf %get3A_790 : vector<16xf32>
        %mul3A_803 = arith.mulf %abs3A_802, %get3A_794 : vector<16xf32>
        %add3A_804 = arith.addf %add3A_784, %mul3A_803 : vector<16xf32>
        %get3A_805 = arith.index_cast %scan3A_244 : i32 to index
        %get3A_806 = arith.constant 448 : index
        %get3A_807 = tpu.vector_load %arg12[%get3A_805, %get3A_806] {strides = array<i32>} : memref<16x785xf32, #tpu.memory_space<vmem>>, vector<16xf32>,
        %get3A_808 = arith.index_cast %scan3A_244 : i32 to index
        %get3A_809 = arith.constant 448 : index
        %get3A_810 = tpu.vector_load %arg13[%get3A_808, %get3A_809] {strides = array<i32>} : memref<16x785xf32, #tpu.memory_space<vmem>>, vector<16xf32>,
        %get3A_811 = arith.constant 448 : index
        %get3A_812 = tpu.vector_load %arg10[%get3A_811] {strides = array<i32>} : memref<784xf32, #tpu.memory_space<vmem>>, vector<16xf32>,
        %get3A_813 = arith.constant 448 : index
        %get3A_814 = tpu.vector_load %arg11[%get3A_813] {strides = array<i32>} : memref<784xf32, #tpu.memory_space<vmem>>, vector<16xf32>,
        %mul3A_815 = arith.mulf %get3A_807, %get3A_812 : vector<16xf32>
        %add3A_816 = arith.addf %add3A_796, %mul3A_815 : vector<16xf32>
        %abs3A_817 = math.absf %get3A_807 : vector<16xf32>
        %mul3A_818 = arith.mulf %abs3A_817, %get3A_814 : vector<16xf32>
        %add3A_819 = arith.addf %add3A_799, %mul3A_818 : vector<16xf32>
        %mul3A_820 = arith.mulf %get3A_810, %get3A_812 : vector<16xf32>
        %add3A_821 = arith.addf %add3A_801, %mul3A_820 : vector<16xf32>
        %abs3A_822 = math.absf %get3A_810 : vector<16xf32>
        %mul3A_823 = arith.mulf %abs3A_822, %get3A_814 : vector<16xf32>
        %add3A_824 = arith.addf %add3A_804, %mul3A_823 : vector<16xf32>
        %get3A_825 = arith.index_cast %scan3A_244 : i32 to index
        %get3A_826 = arith.constant 464 : index
        %get3A_827 = tpu.vector_load %arg12[%get3A_825, %get3A_826] {strides = array<i32>} : memref<16x785xf32, #tpu.memory_space<vmem>>, vector<16xf32>,
        %get3A_828 = arith.index_cast %scan3A_244 : i32 to index
        %get3A_829 = arith.constant 464 : index
        %get3A_830 = tpu.vector_load %arg13[%get3A_828, %get3A_829] {strides = array<i32>} : memref<16x785xf32, #tpu.memory_space<vmem>>, vector<16xf32>,
        %get3A_831 = arith.constant 464 : index
        %get3A_832 = tpu.vector_load %arg10[%get3A_831] {strides = array<i32>} : memref<784xf32, #tpu.memory_space<vmem>>, vector<16xf32>,
        %get3A_833 = arith.constant 464 : index
        %get3A_834 = tpu.vector_load %arg11[%get3A_833] {strides = array<i32>} : memref<784xf32, #tpu.memory_space<vmem>>, vector<16xf32>,
        %mul3A_835 = arith.mulf %get3A_827, %get3A_832 : vector<16xf32>
        %add3A_836 = arith.addf %add3A_816, %mul3A_835 : vector<16xf32>
        %abs3A_837 = math.absf %get3A_827 : vector<16xf32>
        %mul3A_838 = arith.mulf %abs3A_837, %get3A_834 : vector<16xf32>
        %add3A_839 = arith.addf %add3A_819, %mul3A_838 : vector<16xf32>
        %mul3A_840 = arith.mulf %get3A_830, %get3A_832 : vector<16xf32>
        %add3A_841 = arith.addf %add3A_821, %mul3A_840 : vector<16xf32>
        %abs3A_842 = math.absf %get3A_830 : vector<16xf32>
        %mul3A_843 = arith.mulf %abs3A_842, %get3A_834 : vector<16xf32>
        %add3A_844 = arith.addf %add3A_824, %mul3A_843 : vector<16xf32>
        %get3A_845 = arith.index_cast %scan3A_244 : i32 to index
        %get3A_846 = arith.constant 480 : index
        %get3A_847 = tpu.vector_load %arg12[%get3A_845, %get3A_846] {strides = array<i32>} : memref<16x785xf32, #tpu.memory_space<vmem>>, vector<16xf32>,
        %get3A_848 = arith.index_cast %scan3A_244 : i32 to index
        %get3A_849 = arith.constant 480 : index
        %get3A_850 = tpu.vector_load %arg13[%get3A_848, %get3A_849] {strides = array<i32>} : memref<16x785xf32, #tpu.memory_space<vmem>>, vector<16xf32>,
        %get3A_851 = arith.constant 480 : index
        %get3A_852 = tpu.vector_load %arg10[%get3A_851] {strides = array<i32>} : memref<784xf32, #tpu.memory_space<vmem>>, vector<16xf32>,
        %get3A_853 = arith.constant 480 : index
        %get3A_854 = tpu.vector_load %arg11[%get3A_853] {strides = array<i32>} : memref<784xf32, #tpu.memory_space<vmem>>, vector<16xf32>,
        %mul3A_855 = arith.mulf %get3A_847, %get3A_852 : vector<16xf32>
        %add3A_856 = arith.addf %add3A_836, %mul3A_855 : vector<16xf32>
        %abs3A_857 = math.absf %get3A_847 : vector<16xf32>
        %mul3A_858 = arith.mulf %abs3A_857, %get3A_854 : vector<16xf32>
        %add3A_859 = arith.addf %add3A_839, %mul3A_858 : vector<16xf32>
        %mul3A_860 = arith.mulf %get3A_850, %get3A_852 : vector<16xf32>
        %add3A_861 = arith.addf %add3A_841, %mul3A_860 : vector<16xf32>
        %abs3A_862 = math.absf %get3A_850 : vector<16xf32>
        %mul3A_863 = arith.mulf %abs3A_862, %get3A_854 : vector<16xf32>
        %add3A_864 = arith.addf %add3A_844, %mul3A_863 : vector<16xf32>
        %get3A_865 = arith.index_cast %scan3A_244 : i32 to index
        %get3A_866 = arith.constant 496 : index
        %get3A_867 = tpu.vector_load %arg12[%get3A_865, %get3A_866] {strides = array<i32>} : memref<16x785xf32, #tpu.memory_space<vmem>>, vector<16xf32>,
        %get3A_868 = arith.index_cast %scan3A_244 : i32 to index
        %get3A_869 = arith.constant 496 : index
        %get3A_870 = tpu.vector_load %arg13[%get3A_868, %get3A_869] {strides = array<i32>} : memref<16x785xf32, #tpu.memory_space<vmem>>, vector<16xf32>,
        %get3A_871 = arith.constant 496 : index
        %get3A_872 = tpu.vector_load %arg10[%get3A_871] {strides = array<i32>} : memref<784xf32, #tpu.memory_space<vmem>>, vector<16xf32>,
        %get3A_873 = arith.constant 496 : index
        %get3A_874 = tpu.vector_load %arg11[%get3A_873] {strides = array<i32>} : memref<784xf32, #tpu.memory_space<vmem>>, vector<16xf32>,
        %mul3A_875 = arith.mulf %get3A_867, %get3A_872 : vector<16xf32>
        %add3A_876 = arith.addf %add3A_856, %mul3A_875 : vector<16xf32>
        %abs3A_877 = math.absf %get3A_867 : vector<16xf32>
        %mul3A_878 = arith.mulf %abs3A_877, %get3A_874 : vector<16xf32>
        %add3A_879 = arith.addf %add3A_859, %mul3A_878 : vector<16xf32>
        %mul3A_880 = arith.mulf %get3A_870, %get3A_872 : vector<16xf32>
        %add3A_881 = arith.addf %add3A_861, %mul3A_880 : vector<16xf32>
        %abs3A_882 = math.absf %get3A_870 : vector<16xf32>
        %mul3A_883 = arith.mulf %abs3A_882, %get3A_874 : vector<16xf32>
        %add3A_884 = arith.addf %add3A_864, %mul3A_883 : vector<16xf32>
        %get3A_885 = arith.index_cast %scan3A_244 : i32 to index
        %get3A_886 = arith.constant 512 : index
        %get3A_887 = tpu.vector_load %arg12[%get3A_885, %get3A_886] {strides = array<i32>} : memref<16x785xf32, #tpu.memory_space<vmem>>, vector<16xf32>,
        %get3A_888 = arith.index_cast %scan3A_244 : i32 to index
        %get3A_889 = arith.constant 512 : index
        %get3A_890 = tpu.vector_load %arg13[%get3A_888, %get3A_889] {strides = array<i32>} : memref<16x785xf32, #tpu.memory_space<vmem>>, vector<16xf32>,
        %get3A_891 = arith.constant 512 : index
        %get3A_892 = tpu.vector_load %arg10[%get3A_891] {strides = array<i32>} : memref<784xf32, #tpu.memory_space<vmem>>, vector<16xf32>,
        %get3A_893 = arith.constant 512 : index
        %get3A_894 = tpu.vector_load %arg11[%get3A_893] {strides = array<i32>} : memref<784xf32, #tpu.memory_space<vmem>>, vector<16xf32>,
        %mul3A_895 = arith.mulf %get3A_887, %get3A_892 : vector<16xf32>
        %add3A_896 = arith.addf %add3A_876, %mul3A_895 : vector<16xf32>
        %abs3A_897 = math.absf %get3A_887 : vector<16xf32>
        %mul3A_898 = arith.mulf %abs3A_897, %get3A_894 : vector<16xf32>
        %add3A_899 = arith.addf %add3A_879, %mul3A_898 : vector<16xf32>
        %mul3A_900 = arith.mulf %get3A_890, %get3A_892 : vector<16xf32>
        %add3A_901 = arith.addf %add3A_881, %mul3A_900 : vector<16xf32>
        %abs3A_902 = math.absf %get3A_890 : vector<16xf32>
        %mul3A_903 = arith.mulf %abs3A_902, %get3A_894 : vector<16xf32>
        %add3A_904 = arith.addf %add3A_884, %mul3A_903 : vector<16xf32>
        %get3A_905 = arith.index_cast %scan3A_244 : i32 to index
        %get3A_906 = arith.constant 528 : index
        %get3A_907 = tpu.vector_load %arg12[%get3A_905, %get3A_906] {strides = array<i32>} : memref<16x785xf32, #tpu.memory_space<vmem>>, vector<16xf32>,
        %get3A_908 = arith.index_cast %scan3A_244 : i32 to index
        %get3A_909 = arith.constant 528 : index
        %get3A_910 = tpu.vector_load %arg13[%get3A_908, %get3A_909] {strides = array<i32>} : memref<16x785xf32, #tpu.memory_space<vmem>>, vector<16xf32>,
        %get3A_911 = arith.constant 528 : index
        %get3A_912 = tpu.vector_load %arg10[%get3A_911] {strides = array<i32>} : memref<784xf32, #tpu.memory_space<vmem>>, vector<16xf32>,
        %get3A_913 = arith.constant 528 : index
        %get3A_914 = tpu.vector_load %arg11[%get3A_913] {strides = array<i32>} : memref<784xf32, #tpu.memory_space<vmem>>, vector<16xf32>,
        %mul3A_915 = arith.mulf %get3A_907, %get3A_912 : vector<16xf32>
        %add3A_916 = arith.addf %add3A_896, %mul3A_915 : vector<16xf32>
        %abs3A_917 = math.absf %get3A_907 : vector<16xf32>
        %mul3A_918 = arith.mulf %abs3A_917, %get3A_914 : vector<16xf32>
        %add3A_919 = arith.addf %add3A_899, %mul3A_918 : vector<16xf32>
        %mul3A_920 = arith.mulf %get3A_910, %get3A_912 : vector<16xf32>
        %add3A_921 = arith.addf %add3A_901, %mul3A_920 : vector<16xf32>
        %abs3A_922 = math.absf %get3A_910 : vector<16xf32>
        %mul3A_923 = arith.mulf %abs3A_922, %get3A_914 : vector<16xf32>
        %add3A_924 = arith.addf %add3A_904, %mul3A_923 : vector<16xf32>
        %get3A_925 = arith.index_cast %scan3A_244 : i32 to index
        %get3A_926 = arith.constant 544 : index
        %get3A_927 = tpu.vector_load %arg12[%get3A_925, %get3A_926] {strides = array<i32>} : memref<16x785xf32, #tpu.memory_space<vmem>>, vector<16xf32>,
        %get3A_928 = arith.index_cast %scan3A_244 : i32 to index
        %get3A_929 = arith.constant 544 : index
        %get3A_930 = tpu.vector_load %arg13[%get3A_928, %get3A_929] {strides = array<i32>} : memref<16x785xf32, #tpu.memory_space<vmem>>, vector<16xf32>,
        %get3A_931 = arith.constant 544 : index
        %get3A_932 = tpu.vector_load %arg10[%get3A_931] {strides = array<i32>} : memref<784xf32, #tpu.memory_space<vmem>>, vector<16xf32>,
        %get3A_933 = arith.constant 544 : index
        %get3A_934 = tpu.vector_load %arg11[%get3A_933] {strides = array<i32>} : memref<784xf32, #tpu.memory_space<vmem>>, vector<16xf32>,
        %mul3A_935 = arith.mulf %get3A_927, %get3A_932 : vector<16xf32>
        %add3A_936 = arith.addf %add3A_916, %mul3A_935 : vector<16xf32>
        %abs3A_937 = math.absf %get3A_927 : vector<16xf32>
        %mul3A_938 = arith.mulf %abs3A_937, %get3A_934 : vector<16xf32>
        %add3A_939 = arith.addf %add3A_919, %mul3A_938 : vector<16xf32>
        %mul3A_940 = arith.mulf %get3A_930, %get3A_932 : vector<16xf32>
        %add3A_941 = arith.addf %add3A_921, %mul3A_940 : vector<16xf32>
        %abs3A_942 = math.absf %get3A_930 : vector<16xf32>
        %mul3A_943 = arith.mulf %abs3A_942, %get3A_934 : vector<16xf32>
        %add3A_944 = arith.addf %add3A_924, %mul3A_943 : vector<16xf32>
        %get3A_945 = arith.index_cast %scan3A_244 : i32 to index
        %get3A_946 = arith.constant 560 : index
        %get3A_947 = tpu.vector_load %arg12[%get3A_945, %get3A_946] {strides = array<i32>} : memref<16x785xf32, #tpu.memory_space<vmem>>, vector<16xf32>,
        %get3A_948 = arith.index_cast %scan3A_244 : i32 to index
        %get3A_949 = arith.constant 560 : index
        %get3A_950 = tpu.vector_load %arg13[%get3A_948, %get3A_949] {strides = array<i32>} : memref<16x785xf32, #tpu.memory_space<vmem>>, vector<16xf32>,
        %get3A_951 = arith.constant 560 : index
        %get3A_952 = tpu.vector_load %arg10[%get3A_951] {strides = array<i32>} : memref<784xf32, #tpu.memory_space<vmem>>, vector<16xf32>,
        %get3A_953 = arith.constant 560 : index
        %get3A_954 = tpu.vector_load %arg11[%get3A_953] {strides = array<i32>} : memref<784xf32, #tpu.memory_space<vmem>>, vector<16xf32>,
        %mul3A_955 = arith.mulf %get3A_947, %get3A_952 : vector<16xf32>
        %add3A_956 = arith.addf %add3A_936, %mul3A_955 : vector<16xf32>
        %abs3A_957 = math.absf %get3A_947 : vector<16xf32>
        %mul3A_958 = arith.mulf %abs3A_957, %get3A_954 : vector<16xf32>
        %add3A_959 = arith.addf %add3A_939, %mul3A_958 : vector<16xf32>
        %mul3A_960 = arith.mulf %get3A_950, %get3A_952 : vector<16xf32>
        %add3A_961 = arith.addf %add3A_941, %mul3A_960 : vector<16xf32>
        %abs3A_962 = math.absf %get3A_950 : vector<16xf32>
        %mul3A_963 = arith.mulf %abs3A_962, %get3A_954 : vector<16xf32>
        %add3A_964 = arith.addf %add3A_944, %mul3A_963 : vector<16xf32>
        %get3A_965 = arith.index_cast %scan3A_244 : i32 to index
        %get3A_966 = arith.constant 576 : index
        %get3A_967 = tpu.vector_load %arg12[%get3A_965, %get3A_966] {strides = array<i32>} : memref<16x785xf32, #tpu.memory_space<vmem>>, vector<16xf32>,
        %get3A_968 = arith.index_cast %scan3A_244 : i32 to index
        %get3A_969 = arith.constant 576 : index
        %get3A_970 = tpu.vector_load %arg13[%get3A_968, %get3A_969] {strides = array<i32>} : memref<16x785xf32, #tpu.memory_space<vmem>>, vector<16xf32>,
        %get3A_971 = arith.constant 576 : index
        %get3A_972 = tpu.vector_load %arg10[%get3A_971] {strides = array<i32>} : memref<784xf32, #tpu.memory_space<vmem>>, vector<16xf32>,
        %get3A_973 = arith.constant 576 : index
        %get3A_974 = tpu.vector_load %arg11[%get3A_973] {strides = array<i32>} : memref<784xf32, #tpu.memory_space<vmem>>, vector<16xf32>,
        %mul3A_975 = arith.mulf %get3A_967, %get3A_972 : vector<16xf32>
        %add3A_976 = arith.addf %add3A_956, %mul3A_975 : vector<16xf32>
        %abs3A_977 = math.absf %get3A_967 : vector<16xf32>
        %mul3A_978 = arith.mulf %abs3A_977, %get3A_974 : vector<16xf32>
        %add3A_979 = arith.addf %add3A_959, %mul3A_978 : vector<16xf32>
        %mul3A_980 = arith.mulf %get3A_970, %get3A_972 : vector<16xf32>
        %add3A_981 = arith.addf %add3A_961, %mul3A_980 : vector<16xf32>
        %abs3A_982 = math.absf %get3A_970 : vector<16xf32>
        %mul3A_983 = arith.mulf %abs3A_982, %get3A_974 : vector<16xf32>
        %add3A_984 = arith.addf %add3A_964, %mul3A_983 : vector<16xf32>
        %get3A_985 = arith.index_cast %scan3A_244 : i32 to index
        %get3A_986 = arith.constant 592 : index
        %get3A_987 = tpu.vector_load %arg12[%get3A_985, %get3A_986] {strides = array<i32>} : memref<16x785xf32, #tpu.memory_space<vmem>>, vector<16xf32>,
        %get3A_988 = arith.index_cast %scan3A_244 : i32 to index
        %get3A_989 = arith.constant 592 : index
        %get3A_990 = tpu.vector_load %arg13[%get3A_988, %get3A_989] {strides = array<i32>} : memref<16x785xf32, #tpu.memory_space<vmem>>, vector<16xf32>,
        %get3A_991 = arith.constant 592 : index
        %get3A_992 = tpu.vector_load %arg10[%get3A_991] {strides = array<i32>} : memref<784xf32, #tpu.memory_space<vmem>>, vector<16xf32>,
        %get3A_993 = arith.constant 592 : index
        %get3A_994 = tpu.vector_load %arg11[%get3A_993] {strides = array<i32>} : memref<784xf32, #tpu.memory_space<vmem>>, vector<16xf32>,
        %mul3A_995 = arith.mulf %get3A_987, %get3A_992 : vector<16xf32>
        %add3A_996 = arith.addf %add3A_976, %mul3A_995 : vector<16xf32>
        %abs3A_997 = math.absf %get3A_987 : vector<16xf32>
        %mul3A_998 = arith.mulf %abs3A_997, %get3A_994 : vector<16xf32>
        %add3A_999 = arith.addf %add3A_979, %mul3A_998 : vector<16xf32>
        %mul3A_1000 = arith.mulf %get3A_990, %get3A_992 : vector<16xf32>
        %add3A_1001 = arith.addf %add3A_981, %mul3A_1000 : vector<16xf32>
        %abs3A_1002 = math.absf %get3A_990 : vector<16xf32>
        %mul3A_1003 = arith.mulf %abs3A_1002, %get3A_994 : vector<16xf32>
        %add3A_1004 = arith.addf %add3A_984, %mul3A_1003 : vector<16xf32>
        %get3A_1005 = arith.index_cast %scan3A_244 : i32 to index
        %get3A_1006 = arith.constant 608 : index
        %get3A_1007 = tpu.vector_load %arg12[%get3A_1005, %get3A_1006] {strides = array<i32>} : memref<16x785xf32, #tpu.memory_space<vmem>>, vector<16xf32>,
        %get3A_1008 = arith.index_cast %scan3A_244 : i32 to index
        %get3A_1009 = arith.constant 608 : index
        %get3A_1010 = tpu.vector_load %arg13[%get3A_1008, %get3A_1009] {strides = array<i32>} : memref<16x785xf32, #tpu.memory_space<vmem>>, vector<16xf32>,
        %get3A_1011 = arith.constant 608 : index
        %get3A_1012 = tpu.vector_load %arg10[%get3A_1011] {strides = array<i32>} : memref<784xf32, #tpu.memory_space<vmem>>, vector<16xf32>,
        %get3A_1013 = arith.constant 608 : index
        %get3A_1014 = tpu.vector_load %arg11[%get3A_1013] {strides = array<i32>} : memref<784xf32, #tpu.memory_space<vmem>>, vector<16xf32>,
        %mul3A_1015 = arith.mulf %get3A_1007, %get3A_1012 : vector<16xf32>
        %add3A_1016 = arith.addf %add3A_996, %mul3A_1015 : vector<16xf32>
        %abs3A_1017 = math.absf %get3A_1007 : vector<16xf32>
        %mul3A_1018 = arith.mulf %abs3A_1017, %get3A_1014 : vector<16xf32>
        %add3A_1019 = arith.addf %add3A_999, %mul3A_1018 : vector<16xf32>
        %mul3A_1020 = arith.mulf %get3A_1010, %get3A_1012 : vector<16xf32>
        %add3A_1021 = arith.addf %add3A_1001, %mul3A_1020 : vector<16xf32>
        %abs3A_1022 = math.absf %get3A_1010 : vector<16xf32>
        %mul3A_1023 = arith.mulf %abs3A_1022, %get3A_1014 : vector<16xf32>
        %add3A_1024 = arith.addf %add3A_1004, %mul3A_1023 : vector<16xf32>
        %get3A_1025 = arith.index_cast %scan3A_244 : i32 to index
        %get3A_1026 = arith.constant 624 : index
        %get3A_1027 = tpu.vector_load %arg12[%get3A_1025, %get3A_1026] {strides = array<i32>} : memref<16x785xf32, #tpu.memory_space<vmem>>, vector<16xf32>,
        %get3A_1028 = arith.index_cast %scan3A_244 : i32 to index
        %get3A_1029 = arith.constant 624 : index
        %get3A_1030 = tpu.vector_load %arg13[%get3A_1028, %get3A_1029] {strides = array<i32>} : memref<16x785xf32, #tpu.memory_space<vmem>>, vector<16xf32>,
        %get3A_1031 = arith.constant 624 : index
        %get3A_1032 = tpu.vector_load %arg10[%get3A_1031] {strides = array<i32>} : memref<784xf32, #tpu.memory_space<vmem>>, vector<16xf32>,
        %get3A_1033 = arith.constant 624 : index
        %get3A_1034 = tpu.vector_load %arg11[%get3A_1033] {strides = array<i32>} : memref<784xf32, #tpu.memory_space<vmem>>, vector<16xf32>,
        %mul3A_1035 = arith.mulf %get3A_1027, %get3A_1032 : vector<16xf32>
        %add3A_1036 = arith.addf %add3A_1016, %mul3A_1035 : vector<16xf32>
        %abs3A_1037 = math.absf %get3A_1027 : vector<16xf32>
        %mul3A_1038 = arith.mulf %abs3A_1037, %get3A_1034 : vector<16xf32>
        %add3A_1039 = arith.addf %add3A_1019, %mul3A_1038 : vector<16xf32>
        %mul3A_1040 = arith.mulf %get3A_1030, %get3A_1032 : vector<16xf32>
        %add3A_1041 = arith.addf %add3A_1021, %mul3A_1040 : vector<16xf32>
        %abs3A_1042 = math.absf %get3A_1030 : vector<16xf32>
        %mul3A_1043 = arith.mulf %abs3A_1042, %get3A_1034 : vector<16xf32>
        %add3A_1044 = arith.addf %add3A_1024, %mul3A_1043 : vector<16xf32>
        %get3A_1045 = arith.index_cast %scan3A_244 : i32 to index
        %get3A_1046 = arith.constant 640 : index
        %get3A_1047 = tpu.vector_load %arg12[%get3A_1045, %get3A_1046] {strides = array<i32>} : memref<16x785xf32, #tpu.memory_space<vmem>>, vector<16xf32>,
        %get3A_1048 = arith.index_cast %scan3A_244 : i32 to index
        %get3A_1049 = arith.constant 640 : index
        %get3A_1050 = tpu.vector_load %arg13[%get3A_1048, %get3A_1049] {strides = array<i32>} : memref<16x785xf32, #tpu.memory_space<vmem>>, vector<16xf32>,
        %get3A_1051 = arith.constant 640 : index
        %get3A_1052 = tpu.vector_load %arg10[%get3A_1051] {strides = array<i32>} : memref<784xf32, #tpu.memory_space<vmem>>, vector<16xf32>,
        %get3A_1053 = arith.constant 640 : index
        %get3A_1054 = tpu.vector_load %arg11[%get3A_1053] {strides = array<i32>} : memref<784xf32, #tpu.memory_space<vmem>>, vector<16xf32>,
        %mul3A_1055 = arith.mulf %get3A_1047, %get3A_1052 : vector<16xf32>
        %add3A_1056 = arith.addf %add3A_1036, %mul3A_1055 : vector<16xf32>
        %abs3A_1057 = math.absf %get3A_1047 : vector<16xf32>
        %mul3A_1058 = arith.mulf %abs3A_1057, %get3A_1054 : vector<16xf32>
        %add3A_1059 = arith.addf %add3A_1039, %mul3A_1058 : vector<16xf32>
        %mul3A_1060 = arith.mulf %get3A_1050, %get3A_1052 : vector<16xf32>
        %add3A_1061 = arith.addf %add3A_1041, %mul3A_1060 : vector<16xf32>
        %abs3A_1062 = math.absf %get3A_1050 : vector<16xf32>
        %mul3A_1063 = arith.mulf %abs3A_1062, %get3A_1054 : vector<16xf32>
        %add3A_1064 = arith.addf %add3A_1044, %mul3A_1063 : vector<16xf32>
        %get3A_1065 = arith.index_cast %scan3A_244 : i32 to index
        %get3A_1066 = arith.constant 656 : index
        %get3A_1067 = tpu.vector_load %arg12[%get3A_1065, %get3A_1066] {strides = array<i32>} : memref<16x785xf32, #tpu.memory_space<vmem>>, vector<16xf32>,
        %get3A_1068 = arith.index_cast %scan3A_244 : i32 to index
        %get3A_1069 = arith.constant 656 : index
        %get3A_1070 = tpu.vector_load %arg13[%get3A_1068, %get3A_1069] {strides = array<i32>} : memref<16x785xf32, #tpu.memory_space<vmem>>, vector<16xf32>,
        %get3A_1071 = arith.constant 656 : index
        %get3A_1072 = tpu.vector_load %arg10[%get3A_1071] {strides = array<i32>} : memref<784xf32, #tpu.memory_space<vmem>>, vector<16xf32>,
        %get3A_1073 = arith.constant 656 : index
        %get3A_1074 = tpu.vector_load %arg11[%get3A_1073] {strides = array<i32>} : memref<784xf32, #tpu.memory_space<vmem>>, vector<16xf32>,
        %mul3A_1075 = arith.mulf %get3A_1067, %get3A_1072 : vector<16xf32>
        %add3A_1076 = arith.addf %add3A_1056, %mul3A_1075 : vector<16xf32>
        %abs3A_1077 = math.absf %get3A_1067 : vector<16xf32>
        %mul3A_1078 = arith.mulf %abs3A_1077, %get3A_1074 : vector<16xf32>
        %add3A_1079 = arith.addf %add3A_1059, %mul3A_1078 : vector<16xf32>
        %mul3A_1080 = arith.mulf %get3A_1070, %get3A_1072 : vector<16xf32>
        %add3A_1081 = arith.addf %add3A_1061, %mul3A_1080 : vector<16xf32>
        %abs3A_1082 = math.absf %get3A_1070 : vector<16xf32>
        %mul3A_1083 = arith.mulf %abs3A_1082, %get3A_1074 : vector<16xf32>
        %add3A_1084 = arith.addf %add3A_1064, %mul3A_1083 : vector<16xf32>
        %get3A_1085 = arith.index_cast %scan3A_244 : i32 to index
        %get3A_1086 = arith.constant 672 : index
        %get3A_1087 = tpu.vector_load %arg12[%get3A_1085, %get3A_1086] {strides = array<i32>} : memref<16x785xf32, #tpu.memory_space<vmem>>, vector<16xf32>,
        %get3A_1088 = arith.index_cast %scan3A_244 : i32 to index
        %get3A_1089 = arith.constant 672 : index
        %get3A_1090 = tpu.vector_load %arg13[%get3A_1088, %get3A_1089] {strides = array<i32>} : memref<16x785xf32, #tpu.memory_space<vmem>>, vector<16xf32>,
        %get3A_1091 = arith.constant 672 : index
        %get3A_1092 = tpu.vector_load %arg10[%get3A_1091] {strides = array<i32>} : memref<784xf32, #tpu.memory_space<vmem>>, vector<16xf32>,
        %get3A_1093 = arith.constant 672 : index
        %get3A_1094 = tpu.vector_load %arg11[%get3A_1093] {strides = array<i32>} : memref<784xf32, #tpu.memory_space<vmem>>, vector<16xf32>,
        %mul3A_1095 = arith.mulf %get3A_1087, %get3A_1092 : vector<16xf32>
        %add3A_1096 = arith.addf %add3A_1076, %mul3A_1095 : vector<16xf32>
        %abs3A_1097 = math.absf %get3A_1087 : vector<16xf32>
        %mul3A_1098 = arith.mulf %abs3A_1097, %get3A_1094 : vector<16xf32>
        %add3A_1099 = arith.addf %add3A_1079, %mul3A_1098 : vector<16xf32>
        %mul3A_1100 = arith.mulf %get3A_1090, %get3A_1092 : vector<16xf32>
        %add3A_1101 = arith.addf %add3A_1081, %mul3A_1100 : vector<16xf32>
        %abs3A_1102 = math.absf %get3A_1090 : vector<16xf32>
        %mul3A_1103 = arith.mulf %abs3A_1102, %get3A_1094 : vector<16xf32>
        %add3A_1104 = arith.addf %add3A_1084, %mul3A_1103 : vector<16xf32>
        %get3A_1105 = arith.index_cast %scan3A_244 : i32 to index
        %get3A_1106 = arith.constant 688 : index
        %get3A_1107 = tpu.vector_load %arg12[%get3A_1105, %get3A_1106] {strides = array<i32>} : memref<16x785xf32, #tpu.memory_space<vmem>>, vector<16xf32>,
        %get3A_1108 = arith.index_cast %scan3A_244 : i32 to index
        %get3A_1109 = arith.constant 688 : index
        %get3A_1110 = tpu.vector_load %arg13[%get3A_1108, %get3A_1109] {strides = array<i32>} : memref<16x785xf32, #tpu.memory_space<vmem>>, vector<16xf32>,
        %get3A_1111 = arith.constant 688 : index
        %get3A_1112 = tpu.vector_load %arg10[%get3A_1111] {strides = array<i32>} : memref<784xf32, #tpu.memory_space<vmem>>, vector<16xf32>,
        %get3A_1113 = arith.constant 688 : index
        %get3A_1114 = tpu.vector_load %arg11[%get3A_1113] {strides = array<i32>} : memref<784xf32, #tpu.memory_space<vmem>>, vector<16xf32>,
        %mul3A_1115 = arith.mulf %get3A_1107, %get3A_1112 : vector<16xf32>
        %add3A_1116 = arith.addf %add3A_1096, %mul3A_1115 : vector<16xf32>
        %abs3A_1117 = math.absf %get3A_1107 : vector<16xf32>
        %mul3A_1118 = arith.mulf %abs3A_1117, %get3A_1114 : vector<16xf32>
        %add3A_1119 = arith.addf %add3A_1099, %mul3A_1118 : vector<16xf32>
        %mul3A_1120 = arith.mulf %get3A_1110, %get3A_1112 : vector<16xf32>
        %add3A_1121 = arith.addf %add3A_1101, %mul3A_1120 : vector<16xf32>
        %abs3A_1122 = math.absf %get3A_1110 : vector<16xf32>
        %mul3A_1123 = arith.mulf %abs3A_1122, %get3A_1114 : vector<16xf32>
        %add3A_1124 = arith.addf %add3A_1104, %mul3A_1123 : vector<16xf32>
        %get3A_1125 = arith.index_cast %scan3A_244 : i32 to index
        %get3A_1126 = arith.constant 704 : index
        %get3A_1127 = tpu.vector_load %arg12[%get3A_1125, %get3A_1126] {strides = array<i32>} : memref<16x785xf32, #tpu.memory_space<vmem>>, vector<16xf32>,
        %get3A_1128 = arith.index_cast %scan3A_244 : i32 to index
        %get3A_1129 = arith.constant 704 : index
        %get3A_1130 = tpu.vector_load %arg13[%get3A_1128, %get3A_1129] {strides = array<i32>} : memref<16x785xf32, #tpu.memory_space<vmem>>, vector<16xf32>,
        %get3A_1131 = arith.constant 704 : index
        %get3A_1132 = tpu.vector_load %arg10[%get3A_1131] {strides = array<i32>} : memref<784xf32, #tpu.memory_space<vmem>>, vector<16xf32>,
        %get3A_1133 = arith.constant 704 : index
        %get3A_1134 = tpu.vector_load %arg11[%get3A_1133] {strides = array<i32>} : memref<784xf32, #tpu.memory_space<vmem>>, vector<16xf32>,
        %mul3A_1135 = arith.mulf %get3A_1127, %get3A_1132 : vector<16xf32>
        %add3A_1136 = arith.addf %add3A_1116, %mul3A_1135 : vector<16xf32>
        %abs3A_1137 = math.absf %get3A_1127 : vector<16xf32>
        %mul3A_1138 = arith.mulf %abs3A_1137, %get3A_1134 : vector<16xf32>
        %add3A_1139 = arith.addf %add3A_1119, %mul3A_1138 : vector<16xf32>
        %mul3A_1140 = arith.mulf %get3A_1130, %get3A_1132 : vector<16xf32>
        %add3A_1141 = arith.addf %add3A_1121, %mul3A_1140 : vector<16xf32>
        %abs3A_1142 = math.absf %get3A_1130 : vector<16xf32>
        %mul3A_1143 = arith.mulf %abs3A_1142, %get3A_1134 : vector<16xf32>
        %add3A_1144 = arith.addf %add3A_1124, %mul3A_1143 : vector<16xf32>
        %get3A_1145 = arith.index_cast %scan3A_244 : i32 to index
        %get3A_1146 = arith.constant 720 : index
        %get3A_1147 = tpu.vector_load %arg12[%get3A_1145, %get3A_1146] {strides = array<i32>} : memref<16x785xf32, #tpu.memory_space<vmem>>, vector<16xf32>,
        %get3A_1148 = arith.index_cast %scan3A_244 : i32 to index
        %get3A_1149 = arith.constant 720 : index
        %get3A_1150 = tpu.vector_load %arg13[%get3A_1148, %get3A_1149] {strides = array<i32>} : memref<16x785xf32, #tpu.memory_space<vmem>>, vector<16xf32>,
        %get3A_1151 = arith.constant 720 : index
        %get3A_1152 = tpu.vector_load %arg10[%get3A_1151] {strides = array<i32>} : memref<784xf32, #tpu.memory_space<vmem>>, vector<16xf32>,
        %get3A_1153 = arith.constant 720 : index
        %get3A_1154 = tpu.vector_load %arg11[%get3A_1153] {strides = array<i32>} : memref<784xf32, #tpu.memory_space<vmem>>, vector<16xf32>,
        %mul3A_1155 = arith.mulf %get3A_1147, %get3A_1152 : vector<16xf32>
        %add3A_1156 = arith.addf %add3A_1136, %mul3A_1155 : vector<16xf32>
        %abs3A_1157 = math.absf %get3A_1147 : vector<16xf32>
        %mul3A_1158 = arith.mulf %abs3A_1157, %get3A_1154 : vector<16xf32>
        %add3A_1159 = arith.addf %add3A_1139, %mul3A_1158 : vector<16xf32>
        %mul3A_1160 = arith.mulf %get3A_1150, %get3A_1152 : vector<16xf32>
        %add3A_1161 = arith.addf %add3A_1141, %mul3A_1160 : vector<16xf32>
        %abs3A_1162 = math.absf %get3A_1150 : vector<16xf32>
        %mul3A_1163 = arith.mulf %abs3A_1162, %get3A_1154 : vector<16xf32>
        %add3A_1164 = arith.addf %add3A_1144, %mul3A_1163 : vector<16xf32>
        %get3A_1165 = arith.index_cast %scan3A_244 : i32 to index
        %get3A_1166 = arith.constant 736 : index
        %get3A_1167 = tpu.vector_load %arg12[%get3A_1165, %get3A_1166] {strides = array<i32>} : memref<16x785xf32, #tpu.memory_space<vmem>>, vector<16xf32>,
        %get3A_1168 = arith.index_cast %scan3A_244 : i32 to index
        %get3A_1169 = arith.constant 736 : index
        %get3A_1170 = tpu.vector_load %arg13[%get3A_1168, %get3A_1169] {strides = array<i32>} : memref<16x785xf32, #tpu.memory_space<vmem>>, vector<16xf32>,
        %get3A_1171 = arith.constant 736 : index
        %get3A_1172 = tpu.vector_load %arg10[%get3A_1171] {strides = array<i32>} : memref<784xf32, #tpu.memory_space<vmem>>, vector<16xf32>,
        %get3A_1173 = arith.constant 736 : index
        %get3A_1174 = tpu.vector_load %arg11[%get3A_1173] {strides = array<i32>} : memref<784xf32, #tpu.memory_space<vmem>>, vector<16xf32>,
        %mul3A_1175 = arith.mulf %get3A_1167, %get3A_1172 : vector<16xf32>
        %add3A_1176 = arith.addf %add3A_1156, %mul3A_1175 : vector<16xf32>
        %abs3A_1177 = math.absf %get3A_1167 : vector<16xf32>
        %mul3A_1178 = arith.mulf %abs3A_1177, %get3A_1174 : vector<16xf32>
        %add3A_1179 = arith.addf %add3A_1159, %mul3A_1178 : vector<16xf32>
        %mul3A_1180 = arith.mulf %get3A_1170, %get3A_1172 : vector<16xf32>
        %add3A_1181 = arith.addf %add3A_1161, %mul3A_1180 : vector<16xf32>
        %abs3A_1182 = math.absf %get3A_1170 : vector<16xf32>
        %mul3A_1183 = arith.mulf %abs3A_1182, %get3A_1174 : vector<16xf32>
        %add3A_1184 = arith.addf %add3A_1164, %mul3A_1183 : vector<16xf32>
        %get3A_1185 = arith.index_cast %scan3A_244 : i32 to index
        %get3A_1186 = arith.constant 752 : index
        %get3A_1187 = tpu.vector_load %arg12[%get3A_1185, %get3A_1186] {strides = array<i32>} : memref<16x785xf32, #tpu.memory_space<vmem>>, vector<16xf32>,
        %get3A_1188 = arith.index_cast %scan3A_244 : i32 to index
        %get3A_1189 = arith.constant 752 : index
        %get3A_1190 = tpu.vector_load %arg13[%get3A_1188, %get3A_1189] {strides = array<i32>} : memref<16x785xf32, #tpu.memory_space<vmem>>, vector<16xf32>,
        %get3A_1191 = arith.constant 752 : index
        %get3A_1192 = tpu.vector_load %arg10[%get3A_1191] {strides = array<i32>} : memref<784xf32, #tpu.memory_space<vmem>>, vector<16xf32>,
        %get3A_1193 = arith.constant 752 : index
        %get3A_1194 = tpu.vector_load %arg11[%get3A_1193] {strides = array<i32>} : memref<784xf32, #tpu.memory_space<vmem>>, vector<16xf32>,
        %mul3A_1195 = arith.mulf %get3A_1187, %get3A_1192 : vector<16xf32>
        %add3A_1196 = arith.addf %add3A_1176, %mul3A_1195 : vector<16xf32>
        %abs3A_1197 = math.absf %get3A_1187 : vector<16xf32>
        %mul3A_1198 = arith.mulf %abs3A_1197, %get3A_1194 : vector<16xf32>
        %add3A_1199 = arith.addf %add3A_1179, %mul3A_1198 : vector<16xf32>
        %mul3A_1200 = arith.mulf %get3A_1190, %get3A_1192 : vector<16xf32>
        %add3A_1201 = arith.addf %add3A_1181, %mul3A_1200 : vector<16xf32>
        %abs3A_1202 = math.absf %get3A_1190 : vector<16xf32>
        %mul3A_1203 = arith.mulf %abs3A_1202, %get3A_1194 : vector<16xf32>
        %add3A_1204 = arith.addf %add3A_1184, %mul3A_1203 : vector<16xf32>
        %get3A_1205 = arith.index_cast %scan3A_244 : i32 to index
        %get3A_1206 = arith.constant 768 : index
        %get3A_1207 = tpu.vector_load %arg12[%get3A_1205, %get3A_1206] {strides = array<i32>} : memref<16x785xf32, #tpu.memory_space<vmem>>, vector<16xf32>,
        %get3A_1208 = arith.index_cast %scan3A_244 : i32 to index
        %get3A_1209 = arith.constant 768 : index
        %get3A_1210 = tpu.vector_load %arg13[%get3A_1208, %get3A_1209] {strides = array<i32>} : memref<16x785xf32, #tpu.memory_space<vmem>>, vector<16xf32>,
        %get3A_1211 = arith.constant 768 : index
        %get3A_1212 = tpu.vector_load %arg10[%get3A_1211] {strides = array<i32>} : memref<784xf32, #tpu.memory_space<vmem>>, vector<16xf32>,
        %get3A_1213 = arith.constant 768 : index
        %get3A_1214 = tpu.vector_load %arg11[%get3A_1213] {strides = array<i32>} : memref<784xf32, #tpu.memory_space<vmem>>, vector<16xf32>,
        %mul3A_1215 = arith.mulf %get3A_1207, %get3A_1212 : vector<16xf32>
        %add3A_1216 = arith.addf %add3A_1196, %mul3A_1215 : vector<16xf32>
        %abs3A_1217 = math.absf %get3A_1207 : vector<16xf32>
        %mul3A_1218 = arith.mulf %abs3A_1217, %get3A_1214 : vector<16xf32>
        %add3A_1219 = arith.addf %add3A_1199, %mul3A_1218 : vector<16xf32>
        %mul3A_1220 = arith.mulf %get3A_1210, %get3A_1212 : vector<16xf32>
        %add3A_1221 = arith.addf %add3A_1201, %mul3A_1220 : vector<16xf32>
        %abs3A_1222 = math.absf %get3A_1210 : vector<16xf32>
        %mul3A_1223 = arith.mulf %abs3A_1222, %get3A_1214 : vector<16xf32>
        %add3A_1224 = arith.addf %add3A_1204, %mul3A_1223 : vector<16xf32>
        %eq3A_1225 = arith.constant 15 : i32
        %eq3A_1226 = vector.broadcast %eq3A_1225 : i32 to vector<16xi32>
        %eq3A_1227 = arith.cmpi eq, %iota3A, %eq3A_1226 : vector<16xi32>
        %get3A_1228 = arith.index_cast %scan3A_244 : i32 to index
        %get3A_1229 = arith.constant 769 : index
        %get3A_1230 = tpu.vector_load %arg12[%get3A_1228, %get3A_1229] {strides = array<i32>} : memref<16x785xf32, #tpu.memory_space<vmem>>, vector<16xf32>,
        %get3A_1231 = arith.index_cast %scan3A_244 : i32 to index
        %get3A_1232 = arith.constant 769 : index
        %get3A_1233 = tpu.vector_load %arg13[%get3A_1231, %get3A_1232] {strides = array<i32>} : memref<16x785xf32, #tpu.memory_space<vmem>>, vector<16xf32>,
        %select_n3A_1234 = arith.select %eq3A_1227, %get3A_1230, %broadcast_in_dim3A_33 : vector<16xi1>, vector<16xf32>
        %add3A_1235 = arith.addf %add3A_1216, %select_n3A_1234 : vector<16xf32>
        %select_n3A_1236 = arith.select %eq3A_1227, %get3A_1233, %broadcast_in_dim3A_33 : vector<16xi1>, vector<16xf32>
        %add3A_1237 = arith.addf %add3A_1221, %select_n3A_1236 : vector<16xf32>
        %swap3A_1238 = arith.constant 0 : index
        %swap3A_1239 = tpu.vector_load %arg18[%swap3A_1238] {strides = array<i32>} : memref<64xf32, #tpu.memory_space<vmem>>, vector<16xf32>,
        tpu.vector_store %arg18[%swap3A_1238], %add3A_1235 {strides = array<i32>} : memref<64xf32, #tpu.memory_space<vmem>>, vector<16xf32>,
        %swap3A_1240 = arith.constant 16 : index
        %swap3A_1241 = tpu.vector_load %arg18[%swap3A_1240] {strides = array<i32>} : memref<64xf32, #tpu.memory_space<vmem>>, vector<16xf32>,
        tpu.vector_store %arg18[%swap3A_1240], %add3A_1219 {strides = array<i32>} : memref<64xf32, #tpu.memory_space<vmem>>, vector<16xf32>,
        %swap3A_1242 = arith.constant 32 : index
        %swap3A_1243 = tpu.vector_load %arg18[%swap3A_1242] {strides = array<i32>} : memref<64xf32, #tpu.memory_space<vmem>>, vector<16xf32>,
        tpu.vector_store %arg18[%swap3A_1242], %add3A_1237 {strides = array<i32>} : memref<64xf32, #tpu.memory_space<vmem>>, vector<16xf32>,
        %swap3A_1244 = arith.constant 48 : index
        %swap3A_1245 = tpu.vector_load %arg18[%swap3A_1244] {strides = array<i32>} : memref<64xf32, #tpu.memory_space<vmem>>, vector<16xf32>,
        tpu.vector_store %arg18[%swap3A_1244], %add3A_1224 {strides = array<i32>} : memref<64xf32, #tpu.memory_space<vmem>>, vector<16xf32>,
        %gather3A = tpu.vector_load_idx %arg18[%xor3A_35] : memref<64xf32, #tpu.memory_space<vmem>>[vector<16xi32>], vector<16xf32>,
        %add3A_1246 = arith.addf %add3A_1235, %gather3A : vector<16xf32>
        %gather3A_1247 = tpu.vector_load_idx %arg18[%xor3A_38] : memref<64xf32, #tpu.memory_space<vmem>>[vector<16xi32>], vector<16xf32>,
        %add3A_1248 = arith.addf %add3A_1219, %gather3A_1247 : vector<16xf32>
        %gather3A_1249 = tpu.vector_load_idx %arg18[%xor3A_41] : memref<64xf32, #tpu.memory_space<vmem>>[vector<16xi32>], vector<16xf32>,
        %add3A_1250 = arith.addf %add3A_1237, %gather3A_1249 : vector<16xf32>
        %gather3A_1251 = tpu.vector_load_idx %arg18[%xor3A_44] : memref<64xf32, #tpu.memory_space<vmem>>[vector<16xi32>], vector<16xf32>,
        %add3A_1252 = arith.addf %add3A_1224, %gather3A_1251 : vector<16xf32>
        %swap3A_1253 = arith.constant 0 : index
        %swap3A_1254 = tpu.vector_load %arg18[%swap3A_1253] {strides = array<i32>} : memref<64xf32, #tpu.memory_space<vmem>>, vector<16xf32>,
        tpu.vector_store %arg18[%swap3A_1253], %add3A_1246 {strides = array<i32>} : memref<64xf32, #tpu.memory_space<vmem>>, vector<16xf32>,
        %swap3A_1255 = arith.constant 16 : index
        %swap3A_1256 = tpu.vector_load %arg18[%swap3A_1255] {strides = array<i32>} : memref<64xf32, #tpu.memory_space<vmem>>, vector<16xf32>,
        tpu.vector_store %arg18[%swap3A_1255], %add3A_1248 {strides = array<i32>} : memref<64xf32, #tpu.memory_space<vmem>>, vector<16xf32>,
        %swap3A_1257 = arith.constant 32 : index
        %swap3A_1258 = tpu.vector_load %arg18[%swap3A_1257] {strides = array<i32>} : memref<64xf32, #tpu.memory_space<vmem>>, vector<16xf32>,
        tpu.vector_store %arg18[%swap3A_1257], %add3A_1250 {strides = array<i32>} : memref<64xf32, #tpu.memory_space<vmem>>, vector<16xf32>,
        %swap3A_1259 = arith.constant 48 : index
        %swap3A_1260 = tpu.vector_load %arg18[%swap3A_1259] {strides = array<i32>} : memref<64xf32, #tpu.memory_space<vmem>>, vector<16xf32>,
        tpu.vector_store %arg18[%swap3A_1259], %add3A_1252 {strides = array<i32>} : memref<64xf32, #tpu.memory_space<vmem>>, vector<16xf32>,
        %gather3A_1261 = tpu.vector_load_idx %arg18[%xor3A_47] : memref<64xf32, #tpu.memory_space<vmem>>[vector<16xi32>], vector<16xf32>,
        %add3A_1262 = arith.addf %add3A_1246, %gather3A_1261 : vector<16xf32>
        %gather3A_1263 = tpu.vector_load_idx %arg18[%xor3A_50] : memref<64xf32, #tpu.memory_space<vmem>>[vector<16xi32>], vector<16xf32>,
        %add3A_1264 = arith.addf %add3A_1248, %gather3A_1263 : vector<16xf32>
        %gather3A_1265 = tpu.vector_load_idx %arg18[%xor3A_53] : memref<64xf32, #tpu.memory_space<vmem>>[vector<16xi32>], vector<16xf32>,
        %add3A_1266 = arith.addf %add3A_1250, %gather3A_1265 : vector<16xf32>
        %gather3A_1267 = tpu.vector_load_idx %arg18[%xor3A_56] : memref<64xf32, #tpu.memory_space<vmem>>[vector<16xi32>], vector<16xf32>,
        %add3A_1268 = arith.addf %add3A_1252, %gather3A_1267 : vector<16xf32>
        %swap3A_1269 = arith.constant 0 : index
        %swap3A_1270 = tpu.vector_load %arg18[%swap3A_1269] {strides = array<i32>} : memref<64xf32, #tpu.memory_space<vmem>>, vector<16xf32>,
        tpu.vector_store %arg18[%swap3A_1269], %add3A_1262 {strides = array<i32>} : memref<64xf32, #tpu.memory_space<vmem>>, vector<16xf32>,
        %swap3A_1271 = arith.constant 16 : index
        %swap3A_1272 = tpu.vector_load %arg18[%swap3A_1271] {strides = array<i32>} : memref<64xf32, #tpu.memory_space<vmem>>, vector<16xf32>,
        tpu.vector_store %arg18[%swap3A_1271], %add3A_1264 {strides = array<i32>} : memref<64xf32, #tpu.memory_space<vmem>>, vector<16xf32>,
        %swap3A_1273 = arith.constant 32 : index
        %swap3A_1274 = tpu.vector_load %arg18[%swap3A_1273] {strides = array<i32>} : memref<64xf32, #tpu.memory_space<vmem>>, vector<16xf32>,
        tpu.vector_store %arg18[%swap3A_1273], %add3A_1266 {strides = array<i32>} : memref<64xf32, #tpu.memory_space<vmem>>, vector<16xf32>,
        %swap3A_1275 = arith.constant 48 : index
        %swap3A_1276 = tpu.vector_load %arg18[%swap3A_1275] {strides = array<i32>} : memref<64xf32, #tpu.memory_space<vmem>>, vector<16xf32>,
        tpu.vector_store %arg18[%swap3A_1275], %add3A_1268 {strides = array<i32>} : memref<64xf32, #tpu.memory_space<vmem>>, vector<16xf32>,
        %gather3A_1277 = tpu.vector_load_idx %arg18[%xor3A_59] : memref<64xf32, #tpu.memory_space<vmem>>[vector<16xi32>], vector<16xf32>,
        %add3A_1278 = arith.addf %add3A_1262, %gather3A_1277 : vector<16xf32>
        %gather3A_1279 = tpu.vector_load_idx %arg18[%xor3A_62] : memref<64xf32, #tpu.memory_space<vmem>>[vector<16xi32>], vector<16xf32>,
        %add3A_1280 = arith.addf %add3A_1264, %gather3A_1279 : vector<16xf32>
        %gather3A_1281 = tpu.vector_load_idx %arg18[%xor3A_65] : memref<64xf32, #tpu.memory_space<vmem>>[vector<16xi32>], vector<16xf32>,
        %add3A_1282 = arith.addf %add3A_1266, %gather3A_1281 : vector<16xf32>
        %gather3A_1283 = tpu.vector_load_idx %arg18[%xor3A_68] : memref<64xf32, #tpu.memory_space<vmem>>[vector<16xi32>], vector<16xf32>,
        %add3A_1284 = arith.addf %add3A_1268, %gather3A_1283 : vector<16xf32>
        %swap3A_1285 = arith.constant 0 : index
        %swap3A_1286 = tpu.vector_load %arg18[%swap3A_1285] {strides = array<i32>} : memref<64xf32, #tpu.memory_space<vmem>>, vector<16xf32>,
        tpu.vector_store %arg18[%swap3A_1285], %add3A_1278 {strides = array<i32>} : memref<64xf32, #tpu.memory_space<vmem>>, vector<16xf32>,
        %swap3A_1287 = arith.constant 16 : index
        %swap3A_1288 = tpu.vector_load %arg18[%swap3A_1287] {strides = array<i32>} : memref<64xf32, #tpu.memory_space<vmem>>, vector<16xf32>,
        tpu.vector_store %arg18[%swap3A_1287], %add3A_1280 {strides = array<i32>} : memref<64xf32, #tpu.memory_space<vmem>>, vector<16xf32>,
        %swap3A_1289 = arith.constant 32 : index
        %swap3A_1290 = tpu.vector_load %arg18[%swap3A_1289] {strides = array<i32>} : memref<64xf32, #tpu.memory_space<vmem>>, vector<16xf32>,
        tpu.vector_store %arg18[%swap3A_1289], %add3A_1282 {strides = array<i32>} : memref<64xf32, #tpu.memory_space<vmem>>, vector<16xf32>,
        %swap3A_1291 = arith.constant 48 : index
        %swap3A_1292 = tpu.vector_load %arg18[%swap3A_1291] {strides = array<i32>} : memref<64xf32, #tpu.memory_space<vmem>>, vector<16xf32>,
        tpu.vector_store %arg18[%swap3A_1291], %add3A_1284 {strides = array<i32>} : memref<64xf32, #tpu.memory_space<vmem>>, vector<16xf32>,
        %gather3A_1293 = tpu.vector_load_idx %arg18[%xor3A_71] : memref<64xf32, #tpu.memory_space<vmem>>[vector<16xi32>], vector<16xf32>,
        %add3A_1294 = arith.addf %add3A_1278, %gather3A_1293 : vector<16xf32>
        %gather3A_1295 = tpu.vector_load_idx %arg18[%xor3A_74] : memref<64xf32, #tpu.memory_space<vmem>>[vector<16xi32>], vector<16xf32>,
        %add3A_1296 = arith.addf %add3A_1280, %gather3A_1295 : vector<16xf32>
        %gather3A_1297 = tpu.vector_load_idx %arg18[%xor3A_77] : memref<64xf32, #tpu.memory_space<vmem>>[vector<16xi32>], vector<16xf32>,
        %add3A_1298 = arith.addf %add3A_1282, %gather3A_1297 : vector<16xf32>
        %gather3A_1299 = tpu.vector_load_idx %arg18[%xor3A_80] : memref<64xf32, #tpu.memory_space<vmem>>[vector<16xi32>], vector<16xf32>,
        %add3A_1300 = arith.addf %add3A_1284, %gather3A_1299 : vector<16xf32>
        %sub3A_1301 = arith.subf %add3A_1294, %add3A_1296 : vector<16xf32>
        %add3A_1302 = arith.addf %add3A_1294, %add3A_1296 : vector<16xf32>
        %add3A_1303 = arith.addf %add3A_1298, %add3A_1300 : vector<16xf32>
        %sub3A_1304 = arith.subf %add3A_1298, %add3A_1300 : vector<16xf32>
        %broadcast_in_dim3A_1305 = arith.constant 0.000000e+00 : f32
        %broadcast_in_dim3A_1306 = vector.broadcast %broadcast_in_dim3A_1305 : f32 to vector<16xf32>
        %broadcast_in_dim3A_1307 = arith.constant 1.000000e+00 : f32
        %broadcast_in_dim3A_1308 = vector.broadcast %broadcast_in_dim3A_1307 : f32 to vector<16xf32>
        %le3A = arith.cmpf ole, %add3A_1303, %broadcast_in_dim3A_1306 : vector<16xf32>
        %lt3A_1309 = arith.cmpf olt, %sub3A_1301, %broadcast_in_dim3A_1306 : vector<16xf32>
        %gt3A = arith.cmpf ogt, %add3A_1303, %broadcast_in_dim3A_1306 : vector<16xf32>
        %and3A_1310 = arith.andi %lt3A_1309, %gt3A : vector<16xi1>
        %abs3A_1311 = math.absf %sub3A_1301 : vector<16xf32>
        %abs3A_1312 = math.absf %add3A_1303 : vector<16xf32>
        %gt3A_1313 = arith.cmpf ogt, %abs3A_1311, %abs3A_1312 : vector<16xf32>
        %le3A_1314 = arith.cmpf ole, %add3A_1302, %broadcast_in_dim3A_1306 : vector<16xf32>
        %or3A = arith.ori %gt3A_1313, %le3A_1314 : vector<16xi1>
        %and3A_1315 = arith.andi %and3A_1310, %or3A : vector<16xi1>
        %abs3A_1316 = math.absf %sub3A_1301 : vector<16xf32>
        %abs3A_1317 = math.absf %add3A_1303 : vector<16xf32>
        %le3A_1318 = arith.cmpf ole, %abs3A_1316, %abs3A_1317 : vector<16xf32>
        %and3A_1319 = arith.andi %and3A_1310, %le3A_1318 : vector<16xi1>
        %sub3A_1320 = arith.subf %add3A_1302, %sub3A_1301 : vector<16xf32>
        %select_n3A_1321 = arith.select %and3A_1310, %sub3A_1320, %broadcast_in_dim3A_1308 : vector<16xi1>, vector<16xf32>
        %lt3A_1322 = arith.cmpf olt, %add3A_1302, %broadcast_in_dim3A_1306 : vector<16xf32>
        %div3A_1323 = arith.divf %add3A_1302, %select_n3A_1321 : vector<16xf32>
        %select_n3A_1324 = arith.select %lt3A_1322, %broadcast_in_dim3A_1306, %div3A_1323 : vector<16xi1>, vector<16xf32>
        %or3A_1325 = arith.ori %le3A, %and3A_1315 : vector<16xi1>
        %select_n3A_1326 = arith.select %or3A_1325, %broadcast_in_dim3A_1306, %broadcast_in_dim3A_1308 : vector<16xi1>, vector<16xf32>
        %select_n3A_1327 = arith.select %and3A_1319, %select_n3A_1324, %select_n3A_1326 : vector<16xi1>, vector<16xf32>
        %le3A_1328 = arith.cmpf ole, %sub3A_1304, %broadcast_in_dim3A_1306 : vector<16xf32>
        %and3A_1329 = arith.andi %and3A_1310, %le3A_1328 : vector<16xi1>
        %sub3A_1330 = arith.subf %add3A_1303, %sub3A_1304 : vector<16xf32>
        %select_n3A_1331 = arith.select %and3A_1329, %sub3A_1330, %broadcast_in_dim3A_1308 : vector<16xi1>, vector<16xf32>
        %div3A_1332 = arith.divf %add3A_1303, %select_n3A_1331 : vector<16xf32>
        %select_n3A_1333 = arith.select %le3A, %broadcast_in_dim3A_1306, %broadcast_in_dim3A_1308 : vector<16xi1>, vector<16xf32>
        %select_n3A_1334 = arith.select %and3A_1329, %div3A_1332, %select_n3A_1333 : vector<16xi1>, vector<16xf32>
        %mul3A_1335 = arith.mulf %div3A_1332, %sub3A_1304 : vector<16xf32>
        %select_n3A_1336 = arith.select %and3A_1329, %mul3A_1335, %broadcast_in_dim3A_1306 : vector<16xi1>, vector<16xf32>
        %get3A_1337 = arith.index_cast %scan3A_244 : i32 to index
        %get3A_1338 = arith.constant 0 : index
        %get3A_1339 = tpu.vector_load %arg12[%get3A_1337, %get3A_1338] {strides = array<i32>} : memref<16x785xf32, #tpu.memory_space<vmem>>, vector<16xf32>,
        %get3A_1340 = arith.index_cast %scan3A_244 : i32 to index
        %get3A_1341 = arith.constant 0 : index
        %get3A_1342 = tpu.vector_load %arg13[%get3A_1340, %get3A_1341] {strides = array<i32>} : memref<16x785xf32, #tpu.memory_space<vmem>>, vector<16xf32>,
        %mul3A_1343 = arith.mulf %select_n3A_1327, %get3A_1339 : vector<16xf32>
        %swap3A_1344 = arith.index_cast %scan3A_244 : i32 to index
        %swap3A_1345 = arith.constant 0 : index
        %swap3A_1346 = tpu.vector_load %arg12[%swap3A_1344, %swap3A_1345] {strides = array<i32>} : memref<16x785xf32, #tpu.memory_space<vmem>>, vector<16xf32>,
        tpu.vector_store %arg12[%swap3A_1344, %swap3A_1345], %mul3A_1343 {strides = array<i32>} : memref<16x785xf32, #tpu.memory_space<vmem>>, vector<16xf32>,
        %mul3A_1347 = arith.mulf %select_n3A_1334, %get3A_1342 : vector<16xf32>
        %swap3A_1348 = arith.index_cast %scan3A_244 : i32 to index
        %swap3A_1349 = arith.constant 0 : index
        %swap3A_1350 = tpu.vector_load %arg13[%swap3A_1348, %swap3A_1349] {strides = array<i32>} : memref<16x785xf32, #tpu.memory_space<vmem>>, vector<16xf32>,
        tpu.vector_store %arg13[%swap3A_1348, %swap3A_1349], %mul3A_1347 {strides = array<i32>} : memref<16x785xf32, #tpu.memory_space<vmem>>, vector<16xf32>,
        %get3A_1351 = arith.index_cast %scan3A_244 : i32 to index
        %get3A_1352 = arith.constant 16 : index
        %get3A_1353 = tpu.vector_load %arg12[%get3A_1351, %get3A_1352] {strides = array<i32>} : memref<16x785xf32, #tpu.memory_space<vmem>>, vector<16xf32>,
        %get3A_1354 = arith.index_cast %scan3A_244 : i32 to index
        %get3A_1355 = arith.constant 16 : index
        %get3A_1356 = tpu.vector_load %arg13[%get3A_1354, %get3A_1355] {strides = array<i32>} : memref<16x785xf32, #tpu.memory_space<vmem>>, vector<16xf32>,
        %mul3A_1357 = arith.mulf %select_n3A_1327, %get3A_1353 : vector<16xf32>
        %swap3A_1358 = arith.index_cast %scan3A_244 : i32 to index
        %swap3A_1359 = arith.constant 16 : index
        %swap3A_1360 = tpu.vector_load %arg12[%swap3A_1358, %swap3A_1359] {strides = array<i32>} : memref<16x785xf32, #tpu.memory_space<vmem>>, vector<16xf32>,
        tpu.vector_store %arg12[%swap3A_1358, %swap3A_1359], %mul3A_1357 {strides = array<i32>} : memref<16x785xf32, #tpu.memory_space<vmem>>, vector<16xf32>,
        %mul3A_1361 = arith.mulf %select_n3A_1334, %get3A_1356 : vector<16xf32>
        %swap3A_1362 = arith.index_cast %scan3A_244 : i32 to index
        %swap3A_1363 = arith.constant 16 : index
        %swap3A_1364 = tpu.vector_load %arg13[%swap3A_1362, %swap3A_1363] {strides = array<i32>} : memref<16x785xf32, #tpu.memory_space<vmem>>, vector<16xf32>,
        tpu.vector_store %arg13[%swap3A_1362, %swap3A_1363], %mul3A_1361 {strides = array<i32>} : memref<16x785xf32, #tpu.memory_space<vmem>>, vector<16xf32>,
        %get3A_1365 = arith.index_cast %scan3A_244 : i32 to index
        %get3A_1366 = arith.constant 32 : index
        %get3A_1367 = tpu.vector_load %arg12[%get3A_1365, %get3A_1366] {strides = array<i32>} : memref<16x785xf32, #tpu.memory_space<vmem>>, vector<16xf32>,
        %get3A_1368 = arith.index_cast %scan3A_244 : i32 to index
        %get3A_1369 = arith.constant 32 : index
        %get3A_1370 = tpu.vector_load %arg13[%get3A_1368, %get3A_1369] {strides = array<i32>} : memref<16x785xf32, #tpu.memory_space<vmem>>, vector<16xf32>,
        %mul3A_1371 = arith.mulf %select_n3A_1327, %get3A_1367 : vector<16xf32>
        %swap3A_1372 = arith.index_cast %scan3A_244 : i32 to index
        %swap3A_1373 = arith.constant 32 : index
        %swap3A_1374 = tpu.vector_load %arg12[%swap3A_1372, %swap3A_1373] {strides = array<i32>} : memref<16x785xf32, #tpu.memory_space<vmem>>, vector<16xf32>,
        tpu.vector_store %arg12[%swap3A_1372, %swap3A_1373], %mul3A_1371 {strides = array<i32>} : memref<16x785xf32, #tpu.memory_space<vmem>>, vector<16xf32>,
        %mul3A_1375 = arith.mulf %select_n3A_1334, %get3A_1370 : vector<16xf32>
        %swap3A_1376 = arith.index_cast %scan3A_244 : i32 to index
        %swap3A_1377 = arith.constant 32 : index
        %swap3A_1378 = tpu.vector_load %arg13[%swap3A_1376, %swap3A_1377] {strides = array<i32>} : memref<16x785xf32, #tpu.memory_space<vmem>>, vector<16xf32>,
        tpu.vector_store %arg13[%swap3A_1376, %swap3A_1377], %mul3A_1375 {strides = array<i32>} : memref<16x785xf32, #tpu.memory_space<vmem>>, vector<16xf32>,
        %get3A_1379 = arith.index_cast %scan3A_244 : i32 to index
        %get3A_1380 = arith.constant 48 : index
        %get3A_1381 = tpu.vector_load %arg12[%get3A_1379, %get3A_1380] {strides = array<i32>} : memref<16x785xf32, #tpu.memory_space<vmem>>, vector<16xf32>,
        %get3A_1382 = arith.index_cast %scan3A_244 : i32 to index
        %get3A_1383 = arith.constant 48 : index
        %get3A_1384 = tpu.vector_load %arg13[%get3A_1382, %get3A_1383] {strides = array<i32>} : memref<16x785xf32, #tpu.memory_space<vmem>>, vector<16xf32>,
        %mul3A_1385 = arith.mulf %select_n3A_1327, %get3A_1381 : vector<16xf32>
        %swap3A_1386 = arith.index_cast %scan3A_244 : i32 to index
        %swap3A_1387 = arith.constant 48 : index
        %swap3A_1388 = tpu.vector_load %arg12[%swap3A_1386, %swap3A_1387] {strides = array<i32>} : memref<16x785xf32, #tpu.memory_space<vmem>>, vector<16xf32>,
        tpu.vector_store %arg12[%swap3A_1386, %swap3A_1387], %mul3A_1385 {strides = array<i32>} : memref<16x785xf32, #tpu.memory_space<vmem>>, vector<16xf32>,
        %mul3A_1389 = arith.mulf %select_n3A_1334, %get3A_1384 : vector<16xf32>
        %swap3A_1390 = arith.index_cast %scan3A_244 : i32 to index
        %swap3A_1391 = arith.constant 48 : index
        %swap3A_1392 = tpu.vector_load %arg13[%swap3A_1390, %swap3A_1391] {strides = array<i32>} : memref<16x785xf32, #tpu.memory_space<vmem>>, vector<16xf32>,
        tpu.vector_store %arg13[%swap3A_1390, %swap3A_1391], %mul3A_1389 {strides = array<i32>} : memref<16x785xf32, #tpu.memory_space<vmem>>, vector<16xf32>,
        %get3A_1393 = arith.index_cast %scan3A_244 : i32 to index
        %get3A_1394 = arith.constant 64 : index
        %get3A_1395 = tpu.vector_load %arg12[%get3A_1393, %get3A_1394] {strides = array<i32>} : memref<16x785xf32, #tpu.memory_space<vmem>>, vector<16xf32>,
        %get3A_1396 = arith.index_cast %scan3A_244 : i32 to index
        %get3A_1397 = arith.constant 64 : index
        %get3A_1398 = tpu.vector_load %arg13[%get3A_1396, %get3A_1397] {strides = array<i32>} : memref<16x785xf32, #tpu.memory_space<vmem>>, vector<16xf32>,
        %mul3A_1399 = arith.mulf %select_n3A_1327, %get3A_1395 : vector<16xf32>
        %swap3A_1400 = arith.index_cast %scan3A_244 : i32 to index
        %swap3A_1401 = arith.constant 64 : index
        %swap3A_1402 = tpu.vector_load %arg12[%swap3A_1400, %swap3A_1401] {strides = array<i32>} : memref<16x785xf32, #tpu.memory_space<vmem>>, vector<16xf32>,
        tpu.vector_store %arg12[%swap3A_1400, %swap3A_1401], %mul3A_1399 {strides = array<i32>} : memref<16x785xf32, #tpu.memory_space<vmem>>, vector<16xf32>,
        %mul3A_1403 = arith.mulf %select_n3A_1334, %get3A_1398 : vector<16xf32>
        %swap3A_1404 = arith.index_cast %scan3A_244 : i32 to index
        %swap3A_1405 = arith.constant 64 : index
        %swap3A_1406 = tpu.vector_load %arg13[%swap3A_1404, %swap3A_1405] {strides = array<i32>} : memref<16x785xf32, #tpu.memory_space<vmem>>, vector<16xf32>,
        tpu.vector_store %arg13[%swap3A_1404, %swap3A_1405], %mul3A_1403 {strides = array<i32>} : memref<16x785xf32, #tpu.memory_space<vmem>>, vector<16xf32>,
        %get3A_1407 = arith.index_cast %scan3A_244 : i32 to index
        %get3A_1408 = arith.constant 80 : index
        %get3A_1409 = tpu.vector_load %arg12[%get3A_1407, %get3A_1408] {strides = array<i32>} : memref<16x785xf32, #tpu.memory_space<vmem>>, vector<16xf32>,
        %get3A_1410 = arith.index_cast %scan3A_244 : i32 to index
        %get3A_1411 = arith.constant 80 : index
        %get3A_1412 = tpu.vector_load %arg13[%get3A_1410, %get3A_1411] {strides = array<i32>} : memref<16x785xf32, #tpu.memory_space<vmem>>, vector<16xf32>,
        %mul3A_1413 = arith.mulf %select_n3A_1327, %get3A_1409 : vector<16xf32>
        %swap3A_1414 = arith.index_cast %scan3A_244 : i32 to index
        %swap3A_1415 = arith.constant 80 : index
        %swap3A_1416 = tpu.vector_load %arg12[%swap3A_1414, %swap3A_1415] {strides = array<i32>} : memref<16x785xf32, #tpu.memory_space<vmem>>, vector<16xf32>,
        tpu.vector_store %arg12[%swap3A_1414, %swap3A_1415], %mul3A_1413 {strides = array<i32>} : memref<16x785xf32, #tpu.memory_space<vmem>>, vector<16xf32>,
        %mul3A_1417 = arith.mulf %select_n3A_1334, %get3A_1412 : vector<16xf32>
        %swap3A_1418 = arith.index_cast %scan3A_244 : i32 to index
        %swap3A_1419 = arith.constant 80 : index
        %swap3A_1420 = tpu.vector_load %arg13[%swap3A_1418, %swap3A_1419] {strides = array<i32>} : memref<16x785xf32, #tpu.memory_space<vmem>>, vector<16xf32>,
        tpu.vector_store %arg13[%swap3A_1418, %swap3A_1419], %mul3A_1417 {strides = array<i32>} : memref<16x785xf32, #tpu.memory_space<vmem>>, vector<16xf32>,
        %get3A_1421 = arith.index_cast %scan3A_244 : i32 to index
        %get3A_1422 = arith.constant 96 : index
        %get3A_1423 = tpu.vector_load %arg12[%get3A_1421, %get3A_1422] {strides = array<i32>} : memref<16x785xf32, #tpu.memory_space<vmem>>, vector<16xf32>,
        %get3A_1424 = arith.index_cast %scan3A_244 : i32 to index
        %get3A_1425 = arith.constant 96 : index
        %get3A_1426 = tpu.vector_load %arg13[%get3A_1424, %get3A_1425] {strides = array<i32>} : memref<16x785xf32, #tpu.memory_space<vmem>>, vector<16xf32>,
        %mul3A_1427 = arith.mulf %select_n3A_1327, %get3A_1423 : vector<16xf32>
        %swap3A_1428 = arith.index_cast %scan3A_244 : i32 to index
        %swap3A_1429 = arith.constant 96 : index
        %swap3A_1430 = tpu.vector_load %arg12[%swap3A_1428, %swap3A_1429] {strides = array<i32>} : memref<16x785xf32, #tpu.memory_space<vmem>>, vector<16xf32>,
        tpu.vector_store %arg12[%swap3A_1428, %swap3A_1429], %mul3A_1427 {strides = array<i32>} : memref<16x785xf32, #tpu.memory_space<vmem>>, vector<16xf32>,
        %mul3A_1431 = arith.mulf %select_n3A_1334, %get3A_1426 : vector<16xf32>
        %swap3A_1432 = arith.index_cast %scan3A_244 : i32 to index
        %swap3A_1433 = arith.constant 96 : index
        %swap3A_1434 = tpu.vector_load %arg13[%swap3A_1432, %swap3A_1433] {strides = array<i32>} : memref<16x785xf32, #tpu.memory_space<vmem>>, vector<16xf32>,
        tpu.vector_store %arg13[%swap3A_1432, %swap3A_1433], %mul3A_1431 {strides = array<i32>} : memref<16x785xf32, #tpu.memory_space<vmem>>, vector<16xf32>,
        %get3A_1435 = arith.index_cast %scan3A_244 : i32 to index
        %get3A_1436 = arith.constant 112 : index
        %get3A_1437 = tpu.vector_load %arg12[%get3A_1435, %get3A_1436] {strides = array<i32>} : memref<16x785xf32, #tpu.memory_space<vmem>>, vector<16xf32>,
        %get3A_1438 = arith.index_cast %scan3A_244 : i32 to index
        %get3A_1439 = arith.constant 112 : index
        %get3A_1440 = tpu.vector_load %arg13[%get3A_1438, %get3A_1439] {strides = array<i32>} : memref<16x785xf32, #tpu.memory_space<vmem>>, vector<16xf32>,
        %mul3A_1441 = arith.mulf %select_n3A_1327, %get3A_1437 : vector<16xf32>
        %swap3A_1442 = arith.index_cast %scan3A_244 : i32 to index
        %swap3A_1443 = arith.constant 112 : index
        %swap3A_1444 = tpu.vector_load %arg12[%swap3A_1442, %swap3A_1443] {strides = array<i32>} : memref<16x785xf32, #tpu.memory_space<vmem>>, vector<16xf32>,
        tpu.vector_store %arg12[%swap3A_1442, %swap3A_1443], %mul3A_1441 {strides = array<i32>} : memref<16x785xf32, #tpu.memory_space<vmem>>, vector<16xf32>,
        %mul3A_1445 = arith.mulf %select_n3A_1334, %get3A_1440 : vector<16xf32>
        %swap3A_1446 = arith.index_cast %scan3A_244 : i32 to index
        %swap3A_1447 = arith.constant 112 : index
        %swap3A_1448 = tpu.vector_load %arg13[%swap3A_1446, %swap3A_1447] {strides = array<i32>} : memref<16x785xf32, #tpu.memory_space<vmem>>, vector<16xf32>,
        tpu.vector_store %arg13[%swap3A_1446, %swap3A_1447], %mul3A_1445 {strides = array<i32>} : memref<16x785xf32, #tpu.memory_space<vmem>>, vector<16xf32>,
        %get3A_1449 = arith.index_cast %scan3A_244 : i32 to index
        %get3A_1450 = arith.constant 128 : index
        %get3A_1451 = tpu.vector_load %arg12[%get3A_1449, %get3A_1450] {strides = array<i32>} : memref<16x785xf32, #tpu.memory_space<vmem>>, vector<16xf32>,
        %get3A_1452 = arith.index_cast %scan3A_244 : i32 to index
        %get3A_1453 = arith.constant 128 : index
        %get3A_1454 = tpu.vector_load %arg13[%get3A_1452, %get3A_1453] {strides = array<i32>} : memref<16x785xf32, #tpu.memory_space<vmem>>, vector<16xf32>,
        %mul3A_1455 = arith.mulf %select_n3A_1327, %get3A_1451 : vector<16xf32>
        %swap3A_1456 = arith.index_cast %scan3A_244 : i32 to index
        %swap3A_1457 = arith.constant 128 : index
        %swap3A_1458 = tpu.vector_load %arg12[%swap3A_1456, %swap3A_1457] {strides = array<i32>} : memref<16x785xf32, #tpu.memory_space<vmem>>, vector<16xf32>,
        tpu.vector_store %arg12[%swap3A_1456, %swap3A_1457], %mul3A_1455 {strides = array<i32>} : memref<16x785xf32, #tpu.memory_space<vmem>>, vector<16xf32>,
        %mul3A_1459 = arith.mulf %select_n3A_1334, %get3A_1454 : vector<16xf32>
        %swap3A_1460 = arith.index_cast %scan3A_244 : i32 to index
        %swap3A_1461 = arith.constant 128 : index
        %swap3A_1462 = tpu.vector_load %arg13[%swap3A_1460, %swap3A_1461] {strides = array<i32>} : memref<16x785xf32, #tpu.memory_space<vmem>>, vector<16xf32>,
        tpu.vector_store %arg13[%swap3A_1460, %swap3A_1461], %mul3A_1459 {strides = array<i32>} : memref<16x785xf32, #tpu.memory_space<vmem>>, vector<16xf32>,
        %get3A_1463 = arith.index_cast %scan3A_244 : i32 to index
        %get3A_1464 = arith.constant 144 : index
        %get3A_1465 = tpu.vector_load %arg12[%get3A_1463, %get3A_1464] {strides = array<i32>} : memref<16x785xf32, #tpu.memory_space<vmem>>, vector<16xf32>,
        %get3A_1466 = arith.index_cast %scan3A_244 : i32 to index
        %get3A_1467 = arith.constant 144 : index
        %get3A_1468 = tpu.vector_load %arg13[%get3A_1466, %get3A_1467] {strides = array<i32>} : memref<16x785xf32, #tpu.memory_space<vmem>>, vector<16xf32>,
        %mul3A_1469 = arith.mulf %select_n3A_1327, %get3A_1465 : vector<16xf32>
        %swap3A_1470 = arith.index_cast %scan3A_244 : i32 to index
        %swap3A_1471 = arith.constant 144 : index
        %swap3A_1472 = tpu.vector_load %arg12[%swap3A_1470, %swap3A_1471] {strides = array<i32>} : memref<16x785xf32, #tpu.memory_space<vmem>>, vector<16xf32>,
        tpu.vector_store %arg12[%swap3A_1470, %swap3A_1471], %mul3A_1469 {strides = array<i32>} : memref<16x785xf32, #tpu.memory_space<vmem>>, vector<16xf32>,
        %mul3A_1473 = arith.mulf %select_n3A_1334, %get3A_1468 : vector<16xf32>
        %swap3A_1474 = arith.index_cast %scan3A_244 : i32 to index
        %swap3A_1475 = arith.constant 144 : index
        %swap3A_1476 = tpu.vector_load %arg13[%swap3A_1474, %swap3A_1475] {strides = array<i32>} : memref<16x785xf32, #tpu.memory_space<vmem>>, vector<16xf32>,
        tpu.vector_store %arg13[%swap3A_1474, %swap3A_1475], %mul3A_1473 {strides = array<i32>} : memref<16x785xf32, #tpu.memory_space<vmem>>, vector<16xf32>,
        %get3A_1477 = arith.index_cast %scan3A_244 : i32 to index
        %get3A_1478 = arith.constant 160 : index
        %get3A_1479 = tpu.vector_load %arg12[%get3A_1477, %get3A_1478] {strides = array<i32>} : memref<16x785xf32, #tpu.memory_space<vmem>>, vector<16xf32>,
        %get3A_1480 = arith.index_cast %scan3A_244 : i32 to index
        %get3A_1481 = arith.constant 160 : index
        %get3A_1482 = tpu.vector_load %arg13[%get3A_1480, %get3A_1481] {strides = array<i32>} : memref<16x785xf32, #tpu.memory_space<vmem>>, vector<16xf32>,
        %mul3A_1483 = arith.mulf %select_n3A_1327, %get3A_1479 : vector<16xf32>
        %swap3A_1484 = arith.index_cast %scan3A_244 : i32 to index
        %swap3A_1485 = arith.constant 160 : index
        %swap3A_1486 = tpu.vector_load %arg12[%swap3A_1484, %swap3A_1485] {strides = array<i32>} : memref<16x785xf32, #tpu.memory_space<vmem>>, vector<16xf32>,
        tpu.vector_store %arg12[%swap3A_1484, %swap3A_1485], %mul3A_1483 {strides = array<i32>} : memref<16x785xf32, #tpu.memory_space<vmem>>, vector<16xf32>,
        %mul3A_1487 = arith.mulf %select_n3A_1334, %get3A_1482 : vector<16xf32>
        %swap3A_1488 = arith.index_cast %scan3A_244 : i32 to index
        %swap3A_1489 = arith.constant 160 : index
        %swap3A_1490 = tpu.vector_load %arg13[%swap3A_1488, %swap3A_1489] {strides = array<i32>} : memref<16x785xf32, #tpu.memory_space<vmem>>, vector<16xf32>,
        tpu.vector_store %arg13[%swap3A_1488, %swap3A_1489], %mul3A_1487 {strides = array<i32>} : memref<16x785xf32, #tpu.memory_space<vmem>>, vector<16xf32>,
        %get3A_1491 = arith.index_cast %scan3A_244 : i32 to index
        %get3A_1492 = arith.constant 176 : index
        %get3A_1493 = tpu.vector_load %arg12[%get3A_1491, %get3A_1492] {strides = array<i32>} : memref<16x785xf32, #tpu.memory_space<vmem>>, vector<16xf32>,
        %get3A_1494 = arith.index_cast %scan3A_244 : i32 to index
        %get3A_1495 = arith.constant 176 : index
        %get3A_1496 = tpu.vector_load %arg13[%get3A_1494, %get3A_1495] {strides = array<i32>} : memref<16x785xf32, #tpu.memory_space<vmem>>, vector<16xf32>,
        %mul3A_1497 = arith.mulf %select_n3A_1327, %get3A_1493 : vector<16xf32>
        %swap3A_1498 = arith.index_cast %scan3A_244 : i32 to index
        %swap3A_1499 = arith.constant 176 : index
        %swap3A_1500 = tpu.vector_load %arg12[%swap3A_1498, %swap3A_1499] {strides = array<i32>} : memref<16x785xf32, #tpu.memory_space<vmem>>, vector<16xf32>,
        tpu.vector_store %arg12[%swap3A_1498, %swap3A_1499], %mul3A_1497 {strides = array<i32>} : memref<16x785xf32, #tpu.memory_space<vmem>>, vector<16xf32>,
        %mul3A_1501 = arith.mulf %select_n3A_1334, %get3A_1496 : vector<16xf32>
        %swap3A_1502 = arith.index_cast %scan3A_244 : i32 to index
        %swap3A_1503 = arith.constant 176 : index
        %swap3A_1504 = tpu.vector_load %arg13[%swap3A_1502, %swap3A_1503] {strides = array<i32>} : memref<16x785xf32, #tpu.memory_space<vmem>>, vector<16xf32>,
        tpu.vector_store %arg13[%swap3A_1502, %swap3A_1503], %mul3A_1501 {strides = array<i32>} : memref<16x785xf32, #tpu.memory_space<vmem>>, vector<16xf32>,
        %get3A_1505 = arith.index_cast %scan3A_244 : i32 to index
        %get3A_1506 = arith.constant 192 : index
        %get3A_1507 = tpu.vector_load %arg12[%get3A_1505, %get3A_1506] {strides = array<i32>} : memref<16x785xf32, #tpu.memory_space<vmem>>, vector<16xf32>,
        %get3A_1508 = arith.index_cast %scan3A_244 : i32 to index
        %get3A_1509 = arith.constant 192 : index
        %get3A_1510 = tpu.vector_load %arg13[%get3A_1508, %get3A_1509] {strides = array<i32>} : memref<16x785xf32, #tpu.memory_space<vmem>>, vector<16xf32>,
        %mul3A_1511 = arith.mulf %select_n3A_1327, %get3A_1507 : vector<16xf32>
        %swap3A_1512 = arith.index_cast %scan3A_244 : i32 to index
        %swap3A_1513 = arith.constant 192 : index
        %swap3A_1514 = tpu.vector_load %arg12[%swap3A_1512, %swap3A_1513] {strides = array<i32>} : memref<16x785xf32, #tpu.memory_space<vmem>>, vector<16xf32>,
        tpu.vector_store %arg12[%swap3A_1512, %swap3A_1513], %mul3A_1511 {strides = array<i32>} : memref<16x785xf32, #tpu.memory_space<vmem>>, vector<16xf32>,
        %mul3A_1515 = arith.mulf %select_n3A_1334, %get3A_1510 : vector<16xf32>
        %swap3A_1516 = arith.index_cast %scan3A_244 : i32 to index
        %swap3A_1517 = arith.constant 192 : index
        %swap3A_1518 = tpu.vector_load %arg13[%swap3A_1516, %swap3A_1517] {strides = array<i32>} : memref<16x785xf32, #tpu.memory_space<vmem>>, vector<16xf32>,
        tpu.vector_store %arg13[%swap3A_1516, %swap3A_1517], %mul3A_1515 {strides = array<i32>} : memref<16x785xf32, #tpu.memory_space<vmem>>, vector<16xf32>,
        %get3A_1519 = arith.index_cast %scan3A_244 : i32 to index
        %get3A_1520 = arith.constant 208 : index
        %get3A_1521 = tpu.vector_load %arg12[%get3A_1519, %get3A_1520] {strides = array<i32>} : memref<16x785xf32, #tpu.memory_space<vmem>>, vector<16xf32>,
        %get3A_1522 = arith.index_cast %scan3A_244 : i32 to index
        %get3A_1523 = arith.constant 208 : index
        %get3A_1524 = tpu.vector_load %arg13[%get3A_1522, %get3A_1523] {strides = array<i32>} : memref<16x785xf32, #tpu.memory_space<vmem>>, vector<16xf32>,
        %mul3A_1525 = arith.mulf %select_n3A_1327, %get3A_1521 : vector<16xf32>
        %swap3A_1526 = arith.index_cast %scan3A_244 : i32 to index
        %swap3A_1527 = arith.constant 208 : index
        %swap3A_1528 = tpu.vector_load %arg12[%swap3A_1526, %swap3A_1527] {strides = array<i32>} : memref<16x785xf32, #tpu.memory_space<vmem>>, vector<16xf32>,
        tpu.vector_store %arg12[%swap3A_1526, %swap3A_1527], %mul3A_1525 {strides = array<i32>} : memref<16x785xf32, #tpu.memory_space<vmem>>, vector<16xf32>,
        %mul3A_1529 = arith.mulf %select_n3A_1334, %get3A_1524 : vector<16xf32>
        %swap3A_1530 = arith.index_cast %scan3A_244 : i32 to index
        %swap3A_1531 = arith.constant 208 : index
        %swap3A_1532 = tpu.vector_load %arg13[%swap3A_1530, %swap3A_1531] {strides = array<i32>} : memref<16x785xf32, #tpu.memory_space<vmem>>, vector<16xf32>,
        tpu.vector_store %arg13[%swap3A_1530, %swap3A_1531], %mul3A_1529 {strides = array<i32>} : memref<16x785xf32, #tpu.memory_space<vmem>>, vector<16xf32>,
        %get3A_1533 = arith.index_cast %scan3A_244 : i32 to index
        %get3A_1534 = arith.constant 224 : index
        %get3A_1535 = tpu.vector_load %arg12[%get3A_1533, %get3A_1534] {strides = array<i32>} : memref<16x785xf32, #tpu.memory_space<vmem>>, vector<16xf32>,
        %get3A_1536 = arith.index_cast %scan3A_244 : i32 to index
        %get3A_1537 = arith.constant 224 : index
        %get3A_1538 = tpu.vector_load %arg13[%get3A_1536, %get3A_1537] {strides = array<i32>} : memref<16x785xf32, #tpu.memory_space<vmem>>, vector<16xf32>,
        %mul3A_1539 = arith.mulf %select_n3A_1327, %get3A_1535 : vector<16xf32>
        %swap3A_1540 = arith.index_cast %scan3A_244 : i32 to index
        %swap3A_1541 = arith.constant 224 : index
        %swap3A_1542 = tpu.vector_load %arg12[%swap3A_1540, %swap3A_1541] {strides = array<i32>} : memref<16x785xf32, #tpu.memory_space<vmem>>, vector<16xf32>,
        tpu.vector_store %arg12[%swap3A_1540, %swap3A_1541], %mul3A_1539 {strides = array<i32>} : memref<16x785xf32, #tpu.memory_space<vmem>>, vector<16xf32>,
        %mul3A_1543 = arith.mulf %select_n3A_1334, %get3A_1538 : vector<16xf32>
        %swap3A_1544 = arith.index_cast %scan3A_244 : i32 to index
        %swap3A_1545 = arith.constant 224 : index
        %swap3A_1546 = tpu.vector_load %arg13[%swap3A_1544, %swap3A_1545] {strides = array<i32>} : memref<16x785xf32, #tpu.memory_space<vmem>>, vector<16xf32>,
        tpu.vector_store %arg13[%swap3A_1544, %swap3A_1545], %mul3A_1543 {strides = array<i32>} : memref<16x785xf32, #tpu.memory_space<vmem>>, vector<16xf32>,
        %get3A_1547 = arith.index_cast %scan3A_244 : i32 to index
        %get3A_1548 = arith.constant 240 : index
        %get3A_1549 = tpu.vector_load %arg12[%get3A_1547, %get3A_1548] {strides = array<i32>} : memref<16x785xf32, #tpu.memory_space<vmem>>, vector<16xf32>,
        %get3A_1550 = arith.index_cast %scan3A_244 : i32 to index
        %get3A_1551 = arith.constant 240 : index
        %get3A_1552 = tpu.vector_load %arg13[%get3A_1550, %get3A_1551] {strides = array<i32>} : memref<16x785xf32, #tpu.memory_space<vmem>>, vector<16xf32>,
        %mul3A_1553 = arith.mulf %select_n3A_1327, %get3A_1549 : vector<16xf32>
        %swap3A_1554 = arith.index_cast %scan3A_244 : i32 to index
        %swap3A_1555 = arith.constant 240 : index
        %swap3A_1556 = tpu.vector_load %arg12[%swap3A_1554, %swap3A_1555] {strides = array<i32>} : memref<16x785xf32, #tpu.memory_space<vmem>>, vector<16xf32>,
        tpu.vector_store %arg12[%swap3A_1554, %swap3A_1555], %mul3A_1553 {strides = array<i32>} : memref<16x785xf32, #tpu.memory_space<vmem>>, vector<16xf32>,
        %mul3A_1557 = arith.mulf %select_n3A_1334, %get3A_1552 : vector<16xf32>
        %swap3A_1558 = arith.index_cast %scan3A_244 : i32 to index
        %swap3A_1559 = arith.constant 240 : index
        %swap3A_1560 = tpu.vector_load %arg13[%swap3A_1558, %swap3A_1559] {strides = array<i32>} : memref<16x785xf32, #tpu.memory_space<vmem>>, vector<16xf32>,
        tpu.vector_store %arg13[%swap3A_1558, %swap3A_1559], %mul3A_1557 {strides = array<i32>} : memref<16x785xf32, #tpu.memory_space<vmem>>, vector<16xf32>,
        %get3A_1561 = arith.index_cast %scan3A_244 : i32 to index
        %get3A_1562 = arith.constant 256 : index
        %get3A_1563 = tpu.vector_load %arg12[%get3A_1561, %get3A_1562] {strides = array<i32>} : memref<16x785xf32, #tpu.memory_space<vmem>>, vector<16xf32>,
        %get3A_1564 = arith.index_cast %scan3A_244 : i32 to index
        %get3A_1565 = arith.constant 256 : index
        %get3A_1566 = tpu.vector_load %arg13[%get3A_1564, %get3A_1565] {strides = array<i32>} : memref<16x785xf32, #tpu.memory_space<vmem>>, vector<16xf32>,
        %mul3A_1567 = arith.mulf %select_n3A_1327, %get3A_1563 : vector<16xf32>
        %swap3A_1568 = arith.index_cast %scan3A_244 : i32 to index
        %swap3A_1569 = arith.constant 256 : index
        %swap3A_1570 = tpu.vector_load %arg12[%swap3A_1568, %swap3A_1569] {strides = array<i32>} : memref<16x785xf32, #tpu.memory_space<vmem>>, vector<16xf32>,
        tpu.vector_store %arg12[%swap3A_1568, %swap3A_1569], %mul3A_1567 {strides = array<i32>} : memref<16x785xf32, #tpu.memory_space<vmem>>, vector<16xf32>,
        %mul3A_1571 = arith.mulf %select_n3A_1334, %get3A_1566 : vector<16xf32>
        %swap3A_1572 = arith.index_cast %scan3A_244 : i32 to index
        %swap3A_1573 = arith.constant 256 : index
        %swap3A_1574 = tpu.vector_load %arg13[%swap3A_1572, %swap3A_1573] {strides = array<i32>} : memref<16x785xf32, #tpu.memory_space<vmem>>, vector<16xf32>,
        tpu.vector_store %arg13[%swap3A_1572, %swap3A_1573], %mul3A_1571 {strides = array<i32>} : memref<16x785xf32, #tpu.memory_space<vmem>>, vector<16xf32>,
        %get3A_1575 = arith.index_cast %scan3A_244 : i32 to index
        %get3A_1576 = arith.constant 272 : index
        %get3A_1577 = tpu.vector_load %arg12[%get3A_1575, %get3A_1576] {strides = array<i32>} : memref<16x785xf32, #tpu.memory_space<vmem>>, vector<16xf32>,
        %get3A_1578 = arith.index_cast %scan3A_244 : i32 to index
        %get3A_1579 = arith.constant 272 : index
        %get3A_1580 = tpu.vector_load %arg13[%get3A_1578, %get3A_1579] {strides = array<i32>} : memref<16x785xf32, #tpu.memory_space<vmem>>, vector<16xf32>,
        %mul3A_1581 = arith.mulf %select_n3A_1327, %get3A_1577 : vector<16xf32>
        %swap3A_1582 = arith.index_cast %scan3A_244 : i32 to index
        %swap3A_1583 = arith.constant 272 : index
        %swap3A_1584 = tpu.vector_load %arg12[%swap3A_1582, %swap3A_1583] {strides = array<i32>} : memref<16x785xf32, #tpu.memory_space<vmem>>, vector<16xf32>,
        tpu.vector_store %arg12[%swap3A_1582, %swap3A_1583], %mul3A_1581 {strides = array<i32>} : memref<16x785xf32, #tpu.memory_space<vmem>>, vector<16xf32>,
        %mul3A_1585 = arith.mulf %select_n3A_1334, %get3A_1580 : vector<16xf32>
        %swap3A_1586 = arith.index_cast %scan3A_244 : i32 to index
        %swap3A_1587 = arith.constant 272 : index
        %swap3A_1588 = tpu.vector_load %arg13[%swap3A_1586, %swap3A_1587] {strides = array<i32>} : memref<16x785xf32, #tpu.memory_space<vmem>>, vector<16xf32>,
        tpu.vector_store %arg13[%swap3A_1586, %swap3A_1587], %mul3A_1585 {strides = array<i32>} : memref<16x785xf32, #tpu.memory_space<vmem>>, vector<16xf32>,
        %get3A_1589 = arith.index_cast %scan3A_244 : i32 to index
        %get3A_1590 = arith.constant 288 : index
        %get3A_1591 = tpu.vector_load %arg12[%get3A_1589, %get3A_1590] {strides = array<i32>} : memref<16x785xf32, #tpu.memory_space<vmem>>, vector<16xf32>,
        %get3A_1592 = arith.index_cast %scan3A_244 : i32 to index
        %get3A_1593 = arith.constant 288 : index
        %get3A_1594 = tpu.vector_load %arg13[%get3A_1592, %get3A_1593] {strides = array<i32>} : memref<16x785xf32, #tpu.memory_space<vmem>>, vector<16xf32>,
        %mul3A_1595 = arith.mulf %select_n3A_1327, %get3A_1591 : vector<16xf32>
        %swap3A_1596 = arith.index_cast %scan3A_244 : i32 to index
        %swap3A_1597 = arith.constant 288 : index
        %swap3A_1598 = tpu.vector_load %arg12[%swap3A_1596, %swap3A_1597] {strides = array<i32>} : memref<16x785xf32, #tpu.memory_space<vmem>>, vector<16xf32>,
        tpu.vector_store %arg12[%swap3A_1596, %swap3A_1597], %mul3A_1595 {strides = array<i32>} : memref<16x785xf32, #tpu.memory_space<vmem>>, vector<16xf32>,
        %mul3A_1599 = arith.mulf %select_n3A_1334, %get3A_1594 : vector<16xf32>
        %swap3A_1600 = arith.index_cast %scan3A_244 : i32 to index
        %swap3A_1601 = arith.constant 288 : index
        %swap3A_1602 = tpu.vector_load %arg13[%swap3A_1600, %swap3A_1601] {strides = array<i32>} : memref<16x785xf32, #tpu.memory_space<vmem>>, vector<16xf32>,
        tpu.vector_store %arg13[%swap3A_1600, %swap3A_1601], %mul3A_1599 {strides = array<i32>} : memref<16x785xf32, #tpu.memory_space<vmem>>, vector<16xf32>,
        %get3A_1603 = arith.index_cast %scan3A_244 : i32 to index
        %get3A_1604 = arith.constant 304 : index
        %get3A_1605 = tpu.vector_load %arg12[%get3A_1603, %get3A_1604] {strides = array<i32>} : memref<16x785xf32, #tpu.memory_space<vmem>>, vector<16xf32>,
        %get3A_1606 = arith.index_cast %scan3A_244 : i32 to index
        %get3A_1607 = arith.constant 304 : index
        %get3A_1608 = tpu.vector_load %arg13[%get3A_1606, %get3A_1607] {strides = array<i32>} : memref<16x785xf32, #tpu.memory_space<vmem>>, vector<16xf32>,
        %mul3A_1609 = arith.mulf %select_n3A_1327, %get3A_1605 : vector<16xf32>
        %swap3A_1610 = arith.index_cast %scan3A_244 : i32 to index
        %swap3A_1611 = arith.constant 304 : index
        %swap3A_1612 = tpu.vector_load %arg12[%swap3A_1610, %swap3A_1611] {strides = array<i32>} : memref<16x785xf32, #tpu.memory_space<vmem>>, vector<16xf32>,
        tpu.vector_store %arg12[%swap3A_1610, %swap3A_1611], %mul3A_1609 {strides = array<i32>} : memref<16x785xf32, #tpu.memory_space<vmem>>, vector<16xf32>,
        %mul3A_1613 = arith.mulf %select_n3A_1334, %get3A_1608 : vector<16xf32>
        %swap3A_1614 = arith.index_cast %scan3A_244 : i32 to index
        %swap3A_1615 = arith.constant 304 : index
        %swap3A_1616 = tpu.vector_load %arg13[%swap3A_1614, %swap3A_1615] {strides = array<i32>} : memref<16x785xf32, #tpu.memory_space<vmem>>, vector<16xf32>,
        tpu.vector_store %arg13[%swap3A_1614, %swap3A_1615], %mul3A_1613 {strides = array<i32>} : memref<16x785xf32, #tpu.memory_space<vmem>>, vector<16xf32>,
        %get3A_1617 = arith.index_cast %scan3A_244 : i32 to index
        %get3A_1618 = arith.constant 320 : index
        %get3A_1619 = tpu.vector_load %arg12[%get3A_1617, %get3A_1618] {strides = array<i32>} : memref<16x785xf32, #tpu.memory_space<vmem>>, vector<16xf32>,
        %get3A_1620 = arith.index_cast %scan3A_244 : i32 to index
        %get3A_1621 = arith.constant 320 : index
        %get3A_1622 = tpu.vector_load %arg13[%get3A_1620, %get3A_1621] {strides = array<i32>} : memref<16x785xf32, #tpu.memory_space<vmem>>, vector<16xf32>,
        %mul3A_1623 = arith.mulf %select_n3A_1327, %get3A_1619 : vector<16xf32>
        %swap3A_1624 = arith.index_cast %scan3A_244 : i32 to index
        %swap3A_1625 = arith.constant 320 : index
        %swap3A_1626 = tpu.vector_load %arg12[%swap3A_1624, %swap3A_1625] {strides = array<i32>} : memref<16x785xf32, #tpu.memory_space<vmem>>, vector<16xf32>,
        tpu.vector_store %arg12[%swap3A_1624, %swap3A_1625], %mul3A_1623 {strides = array<i32>} : memref<16x785xf32, #tpu.memory_space<vmem>>, vector<16xf32>,
        %mul3A_1627 = arith.mulf %select_n3A_1334, %get3A_1622 : vector<16xf32>
        %swap3A_1628 = arith.index_cast %scan3A_244 : i32 to index
        %swap3A_1629 = arith.constant 320 : index
        %swap3A_1630 = tpu.vector_load %arg13[%swap3A_1628, %swap3A_1629] {strides = array<i32>} : memref<16x785xf32, #tpu.memory_space<vmem>>, vector<16xf32>,
        tpu.vector_store %arg13[%swap3A_1628, %swap3A_1629], %mul3A_1627 {strides = array<i32>} : memref<16x785xf32, #tpu.memory_space<vmem>>, vector<16xf32>,
        %get3A_1631 = arith.index_cast %scan3A_244 : i32 to index
        %get3A_1632 = arith.constant 336 : index
        %get3A_1633 = tpu.vector_load %arg12[%get3A_1631, %get3A_1632] {strides = array<i32>} : memref<16x785xf32, #tpu.memory_space<vmem>>, vector<16xf32>,
        %get3A_1634 = arith.index_cast %scan3A_244 : i32 to index
        %get3A_1635 = arith.constant 336 : index
        %get3A_1636 = tpu.vector_load %arg13[%get3A_1634, %get3A_1635] {strides = array<i32>} : memref<16x785xf32, #tpu.memory_space<vmem>>, vector<16xf32>,
        %mul3A_1637 = arith.mulf %select_n3A_1327, %get3A_1633 : vector<16xf32>
        %swap3A_1638 = arith.index_cast %scan3A_244 : i32 to index
        %swap3A_1639 = arith.constant 336 : index
        %swap3A_1640 = tpu.vector_load %arg12[%swap3A_1638, %swap3A_1639] {strides = array<i32>} : memref<16x785xf32, #tpu.memory_space<vmem>>, vector<16xf32>,
        tpu.vector_store %arg12[%swap3A_1638, %swap3A_1639], %mul3A_1637 {strides = array<i32>} : memref<16x785xf32, #tpu.memory_space<vmem>>, vector<16xf32>,
        %mul3A_1641 = arith.mulf %select_n3A_1334, %get3A_1636 : vector<16xf32>
        %swap3A_1642 = arith.index_cast %scan3A_244 : i32 to index
        %swap3A_1643 = arith.constant 336 : index
        %swap3A_1644 = tpu.vector_load %arg13[%swap3A_1642, %swap3A_1643] {strides = array<i32>} : memref<16x785xf32, #tpu.memory_space<vmem>>, vector<16xf32>,
        tpu.vector_store %arg13[%swap3A_1642, %swap3A_1643], %mul3A_1641 {strides = array<i32>} : memref<16x785xf32, #tpu.memory_space<vmem>>, vector<16xf32>,
        %get3A_1645 = arith.index_cast %scan3A_244 : i32 to index
        %get3A_1646 = arith.constant 352 : index
        %get3A_1647 = tpu.vector_load %arg12[%get3A_1645, %get3A_1646] {strides = array<i32>} : memref<16x785xf32, #tpu.memory_space<vmem>>, vector<16xf32>,
        %get3A_1648 = arith.index_cast %scan3A_244 : i32 to index
        %get3A_1649 = arith.constant 352 : index
        %get3A_1650 = tpu.vector_load %arg13[%get3A_1648, %get3A_1649] {strides = array<i32>} : memref<16x785xf32, #tpu.memory_space<vmem>>, vector<16xf32>,
        %mul3A_1651 = arith.mulf %select_n3A_1327, %get3A_1647 : vector<16xf32>
        %swap3A_1652 = arith.index_cast %scan3A_244 : i32 to index
        %swap3A_1653 = arith.constant 352 : index
        %swap3A_1654 = tpu.vector_load %arg12[%swap3A_1652, %swap3A_1653] {strides = array<i32>} : memref<16x785xf32, #tpu.memory_space<vmem>>, vector<16xf32>,
        tpu.vector_store %arg12[%swap3A_1652, %swap3A_1653], %mul3A_1651 {strides = array<i32>} : memref<16x785xf32, #tpu.memory_space<vmem>>, vector<16xf32>,
        %mul3A_1655 = arith.mulf %select_n3A_1334, %get3A_1650 : vector<16xf32>
        %swap3A_1656 = arith.index_cast %scan3A_244 : i32 to index
        %swap3A_1657 = arith.constant 352 : index
        %swap3A_1658 = tpu.vector_load %arg13[%swap3A_1656, %swap3A_1657] {strides = array<i32>} : memref<16x785xf32, #tpu.memory_space<vmem>>, vector<16xf32>,
        tpu.vector_store %arg13[%swap3A_1656, %swap3A_1657], %mul3A_1655 {strides = array<i32>} : memref<16x785xf32, #tpu.memory_space<vmem>>, vector<16xf32>,
        %get3A_1659 = arith.index_cast %scan3A_244 : i32 to index
        %get3A_1660 = arith.constant 368 : index
        %get3A_1661 = tpu.vector_load %arg12[%get3A_1659, %get3A_1660] {strides = array<i32>} : memref<16x785xf32, #tpu.memory_space<vmem>>, vector<16xf32>,
        %get3A_1662 = arith.index_cast %scan3A_244 : i32 to index
        %get3A_1663 = arith.constant 368 : index
        %get3A_1664 = tpu.vector_load %arg13[%get3A_1662, %get3A_1663] {strides = array<i32>} : memref<16x785xf32, #tpu.memory_space<vmem>>, vector<16xf32>,
        %mul3A_1665 = arith.mulf %select_n3A_1327, %get3A_1661 : vector<16xf32>
        %swap3A_1666 = arith.index_cast %scan3A_244 : i32 to index
        %swap3A_1667 = arith.constant 368 : index
        %swap3A_1668 = tpu.vector_load %arg12[%swap3A_1666, %swap3A_1667] {strides = array<i32>} : memref<16x785xf32, #tpu.memory_space<vmem>>, vector<16xf32>,
        tpu.vector_store %arg12[%swap3A_1666, %swap3A_1667], %mul3A_1665 {strides = array<i32>} : memref<16x785xf32, #tpu.memory_space<vmem>>, vector<16xf32>,
        %mul3A_1669 = arith.mulf %select_n3A_1334, %get3A_1664 : vector<16xf32>
        %swap3A_1670 = arith.index_cast %scan3A_244 : i32 to index
        %swap3A_1671 = arith.constant 368 : index
        %swap3A_1672 = tpu.vector_load %arg13[%swap3A_1670, %swap3A_1671] {strides = array<i32>} : memref<16x785xf32, #tpu.memory_space<vmem>>, vector<16xf32>,
        tpu.vector_store %arg13[%swap3A_1670, %swap3A_1671], %mul3A_1669 {strides = array<i32>} : memref<16x785xf32, #tpu.memory_space<vmem>>, vector<16xf32>,
        %get3A_1673 = arith.index_cast %scan3A_244 : i32 to index
        %get3A_1674 = arith.constant 384 : index
        %get3A_1675 = tpu.vector_load %arg12[%get3A_1673, %get3A_1674] {strides = array<i32>} : memref<16x785xf32, #tpu.memory_space<vmem>>, vector<16xf32>,
        %get3A_1676 = arith.index_cast %scan3A_244 : i32 to index
        %get3A_1677 = arith.constant 384 : index
        %get3A_1678 = tpu.vector_load %arg13[%get3A_1676, %get3A_1677] {strides = array<i32>} : memref<16x785xf32, #tpu.memory_space<vmem>>, vector<16xf32>,
        %mul3A_1679 = arith.mulf %select_n3A_1327, %get3A_1675 : vector<16xf32>
        %swap3A_1680 = arith.index_cast %scan3A_244 : i32 to index
        %swap3A_1681 = arith.constant 384 : index
        %swap3A_1682 = tpu.vector_load %arg12[%swap3A_1680, %swap3A_1681] {strides = array<i32>} : memref<16x785xf32, #tpu.memory_space<vmem>>, vector<16xf32>,
        tpu.vector_store %arg12[%swap3A_1680, %swap3A_1681], %mul3A_1679 {strides = array<i32>} : memref<16x785xf32, #tpu.memory_space<vmem>>, vector<16xf32>,
        %mul3A_1683 = arith.mulf %select_n3A_1334, %get3A_1678 : vector<16xf32>
        %swap3A_1684 = arith.index_cast %scan3A_244 : i32 to index
        %swap3A_1685 = arith.constant 384 : index
        %swap3A_1686 = tpu.vector_load %arg13[%swap3A_1684, %swap3A_1685] {strides = array<i32>} : memref<16x785xf32, #tpu.memory_space<vmem>>, vector<16xf32>,
        tpu.vector_store %arg13[%swap3A_1684, %swap3A_1685], %mul3A_1683 {strides = array<i32>} : memref<16x785xf32, #tpu.memory_space<vmem>>, vector<16xf32>,
        %get3A_1687 = arith.index_cast %scan3A_244 : i32 to index
        %get3A_1688 = arith.constant 400 : index
        %get3A_1689 = tpu.vector_load %arg12[%get3A_1687, %get3A_1688] {strides = array<i32>} : memref<16x785xf32, #tpu.memory_space<vmem>>, vector<16xf32>,
        %get3A_1690 = arith.index_cast %scan3A_244 : i32 to index
        %get3A_1691 = arith.constant 400 : index
        %get3A_1692 = tpu.vector_load %arg13[%get3A_1690, %get3A_1691] {strides = array<i32>} : memref<16x785xf32, #tpu.memory_space<vmem>>, vector<16xf32>,
        %mul3A_1693 = arith.mulf %select_n3A_1327, %get3A_1689 : vector<16xf32>
        %swap3A_1694 = arith.index_cast %scan3A_244 : i32 to index
        %swap3A_1695 = arith.constant 400 : index
        %swap3A_1696 = tpu.vector_load %arg12[%swap3A_1694, %swap3A_1695] {strides = array<i32>} : memref<16x785xf32, #tpu.memory_space<vmem>>, vector<16xf32>,
        tpu.vector_store %arg12[%swap3A_1694, %swap3A_1695], %mul3A_1693 {strides = array<i32>} : memref<16x785xf32, #tpu.memory_space<vmem>>, vector<16xf32>,
        %mul3A_1697 = arith.mulf %select_n3A_1334, %get3A_1692 : vector<16xf32>
        %swap3A_1698 = arith.index_cast %scan3A_244 : i32 to index
        %swap3A_1699 = arith.constant 400 : index
        %swap3A_1700 = tpu.vector_load %arg13[%swap3A_1698, %swap3A_1699] {strides = array<i32>} : memref<16x785xf32, #tpu.memory_space<vmem>>, vector<16xf32>,
        tpu.vector_store %arg13[%swap3A_1698, %swap3A_1699], %mul3A_1697 {strides = array<i32>} : memref<16x785xf32, #tpu.memory_space<vmem>>, vector<16xf32>,
        %get3A_1701 = arith.index_cast %scan3A_244 : i32 to index
        %get3A_1702 = arith.constant 416 : index
        %get3A_1703 = tpu.vector_load %arg12[%get3A_1701, %get3A_1702] {strides = array<i32>} : memref<16x785xf32, #tpu.memory_space<vmem>>, vector<16xf32>,
        %get3A_1704 = arith.index_cast %scan3A_244 : i32 to index
        %get3A_1705 = arith.constant 416 : index
        %get3A_1706 = tpu.vector_load %arg13[%get3A_1704, %get3A_1705] {strides = array<i32>} : memref<16x785xf32, #tpu.memory_space<vmem>>, vector<16xf32>,
        %mul3A_1707 = arith.mulf %select_n3A_1327, %get3A_1703 : vector<16xf32>
        %swap3A_1708 = arith.index_cast %scan3A_244 : i32 to index
        %swap3A_1709 = arith.constant 416 : index
        %swap3A_1710 = tpu.vector_load %arg12[%swap3A_1708, %swap3A_1709] {strides = array<i32>} : memref<16x785xf32, #tpu.memory_space<vmem>>, vector<16xf32>,
        tpu.vector_store %arg12[%swap3A_1708, %swap3A_1709], %mul3A_1707 {strides = array<i32>} : memref<16x785xf32, #tpu.memory_space<vmem>>, vector<16xf32>,
        %mul3A_1711 = arith.mulf %select_n3A_1334, %get3A_1706 : vector<16xf32>
        %swap3A_1712 = arith.index_cast %scan3A_244 : i32 to index
        %swap3A_1713 = arith.constant 416 : index
        %swap3A_1714 = tpu.vector_load %arg13[%swap3A_1712, %swap3A_1713] {strides = array<i32>} : memref<16x785xf32, #tpu.memory_space<vmem>>, vector<16xf32>,
        tpu.vector_store %arg13[%swap3A_1712, %swap3A_1713], %mul3A_1711 {strides = array<i32>} : memref<16x785xf32, #tpu.memory_space<vmem>>, vector<16xf32>,
        %get3A_1715 = arith.index_cast %scan3A_244 : i32 to index
        %get3A_1716 = arith.constant 432 : index
        %get3A_1717 = tpu.vector_load %arg12[%get3A_1715, %get3A_1716] {strides = array<i32>} : memref<16x785xf32, #tpu.memory_space<vmem>>, vector<16xf32>,
        %get3A_1718 = arith.index_cast %scan3A_244 : i32 to index
        %get3A_1719 = arith.constant 432 : index
        %get3A_1720 = tpu.vector_load %arg13[%get3A_1718, %get3A_1719] {strides = array<i32>} : memref<16x785xf32, #tpu.memory_space<vmem>>, vector<16xf32>,
        %mul3A_1721 = arith.mulf %select_n3A_1327, %get3A_1717 : vector<16xf32>
        %swap3A_1722 = arith.index_cast %scan3A_244 : i32 to index
        %swap3A_1723 = arith.constant 432 : index
        %swap3A_1724 = tpu.vector_load %arg12[%swap3A_1722, %swap3A_1723] {strides = array<i32>} : memref<16x785xf32, #tpu.memory_space<vmem>>, vector<16xf32>,
        tpu.vector_store %arg12[%swap3A_1722, %swap3A_1723], %mul3A_1721 {strides = array<i32>} : memref<16x785xf32, #tpu.memory_space<vmem>>, vector<16xf32>,
        %mul3A_1725 = arith.mulf %select_n3A_1334, %get3A_1720 : vector<16xf32>
        %swap3A_1726 = arith.index_cast %scan3A_244 : i32 to index
        %swap3A_1727 = arith.constant 432 : index
        %swap3A_1728 = tpu.vector_load %arg13[%swap3A_1726, %swap3A_1727] {strides = array<i32>} : memref<16x785xf32, #tpu.memory_space<vmem>>, vector<16xf32>,
        tpu.vector_store %arg13[%swap3A_1726, %swap3A_1727], %mul3A_1725 {strides = array<i32>} : memref<16x785xf32, #tpu.memory_space<vmem>>, vector<16xf32>,
        %get3A_1729 = arith.index_cast %scan3A_244 : i32 to index
        %get3A_1730 = arith.constant 448 : index
        %get3A_1731 = tpu.vector_load %arg12[%get3A_1729, %get3A_1730] {strides = array<i32>} : memref<16x785xf32, #tpu.memory_space<vmem>>, vector<16xf32>,
        %get3A_1732 = arith.index_cast %scan3A_244 : i32 to index
        %get3A_1733 = arith.constant 448 : index
        %get3A_1734 = tpu.vector_load %arg13[%get3A_1732, %get3A_1733] {strides = array<i32>} : memref<16x785xf32, #tpu.memory_space<vmem>>, vector<16xf32>,
        %mul3A_1735 = arith.mulf %select_n3A_1327, %get3A_1731 : vector<16xf32>
        %swap3A_1736 = arith.index_cast %scan3A_244 : i32 to index
        %swap3A_1737 = arith.constant 448 : index
        %swap3A_1738 = tpu.vector_load %arg12[%swap3A_1736, %swap3A_1737] {strides = array<i32>} : memref<16x785xf32, #tpu.memory_space<vmem>>, vector<16xf32>,
        tpu.vector_store %arg12[%swap3A_1736, %swap3A_1737], %mul3A_1735 {strides = array<i32>} : memref<16x785xf32, #tpu.memory_space<vmem>>, vector<16xf32>,
        %mul3A_1739 = arith.mulf %select_n3A_1334, %get3A_1734 : vector<16xf32>
        %swap3A_1740 = arith.index_cast %scan3A_244 : i32 to index
        %swap3A_1741 = arith.constant 448 : index
        %swap3A_1742 = tpu.vector_load %arg13[%swap3A_1740, %swap3A_1741] {strides = array<i32>} : memref<16x785xf32, #tpu.memory_space<vmem>>, vector<16xf32>,
        tpu.vector_store %arg13[%swap3A_1740, %swap3A_1741], %mul3A_1739 {strides = array<i32>} : memref<16x785xf32, #tpu.memory_space<vmem>>, vector<16xf32>,
        %get3A_1743 = arith.index_cast %scan3A_244 : i32 to index
        %get3A_1744 = arith.constant 464 : index
        %get3A_1745 = tpu.vector_load %arg12[%get3A_1743, %get3A_1744] {strides = array<i32>} : memref<16x785xf32, #tpu.memory_space<vmem>>, vector<16xf32>,
        %get3A_1746 = arith.index_cast %scan3A_244 : i32 to index
        %get3A_1747 = arith.constant 464 : index
        %get3A_1748 = tpu.vector_load %arg13[%get3A_1746, %get3A_1747] {strides = array<i32>} : memref<16x785xf32, #tpu.memory_space<vmem>>, vector<16xf32>,
        %mul3A_1749 = arith.mulf %select_n3A_1327, %get3A_1745 : vector<16xf32>
        %swap3A_1750 = arith.index_cast %scan3A_244 : i32 to index
        %swap3A_1751 = arith.constant 464 : index
        %swap3A_1752 = tpu.vector_load %arg12[%swap3A_1750, %swap3A_1751] {strides = array<i32>} : memref<16x785xf32, #tpu.memory_space<vmem>>, vector<16xf32>,
        tpu.vector_store %arg12[%swap3A_1750, %swap3A_1751], %mul3A_1749 {strides = array<i32>} : memref<16x785xf32, #tpu.memory_space<vmem>>, vector<16xf32>,
        %mul3A_1753 = arith.mulf %select_n3A_1334, %get3A_1748 : vector<16xf32>
        %swap3A_1754 = arith.index_cast %scan3A_244 : i32 to index
        %swap3A_1755 = arith.constant 464 : index
        %swap3A_1756 = tpu.vector_load %arg13[%swap3A_1754, %swap3A_1755] {strides = array<i32>} : memref<16x785xf32, #tpu.memory_space<vmem>>, vector<16xf32>,
        tpu.vector_store %arg13[%swap3A_1754, %swap3A_1755], %mul3A_1753 {strides = array<i32>} : memref<16x785xf32, #tpu.memory_space<vmem>>, vector<16xf32>,
        %get3A_1757 = arith.index_cast %scan3A_244 : i32 to index
        %get3A_1758 = arith.constant 480 : index
        %get3A_1759 = tpu.vector_load %arg12[%get3A_1757, %get3A_1758] {strides = array<i32>} : memref<16x785xf32, #tpu.memory_space<vmem>>, vector<16xf32>,
        %get3A_1760 = arith.index_cast %scan3A_244 : i32 to index
        %get3A_1761 = arith.constant 480 : index
        %get3A_1762 = tpu.vector_load %arg13[%get3A_1760, %get3A_1761] {strides = array<i32>} : memref<16x785xf32, #tpu.memory_space<vmem>>, vector<16xf32>,
        %mul3A_1763 = arith.mulf %select_n3A_1327, %get3A_1759 : vector<16xf32>
        %swap3A_1764 = arith.index_cast %scan3A_244 : i32 to index
        %swap3A_1765 = arith.constant 480 : index
        %swap3A_1766 = tpu.vector_load %arg12[%swap3A_1764, %swap3A_1765] {strides = array<i32>} : memref<16x785xf32, #tpu.memory_space<vmem>>, vector<16xf32>,
        tpu.vector_store %arg12[%swap3A_1764, %swap3A_1765], %mul3A_1763 {strides = array<i32>} : memref<16x785xf32, #tpu.memory_space<vmem>>, vector<16xf32>,
        %mul3A_1767 = arith.mulf %select_n3A_1334, %get3A_1762 : vector<16xf32>
        %swap3A_1768 = arith.index_cast %scan3A_244 : i32 to index
        %swap3A_1769 = arith.constant 480 : index
        %swap3A_1770 = tpu.vector_load %arg13[%swap3A_1768, %swap3A_1769] {strides = array<i32>} : memref<16x785xf32, #tpu.memory_space<vmem>>, vector<16xf32>,
        tpu.vector_store %arg13[%swap3A_1768, %swap3A_1769], %mul3A_1767 {strides = array<i32>} : memref<16x785xf32, #tpu.memory_space<vmem>>, vector<16xf32>,
        %get3A_1771 = arith.index_cast %scan3A_244 : i32 to index
        %get3A_1772 = arith.constant 496 : index
        %get3A_1773 = tpu.vector_load %arg12[%get3A_1771, %get3A_1772] {strides = array<i32>} : memref<16x785xf32, #tpu.memory_space<vmem>>, vector<16xf32>,
        %get3A_1774 = arith.index_cast %scan3A_244 : i32 to index
        %get3A_1775 = arith.constant 496 : index
        %get3A_1776 = tpu.vector_load %arg13[%get3A_1774, %get3A_1775] {strides = array<i32>} : memref<16x785xf32, #tpu.memory_space<vmem>>, vector<16xf32>,
        %mul3A_1777 = arith.mulf %select_n3A_1327, %get3A_1773 : vector<16xf32>
        %swap3A_1778 = arith.index_cast %scan3A_244 : i32 to index
        %swap3A_1779 = arith.constant 496 : index
        %swap3A_1780 = tpu.vector_load %arg12[%swap3A_1778, %swap3A_1779] {strides = array<i32>} : memref<16x785xf32, #tpu.memory_space<vmem>>, vector<16xf32>,
        tpu.vector_store %arg12[%swap3A_1778, %swap3A_1779], %mul3A_1777 {strides = array<i32>} : memref<16x785xf32, #tpu.memory_space<vmem>>, vector<16xf32>,
        %mul3A_1781 = arith.mulf %select_n3A_1334, %get3A_1776 : vector<16xf32>
        %swap3A_1782 = arith.index_cast %scan3A_244 : i32 to index
        %swap3A_1783 = arith.constant 496 : index
        %swap3A_1784 = tpu.vector_load %arg13[%swap3A_1782, %swap3A_1783] {strides = array<i32>} : memref<16x785xf32, #tpu.memory_space<vmem>>, vector<16xf32>,
        tpu.vector_store %arg13[%swap3A_1782, %swap3A_1783], %mul3A_1781 {strides = array<i32>} : memref<16x785xf32, #tpu.memory_space<vmem>>, vector<16xf32>,
        %get3A_1785 = arith.index_cast %scan3A_244 : i32 to index
        %get3A_1786 = arith.constant 512 : index
        %get3A_1787 = tpu.vector_load %arg12[%get3A_1785, %get3A_1786] {strides = array<i32>} : memref<16x785xf32, #tpu.memory_space<vmem>>, vector<16xf32>,
        %get3A_1788 = arith.index_cast %scan3A_244 : i32 to index
        %get3A_1789 = arith.constant 512 : index
        %get3A_1790 = tpu.vector_load %arg13[%get3A_1788, %get3A_1789] {strides = array<i32>} : memref<16x785xf32, #tpu.memory_space<vmem>>, vector<16xf32>,
        %mul3A_1791 = arith.mulf %select_n3A_1327, %get3A_1787 : vector<16xf32>
        %swap3A_1792 = arith.index_cast %scan3A_244 : i32 to index
        %swap3A_1793 = arith.constant 512 : index
        %swap3A_1794 = tpu.vector_load %arg12[%swap3A_1792, %swap3A_1793] {strides = array<i32>} : memref<16x785xf32, #tpu.memory_space<vmem>>, vector<16xf32>,
        tpu.vector_store %arg12[%swap3A_1792, %swap3A_1793], %mul3A_1791 {strides = array<i32>} : memref<16x785xf32, #tpu.memory_space<vmem>>, vector<16xf32>,
        %mul3A_1795 = arith.mulf %select_n3A_1334, %get3A_1790 : vector<16xf32>
        %swap3A_1796 = arith.index_cast %scan3A_244 : i32 to index
        %swap3A_1797 = arith.constant 512 : index
        %swap3A_1798 = tpu.vector_load %arg13[%swap3A_1796, %swap3A_1797] {strides = array<i32>} : memref<16x785xf32, #tpu.memory_space<vmem>>, vector<16xf32>,
        tpu.vector_store %arg13[%swap3A_1796, %swap3A_1797], %mul3A_1795 {strides = array<i32>} : memref<16x785xf32, #tpu.memory_space<vmem>>, vector<16xf32>,
        %get3A_1799 = arith.index_cast %scan3A_244 : i32 to index
        %get3A_1800 = arith.constant 528 : index
        %get3A_1801 = tpu.vector_load %arg12[%get3A_1799, %get3A_1800] {strides = array<i32>} : memref<16x785xf32, #tpu.memory_space<vmem>>, vector<16xf32>,
        %get3A_1802 = arith.index_cast %scan3A_244 : i32 to index
        %get3A_1803 = arith.constant 528 : index
        %get3A_1804 = tpu.vector_load %arg13[%get3A_1802, %get3A_1803] {strides = array<i32>} : memref<16x785xf32, #tpu.memory_space<vmem>>, vector<16xf32>,
        %mul3A_1805 = arith.mulf %select_n3A_1327, %get3A_1801 : vector<16xf32>
        %swap3A_1806 = arith.index_cast %scan3A_244 : i32 to index
        %swap3A_1807 = arith.constant 528 : index
        %swap3A_1808 = tpu.vector_load %arg12[%swap3A_1806, %swap3A_1807] {strides = array<i32>} : memref<16x785xf32, #tpu.memory_space<vmem>>, vector<16xf32>,
        tpu.vector_store %arg12[%swap3A_1806, %swap3A_1807], %mul3A_1805 {strides = array<i32>} : memref<16x785xf32, #tpu.memory_space<vmem>>, vector<16xf32>,
        %mul3A_1809 = arith.mulf %select_n3A_1334, %get3A_1804 : vector<16xf32>
        %swap3A_1810 = arith.index_cast %scan3A_244 : i32 to index
        %swap3A_1811 = arith.constant 528 : index
        %swap3A_1812 = tpu.vector_load %arg13[%swap3A_1810, %swap3A_1811] {strides = array<i32>} : memref<16x785xf32, #tpu.memory_space<vmem>>, vector<16xf32>,
        tpu.vector_store %arg13[%swap3A_1810, %swap3A_1811], %mul3A_1809 {strides = array<i32>} : memref<16x785xf32, #tpu.memory_space<vmem>>, vector<16xf32>,
        %get3A_1813 = arith.index_cast %scan3A_244 : i32 to index
        %get3A_1814 = arith.constant 544 : index
        %get3A_1815 = tpu.vector_load %arg12[%get3A_1813, %get3A_1814] {strides = array<i32>} : memref<16x785xf32, #tpu.memory_space<vmem>>, vector<16xf32>,
        %get3A_1816 = arith.index_cast %scan3A_244 : i32 to index
        %get3A_1817 = arith.constant 544 : index
        %get3A_1818 = tpu.vector_load %arg13[%get3A_1816, %get3A_1817] {strides = array<i32>} : memref<16x785xf32, #tpu.memory_space<vmem>>, vector<16xf32>,
        %mul3A_1819 = arith.mulf %select_n3A_1327, %get3A_1815 : vector<16xf32>
        %swap3A_1820 = arith.index_cast %scan3A_244 : i32 to index
        %swap3A_1821 = arith.constant 544 : index
        %swap3A_1822 = tpu.vector_load %arg12[%swap3A_1820, %swap3A_1821] {strides = array<i32>} : memref<16x785xf32, #tpu.memory_space<vmem>>, vector<16xf32>,
        tpu.vector_store %arg12[%swap3A_1820, %swap3A_1821], %mul3A_1819 {strides = array<i32>} : memref<16x785xf32, #tpu.memory_space<vmem>>, vector<16xf32>,
        %mul3A_1823 = arith.mulf %select_n3A_1334, %get3A_1818 : vector<16xf32>
        %swap3A_1824 = arith.index_cast %scan3A_244 : i32 to index
        %swap3A_1825 = arith.constant 544 : index
        %swap3A_1826 = tpu.vector_load %arg13[%swap3A_1824, %swap3A_1825] {strides = array<i32>} : memref<16x785xf32, #tpu.memory_space<vmem>>, vector<16xf32>,
        tpu.vector_store %arg13[%swap3A_1824, %swap3A_1825], %mul3A_1823 {strides = array<i32>} : memref<16x785xf32, #tpu.memory_space<vmem>>, vector<16xf32>,
        %get3A_1827 = arith.index_cast %scan3A_244 : i32 to index
        %get3A_1828 = arith.constant 560 : index
        %get3A_1829 = tpu.vector_load %arg12[%get3A_1827, %get3A_1828] {strides = array<i32>} : memref<16x785xf32, #tpu.memory_space<vmem>>, vector<16xf32>,
        %get3A_1830 = arith.index_cast %scan3A_244 : i32 to index
        %get3A_1831 = arith.constant 560 : index
        %get3A_1832 = tpu.vector_load %arg13[%get3A_1830, %get3A_1831] {strides = array<i32>} : memref<16x785xf32, #tpu.memory_space<vmem>>, vector<16xf32>,
        %mul3A_1833 = arith.mulf %select_n3A_1327, %get3A_1829 : vector<16xf32>
        %swap3A_1834 = arith.index_cast %scan3A_244 : i32 to index
        %swap3A_1835 = arith.constant 560 : index
        %swap3A_1836 = tpu.vector_load %arg12[%swap3A_1834, %swap3A_1835] {strides = array<i32>} : memref<16x785xf32, #tpu.memory_space<vmem>>, vector<16xf32>,
        tpu.vector_store %arg12[%swap3A_1834, %swap3A_1835], %mul3A_1833 {strides = array<i32>} : memref<16x785xf32, #tpu.memory_space<vmem>>, vector<16xf32>,
        %mul3A_1837 = arith.mulf %select_n3A_1334, %get3A_1832 : vector<16xf32>
        %swap3A_1838 = arith.index_cast %scan3A_244 : i32 to index
        %swap3A_1839 = arith.constant 560 : index
        %swap3A_1840 = tpu.vector_load %arg13[%swap3A_1838, %swap3A_1839] {strides = array<i32>} : memref<16x785xf32, #tpu.memory_space<vmem>>, vector<16xf32>,
        tpu.vector_store %arg13[%swap3A_1838, %swap3A_1839], %mul3A_1837 {strides = array<i32>} : memref<16x785xf32, #tpu.memory_space<vmem>>, vector<16xf32>,
        %get3A_1841 = arith.index_cast %scan3A_244 : i32 to index
        %get3A_1842 = arith.constant 576 : index
        %get3A_1843 = tpu.vector_load %arg12[%get3A_1841, %get3A_1842] {strides = array<i32>} : memref<16x785xf32, #tpu.memory_space<vmem>>, vector<16xf32>,
        %get3A_1844 = arith.index_cast %scan3A_244 : i32 to index
        %get3A_1845 = arith.constant 576 : index
        %get3A_1846 = tpu.vector_load %arg13[%get3A_1844, %get3A_1845] {strides = array<i32>} : memref<16x785xf32, #tpu.memory_space<vmem>>, vector<16xf32>,
        %mul3A_1847 = arith.mulf %select_n3A_1327, %get3A_1843 : vector<16xf32>
        %swap3A_1848 = arith.index_cast %scan3A_244 : i32 to index
        %swap3A_1849 = arith.constant 576 : index
        %swap3A_1850 = tpu.vector_load %arg12[%swap3A_1848, %swap3A_1849] {strides = array<i32>} : memref<16x785xf32, #tpu.memory_space<vmem>>, vector<16xf32>,
        tpu.vector_store %arg12[%swap3A_1848, %swap3A_1849], %mul3A_1847 {strides = array<i32>} : memref<16x785xf32, #tpu.memory_space<vmem>>, vector<16xf32>,
        %mul3A_1851 = arith.mulf %select_n3A_1334, %get3A_1846 : vector<16xf32>
        %swap3A_1852 = arith.index_cast %scan3A_244 : i32 to index
        %swap3A_1853 = arith.constant 576 : index
        %swap3A_1854 = tpu.vector_load %arg13[%swap3A_1852, %swap3A_1853] {strides = array<i32>} : memref<16x785xf32, #tpu.memory_space<vmem>>, vector<16xf32>,
        tpu.vector_store %arg13[%swap3A_1852, %swap3A_1853], %mul3A_1851 {strides = array<i32>} : memref<16x785xf32, #tpu.memory_space<vmem>>, vector<16xf32>,
        %get3A_1855 = arith.index_cast %scan3A_244 : i32 to index
        %get3A_1856 = arith.constant 592 : index
        %get3A_1857 = tpu.vector_load %arg12[%get3A_1855, %get3A_1856] {strides = array<i32>} : memref<16x785xf32, #tpu.memory_space<vmem>>, vector<16xf32>,
        %get3A_1858 = arith.index_cast %scan3A_244 : i32 to index
        %get3A_1859 = arith.constant 592 : index
        %get3A_1860 = tpu.vector_load %arg13[%get3A_1858, %get3A_1859] {strides = array<i32>} : memref<16x785xf32, #tpu.memory_space<vmem>>, vector<16xf32>,
        %mul3A_1861 = arith.mulf %select_n3A_1327, %get3A_1857 : vector<16xf32>
        %swap3A_1862 = arith.index_cast %scan3A_244 : i32 to index
        %swap3A_1863 = arith.constant 592 : index
        %swap3A_1864 = tpu.vector_load %arg12[%swap3A_1862, %swap3A_1863] {strides = array<i32>} : memref<16x785xf32, #tpu.memory_space<vmem>>, vector<16xf32>,
        tpu.vector_store %arg12[%swap3A_1862, %swap3A_1863], %mul3A_1861 {strides = array<i32>} : memref<16x785xf32, #tpu.memory_space<vmem>>, vector<16xf32>,
        %mul3A_1865 = arith.mulf %select_n3A_1334, %get3A_1860 : vector<16xf32>
        %swap3A_1866 = arith.index_cast %scan3A_244 : i32 to index
        %swap3A_1867 = arith.constant 592 : index
        %swap3A_1868 = tpu.vector_load %arg13[%swap3A_1866, %swap3A_1867] {strides = array<i32>} : memref<16x785xf32, #tpu.memory_space<vmem>>, vector<16xf32>,
        tpu.vector_store %arg13[%swap3A_1866, %swap3A_1867], %mul3A_1865 {strides = array<i32>} : memref<16x785xf32, #tpu.memory_space<vmem>>, vector<16xf32>,
        %get3A_1869 = arith.index_cast %scan3A_244 : i32 to index
        %get3A_1870 = arith.constant 608 : index
        %get3A_1871 = tpu.vector_load %arg12[%get3A_1869, %get3A_1870] {strides = array<i32>} : memref<16x785xf32, #tpu.memory_space<vmem>>, vector<16xf32>,
        %get3A_1872 = arith.index_cast %scan3A_244 : i32 to index
        %get3A_1873 = arith.constant 608 : index
        %get3A_1874 = tpu.vector_load %arg13[%get3A_1872, %get3A_1873] {strides = array<i32>} : memref<16x785xf32, #tpu.memory_space<vmem>>, vector<16xf32>,
        %mul3A_1875 = arith.mulf %select_n3A_1327, %get3A_1871 : vector<16xf32>
        %swap3A_1876 = arith.index_cast %scan3A_244 : i32 to index
        %swap3A_1877 = arith.constant 608 : index
        %swap3A_1878 = tpu.vector_load %arg12[%swap3A_1876, %swap3A_1877] {strides = array<i32>} : memref<16x785xf32, #tpu.memory_space<vmem>>, vector<16xf32>,
        tpu.vector_store %arg12[%swap3A_1876, %swap3A_1877], %mul3A_1875 {strides = array<i32>} : memref<16x785xf32, #tpu.memory_space<vmem>>, vector<16xf32>,
        %mul3A_1879 = arith.mulf %select_n3A_1334, %get3A_1874 : vector<16xf32>
        %swap3A_1880 = arith.index_cast %scan3A_244 : i32 to index
        %swap3A_1881 = arith.constant 608 : index
        %swap3A_1882 = tpu.vector_load %arg13[%swap3A_1880, %swap3A_1881] {strides = array<i32>} : memref<16x785xf32, #tpu.memory_space<vmem>>, vector<16xf32>,
        tpu.vector_store %arg13[%swap3A_1880, %swap3A_1881], %mul3A_1879 {strides = array<i32>} : memref<16x785xf32, #tpu.memory_space<vmem>>, vector<16xf32>,
        %get3A_1883 = arith.index_cast %scan3A_244 : i32 to index
        %get3A_1884 = arith.constant 624 : index
        %get3A_1885 = tpu.vector_load %arg12[%get3A_1883, %get3A_1884] {strides = array<i32>} : memref<16x785xf32, #tpu.memory_space<vmem>>, vector<16xf32>,
        %get3A_1886 = arith.index_cast %scan3A_244 : i32 to index
        %get3A_1887 = arith.constant 624 : index
        %get3A_1888 = tpu.vector_load %arg13[%get3A_1886, %get3A_1887] {strides = array<i32>} : memref<16x785xf32, #tpu.memory_space<vmem>>, vector<16xf32>,
        %mul3A_1889 = arith.mulf %select_n3A_1327, %get3A_1885 : vector<16xf32>
        %swap3A_1890 = arith.index_cast %scan3A_244 : i32 to index
        %swap3A_1891 = arith.constant 624 : index
        %swap3A_1892 = tpu.vector_load %arg12[%swap3A_1890, %swap3A_1891] {strides = array<i32>} : memref<16x785xf32, #tpu.memory_space<vmem>>, vector<16xf32>,
        tpu.vector_store %arg12[%swap3A_1890, %swap3A_1891], %mul3A_1889 {strides = array<i32>} : memref<16x785xf32, #tpu.memory_space<vmem>>, vector<16xf32>,
        %mul3A_1893 = arith.mulf %select_n3A_1334, %get3A_1888 : vector<16xf32>
        %swap3A_1894 = arith.index_cast %scan3A_244 : i32 to index
        %swap3A_1895 = arith.constant 624 : index
        %swap3A_1896 = tpu.vector_load %arg13[%swap3A_1894, %swap3A_1895] {strides = array<i32>} : memref<16x785xf32, #tpu.memory_space<vmem>>, vector<16xf32>,
        tpu.vector_store %arg13[%swap3A_1894, %swap3A_1895], %mul3A_1893 {strides = array<i32>} : memref<16x785xf32, #tpu.memory_space<vmem>>, vector<16xf32>,
        %get3A_1897 = arith.index_cast %scan3A_244 : i32 to index
        %get3A_1898 = arith.constant 640 : index
        %get3A_1899 = tpu.vector_load %arg12[%get3A_1897, %get3A_1898] {strides = array<i32>} : memref<16x785xf32, #tpu.memory_space<vmem>>, vector<16xf32>,
        %get3A_1900 = arith.index_cast %scan3A_244 : i32 to index
        %get3A_1901 = arith.constant 640 : index
        %get3A_1902 = tpu.vector_load %arg13[%get3A_1900, %get3A_1901] {strides = array<i32>} : memref<16x785xf32, #tpu.memory_space<vmem>>, vector<16xf32>,
        %mul3A_1903 = arith.mulf %select_n3A_1327, %get3A_1899 : vector<16xf32>
        %swap3A_1904 = arith.index_cast %scan3A_244 : i32 to index
        %swap3A_1905 = arith.constant 640 : index
        %swap3A_1906 = tpu.vector_load %arg12[%swap3A_1904, %swap3A_1905] {strides = array<i32>} : memref<16x785xf32, #tpu.memory_space<vmem>>, vector<16xf32>,
        tpu.vector_store %arg12[%swap3A_1904, %swap3A_1905], %mul3A_1903 {strides = array<i32>} : memref<16x785xf32, #tpu.memory_space<vmem>>, vector<16xf32>,
        %mul3A_1907 = arith.mulf %select_n3A_1334, %get3A_1902 : vector<16xf32>
        %swap3A_1908 = arith.index_cast %scan3A_244 : i32 to index
        %swap3A_1909 = arith.constant 640 : index
        %swap3A_1910 = tpu.vector_load %arg13[%swap3A_1908, %swap3A_1909] {strides = array<i32>} : memref<16x785xf32, #tpu.memory_space<vmem>>, vector<16xf32>,
        tpu.vector_store %arg13[%swap3A_1908, %swap3A_1909], %mul3A_1907 {strides = array<i32>} : memref<16x785xf32, #tpu.memory_space<vmem>>, vector<16xf32>,
        %get3A_1911 = arith.index_cast %scan3A_244 : i32 to index
        %get3A_1912 = arith.constant 656 : index
        %get3A_1913 = tpu.vector_load %arg12[%get3A_1911, %get3A_1912] {strides = array<i32>} : memref<16x785xf32, #tpu.memory_space<vmem>>, vector<16xf32>,
        %get3A_1914 = arith.index_cast %scan3A_244 : i32 to index
        %get3A_1915 = arith.constant 656 : index
        %get3A_1916 = tpu.vector_load %arg13[%get3A_1914, %get3A_1915] {strides = array<i32>} : memref<16x785xf32, #tpu.memory_space<vmem>>, vector<16xf32>,
        %mul3A_1917 = arith.mulf %select_n3A_1327, %get3A_1913 : vector<16xf32>
        %swap3A_1918 = arith.index_cast %scan3A_244 : i32 to index
        %swap3A_1919 = arith.constant 656 : index
        %swap3A_1920 = tpu.vector_load %arg12[%swap3A_1918, %swap3A_1919] {strides = array<i32>} : memref<16x785xf32, #tpu.memory_space<vmem>>, vector<16xf32>,
        tpu.vector_store %arg12[%swap3A_1918, %swap3A_1919], %mul3A_1917 {strides = array<i32>} : memref<16x785xf32, #tpu.memory_space<vmem>>, vector<16xf32>,
        %mul3A_1921 = arith.mulf %select_n3A_1334, %get3A_1916 : vector<16xf32>
        %swap3A_1922 = arith.index_cast %scan3A_244 : i32 to index
        %swap3A_1923 = arith.constant 656 : index
        %swap3A_1924 = tpu.vector_load %arg13[%swap3A_1922, %swap3A_1923] {strides = array<i32>} : memref<16x785xf32, #tpu.memory_space<vmem>>, vector<16xf32>,
        tpu.vector_store %arg13[%swap3A_1922, %swap3A_1923], %mul3A_1921 {strides = array<i32>} : memref<16x785xf32, #tpu.memory_space<vmem>>, vector<16xf32>,
        %get3A_1925 = arith.index_cast %scan3A_244 : i32 to index
        %get3A_1926 = arith.constant 672 : index
        %get3A_1927 = tpu.vector_load %arg12[%get3A_1925, %get3A_1926] {strides = array<i32>} : memref<16x785xf32, #tpu.memory_space<vmem>>, vector<16xf32>,
        %get3A_1928 = arith.index_cast %scan3A_244 : i32 to index
        %get3A_1929 = arith.constant 672 : index
        %get3A_1930 = tpu.vector_load %arg13[%get3A_1928, %get3A_1929] {strides = array<i32>} : memref<16x785xf32, #tpu.memory_space<vmem>>, vector<16xf32>,
        %mul3A_1931 = arith.mulf %select_n3A_1327, %get3A_1927 : vector<16xf32>
        %swap3A_1932 = arith.index_cast %scan3A_244 : i32 to index
        %swap3A_1933 = arith.constant 672 : index
        %swap3A_1934 = tpu.vector_load %arg12[%swap3A_1932, %swap3A_1933] {strides = array<i32>} : memref<16x785xf32, #tpu.memory_space<vmem>>, vector<16xf32>,
        tpu.vector_store %arg12[%swap3A_1932, %swap3A_1933], %mul3A_1931 {strides = array<i32>} : memref<16x785xf32, #tpu.memory_space<vmem>>, vector<16xf32>,
        %mul3A_1935 = arith.mulf %select_n3A_1334, %get3A_1930 : vector<16xf32>
        %swap3A_1936 = arith.index_cast %scan3A_244 : i32 to index
        %swap3A_1937 = arith.constant 672 : index
        %swap3A_1938 = tpu.vector_load %arg13[%swap3A_1936, %swap3A_1937] {strides = array<i32>} : memref<16x785xf32, #tpu.memory_space<vmem>>, vector<16xf32>,
        tpu.vector_store %arg13[%swap3A_1936, %swap3A_1937], %mul3A_1935 {strides = array<i32>} : memref<16x785xf32, #tpu.memory_space<vmem>>, vector<16xf32>,
        %get3A_1939 = arith.index_cast %scan3A_244 : i32 to index
        %get3A_1940 = arith.constant 688 : index
        %get3A_1941 = tpu.vector_load %arg12[%get3A_1939, %get3A_1940] {strides = array<i32>} : memref<16x785xf32, #tpu.memory_space<vmem>>, vector<16xf32>,
        %get3A_1942 = arith.index_cast %scan3A_244 : i32 to index
        %get3A_1943 = arith.constant 688 : index
        %get3A_1944 = tpu.vector_load %arg13[%get3A_1942, %get3A_1943] {strides = array<i32>} : memref<16x785xf32, #tpu.memory_space<vmem>>, vector<16xf32>,
        %mul3A_1945 = arith.mulf %select_n3A_1327, %get3A_1941 : vector<16xf32>
        %swap3A_1946 = arith.index_cast %scan3A_244 : i32 to index
        %swap3A_1947 = arith.constant 688 : index
        %swap3A_1948 = tpu.vector_load %arg12[%swap3A_1946, %swap3A_1947] {strides = array<i32>} : memref<16x785xf32, #tpu.memory_space<vmem>>, vector<16xf32>,
        tpu.vector_store %arg12[%swap3A_1946, %swap3A_1947], %mul3A_1945 {strides = array<i32>} : memref<16x785xf32, #tpu.memory_space<vmem>>, vector<16xf32>,
        %mul3A_1949 = arith.mulf %select_n3A_1334, %get3A_1944 : vector<16xf32>
        %swap3A_1950 = arith.index_cast %scan3A_244 : i32 to index
        %swap3A_1951 = arith.constant 688 : index
        %swap3A_1952 = tpu.vector_load %arg13[%swap3A_1950, %swap3A_1951] {strides = array<i32>} : memref<16x785xf32, #tpu.memory_space<vmem>>, vector<16xf32>,
        tpu.vector_store %arg13[%swap3A_1950, %swap3A_1951], %mul3A_1949 {strides = array<i32>} : memref<16x785xf32, #tpu.memory_space<vmem>>, vector<16xf32>,
        %get3A_1953 = arith.index_cast %scan3A_244 : i32 to index
        %get3A_1954 = arith.constant 704 : index
        %get3A_1955 = tpu.vector_load %arg12[%get3A_1953, %get3A_1954] {strides = array<i32>} : memref<16x785xf32, #tpu.memory_space<vmem>>, vector<16xf32>,
        %get3A_1956 = arith.index_cast %scan3A_244 : i32 to index
        %get3A_1957 = arith.constant 704 : index
        %get3A_1958 = tpu.vector_load %arg13[%get3A_1956, %get3A_1957] {strides = array<i32>} : memref<16x785xf32, #tpu.memory_space<vmem>>, vector<16xf32>,
        %mul3A_1959 = arith.mulf %select_n3A_1327, %get3A_1955 : vector<16xf32>
        %swap3A_1960 = arith.index_cast %scan3A_244 : i32 to index
        %swap3A_1961 = arith.constant 704 : index
        %swap3A_1962 = tpu.vector_load %arg12[%swap3A_1960, %swap3A_1961] {strides = array<i32>} : memref<16x785xf32, #tpu.memory_space<vmem>>, vector<16xf32>,
        tpu.vector_store %arg12[%swap3A_1960, %swap3A_1961], %mul3A_1959 {strides = array<i32>} : memref<16x785xf32, #tpu.memory_space<vmem>>, vector<16xf32>,
        %mul3A_1963 = arith.mulf %select_n3A_1334, %get3A_1958 : vector<16xf32>
        %swap3A_1964 = arith.index_cast %scan3A_244 : i32 to index
        %swap3A_1965 = arith.constant 704 : index
        %swap3A_1966 = tpu.vector_load %arg13[%swap3A_1964, %swap3A_1965] {strides = array<i32>} : memref<16x785xf32, #tpu.memory_space<vmem>>, vector<16xf32>,
        tpu.vector_store %arg13[%swap3A_1964, %swap3A_1965], %mul3A_1963 {strides = array<i32>} : memref<16x785xf32, #tpu.memory_space<vmem>>, vector<16xf32>,
        %get3A_1967 = arith.index_cast %scan3A_244 : i32 to index
        %get3A_1968 = arith.constant 720 : index
        %get3A_1969 = tpu.vector_load %arg12[%get3A_1967, %get3A_1968] {strides = array<i32>} : memref<16x785xf32, #tpu.memory_space<vmem>>, vector<16xf32>,
        %get3A_1970 = arith.index_cast %scan3A_244 : i32 to index
        %get3A_1971 = arith.constant 720 : index
        %get3A_1972 = tpu.vector_load %arg13[%get3A_1970, %get3A_1971] {strides = array<i32>} : memref<16x785xf32, #tpu.memory_space<vmem>>, vector<16xf32>,
        %mul3A_1973 = arith.mulf %select_n3A_1327, %get3A_1969 : vector<16xf32>
        %swap3A_1974 = arith.index_cast %scan3A_244 : i32 to index
        %swap3A_1975 = arith.constant 720 : index
        %swap3A_1976 = tpu.vector_load %arg12[%swap3A_1974, %swap3A_1975] {strides = array<i32>} : memref<16x785xf32, #tpu.memory_space<vmem>>, vector<16xf32>,
        tpu.vector_store %arg12[%swap3A_1974, %swap3A_1975], %mul3A_1973 {strides = array<i32>} : memref<16x785xf32, #tpu.memory_space<vmem>>, vector<16xf32>,
        %mul3A_1977 = arith.mulf %select_n3A_1334, %get3A_1972 : vector<16xf32>
        %swap3A_1978 = arith.index_cast %scan3A_244 : i32 to index
        %swap3A_1979 = arith.constant 720 : index
        %swap3A_1980 = tpu.vector_load %arg13[%swap3A_1978, %swap3A_1979] {strides = array<i32>} : memref<16x785xf32, #tpu.memory_space<vmem>>, vector<16xf32>,
        tpu.vector_store %arg13[%swap3A_1978, %swap3A_1979], %mul3A_1977 {strides = array<i32>} : memref<16x785xf32, #tpu.memory_space<vmem>>, vector<16xf32>,
        %get3A_1981 = arith.index_cast %scan3A_244 : i32 to index
        %get3A_1982 = arith.constant 736 : index
        %get3A_1983 = tpu.vector_load %arg12[%get3A_1981, %get3A_1982] {strides = array<i32>} : memref<16x785xf32, #tpu.memory_space<vmem>>, vector<16xf32>,
        %get3A_1984 = arith.index_cast %scan3A_244 : i32 to index
        %get3A_1985 = arith.constant 736 : index
        %get3A_1986 = tpu.vector_load %arg13[%get3A_1984, %get3A_1985] {strides = array<i32>} : memref<16x785xf32, #tpu.memory_space<vmem>>, vector<16xf32>,
        %mul3A_1987 = arith.mulf %select_n3A_1327, %get3A_1983 : vector<16xf32>
        %swap3A_1988 = arith.index_cast %scan3A_244 : i32 to index
        %swap3A_1989 = arith.constant 736 : index
        %swap3A_1990 = tpu.vector_load %arg12[%swap3A_1988, %swap3A_1989] {strides = array<i32>} : memref<16x785xf32, #tpu.memory_space<vmem>>, vector<16xf32>,
        tpu.vector_store %arg12[%swap3A_1988, %swap3A_1989], %mul3A_1987 {strides = array<i32>} : memref<16x785xf32, #tpu.memory_space<vmem>>, vector<16xf32>,
        %mul3A_1991 = arith.mulf %select_n3A_1334, %get3A_1986 : vector<16xf32>
        %swap3A_1992 = arith.index_cast %scan3A_244 : i32 to index
        %swap3A_1993 = arith.constant 736 : index
        %swap3A_1994 = tpu.vector_load %arg13[%swap3A_1992, %swap3A_1993] {strides = array<i32>} : memref<16x785xf32, #tpu.memory_space<vmem>>, vector<16xf32>,
        tpu.vector_store %arg13[%swap3A_1992, %swap3A_1993], %mul3A_1991 {strides = array<i32>} : memref<16x785xf32, #tpu.memory_space<vmem>>, vector<16xf32>,
        %get3A_1995 = arith.index_cast %scan3A_244 : i32 to index
        %get3A_1996 = arith.constant 752 : index
        %get3A_1997 = tpu.vector_load %arg12[%get3A_1995, %get3A_1996] {strides = array<i32>} : memref<16x785xf32, #tpu.memory_space<vmem>>, vector<16xf32>,
        %get3A_1998 = arith.index_cast %scan3A_244 : i32 to index
        %get3A_1999 = arith.constant 752 : index
        %get3A_2000 = tpu.vector_load %arg13[%get3A_1998, %get3A_1999] {strides = array<i32>} : memref<16x785xf32, #tpu.memory_space<vmem>>, vector<16xf32>,
        %mul3A_2001 = arith.mulf %select_n3A_1327, %get3A_1997 : vector<16xf32>
        %swap3A_2002 = arith.index_cast %scan3A_244 : i32 to index
        %swap3A_2003 = arith.constant 752 : index
        %swap3A_2004 = tpu.vector_load %arg12[%swap3A_2002, %swap3A_2003] {strides = array<i32>} : memref<16x785xf32, #tpu.memory_space<vmem>>, vector<16xf32>,
        tpu.vector_store %arg12[%swap3A_2002, %swap3A_2003], %mul3A_2001 {strides = array<i32>} : memref<16x785xf32, #tpu.memory_space<vmem>>, vector<16xf32>,
        %mul3A_2005 = arith.mulf %select_n3A_1334, %get3A_2000 : vector<16xf32>
        %swap3A_2006 = arith.index_cast %scan3A_244 : i32 to index
        %swap3A_2007 = arith.constant 752 : index
        %swap3A_2008 = tpu.vector_load %arg13[%swap3A_2006, %swap3A_2007] {strides = array<i32>} : memref<16x785xf32, #tpu.memory_space<vmem>>, vector<16xf32>,
        tpu.vector_store %arg13[%swap3A_2006, %swap3A_2007], %mul3A_2005 {strides = array<i32>} : memref<16x785xf32, #tpu.memory_space<vmem>>, vector<16xf32>,
        %get3A_2009 = arith.index_cast %scan3A_244 : i32 to index
        %get3A_2010 = arith.constant 768 : index
        %get3A_2011 = tpu.vector_load %arg12[%get3A_2009, %get3A_2010] {strides = array<i32>} : memref<16x785xf32, #tpu.memory_space<vmem>>, vector<16xf32>,
        %get3A_2012 = arith.index_cast %scan3A_244 : i32 to index
        %get3A_2013 = arith.constant 768 : index
        %get3A_2014 = tpu.vector_load %arg13[%get3A_2012, %get3A_2013] {strides = array<i32>} : memref<16x785xf32, #tpu.memory_space<vmem>>, vector<16xf32>,
        %mul3A_2015 = arith.mulf %select_n3A_1327, %get3A_2011 : vector<16xf32>
        %swap3A_2016 = arith.index_cast %scan3A_244 : i32 to index
        %swap3A_2017 = arith.constant 768 : index
        %swap3A_2018 = tpu.vector_load %arg12[%swap3A_2016, %swap3A_2017] {strides = array<i32>} : memref<16x785xf32, #tpu.memory_space<vmem>>, vector<16xf32>,
        tpu.vector_store %arg12[%swap3A_2016, %swap3A_2017], %mul3A_2015 {strides = array<i32>} : memref<16x785xf32, #tpu.memory_space<vmem>>, vector<16xf32>,
        %mul3A_2019 = arith.mulf %select_n3A_1334, %get3A_2014 : vector<16xf32>
        %swap3A_2020 = arith.index_cast %scan3A_244 : i32 to index
        %swap3A_2021 = arith.constant 768 : index
        %swap3A_2022 = tpu.vector_load %arg13[%swap3A_2020, %swap3A_2021] {strides = array<i32>} : memref<16x785xf32, #tpu.memory_space<vmem>>, vector<16xf32>,
        tpu.vector_store %arg13[%swap3A_2020, %swap3A_2021], %mul3A_2019 {strides = array<i32>} : memref<16x785xf32, #tpu.memory_space<vmem>>, vector<16xf32>,
        %get3A_2023 = arith.index_cast %scan3A_244 : i32 to index
        %get3A_2024 = arith.constant 769 : index
        %get3A_2025 = tpu.vector_load %arg12[%get3A_2023, %get3A_2024] {strides = array<i32>} : memref<16x785xf32, #tpu.memory_space<vmem>>, vector<16xf32>,
        %get3A_2026 = arith.index_cast %scan3A_244 : i32 to index
        %get3A_2027 = arith.constant 769 : index
        %get3A_2028 = tpu.vector_load %arg13[%get3A_2026, %get3A_2027] {strides = array<i32>} : memref<16x785xf32, #tpu.memory_space<vmem>>, vector<16xf32>,
        %mul3A_2029 = arith.mulf %select_n3A_1327, %get3A_2025 : vector<16xf32>
        %select_n3A_2030 = arith.select %eq3A_1227, %mul3A_2029, %get3A_2025 : vector<16xi1>, vector<16xf32>
        %swap3A_2031 = arith.index_cast %scan3A_244 : i32 to index
        %swap3A_2032 = arith.constant 769 : index
        %swap3A_2033 = tpu.vector_load %arg12[%swap3A_2031, %swap3A_2032] {strides = array<i32>} : memref<16x785xf32, #tpu.memory_space<vmem>>, vector<16xf32>,
        tpu.vector_store %arg12[%swap3A_2031, %swap3A_2032], %select_n3A_2030 {strides = array<i32>} : memref<16x785xf32, #tpu.memory_space<vmem>>, vector<16xf32>,
        %mul3A_2034 = arith.mulf %select_n3A_1334, %get3A_2028 : vector<16xf32>
        %sub3A_2035 = arith.subf %mul3A_2034, %select_n3A_1336 : vector<16xf32>
        %select_n3A_2036 = arith.select %eq3A_1227, %sub3A_2035, %get3A_2028 : vector<16xi1>, vector<16xf32>
        %swap3A_2037 = arith.index_cast %scan3A_244 : i32 to index
        %swap3A_2038 = arith.constant 769 : index
        %swap3A_2039 = tpu.vector_load %arg13[%swap3A_2037, %swap3A_2038] {strides = array<i32>} : memref<16x785xf32, #tpu.memory_space<vmem>>, vector<16xf32>,
        tpu.vector_store %arg13[%swap3A_2037, %swap3A_2038], %select_n3A_2036 {strides = array<i32>} : memref<16x785xf32, #tpu.memory_space<vmem>>, vector<16xf32>,
        %eq3A_2040 = vector.broadcast %scan3A_244 : i32 to vector<16xi32>
        %eq3A_2041 = arith.cmpi eq, %iota3A, %eq3A_2040 : vector<16xi32>
        %mul3A_2042 = arith.mulf %select_n3A_1327, %sub3A_1301 : vector<16xf32>
        %select_n3A_2043 = arith.select %eq3A_2041, %mul3A_2042, %scan3A_245 : vector<16xi1>, vector<16xf32>
        %mul3A_2044 = arith.mulf %select_n3A_1334, %add3A_1303 : vector<16xf32>
        %sub3A_2045 = arith.subf %mul3A_2044, %select_n3A_1336 : vector<16xf32>
        %select_n3A_2046 = arith.select %eq3A_2041, %sub3A_2045, %scan3A_246 : vector<16xi1>, vector<16xf32>
        scf.yield %select_n3A_2043, %select_n3A_2046 : vector<16xf32>, vector<16xf32>
      }
      %scan3A_173 = arith.constant 16 : i32
      %mul3A_174 = arith.constant 16 : i32
      %mul3A_175 = arith.muli %mul3A_148, %mul3A_174 : i32
      %swap3A = arith.index_cast %mul3A_175 : i32 to index
      %swap3A_176 = tpu.vector_load %arg16[%swap3A] {strides = array<i32>} : memref<512xf32, #tpu.memory_space<vmem>>, vector<16xf32>,
      tpu.vector_store %arg16[%swap3A], %scan3A_172#0 {strides = array<i32>} : memref<512xf32, #tpu.memory_space<vmem>>, vector<16xf32>,
      %mul3A_177 = arith.constant 16 : i32
      %mul3A_178 = arith.muli %mul3A_148, %mul3A_177 : i32
      %swap3A_179 = arith.index_cast %mul3A_178 : i32 to index
      %swap3A_180 = tpu.vector_load %arg17[%swap3A_179] {strides = array<i32>} : memref<512xf32, #tpu.memory_space<vmem>>, vector<16xf32>,
      tpu.vector_store %arg17[%swap3A_179], %scan3A_172#1 {strides = array<i32>} : memref<512xf32, #tpu.memory_space<vmem>>, vector<16xf32>,
      %mul3A_181 = arith.constant 16 : i32
      %mul3A_182 = arith.muli %mul3A_148, %mul3A_181 : i32
      %add3A_183 = arith.addi %mul3A_32, %mul3A_182 : i32
      %dma_start3A_184 = arith.constant 0 : i32
      %dma_start3A_185 = tpu.memref_slice %arg6[%select_n3A, %add3A_183, %dma_start3A_184] : memref<8x2048x785xf32, #tpu.memory_space<hbm>> -> memref<1x16x785xf32, #tpu.memory_space<hbm>>
      %dma_start3A_186 = tpu.memref_squeeze %dma_start3A_185 : memref<1x16x785xf32, #tpu.memory_space<hbm>> -> memref<16x785xf32, #tpu.memory_space<hbm>>
      %dma_start3A_187 = arith.constant 0 : i32
      %dma_start3A_188 = tpu.memref_slice %arg6[%select_n3A, %add3A_183, %dma_start3A_187] : memref<8x2048x785xf32, #tpu.memory_space<hbm>> -> memref<1x16x785xf32, #tpu.memory_space<hbm>>
      %dma_start3A_189 = tpu.memref_squeeze %dma_start3A_188 : memref<1x16x785xf32, #tpu.memory_space<hbm>> -> memref<16x785xf32, #tpu.memory_space<hbm>>
      tpu.enqueue_dma source(%arg12 : memref<16x785xf32, #tpu.memory_space<vmem>>) target(%dma_start3A_189 : memref<16x785xf32, #tpu.memory_space<hbm>>) target_semaphore(%arg23 : memref<!tpu.dma_semaphore, #tpu.memory_space<semaphore_mem>>)
      %dma_start3A_190 = arith.constant 0 : i32
      %dma_start3A_191 = tpu.memref_slice %arg7[%select_n3A, %add3A_183, %dma_start3A_190] : memref<8x2048x785xf32, #tpu.memory_space<hbm>> -> memref<1x16x785xf32, #tpu.memory_space<hbm>>
      %dma_start3A_192 = tpu.memref_squeeze %dma_start3A_191 : memref<1x16x785xf32, #tpu.memory_space<hbm>> -> memref<16x785xf32, #tpu.memory_space<hbm>>
      %dma_start3A_193 = arith.constant 0 : i32
      %dma_start3A_194 = tpu.memref_slice %arg7[%select_n3A, %add3A_183, %dma_start3A_193] : memref<8x2048x785xf32, #tpu.memory_space<hbm>> -> memref<1x16x785xf32, #tpu.memory_space<hbm>>
      %dma_start3A_195 = tpu.memref_squeeze %dma_start3A_194 : memref<1x16x785xf32, #tpu.memory_space<hbm>> -> memref<16x785xf32, #tpu.memory_space<hbm>>
      tpu.enqueue_dma source(%arg13 : memref<16x785xf32, #tpu.memory_space<vmem>>) target(%dma_start3A_195 : memref<16x785xf32, #tpu.memory_space<hbm>>) target_semaphore(%arg24 : memref<!tpu.dma_semaphore, #tpu.memory_space<semaphore_mem>>)
      %mul3A_196 = arith.constant 16 : i32
      %mul3A_197 = arith.muli %add3A_152, %mul3A_196 : i32
      %add3A_198 = arith.addi %mul3A_32, %mul3A_197 : i32
      %dma_wait3A_199 = arith.constant 0 : i32
      %dma_wait3A_200 = tpu.memref_slice %arg4[%select_n3A, %add3A_198, %dma_wait3A_199] : memref<8x2048x785xf32, #tpu.memory_space<hbm>> -> memref<1x16x785xf32, #tpu.memory_space<hbm>>
      %dma_wait3A_201 = tpu.memref_squeeze %dma_wait3A_200 : memref<1x16x785xf32, #tpu.memory_space<hbm>> -> memref<16x785xf32, #tpu.memory_space<hbm>>
      %dma_wait3A_202 = arith.constant 0 : i32
      %dma_wait3A_203 = tpu.memref_slice %arg4[%select_n3A, %add3A_198, %dma_wait3A_202] : memref<8x2048x785xf32, #tpu.memory_space<hbm>> -> memref<1x16x785xf32, #tpu.memory_space<hbm>>
      %dma_wait3A_204 = tpu.memref_squeeze %dma_wait3A_203 : memref<1x16x785xf32, #tpu.memory_space<hbm>> -> memref<16x785xf32, #tpu.memory_space<hbm>>
      tpu.wait_dma2 semaphore(%arg21 : memref<!tpu.dma_semaphore, #tpu.memory_space<semaphore_mem>>) src(%dma_wait3A_204 : memref<16x785xf32, #tpu.memory_space<hbm>>) dst(%arg14 : memref<16x785xf32, #tpu.memory_space<vmem>>)
      %dma_wait3A_205 = arith.constant 0 : i32
      %dma_wait3A_206 = tpu.memref_slice %arg5[%select_n3A, %add3A_198, %dma_wait3A_205] : memref<8x2048x785xf32, #tpu.memory_space<hbm>> -> memref<1x16x785xf32, #tpu.memory_space<hbm>>
      %dma_wait3A_207 = tpu.memref_squeeze %dma_wait3A_206 : memref<1x16x785xf32, #tpu.memory_space<hbm>> -> memref<16x785xf32, #tpu.memory_space<hbm>>
      %dma_wait3A_208 = arith.constant 0 : i32
      %dma_wait3A_209 = tpu.memref_slice %arg5[%select_n3A, %add3A_198, %dma_wait3A_208] : memref<8x2048x785xf32, #tpu.memory_space<hbm>> -> memref<1x16x785xf32, #tpu.memory_space<hbm>>
      %dma_wait3A_210 = tpu.memref_squeeze %dma_wait3A_209 : memref<1x16x785xf32, #tpu.memory_space<hbm>> -> memref<16x785xf32, #tpu.memory_space<hbm>>
      tpu.wait_dma2 semaphore(%arg22 : memref<!tpu.dma_semaphore, #tpu.memory_space<semaphore_mem>>) src(%dma_wait3A_210 : memref<16x785xf32, #tpu.memory_space<hbm>>) dst(%arg15 : memref<16x785xf32, #tpu.memory_space<vmem>>)
      %scan3A_211 = arith.constant 0 : i32
      %scan3A_212 = arith.constant 16 : i32
      %scan3A_213 = arith.addi %scan3A_211, %scan3A_212 : i32
      %scan3A_214 = arith.constant 1 : i32
      %scan3A_215:2 = scf.for %scan3A_244 = %scan3A_211 to %scan3A_213 step %scan3A_214 iter_args(%scan3A_245 = %broadcast_in_dim3A_33, %scan3A_246 = %broadcast_in_dim3A_33) -> (vector<16xf32>, vector<16xf32>)  : i32 {
        %get3A = arith.index_cast %scan3A_244 : i32 to index
        %get3A_247 = arith.constant 0 : index
        %get3A_248 = tpu.vector_load %arg14[%get3A, %get3A_247] {strides = array<i32>} : memref<16x785xf32, #tpu.memory_space<vmem>>, vector<16xf32>,
        %get3A_249 = arith.index_cast %scan3A_244 : i32 to index
        %get3A_250 = arith.constant 0 : index
        %get3A_251 = tpu.vector_load %arg15[%get3A_249, %get3A_250] {strides = array<i32>} : memref<16x785xf32, #tpu.memory_space<vmem>>, vector<16xf32>,
        %get3A_252 = arith.constant 0 : index
        %get3A_253 = tpu.vector_load %arg10[%get3A_252] {strides = array<i32>} : memref<784xf32, #tpu.memory_space<vmem>>, vector<16xf32>,
        %get3A_254 = arith.constant 0 : index
        %get3A_255 = tpu.vector_load %arg11[%get3A_254] {strides = array<i32>} : memref<784xf32, #tpu.memory_space<vmem>>, vector<16xf32>,
        %mul3A_256 = arith.mulf %get3A_248, %get3A_253 : vector<16xf32>
        %add3A_257 = arith.addf %broadcast_in_dim3A_33, %mul3A_256 : vector<16xf32>
        %abs3A = math.absf %get3A_248 : vector<16xf32>
        %mul3A_258 = arith.mulf %abs3A, %get3A_255 : vector<16xf32>
        %add3A_259 = arith.addf %broadcast_in_dim3A_33, %mul3A_258 : vector<16xf32>
        %mul3A_260 = arith.mulf %get3A_251, %get3A_253 : vector<16xf32>
        %add3A_261 = arith.addf %broadcast_in_dim3A_33, %mul3A_260 : vector<16xf32>
        %abs3A_262 = math.absf %get3A_251 : vector<16xf32>
        %mul3A_263 = arith.mulf %abs3A_262, %get3A_255 : vector<16xf32>
        %add3A_264 = arith.addf %broadcast_in_dim3A_33, %mul3A_263 : vector<16xf32>
        %get3A_265 = arith.index_cast %scan3A_244 : i32 to index
        %get3A_266 = arith.constant 16 : index
        %get3A_267 = tpu.vector_load %arg14[%get3A_265, %get3A_266] {strides = array<i32>} : memref<16x785xf32, #tpu.memory_space<vmem>>, vector<16xf32>,
        %get3A_268 = arith.index_cast %scan3A_244 : i32 to index
        %get3A_269 = arith.constant 16 : index
        %get3A_270 = tpu.vector_load %arg15[%get3A_268, %get3A_269] {strides = array<i32>} : memref<16x785xf32, #tpu.memory_space<vmem>>, vector<16xf32>,
        %get3A_271 = arith.constant 16 : index
        %get3A_272 = tpu.vector_load %arg10[%get3A_271] {strides = array<i32>} : memref<784xf32, #tpu.memory_space<vmem>>, vector<16xf32>,
        %get3A_273 = arith.constant 16 : index
        %get3A_274 = tpu.vector_load %arg11[%get3A_273] {strides = array<i32>} : memref<784xf32, #tpu.memory_space<vmem>>, vector<16xf32>,
        %mul3A_275 = arith.mulf %get3A_267, %get3A_272 : vector<16xf32>
        %add3A_276 = arith.addf %add3A_257, %mul3A_275 : vector<16xf32>
        %abs3A_277 = math.absf %get3A_267 : vector<16xf32>
        %mul3A_278 = arith.mulf %abs3A_277, %get3A_274 : vector<16xf32>
        %add3A_279 = arith.addf %add3A_259, %mul3A_278 : vector<16xf32>
        %mul3A_280 = arith.mulf %get3A_270, %get3A_272 : vector<16xf32>
        %add3A_281 = arith.addf %add3A_261, %mul3A_280 : vector<16xf32>
        %abs3A_282 = math.absf %get3A_270 : vector<16xf32>
        %mul3A_283 = arith.mulf %abs3A_282, %get3A_274 : vector<16xf32>
        %add3A_284 = arith.addf %add3A_264, %mul3A_283 : vector<16xf32>
        %get3A_285 = arith.index_cast %scan3A_244 : i32 to index
        %get3A_286 = arith.constant 32 : index
        %get3A_287 = tpu.vector_load %arg14[%get3A_285, %get3A_286] {strides = array<i32>} : memref<16x785xf32, #tpu.memory_space<vmem>>, vector<16xf32>,
        %get3A_288 = arith.index_cast %scan3A_244 : i32 to index
        %get3A_289 = arith.constant 32 : index
        %get3A_290 = tpu.vector_load %arg15[%get3A_288, %get3A_289] {strides = array<i32>} : memref<16x785xf32, #tpu.memory_space<vmem>>, vector<16xf32>,
        %get3A_291 = arith.constant 32 : index
        %get3A_292 = tpu.vector_load %arg10[%get3A_291] {strides = array<i32>} : memref<784xf32, #tpu.memory_space<vmem>>, vector<16xf32>,
        %get3A_293 = arith.constant 32 : index
        %get3A_294 = tpu.vector_load %arg11[%get3A_293] {strides = array<i32>} : memref<784xf32, #tpu.memory_space<vmem>>, vector<16xf32>,
        %mul3A_295 = arith.mulf %get3A_287, %get3A_292 : vector<16xf32>
        %add3A_296 = arith.addf %add3A_276, %mul3A_295 : vector<16xf32>
        %abs3A_297 = math.absf %get3A_287 : vector<16xf32>
        %mul3A_298 = arith.mulf %abs3A_297, %get3A_294 : vector<16xf32>
        %add3A_299 = arith.addf %add3A_279, %mul3A_298 : vector<16xf32>
        %mul3A_300 = arith.mulf %get3A_290, %get3A_292 : vector<16xf32>
        %add3A_301 = arith.addf %add3A_281, %mul3A_300 : vector<16xf32>
        %abs3A_302 = math.absf %get3A_290 : vector<16xf32>
        %mul3A_303 = arith.mulf %abs3A_302, %get3A_294 : vector<16xf32>
        %add3A_304 = arith.addf %add3A_284, %mul3A_303 : vector<16xf32>
        %get3A_305 = arith.index_cast %scan3A_244 : i32 to index
        %get3A_306 = arith.constant 48 : index
        %get3A_307 = tpu.vector_load %arg14[%get3A_305, %get3A_306] {strides = array<i32>} : memref<16x785xf32, #tpu.memory_space<vmem>>, vector<16xf32>,
        %get3A_308 = arith.index_cast %scan3A_244 : i32 to index
        %get3A_309 = arith.constant 48 : index
        %get3A_310 = tpu.vector_load %arg15[%get3A_308, %get3A_309] {strides = array<i32>} : memref<16x785xf32, #tpu.memory_space<vmem>>, vector<16xf32>,
        %get3A_311 = arith.constant 48 : index
        %get3A_312 = tpu.vector_load %arg10[%get3A_311] {strides = array<i32>} : memref<784xf32, #tpu.memory_space<vmem>>, vector<16xf32>,
        %get3A_313 = arith.constant 48 : index
        %get3A_314 = tpu.vector_load %arg11[%get3A_313] {strides = array<i32>} : memref<784xf32, #tpu.memory_space<vmem>>, vector<16xf32>,
        %mul3A_315 = arith.mulf %get3A_307, %get3A_312 : vector<16xf32>
        %add3A_316 = arith.addf %add3A_296, %mul3A_315 : vector<16xf32>
        %abs3A_317 = math.absf %get3A_307 : vector<16xf32>
        %mul3A_318 = arith.mulf %abs3A_317, %get3A_314 : vector<16xf32>
        %add3A_319 = arith.addf %add3A_299, %mul3A_318 : vector<16xf32>
        %mul3A_320 = arith.mulf %get3A_310, %get3A_312 : vector<16xf32>
        %add3A_321 = arith.addf %add3A_301, %mul3A_320 : vector<16xf32>
        %abs3A_322 = math.absf %get3A_310 : vector<16xf32>
        %mul3A_323 = arith.mulf %abs3A_322, %get3A_314 : vector<16xf32>
        %add3A_324 = arith.addf %add3A_304, %mul3A_323 : vector<16xf32>
        %get3A_325 = arith.index_cast %scan3A_244 : i32 to index
        %get3A_326 = arith.constant 64 : index
        %get3A_327 = tpu.vector_load %arg14[%get3A_325, %get3A_326] {strides = array<i32>} : memref<16x785xf32, #tpu.memory_space<vmem>>, vector<16xf32>,
        %get3A_328 = arith.index_cast %scan3A_244 : i32 to index
        %get3A_329 = arith.constant 64 : index
        %get3A_330 = tpu.vector_load %arg15[%get3A_328, %get3A_329] {strides = array<i32>} : memref<16x785xf32, #tpu.memory_space<vmem>>, vector<16xf32>,
        %get3A_331 = arith.constant 64 : index
        %get3A_332 = tpu.vector_load %arg10[%get3A_331] {strides = array<i32>} : memref<784xf32, #tpu.memory_space<vmem>>, vector<16xf32>,
        %get3A_333 = arith.constant 64 : index
        %get3A_334 = tpu.vector_load %arg11[%get3A_333] {strides = array<i32>} : memref<784xf32, #tpu.memory_space<vmem>>, vector<16xf32>,
        %mul3A_335 = arith.mulf %get3A_327, %get3A_332 : vector<16xf32>
        %add3A_336 = arith.addf %add3A_316, %mul3A_335 : vector<16xf32>
        %abs3A_337 = math.absf %get3A_327 : vector<16xf32>
        %mul3A_338 = arith.mulf %abs3A_337, %get3A_334 : vector<16xf32>
        %add3A_339 = arith.addf %add3A_319, %mul3A_338 : vector<16xf32>
        %mul3A_340 = arith.mulf %get3A_330, %get3A_332 : vector<16xf32>
        %add3A_341 = arith.addf %add3A_321, %mul3A_340 : vector<16xf32>
        %abs3A_342 = math.absf %get3A_330 : vector<16xf32>
        %mul3A_343 = arith.mulf %abs3A_342, %get3A_334 : vector<16xf32>
        %add3A_344 = arith.addf %add3A_324, %mul3A_343 : vector<16xf32>
        %get3A_345 = arith.index_cast %scan3A_244 : i32 to index
        %get3A_346 = arith.constant 80 : index
        %get3A_347 = tpu.vector_load %arg14[%get3A_345, %get3A_346] {strides = array<i32>} : memref<16x785xf32, #tpu.memory_space<vmem>>, vector<16xf32>,
        %get3A_348 = arith.index_cast %scan3A_244 : i32 to index
        %get3A_349 = arith.constant 80 : index
        %get3A_350 = tpu.vector_load %arg15[%get3A_348, %get3A_349] {strides = array<i32>} : memref<16x785xf32, #tpu.memory_space<vmem>>, vector<16xf32>,
        %get3A_351 = arith.constant 80 : index
        %get3A_352 = tpu.vector_load %arg10[%get3A_351] {strides = array<i32>} : memref<784xf32, #tpu.memory_space<vmem>>, vector<16xf32>,
        %get3A_353 = arith.constant 80 : index
        %get3A_354 = tpu.vector_load %arg11[%get3A_353] {strides = array<i32>} : memref<784xf32, #tpu.memory_space<vmem>>, vector<16xf32>,
        %mul3A_355 = arith.mulf %get3A_347, %get3A_352 : vector<16xf32>
        %add3A_356 = arith.addf %add3A_336, %mul3A_355 : vector<16xf32>
        %abs3A_357 = math.absf %get3A_347 : vector<16xf32>
        %mul3A_358 = arith.mulf %abs3A_357, %get3A_354 : vector<16xf32>
        %add3A_359 = arith.addf %add3A_339, %mul3A_358 : vector<16xf32>
        %mul3A_360 = arith.mulf %get3A_350, %get3A_352 : vector<16xf32>
        %add3A_361 = arith.addf %add3A_341, %mul3A_360 : vector<16xf32>
        %abs3A_362 = math.absf %get3A_350 : vector<16xf32>
        %mul3A_363 = arith.mulf %abs3A_362, %get3A_354 : vector<16xf32>
        %add3A_364 = arith.addf %add3A_344, %mul3A_363 : vector<16xf32>
        %get3A_365 = arith.index_cast %scan3A_244 : i32 to index
        %get3A_366 = arith.constant 96 : index
        %get3A_367 = tpu.vector_load %arg14[%get3A_365, %get3A_366] {strides = array<i32>} : memref<16x785xf32, #tpu.memory_space<vmem>>, vector<16xf32>,
        %get3A_368 = arith.index_cast %scan3A_244 : i32 to index
        %get3A_369 = arith.constant 96 : index
        %get3A_370 = tpu.vector_load %arg15[%get3A_368, %get3A_369] {strides = array<i32>} : memref<16x785xf32, #tpu.memory_space<vmem>>, vector<16xf32>,
        %get3A_371 = arith.constant 96 : index
        %get3A_372 = tpu.vector_load %arg10[%get3A_371] {strides = array<i32>} : memref<784xf32, #tpu.memory_space<vmem>>, vector<16xf32>,
        %get3A_373 = arith.constant 96 : index
        %get3A_374 = tpu.vector_load %arg11[%get3A_373] {strides = array<i32>} : memref<784xf32, #tpu.memory_space<vmem>>, vector<16xf32>,
        %mul3A_375 = arith.mulf %get3A_367, %get3A_372 : vector<16xf32>
        %add3A_376 = arith.addf %add3A_356, %mul3A_375 : vector<16xf32>
        %abs3A_377 = math.absf %get3A_367 : vector<16xf32>
        %mul3A_378 = arith.mulf %abs3A_377, %get3A_374 : vector<16xf32>
        %add3A_379 = arith.addf %add3A_359, %mul3A_378 : vector<16xf32>
        %mul3A_380 = arith.mulf %get3A_370, %get3A_372 : vector<16xf32>
        %add3A_381 = arith.addf %add3A_361, %mul3A_380 : vector<16xf32>
        %abs3A_382 = math.absf %get3A_370 : vector<16xf32>
        %mul3A_383 = arith.mulf %abs3A_382, %get3A_374 : vector<16xf32>
        %add3A_384 = arith.addf %add3A_364, %mul3A_383 : vector<16xf32>
        %get3A_385 = arith.index_cast %scan3A_244 : i32 to index
        %get3A_386 = arith.constant 112 : index
        %get3A_387 = tpu.vector_load %arg14[%get3A_385, %get3A_386] {strides = array<i32>} : memref<16x785xf32, #tpu.memory_space<vmem>>, vector<16xf32>,
        %get3A_388 = arith.index_cast %scan3A_244 : i32 to index
        %get3A_389 = arith.constant 112 : index
        %get3A_390 = tpu.vector_load %arg15[%get3A_388, %get3A_389] {strides = array<i32>} : memref<16x785xf32, #tpu.memory_space<vmem>>, vector<16xf32>,
        %get3A_391 = arith.constant 112 : index
        %get3A_392 = tpu.vector_load %arg10[%get3A_391] {strides = array<i32>} : memref<784xf32, #tpu.memory_space<vmem>>, vector<16xf32>,
        %get3A_393 = arith.constant 112 : index
        %get3A_394 = tpu.vector_load %arg11[%get3A_393] {strides = array<i32>} : memref<784xf32, #tpu.memory_space<vmem>>, vector<16xf32>,
        %mul3A_395 = arith.mulf %get3A_387, %get3A_392 : vector<16xf32>
        %add3A_396 = arith.addf %add3A_376, %mul3A_395 : vector<16xf32>
        %abs3A_397 = math.absf %get3A_387 : vector<16xf32>
        %mul3A_398 = arith.mulf %abs3A_397, %get3A_394 : vector<16xf32>
        %add3A_399 = arith.addf %add3A_379, %mul3A_398 : vector<16xf32>
        %mul3A_400 = arith.mulf %get3A_390, %get3A_392 : vector<16xf32>
        %add3A_401 = arith.addf %add3A_381, %mul3A_400 : vector<16xf32>
        %abs3A_402 = math.absf %get3A_390 : vector<16xf32>
        %mul3A_403 = arith.mulf %abs3A_402, %get3A_394 : vector<16xf32>
        %add3A_404 = arith.addf %add3A_384, %mul3A_403 : vector<16xf32>
        %get3A_405 = arith.index_cast %scan3A_244 : i32 to index
        %get3A_406 = arith.constant 128 : index
        %get3A_407 = tpu.vector_load %arg14[%get3A_405, %get3A_406] {strides = array<i32>} : memref<16x785xf32, #tpu.memory_space<vmem>>, vector<16xf32>,
        %get3A_408 = arith.index_cast %scan3A_244 : i32 to index
        %get3A_409 = arith.constant 128 : index
        %get3A_410 = tpu.vector_load %arg15[%get3A_408, %get3A_409] {strides = array<i32>} : memref<16x785xf32, #tpu.memory_space<vmem>>, vector<16xf32>,
        %get3A_411 = arith.constant 128 : index
        %get3A_412 = tpu.vector_load %arg10[%get3A_411] {strides = array<i32>} : memref<784xf32, #tpu.memory_space<vmem>>, vector<16xf32>,
        %get3A_413 = arith.constant 128 : index
        %get3A_414 = tpu.vector_load %arg11[%get3A_413] {strides = array<i32>} : memref<784xf32, #tpu.memory_space<vmem>>, vector<16xf32>,
        %mul3A_415 = arith.mulf %get3A_407, %get3A_412 : vector<16xf32>
        %add3A_416 = arith.addf %add3A_396, %mul3A_415 : vector<16xf32>
        %abs3A_417 = math.absf %get3A_407 : vector<16xf32>
        %mul3A_418 = arith.mulf %abs3A_417, %get3A_414 : vector<16xf32>
        %add3A_419 = arith.addf %add3A_399, %mul3A_418 : vector<16xf32>
        %mul3A_420 = arith.mulf %get3A_410, %get3A_412 : vector<16xf32>
        %add3A_421 = arith.addf %add3A_401, %mul3A_420 : vector<16xf32>
        %abs3A_422 = math.absf %get3A_410 : vector<16xf32>
        %mul3A_423 = arith.mulf %abs3A_422, %get3A_414 : vector<16xf32>
        %add3A_424 = arith.addf %add3A_404, %mul3A_423 : vector<16xf32>
        %get3A_425 = arith.index_cast %scan3A_244 : i32 to index
        %get3A_426 = arith.constant 144 : index
        %get3A_427 = tpu.vector_load %arg14[%get3A_425, %get3A_426] {strides = array<i32>} : memref<16x785xf32, #tpu.memory_space<vmem>>, vector<16xf32>,
        %get3A_428 = arith.index_cast %scan3A_244 : i32 to index
        %get3A_429 = arith.constant 144 : index
        %get3A_430 = tpu.vector_load %arg15[%get3A_428, %get3A_429] {strides = array<i32>} : memref<16x785xf32, #tpu.memory_space<vmem>>, vector<16xf32>,
        %get3A_431 = arith.constant 144 : index
        %get3A_432 = tpu.vector_load %arg10[%get3A_431] {strides = array<i32>} : memref<784xf32, #tpu.memory_space<vmem>>, vector<16xf32>,
        %get3A_433 = arith.constant 144 : index
        %get3A_434 = tpu.vector_load %arg11[%get3A_433] {strides = array<i32>} : memref<784xf32, #tpu.memory_space<vmem>>, vector<16xf32>,
        %mul3A_435 = arith.mulf %get3A_427, %get3A_432 : vector<16xf32>
        %add3A_436 = arith.addf %add3A_416, %mul3A_435 : vector<16xf32>
        %abs3A_437 = math.absf %get3A_427 : vector<16xf32>
        %mul3A_438 = arith.mulf %abs3A_437, %get3A_434 : vector<16xf32>
        %add3A_439 = arith.addf %add3A_419, %mul3A_438 : vector<16xf32>
        %mul3A_440 = arith.mulf %get3A_430, %get3A_432 : vector<16xf32>
        %add3A_441 = arith.addf %add3A_421, %mul3A_440 : vector<16xf32>
        %abs3A_442 = math.absf %get3A_430 : vector<16xf32>
        %mul3A_443 = arith.mulf %abs3A_442, %get3A_434 : vector<16xf32>
        %add3A_444 = arith.addf %add3A_424, %mul3A_443 : vector<16xf32>
        %get3A_445 = arith.index_cast %scan3A_244 : i32 to index
        %get3A_446 = arith.constant 160 : index
        %get3A_447 = tpu.vector_load %arg14[%get3A_445, %get3A_446] {strides = array<i32>} : memref<16x785xf32, #tpu.memory_space<vmem>>, vector<16xf32>,
        %get3A_448 = arith.index_cast %scan3A_244 : i32 to index
        %get3A_449 = arith.constant 160 : index
        %get3A_450 = tpu.vector_load %arg15[%get3A_448, %get3A_449] {strides = array<i32>} : memref<16x785xf32, #tpu.memory_space<vmem>>, vector<16xf32>,
        %get3A_451 = arith.constant 160 : index
        %get3A_452 = tpu.vector_load %arg10[%get3A_451] {strides = array<i32>} : memref<784xf32, #tpu.memory_space<vmem>>, vector<16xf32>,
        %get3A_453 = arith.constant 160 : index
        %get3A_454 = tpu.vector_load %arg11[%get3A_453] {strides = array<i32>} : memref<784xf32, #tpu.memory_space<vmem>>, vector<16xf32>,
        %mul3A_455 = arith.mulf %get3A_447, %get3A_452 : vector<16xf32>
        %add3A_456 = arith.addf %add3A_436, %mul3A_455 : vector<16xf32>
        %abs3A_457 = math.absf %get3A_447 : vector<16xf32>
        %mul3A_458 = arith.mulf %abs3A_457, %get3A_454 : vector<16xf32>
        %add3A_459 = arith.addf %add3A_439, %mul3A_458 : vector<16xf32>
        %mul3A_460 = arith.mulf %get3A_450, %get3A_452 : vector<16xf32>
        %add3A_461 = arith.addf %add3A_441, %mul3A_460 : vector<16xf32>
        %abs3A_462 = math.absf %get3A_450 : vector<16xf32>
        %mul3A_463 = arith.mulf %abs3A_462, %get3A_454 : vector<16xf32>
        %add3A_464 = arith.addf %add3A_444, %mul3A_463 : vector<16xf32>
        %get3A_465 = arith.index_cast %scan3A_244 : i32 to index
        %get3A_466 = arith.constant 176 : index
        %get3A_467 = tpu.vector_load %arg14[%get3A_465, %get3A_466] {strides = array<i32>} : memref<16x785xf32, #tpu.memory_space<vmem>>, vector<16xf32>,
        %get3A_468 = arith.index_cast %scan3A_244 : i32 to index
        %get3A_469 = arith.constant 176 : index
        %get3A_470 = tpu.vector_load %arg15[%get3A_468, %get3A_469] {strides = array<i32>} : memref<16x785xf32, #tpu.memory_space<vmem>>, vector<16xf32>,
        %get3A_471 = arith.constant 176 : index
        %get3A_472 = tpu.vector_load %arg10[%get3A_471] {strides = array<i32>} : memref<784xf32, #tpu.memory_space<vmem>>, vector<16xf32>,
        %get3A_473 = arith.constant 176 : index
        %get3A_474 = tpu.vector_load %arg11[%get3A_473] {strides = array<i32>} : memref<784xf32, #tpu.memory_space<vmem>>, vector<16xf32>,
        %mul3A_475 = arith.mulf %get3A_467, %get3A_472 : vector<16xf32>
        %add3A_476 = arith.addf %add3A_456, %mul3A_475 : vector<16xf32>
        %abs3A_477 = math.absf %get3A_467 : vector<16xf32>
        %mul3A_478 = arith.mulf %abs3A_477, %get3A_474 : vector<16xf32>
        %add3A_479 = arith.addf %add3A_459, %mul3A_478 : vector<16xf32>
        %mul3A_480 = arith.mulf %get3A_470, %get3A_472 : vector<16xf32>
        %add3A_481 = arith.addf %add3A_461, %mul3A_480 : vector<16xf32>
        %abs3A_482 = math.absf %get3A_470 : vector<16xf32>
        %mul3A_483 = arith.mulf %abs3A_482, %get3A_474 : vector<16xf32>
        %add3A_484 = arith.addf %add3A_464, %mul3A_483 : vector<16xf32>
        %get3A_485 = arith.index_cast %scan3A_244 : i32 to index
        %get3A_486 = arith.constant 192 : index
        %get3A_487 = tpu.vector_load %arg14[%get3A_485, %get3A_486] {strides = array<i32>} : memref<16x785xf32, #tpu.memory_space<vmem>>, vector<16xf32>,
        %get3A_488 = arith.index_cast %scan3A_244 : i32 to index
        %get3A_489 = arith.constant 192 : index
        %get3A_490 = tpu.vector_load %arg15[%get3A_488, %get3A_489] {strides = array<i32>} : memref<16x785xf32, #tpu.memory_space<vmem>>, vector<16xf32>,
        %get3A_491 = arith.constant 192 : index
        %get3A_492 = tpu.vector_load %arg10[%get3A_491] {strides = array<i32>} : memref<784xf32, #tpu.memory_space<vmem>>, vector<16xf32>,
        %get3A_493 = arith.constant 192 : index
        %get3A_494 = tpu.vector_load %arg11[%get3A_493] {strides = array<i32>} : memref<784xf32, #tpu.memory_space<vmem>>, vector<16xf32>,
        %mul3A_495 = arith.mulf %get3A_487, %get3A_492 : vector<16xf32>
        %add3A_496 = arith.addf %add3A_476, %mul3A_495 : vector<16xf32>
        %abs3A_497 = math.absf %get3A_487 : vector<16xf32>
        %mul3A_498 = arith.mulf %abs3A_497, %get3A_494 : vector<16xf32>
        %add3A_499 = arith.addf %add3A_479, %mul3A_498 : vector<16xf32>
        %mul3A_500 = arith.mulf %get3A_490, %get3A_492 : vector<16xf32>
        %add3A_501 = arith.addf %add3A_481, %mul3A_500 : vector<16xf32>
        %abs3A_502 = math.absf %get3A_490 : vector<16xf32>
        %mul3A_503 = arith.mulf %abs3A_502, %get3A_494 : vector<16xf32>
        %add3A_504 = arith.addf %add3A_484, %mul3A_503 : vector<16xf32>
        %get3A_505 = arith.index_cast %scan3A_244 : i32 to index
        %get3A_506 = arith.constant 208 : index
        %get3A_507 = tpu.vector_load %arg14[%get3A_505, %get3A_506] {strides = array<i32>} : memref<16x785xf32, #tpu.memory_space<vmem>>, vector<16xf32>,
        %get3A_508 = arith.index_cast %scan3A_244 : i32 to index
        %get3A_509 = arith.constant 208 : index
        %get3A_510 = tpu.vector_load %arg15[%get3A_508, %get3A_509] {strides = array<i32>} : memref<16x785xf32, #tpu.memory_space<vmem>>, vector<16xf32>,
        %get3A_511 = arith.constant 208 : index
        %get3A_512 = tpu.vector_load %arg10[%get3A_511] {strides = array<i32>} : memref<784xf32, #tpu.memory_space<vmem>>, vector<16xf32>,
        %get3A_513 = arith.constant 208 : index
        %get3A_514 = tpu.vector_load %arg11[%get3A_513] {strides = array<i32>} : memref<784xf32, #tpu.memory_space<vmem>>, vector<16xf32>,
        %mul3A_515 = arith.mulf %get3A_507, %get3A_512 : vector<16xf32>
        %add3A_516 = arith.addf %add3A_496, %mul3A_515 : vector<16xf32>
        %abs3A_517 = math.absf %get3A_507 : vector<16xf32>
        %mul3A_518 = arith.mulf %abs3A_517, %get3A_514 : vector<16xf32>
        %add3A_519 = arith.addf %add3A_499, %mul3A_518 : vector<16xf32>
        %mul3A_520 = arith.mulf %get3A_510, %get3A_512 : vector<16xf32>
        %add3A_521 = arith.addf %add3A_501, %mul3A_520 : vector<16xf32>
        %abs3A_522 = math.absf %get3A_510 : vector<16xf32>
        %mul3A_523 = arith.mulf %abs3A_522, %get3A_514 : vector<16xf32>
        %add3A_524 = arith.addf %add3A_504, %mul3A_523 : vector<16xf32>
        %get3A_525 = arith.index_cast %scan3A_244 : i32 to index
        %get3A_526 = arith.constant 224 : index
        %get3A_527 = tpu.vector_load %arg14[%get3A_525, %get3A_526] {strides = array<i32>} : memref<16x785xf32, #tpu.memory_space<vmem>>, vector<16xf32>,
        %get3A_528 = arith.index_cast %scan3A_244 : i32 to index
        %get3A_529 = arith.constant 224 : index
        %get3A_530 = tpu.vector_load %arg15[%get3A_528, %get3A_529] {strides = array<i32>} : memref<16x785xf32, #tpu.memory_space<vmem>>, vector<16xf32>,
        %get3A_531 = arith.constant 224 : index
        %get3A_532 = tpu.vector_load %arg10[%get3A_531] {strides = array<i32>} : memref<784xf32, #tpu.memory_space<vmem>>, vector<16xf32>,
        %get3A_533 = arith.constant 224 : index
        %get3A_534 = tpu.vector_load %arg11[%get3A_533] {strides = array<i32>} : memref<784xf32, #tpu.memory_space<vmem>>, vector<16xf32>,
        %mul3A_535 = arith.mulf %get3A_527, %get3A_532 : vector<16xf32>
        %add3A_536 = arith.addf %add3A_516, %mul3A_535 : vector<16xf32>
        %abs3A_537 = math.absf %get3A_527 : vector<16xf32>
        %mul3A_538 = arith.mulf %abs3A_537, %get3A_534 : vector<16xf32>
        %add3A_539 = arith.addf %add3A_519, %mul3A_538 : vector<16xf32>
        %mul3A_540 = arith.mulf %get3A_530, %get3A_532 : vector<16xf32>
        %add3A_541 = arith.addf %add3A_521, %mul3A_540 : vector<16xf32>
        %abs3A_542 = math.absf %get3A_530 : vector<16xf32>
        %mul3A_543 = arith.mulf %abs3A_542, %get3A_534 : vector<16xf32>
        %add3A_544 = arith.addf %add3A_524, %mul3A_543 : vector<16xf32>
        %get3A_545 = arith.index_cast %scan3A_244 : i32 to index
        %get3A_546 = arith.constant 240 : index
        %get3A_547 = tpu.vector_load %arg14[%get3A_545, %get3A_546] {strides = array<i32>} : memref<16x785xf32, #tpu.memory_space<vmem>>, vector<16xf32>,
        %get3A_548 = arith.index_cast %scan3A_244 : i32 to index
        %get3A_549 = arith.constant 240 : index
        %get3A_550 = tpu.vector_load %arg15[%get3A_548, %get3A_549] {strides = array<i32>} : memref<16x785xf32, #tpu.memory_space<vmem>>, vector<16xf32>,
        %get3A_551 = arith.constant 240 : index
        %get3A_552 = tpu.vector_load %arg10[%get3A_551] {strides = array<i32>} : memref<784xf32, #tpu.memory_space<vmem>>, vector<16xf32>,
        %get3A_553 = arith.constant 240 : index
        %get3A_554 = tpu.vector_load %arg11[%get3A_553] {strides = array<i32>} : memref<784xf32, #tpu.memory_space<vmem>>, vector<16xf32>,
        %mul3A_555 = arith.mulf %get3A_547, %get3A_552 : vector<16xf32>
        %add3A_556 = arith.addf %add3A_536, %mul3A_555 : vector<16xf32>
        %abs3A_557 = math.absf %get3A_547 : vector<16xf32>
        %mul3A_558 = arith.mulf %abs3A_557, %get3A_554 : vector<16xf32>
        %add3A_559 = arith.addf %add3A_539, %mul3A_558 : vector<16xf32>
        %mul3A_560 = arith.mulf %get3A_550, %get3A_552 : vector<16xf32>
        %add3A_561 = arith.addf %add3A_541, %mul3A_560 : vector<16xf32>
        %abs3A_562 = math.absf %get3A_550 : vector<16xf32>
        %mul3A_563 = arith.mulf %abs3A_562, %get3A_554 : vector<16xf32>
        %add3A_564 = arith.addf %add3A_544, %mul3A_563 : vector<16xf32>
        %get3A_565 = arith.index_cast %scan3A_244 : i32 to index
        %get3A_566 = arith.constant 256 : index
        %get3A_567 = tpu.vector_load %arg14[%get3A_565, %get3A_566] {strides = array<i32>} : memref<16x785xf32, #tpu.memory_space<vmem>>, vector<16xf32>,
        %get3A_568 = arith.index_cast %scan3A_244 : i32 to index
        %get3A_569 = arith.constant 256 : index
        %get3A_570 = tpu.vector_load %arg15[%get3A_568, %get3A_569] {strides = array<i32>} : memref<16x785xf32, #tpu.memory_space<vmem>>, vector<16xf32>,
        %get3A_571 = arith.constant 256 : index
        %get3A_572 = tpu.vector_load %arg10[%get3A_571] {strides = array<i32>} : memref<784xf32, #tpu.memory_space<vmem>>, vector<16xf32>,
        %get3A_573 = arith.constant 256 : index
        %get3A_574 = tpu.vector_load %arg11[%get3A_573] {strides = array<i32>} : memref<784xf32, #tpu.memory_space<vmem>>, vector<16xf32>,
        %mul3A_575 = arith.mulf %get3A_567, %get3A_572 : vector<16xf32>
        %add3A_576 = arith.addf %add3A_556, %mul3A_575 : vector<16xf32>
        %abs3A_577 = math.absf %get3A_567 : vector<16xf32>
        %mul3A_578 = arith.mulf %abs3A_577, %get3A_574 : vector<16xf32>
        %add3A_579 = arith.addf %add3A_559, %mul3A_578 : vector<16xf32>
        %mul3A_580 = arith.mulf %get3A_570, %get3A_572 : vector<16xf32>
        %add3A_581 = arith.addf %add3A_561, %mul3A_580 : vector<16xf32>
        %abs3A_582 = math.absf %get3A_570 : vector<16xf32>
        %mul3A_583 = arith.mulf %abs3A_582, %get3A_574 : vector<16xf32>
        %add3A_584 = arith.addf %add3A_564, %mul3A_583 : vector<16xf32>
        %get3A_585 = arith.index_cast %scan3A_244 : i32 to index
        %get3A_586 = arith.constant 272 : index
        %get3A_587 = tpu.vector_load %arg14[%get3A_585, %get3A_586] {strides = array<i32>} : memref<16x785xf32, #tpu.memory_space<vmem>>, vector<16xf32>,
        %get3A_588 = arith.index_cast %scan3A_244 : i32 to index
        %get3A_589 = arith.constant 272 : index
        %get3A_590 = tpu.vector_load %arg15[%get3A_588, %get3A_589] {strides = array<i32>} : memref<16x785xf32, #tpu.memory_space<vmem>>, vector<16xf32>,
        %get3A_591 = arith.constant 272 : index
        %get3A_592 = tpu.vector_load %arg10[%get3A_591] {strides = array<i32>} : memref<784xf32, #tpu.memory_space<vmem>>, vector<16xf32>,
        %get3A_593 = arith.constant 272 : index
        %get3A_594 = tpu.vector_load %arg11[%get3A_593] {strides = array<i32>} : memref<784xf32, #tpu.memory_space<vmem>>, vector<16xf32>,
        %mul3A_595 = arith.mulf %get3A_587, %get3A_592 : vector<16xf32>
        %add3A_596 = arith.addf %add3A_576, %mul3A_595 : vector<16xf32>
        %abs3A_597 = math.absf %get3A_587 : vector<16xf32>
        %mul3A_598 = arith.mulf %abs3A_597, %get3A_594 : vector<16xf32>
        %add3A_599 = arith.addf %add3A_579, %mul3A_598 : vector<16xf32>
        %mul3A_600 = arith.mulf %get3A_590, %get3A_592 : vector<16xf32>
        %add3A_601 = arith.addf %add3A_581, %mul3A_600 : vector<16xf32>
        %abs3A_602 = math.absf %get3A_590 : vector<16xf32>
        %mul3A_603 = arith.mulf %abs3A_602, %get3A_594 : vector<16xf32>
        %add3A_604 = arith.addf %add3A_584, %mul3A_603 : vector<16xf32>
        %get3A_605 = arith.index_cast %scan3A_244 : i32 to index
        %get3A_606 = arith.constant 288 : index
        %get3A_607 = tpu.vector_load %arg14[%get3A_605, %get3A_606] {strides = array<i32>} : memref<16x785xf32, #tpu.memory_space<vmem>>, vector<16xf32>,
        %get3A_608 = arith.index_cast %scan3A_244 : i32 to index
        %get3A_609 = arith.constant 288 : index
        %get3A_610 = tpu.vector_load %arg15[%get3A_608, %get3A_609] {strides = array<i32>} : memref<16x785xf32, #tpu.memory_space<vmem>>, vector<16xf32>,
        %get3A_611 = arith.constant 288 : index
        %get3A_612 = tpu.vector_load %arg10[%get3A_611] {strides = array<i32>} : memref<784xf32, #tpu.memory_space<vmem>>, vector<16xf32>,
        %get3A_613 = arith.constant 288 : index
        %get3A_614 = tpu.vector_load %arg11[%get3A_613] {strides = array<i32>} : memref<784xf32, #tpu.memory_space<vmem>>, vector<16xf32>,
        %mul3A_615 = arith.mulf %get3A_607, %get3A_612 : vector<16xf32>
        %add3A_616 = arith.addf %add3A_596, %mul3A_615 : vector<16xf32>
        %abs3A_617 = math.absf %get3A_607 : vector<16xf32>
        %mul3A_618 = arith.mulf %abs3A_617, %get3A_614 : vector<16xf32>
        %add3A_619 = arith.addf %add3A_599, %mul3A_618 : vector<16xf32>
        %mul3A_620 = arith.mulf %get3A_610, %get3A_612 : vector<16xf32>
        %add3A_621 = arith.addf %add3A_601, %mul3A_620 : vector<16xf32>
        %abs3A_622 = math.absf %get3A_610 : vector<16xf32>
        %mul3A_623 = arith.mulf %abs3A_622, %get3A_614 : vector<16xf32>
        %add3A_624 = arith.addf %add3A_604, %mul3A_623 : vector<16xf32>
        %get3A_625 = arith.index_cast %scan3A_244 : i32 to index
        %get3A_626 = arith.constant 304 : index
        %get3A_627 = tpu.vector_load %arg14[%get3A_625, %get3A_626] {strides = array<i32>} : memref<16x785xf32, #tpu.memory_space<vmem>>, vector<16xf32>,
        %get3A_628 = arith.index_cast %scan3A_244 : i32 to index
        %get3A_629 = arith.constant 304 : index
        %get3A_630 = tpu.vector_load %arg15[%get3A_628, %get3A_629] {strides = array<i32>} : memref<16x785xf32, #tpu.memory_space<vmem>>, vector<16xf32>,
        %get3A_631 = arith.constant 304 : index
        %get3A_632 = tpu.vector_load %arg10[%get3A_631] {strides = array<i32>} : memref<784xf32, #tpu.memory_space<vmem>>, vector<16xf32>,
        %get3A_633 = arith.constant 304 : index
        %get3A_634 = tpu.vector_load %arg11[%get3A_633] {strides = array<i32>} : memref<784xf32, #tpu.memory_space<vmem>>, vector<16xf32>,
        %mul3A_635 = arith.mulf %get3A_627, %get3A_632 : vector<16xf32>
        %add3A_636 = arith.addf %add3A_616, %mul3A_635 : vector<16xf32>
        %abs3A_637 = math.absf %get3A_627 : vector<16xf32>
        %mul3A_638 = arith.mulf %abs3A_637, %get3A_634 : vector<16xf32>
        %add3A_639 = arith.addf %add3A_619, %mul3A_638 : vector<16xf32>
        %mul3A_640 = arith.mulf %get3A_630, %get3A_632 : vector<16xf32>
        %add3A_641 = arith.addf %add3A_621, %mul3A_640 : vector<16xf32>
        %abs3A_642 = math.absf %get3A_630 : vector<16xf32>
        %mul3A_643 = arith.mulf %abs3A_642, %get3A_634 : vector<16xf32>
        %add3A_644 = arith.addf %add3A_624, %mul3A_643 : vector<16xf32>
        %get3A_645 = arith.index_cast %scan3A_244 : i32 to index
        %get3A_646 = arith.constant 320 : index
        %get3A_647 = tpu.vector_load %arg14[%get3A_645, %get3A_646] {strides = array<i32>} : memref<16x785xf32, #tpu.memory_space<vmem>>, vector<16xf32>,
        %get3A_648 = arith.index_cast %scan3A_244 : i32 to index
        %get3A_649 = arith.constant 320 : index
        %get3A_650 = tpu.vector_load %arg15[%get3A_648, %get3A_649] {strides = array<i32>} : memref<16x785xf32, #tpu.memory_space<vmem>>, vector<16xf32>,
        %get3A_651 = arith.constant 320 : index
        %get3A_652 = tpu.vector_load %arg10[%get3A_651] {strides = array<i32>} : memref<784xf32, #tpu.memory_space<vmem>>, vector<16xf32>,
        %get3A_653 = arith.constant 320 : index
        %get3A_654 = tpu.vector_load %arg11[%get3A_653] {strides = array<i32>} : memref<784xf32, #tpu.memory_space<vmem>>, vector<16xf32>,
        %mul3A_655 = arith.mulf %get3A_647, %get3A_652 : vector<16xf32>
        %add3A_656 = arith.addf %add3A_636, %mul3A_655 : vector<16xf32>
        %abs3A_657 = math.absf %get3A_647 : vector<16xf32>
        %mul3A_658 = arith.mulf %abs3A_657, %get3A_654 : vector<16xf32>
        %add3A_659 = arith.addf %add3A_639, %mul3A_658 : vector<16xf32>
        %mul3A_660 = arith.mulf %get3A_650, %get3A_652 : vector<16xf32>
        %add3A_661 = arith.addf %add3A_641, %mul3A_660 : vector<16xf32>
        %abs3A_662 = math.absf %get3A_650 : vector<16xf32>
        %mul3A_663 = arith.mulf %abs3A_662, %get3A_654 : vector<16xf32>
        %add3A_664 = arith.addf %add3A_644, %mul3A_663 : vector<16xf32>
        %get3A_665 = arith.index_cast %scan3A_244 : i32 to index
        %get3A_666 = arith.constant 336 : index
        %get3A_667 = tpu.vector_load %arg14[%get3A_665, %get3A_666] {strides = array<i32>} : memref<16x785xf32, #tpu.memory_space<vmem>>, vector<16xf32>,
        %get3A_668 = arith.index_cast %scan3A_244 : i32 to index
        %get3A_669 = arith.constant 336 : index
        %get3A_670 = tpu.vector_load %arg15[%get3A_668, %get3A_669] {strides = array<i32>} : memref<16x785xf32, #tpu.memory_space<vmem>>, vector<16xf32>,
        %get3A_671 = arith.constant 336 : index
        %get3A_672 = tpu.vector_load %arg10[%get3A_671] {strides = array<i32>} : memref<784xf32, #tpu.memory_space<vmem>>, vector<16xf32>,
        %get3A_673 = arith.constant 336 : index
        %get3A_674 = tpu.vector_load %arg11[%get3A_673] {strides = array<i32>} : memref<784xf32, #tpu.memory_space<vmem>>, vector<16xf32>,
        %mul3A_675 = arith.mulf %get3A_667, %get3A_672 : vector<16xf32>
        %add3A_676 = arith.addf %add3A_656, %mul3A_675 : vector<16xf32>
        %abs3A_677 = math.absf %get3A_667 : vector<16xf32>
        %mul3A_678 = arith.mulf %abs3A_677, %get3A_674 : vector<16xf32>
        %add3A_679 = arith.addf %add3A_659, %mul3A_678 : vector<16xf32>
        %mul3A_680 = arith.mulf %get3A_670, %get3A_672 : vector<16xf32>
        %add3A_681 = arith.addf %add3A_661, %mul3A_680 : vector<16xf32>
        %abs3A_682 = math.absf %get3A_670 : vector<16xf32>
        %mul3A_683 = arith.mulf %abs3A_682, %get3A_674 : vector<16xf32>
        %add3A_684 = arith.addf %add3A_664, %mul3A_683 : vector<16xf32>
        %get3A_685 = arith.index_cast %scan3A_244 : i32 to index
        %get3A_686 = arith.constant 352 : index
        %get3A_687 = tpu.vector_load %arg14[%get3A_685, %get3A_686] {strides = array<i32>} : memref<16x785xf32, #tpu.memory_space<vmem>>, vector<16xf32>,
        %get3A_688 = arith.index_cast %scan3A_244 : i32 to index
        %get3A_689 = arith.constant 352 : index
        %get3A_690 = tpu.vector_load %arg15[%get3A_688, %get3A_689] {strides = array<i32>} : memref<16x785xf32, #tpu.memory_space<vmem>>, vector<16xf32>,
        %get3A_691 = arith.constant 352 : index
        %get3A_692 = tpu.vector_load %arg10[%get3A_691] {strides = array<i32>} : memref<784xf32, #tpu.memory_space<vmem>>, vector<16xf32>,
        %get3A_693 = arith.constant 352 : index
        %get3A_694 = tpu.vector_load %arg11[%get3A_693] {strides = array<i32>} : memref<784xf32, #tpu.memory_space<vmem>>, vector<16xf32>,
        %mul3A_695 = arith.mulf %get3A_687, %get3A_692 : vector<16xf32>
        %add3A_696 = arith.addf %add3A_676, %mul3A_695 : vector<16xf32>
        %abs3A_697 = math.absf %get3A_687 : vector<16xf32>
        %mul3A_698 = arith.mulf %abs3A_697, %get3A_694 : vector<16xf32>
        %add3A_699 = arith.addf %add3A_679, %mul3A_698 : vector<16xf32>
        %mul3A_700 = arith.mulf %get3A_690, %get3A_692 : vector<16xf32>
        %add3A_701 = arith.addf %add3A_681, %mul3A_700 : vector<16xf32>
        %abs3A_702 = math.absf %get3A_690 : vector<16xf32>
        %mul3A_703 = arith.mulf %abs3A_702, %get3A_694 : vector<16xf32>
        %add3A_704 = arith.addf %add3A_684, %mul3A_703 : vector<16xf32>
        %get3A_705 = arith.index_cast %scan3A_244 : i32 to index
        %get3A_706 = arith.constant 368 : index
        %get3A_707 = tpu.vector_load %arg14[%get3A_705, %get3A_706] {strides = array<i32>} : memref<16x785xf32, #tpu.memory_space<vmem>>, vector<16xf32>,
        %get3A_708 = arith.index_cast %scan3A_244 : i32 to index
        %get3A_709 = arith.constant 368 : index
        %get3A_710 = tpu.vector_load %arg15[%get3A_708, %get3A_709] {strides = array<i32>} : memref<16x785xf32, #tpu.memory_space<vmem>>, vector<16xf32>,
        %get3A_711 = arith.constant 368 : index
        %get3A_712 = tpu.vector_load %arg10[%get3A_711] {strides = array<i32>} : memref<784xf32, #tpu.memory_space<vmem>>, vector<16xf32>,
        %get3A_713 = arith.constant 368 : index
        %get3A_714 = tpu.vector_load %arg11[%get3A_713] {strides = array<i32>} : memref<784xf32, #tpu.memory_space<vmem>>, vector<16xf32>,
        %mul3A_715 = arith.mulf %get3A_707, %get3A_712 : vector<16xf32>
        %add3A_716 = arith.addf %add3A_696, %mul3A_715 : vector<16xf32>
        %abs3A_717 = math.absf %get3A_707 : vector<16xf32>
        %mul3A_718 = arith.mulf %abs3A_717, %get3A_714 : vector<16xf32>
        %add3A_719 = arith.addf %add3A_699, %mul3A_718 : vector<16xf32>
        %mul3A_720 = arith.mulf %get3A_710, %get3A_712 : vector<16xf32>
        %add3A_721 = arith.addf %add3A_701, %mul3A_720 : vector<16xf32>
        %abs3A_722 = math.absf %get3A_710 : vector<16xf32>
        %mul3A_723 = arith.mulf %abs3A_722, %get3A_714 : vector<16xf32>
        %add3A_724 = arith.addf %add3A_704, %mul3A_723 : vector<16xf32>
        %get3A_725 = arith.index_cast %scan3A_244 : i32 to index
        %get3A_726 = arith.constant 384 : index
        %get3A_727 = tpu.vector_load %arg14[%get3A_725, %get3A_726] {strides = array<i32>} : memref<16x785xf32, #tpu.memory_space<vmem>>, vector<16xf32>,
        %get3A_728 = arith.index_cast %scan3A_244 : i32 to index
        %get3A_729 = arith.constant 384 : index
        %get3A_730 = tpu.vector_load %arg15[%get3A_728, %get3A_729] {strides = array<i32>} : memref<16x785xf32, #tpu.memory_space<vmem>>, vector<16xf32>,
        %get3A_731 = arith.constant 384 : index
        %get3A_732 = tpu.vector_load %arg10[%get3A_731] {strides = array<i32>} : memref<784xf32, #tpu.memory_space<vmem>>, vector<16xf32>,
        %get3A_733 = arith.constant 384 : index
        %get3A_734 = tpu.vector_load %arg11[%get3A_733] {strides = array<i32>} : memref<784xf32, #tpu.memory_space<vmem>>, vector<16xf32>,
        %mul3A_735 = arith.mulf %get3A_727, %get3A_732 : vector<16xf32>
        %add3A_736 = arith.addf %add3A_716, %mul3A_735 : vector<16xf32>
        %abs3A_737 = math.absf %get3A_727 : vector<16xf32>
        %mul3A_738 = arith.mulf %abs3A_737, %get3A_734 : vector<16xf32>
        %add3A_739 = arith.addf %add3A_719, %mul3A_738 : vector<16xf32>
        %mul3A_740 = arith.mulf %get3A_730, %get3A_732 : vector<16xf32>
        %add3A_741 = arith.addf %add3A_721, %mul3A_740 : vector<16xf32>
        %abs3A_742 = math.absf %get3A_730 : vector<16xf32>
        %mul3A_743 = arith.mulf %abs3A_742, %get3A_734 : vector<16xf32>
        %add3A_744 = arith.addf %add3A_724, %mul3A_743 : vector<16xf32>
        %get3A_745 = arith.index_cast %scan3A_244 : i32 to index
        %get3A_746 = arith.constant 400 : index
        %get3A_747 = tpu.vector_load %arg14[%get3A_745, %get3A_746] {strides = array<i32>} : memref<16x785xf32, #tpu.memory_space<vmem>>, vector<16xf32>,
        %get3A_748 = arith.index_cast %scan3A_244 : i32 to index
        %get3A_749 = arith.constant 400 : index
        %get3A_750 = tpu.vector_load %arg15[%get3A_748, %get3A_749] {strides = array<i32>} : memref<16x785xf32, #tpu.memory_space<vmem>>, vector<16xf32>,
        %get3A_751 = arith.constant 400 : index
        %get3A_752 = tpu.vector_load %arg10[%get3A_751] {strides = array<i32>} : memref<784xf32, #tpu.memory_space<vmem>>, vector<16xf32>,
        %get3A_753 = arith.constant 400 : index
        %get3A_754 = tpu.vector_load %arg11[%get3A_753] {strides = array<i32>} : memref<784xf32, #tpu.memory_space<vmem>>, vector<16xf32>,
        %mul3A_755 = arith.mulf %get3A_747, %get3A_752 : vector<16xf32>
        %add3A_756 = arith.addf %add3A_736, %mul3A_755 : vector<16xf32>
        %abs3A_757 = math.absf %get3A_747 : vector<16xf32>
        %mul3A_758 = arith.mulf %abs3A_757, %get3A_754 : vector<16xf32>
        %add3A_759 = arith.addf %add3A_739, %mul3A_758 : vector<16xf32>
        %mul3A_760 = arith.mulf %get3A_750, %get3A_752 : vector<16xf32>
        %add3A_761 = arith.addf %add3A_741, %mul3A_760 : vector<16xf32>
        %abs3A_762 = math.absf %get3A_750 : vector<16xf32>
        %mul3A_763 = arith.mulf %abs3A_762, %get3A_754 : vector<16xf32>
        %add3A_764 = arith.addf %add3A_744, %mul3A_763 : vector<16xf32>
        %get3A_765 = arith.index_cast %scan3A_244 : i32 to index
        %get3A_766 = arith.constant 416 : index
        %get3A_767 = tpu.vector_load %arg14[%get3A_765, %get3A_766] {strides = array<i32>} : memref<16x785xf32, #tpu.memory_space<vmem>>, vector<16xf32>,
        %get3A_768 = arith.index_cast %scan3A_244 : i32 to index
        %get3A_769 = arith.constant 416 : index
        %get3A_770 = tpu.vector_load %arg15[%get3A_768, %get3A_769] {strides = array<i32>} : memref<16x785xf32, #tpu.memory_space<vmem>>, vector<16xf32>,
        %get3A_771 = arith.constant 416 : index
        %get3A_772 = tpu.vector_load %arg10[%get3A_771] {strides = array<i32>} : memref<784xf32, #tpu.memory_space<vmem>>, vector<16xf32>,
        %get3A_773 = arith.constant 416 : index
        %get3A_774 = tpu.vector_load %arg11[%get3A_773] {strides = array<i32>} : memref<784xf32, #tpu.memory_space<vmem>>, vector<16xf32>,
        %mul3A_775 = arith.mulf %get3A_767, %get3A_772 : vector<16xf32>
        %add3A_776 = arith.addf %add3A_756, %mul3A_775 : vector<16xf32>
        %abs3A_777 = math.absf %get3A_767 : vector<16xf32>
        %mul3A_778 = arith.mulf %abs3A_777, %get3A_774 : vector<16xf32>
        %add3A_779 = arith.addf %add3A_759, %mul3A_778 : vector<16xf32>
        %mul3A_780 = arith.mulf %get3A_770, %get3A_772 : vector<16xf32>
        %add3A_781 = arith.addf %add3A_761, %mul3A_780 : vector<16xf32>
        %abs3A_782 = math.absf %get3A_770 : vector<16xf32>
        %mul3A_783 = arith.mulf %abs3A_782, %get3A_774 : vector<16xf32>
        %add3A_784 = arith.addf %add3A_764, %mul3A_783 : vector<16xf32>
        %get3A_785 = arith.index_cast %scan3A_244 : i32 to index
        %get3A_786 = arith.constant 432 : index
        %get3A_787 = tpu.vector_load %arg14[%get3A_785, %get3A_786] {strides = array<i32>} : memref<16x785xf32, #tpu.memory_space<vmem>>, vector<16xf32>,
        %get3A_788 = arith.index_cast %scan3A_244 : i32 to index
        %get3A_789 = arith.constant 432 : index
        %get3A_790 = tpu.vector_load %arg15[%get3A_788, %get3A_789] {strides = array<i32>} : memref<16x785xf32, #tpu.memory_space<vmem>>, vector<16xf32>,
        %get3A_791 = arith.constant 432 : index
        %get3A_792 = tpu.vector_load %arg10[%get3A_791] {strides = array<i32>} : memref<784xf32, #tpu.memory_space<vmem>>, vector<16xf32>,
        %get3A_793 = arith.constant 432 : index
        %get3A_794 = tpu.vector_load %arg11[%get3A_793] {strides = array<i32>} : memref<784xf32, #tpu.memory_space<vmem>>, vector<16xf32>,
        %mul3A_795 = arith.mulf %get3A_787, %get3A_792 : vector<16xf32>
        %add3A_796 = arith.addf %add3A_776, %mul3A_795 : vector<16xf32>
        %abs3A_797 = math.absf %get3A_787 : vector<16xf32>
        %mul3A_798 = arith.mulf %abs3A_797, %get3A_794 : vector<16xf32>
        %add3A_799 = arith.addf %add3A_779, %mul3A_798 : vector<16xf32>
        %mul3A_800 = arith.mulf %get3A_790, %get3A_792 : vector<16xf32>
        %add3A_801 = arith.addf %add3A_781, %mul3A_800 : vector<16xf32>
        %abs3A_802 = math.absf %get3A_790 : vector<16xf32>
        %mul3A_803 = arith.mulf %abs3A_802, %get3A_794 : vector<16xf32>
        %add3A_804 = arith.addf %add3A_784, %mul3A_803 : vector<16xf32>
        %get3A_805 = arith.index_cast %scan3A_244 : i32 to index
        %get3A_806 = arith.constant 448 : index
        %get3A_807 = tpu.vector_load %arg14[%get3A_805, %get3A_806] {strides = array<i32>} : memref<16x785xf32, #tpu.memory_space<vmem>>, vector<16xf32>,
        %get3A_808 = arith.index_cast %scan3A_244 : i32 to index
        %get3A_809 = arith.constant 448 : index
        %get3A_810 = tpu.vector_load %arg15[%get3A_808, %get3A_809] {strides = array<i32>} : memref<16x785xf32, #tpu.memory_space<vmem>>, vector<16xf32>,
        %get3A_811 = arith.constant 448 : index
        %get3A_812 = tpu.vector_load %arg10[%get3A_811] {strides = array<i32>} : memref<784xf32, #tpu.memory_space<vmem>>, vector<16xf32>,
        %get3A_813 = arith.constant 448 : index
        %get3A_814 = tpu.vector_load %arg11[%get3A_813] {strides = array<i32>} : memref<784xf32, #tpu.memory_space<vmem>>, vector<16xf32>,
        %mul3A_815 = arith.mulf %get3A_807, %get3A_812 : vector<16xf32>
        %add3A_816 = arith.addf %add3A_796, %mul3A_815 : vector<16xf32>
        %abs3A_817 = math.absf %get3A_807 : vector<16xf32>
        %mul3A_818 = arith.mulf %abs3A_817, %get3A_814 : vector<16xf32>
        %add3A_819 = arith.addf %add3A_799, %mul3A_818 : vector<16xf32>
        %mul3A_820 = arith.mulf %get3A_810, %get3A_812 : vector<16xf32>
        %add3A_821 = arith.addf %add3A_801, %mul3A_820 : vector<16xf32>
        %abs3A_822 = math.absf %get3A_810 : vector<16xf32>
        %mul3A_823 = arith.mulf %abs3A_822, %get3A_814 : vector<16xf32>
        %add3A_824 = arith.addf %add3A_804, %mul3A_823 : vector<16xf32>
        %get3A_825 = arith.index_cast %scan3A_244 : i32 to index
        %get3A_826 = arith.constant 464 : index
        %get3A_827 = tpu.vector_load %arg14[%get3A_825, %get3A_826] {strides = array<i32>} : memref<16x785xf32, #tpu.memory_space<vmem>>, vector<16xf32>,
        %get3A_828 = arith.index_cast %scan3A_244 : i32 to index
        %get3A_829 = arith.constant 464 : index
        %get3A_830 = tpu.vector_load %arg15[%get3A_828, %get3A_829] {strides = array<i32>} : memref<16x785xf32, #tpu.memory_space<vmem>>, vector<16xf32>,
        %get3A_831 = arith.constant 464 : index
        %get3A_832 = tpu.vector_load %arg10[%get3A_831] {strides = array<i32>} : memref<784xf32, #tpu.memory_space<vmem>>, vector<16xf32>,
        %get3A_833 = arith.constant 464 : index
        %get3A_834 = tpu.vector_load %arg11[%get3A_833] {strides = array<i32>} : memref<784xf32, #tpu.memory_space<vmem>>, vector<16xf32>,
        %mul3A_835 = arith.mulf %get3A_827, %get3A_832 : vector<16xf32>
        %add3A_836 = arith.addf %add3A_816, %mul3A_835 : vector<16xf32>
        %abs3A_837 = math.absf %get3A_827 : vector<16xf32>
        %mul3A_838 = arith.mulf %abs3A_837, %get3A_834 : vector<16xf32>
        %add3A_839 = arith.addf %add3A_819, %mul3A_838 : vector<16xf32>
        %mul3A_840 = arith.mulf %get3A_830, %get3A_832 : vector<16xf32>
        %add3A_841 = arith.addf %add3A_821, %mul3A_840 : vector<16xf32>
        %abs3A_842 = math.absf %get3A_830 : vector<16xf32>
        %mul3A_843 = arith.mulf %abs3A_842, %get3A_834 : vector<16xf32>
        %add3A_844 = arith.addf %add3A_824, %mul3A_843 : vector<16xf32>
        %get3A_845 = arith.index_cast %scan3A_244 : i32 to index
        %get3A_846 = arith.constant 480 : index
        %get3A_847 = tpu.vector_load %arg14[%get3A_845, %get3A_846] {strides = array<i32>} : memref<16x785xf32, #tpu.memory_space<vmem>>, vector<16xf32>,
        %get3A_848 = arith.index_cast %scan3A_244 : i32 to index
        %get3A_849 = arith.constant 480 : index
        %get3A_850 = tpu.vector_load %arg15[%get3A_848, %get3A_849] {strides = array<i32>} : memref<16x785xf32, #tpu.memory_space<vmem>>, vector<16xf32>,
        %get3A_851 = arith.constant 480 : index
        %get3A_852 = tpu.vector_load %arg10[%get3A_851] {strides = array<i32>} : memref<784xf32, #tpu.memory_space<vmem>>, vector<16xf32>,
        %get3A_853 = arith.constant 480 : index
        %get3A_854 = tpu.vector_load %arg11[%get3A_853] {strides = array<i32>} : memref<784xf32, #tpu.memory_space<vmem>>, vector<16xf32>,
        %mul3A_855 = arith.mulf %get3A_847, %get3A_852 : vector<16xf32>
        %add3A_856 = arith.addf %add3A_836, %mul3A_855 : vector<16xf32>
        %abs3A_857 = math.absf %get3A_847 : vector<16xf32>
        %mul3A_858 = arith.mulf %abs3A_857, %get3A_854 : vector<16xf32>
        %add3A_859 = arith.addf %add3A_839, %mul3A_858 : vector<16xf32>
        %mul3A_860 = arith.mulf %get3A_850, %get3A_852 : vector<16xf32>
        %add3A_861 = arith.addf %add3A_841, %mul3A_860 : vector<16xf32>
        %abs3A_862 = math.absf %get3A_850 : vector<16xf32>
        %mul3A_863 = arith.mulf %abs3A_862, %get3A_854 : vector<16xf32>
        %add3A_864 = arith.addf %add3A_844, %mul3A_863 : vector<16xf32>
        %get3A_865 = arith.index_cast %scan3A_244 : i32 to index
        %get3A_866 = arith.constant 496 : index
        %get3A_867 = tpu.vector_load %arg14[%get3A_865, %get3A_866] {strides = array<i32>} : memref<16x785xf32, #tpu.memory_space<vmem>>, vector<16xf32>,
        %get3A_868 = arith.index_cast %scan3A_244 : i32 to index
        %get3A_869 = arith.constant 496 : index
        %get3A_870 = tpu.vector_load %arg15[%get3A_868, %get3A_869] {strides = array<i32>} : memref<16x785xf32, #tpu.memory_space<vmem>>, vector<16xf32>,
        %get3A_871 = arith.constant 496 : index
        %get3A_872 = tpu.vector_load %arg10[%get3A_871] {strides = array<i32>} : memref<784xf32, #tpu.memory_space<vmem>>, vector<16xf32>,
        %get3A_873 = arith.constant 496 : index
        %get3A_874 = tpu.vector_load %arg11[%get3A_873] {strides = array<i32>} : memref<784xf32, #tpu.memory_space<vmem>>, vector<16xf32>,
        %mul3A_875 = arith.mulf %get3A_867, %get3A_872 : vector<16xf32>
        %add3A_876 = arith.addf %add3A_856, %mul3A_875 : vector<16xf32>
        %abs3A_877 = math.absf %get3A_867 : vector<16xf32>
        %mul3A_878 = arith.mulf %abs3A_877, %get3A_874 : vector<16xf32>
        %add3A_879 = arith.addf %add3A_859, %mul3A_878 : vector<16xf32>
        %mul3A_880 = arith.mulf %get3A_870, %get3A_872 : vector<16xf32>
        %add3A_881 = arith.addf %add3A_861, %mul3A_880 : vector<16xf32>
        %abs3A_882 = math.absf %get3A_870 : vector<16xf32>
        %mul3A_883 = arith.mulf %abs3A_882, %get3A_874 : vector<16xf32>
        %add3A_884 = arith.addf %add3A_864, %mul3A_883 : vector<16xf32>
        %get3A_885 = arith.index_cast %scan3A_244 : i32 to index
        %get3A_886 = arith.constant 512 : index
        %get3A_887 = tpu.vector_load %arg14[%get3A_885, %get3A_886] {strides = array<i32>} : memref<16x785xf32, #tpu.memory_space<vmem>>, vector<16xf32>,
        %get3A_888 = arith.index_cast %scan3A_244 : i32 to index
        %get3A_889 = arith.constant 512 : index
        %get3A_890 = tpu.vector_load %arg15[%get3A_888, %get3A_889] {strides = array<i32>} : memref<16x785xf32, #tpu.memory_space<vmem>>, vector<16xf32>,
        %get3A_891 = arith.constant 512 : index
        %get3A_892 = tpu.vector_load %arg10[%get3A_891] {strides = array<i32>} : memref<784xf32, #tpu.memory_space<vmem>>, vector<16xf32>,
        %get3A_893 = arith.constant 512 : index
        %get3A_894 = tpu.vector_load %arg11[%get3A_893] {strides = array<i32>} : memref<784xf32, #tpu.memory_space<vmem>>, vector<16xf32>,
        %mul3A_895 = arith.mulf %get3A_887, %get3A_892 : vector<16xf32>
        %add3A_896 = arith.addf %add3A_876, %mul3A_895 : vector<16xf32>
        %abs3A_897 = math.absf %get3A_887 : vector<16xf32>
        %mul3A_898 = arith.mulf %abs3A_897, %get3A_894 : vector<16xf32>
        %add3A_899 = arith.addf %add3A_879, %mul3A_898 : vector<16xf32>
        %mul3A_900 = arith.mulf %get3A_890, %get3A_892 : vector<16xf32>
        %add3A_901 = arith.addf %add3A_881, %mul3A_900 : vector<16xf32>
        %abs3A_902 = math.absf %get3A_890 : vector<16xf32>
        %mul3A_903 = arith.mulf %abs3A_902, %get3A_894 : vector<16xf32>
        %add3A_904 = arith.addf %add3A_884, %mul3A_903 : vector<16xf32>
        %get3A_905 = arith.index_cast %scan3A_244 : i32 to index
        %get3A_906 = arith.constant 528 : index
        %get3A_907 = tpu.vector_load %arg14[%get3A_905, %get3A_906] {strides = array<i32>} : memref<16x785xf32, #tpu.memory_space<vmem>>, vector<16xf32>,
        %get3A_908 = arith.index_cast %scan3A_244 : i32 to index
        %get3A_909 = arith.constant 528 : index
        %get3A_910 = tpu.vector_load %arg15[%get3A_908, %get3A_909] {strides = array<i32>} : memref<16x785xf32, #tpu.memory_space<vmem>>, vector<16xf32>,
        %get3A_911 = arith.constant 528 : index
        %get3A_912 = tpu.vector_load %arg10[%get3A_911] {strides = array<i32>} : memref<784xf32, #tpu.memory_space<vmem>>, vector<16xf32>,
        %get3A_913 = arith.constant 528 : index
        %get3A_914 = tpu.vector_load %arg11[%get3A_913] {strides = array<i32>} : memref<784xf32, #tpu.memory_space<vmem>>, vector<16xf32>,
        %mul3A_915 = arith.mulf %get3A_907, %get3A_912 : vector<16xf32>
        %add3A_916 = arith.addf %add3A_896, %mul3A_915 : vector<16xf32>
        %abs3A_917 = math.absf %get3A_907 : vector<16xf32>
        %mul3A_918 = arith.mulf %abs3A_917, %get3A_914 : vector<16xf32>
        %add3A_919 = arith.addf %add3A_899, %mul3A_918 : vector<16xf32>
        %mul3A_920 = arith.mulf %get3A_910, %get3A_912 : vector<16xf32>
        %add3A_921 = arith.addf %add3A_901, %mul3A_920 : vector<16xf32>
        %abs3A_922 = math.absf %get3A_910 : vector<16xf32>
        %mul3A_923 = arith.mulf %abs3A_922, %get3A_914 : vector<16xf32>
        %add3A_924 = arith.addf %add3A_904, %mul3A_923 : vector<16xf32>
        %get3A_925 = arith.index_cast %scan3A_244 : i32 to index
        %get3A_926 = arith.constant 544 : index
        %get3A_927 = tpu.vector_load %arg14[%get3A_925, %get3A_926] {strides = array<i32>} : memref<16x785xf32, #tpu.memory_space<vmem>>, vector<16xf32>,
        %get3A_928 = arith.index_cast %scan3A_244 : i32 to index
        %get3A_929 = arith.constant 544 : index
        %get3A_930 = tpu.vector_load %arg15[%get3A_928, %get3A_929] {strides = array<i32>} : memref<16x785xf32, #tpu.memory_space<vmem>>, vector<16xf32>,
        %get3A_931 = arith.constant 544 : index
        %get3A_932 = tpu.vector_load %arg10[%get3A_931] {strides = array<i32>} : memref<784xf32, #tpu.memory_space<vmem>>, vector<16xf32>,
        %get3A_933 = arith.constant 544 : index
        %get3A_934 = tpu.vector_load %arg11[%get3A_933] {strides = array<i32>} : memref<784xf32, #tpu.memory_space<vmem>>, vector<16xf32>,
        %mul3A_935 = arith.mulf %get3A_927, %get3A_932 : vector<16xf32>
        %add3A_936 = arith.addf %add3A_916, %mul3A_935 : vector<16xf32>
        %abs3A_937 = math.absf %get3A_927 : vector<16xf32>
        %mul3A_938 = arith.mulf %abs3A_937, %get3A_934 : vector<16xf32>
        %add3A_939 = arith.addf %add3A_919, %mul3A_938 : vector<16xf32>
        %mul3A_940 = arith.mulf %get3A_930, %get3A_932 : vector<16xf32>
        %add3A_941 = arith.addf %add3A_921, %mul3A_940 : vector<16xf32>
        %abs3A_942 = math.absf %get3A_930 : vector<16xf32>
        %mul3A_943 = arith.mulf %abs3A_942, %get3A_934 : vector<16xf32>
        %add3A_944 = arith.addf %add3A_924, %mul3A_943 : vector<16xf32>
        %get3A_945 = arith.index_cast %scan3A_244 : i32 to index
        %get3A_946 = arith.constant 560 : index
        %get3A_947 = tpu.vector_load %arg14[%get3A_945, %get3A_946] {strides = array<i32>} : memref<16x785xf32, #tpu.memory_space<vmem>>, vector<16xf32>,
        %get3A_948 = arith.index_cast %scan3A_244 : i32 to index
        %get3A_949 = arith.constant 560 : index
        %get3A_950 = tpu.vector_load %arg15[%get3A_948, %get3A_949] {strides = array<i32>} : memref<16x785xf32, #tpu.memory_space<vmem>>, vector<16xf32>,
        %get3A_951 = arith.constant 560 : index
        %get3A_952 = tpu.vector_load %arg10[%get3A_951] {strides = array<i32>} : memref<784xf32, #tpu.memory_space<vmem>>, vector<16xf32>,
        %get3A_953 = arith.constant 560 : index
        %get3A_954 = tpu.vector_load %arg11[%get3A_953] {strides = array<i32>} : memref<784xf32, #tpu.memory_space<vmem>>, vector<16xf32>,
        %mul3A_955 = arith.mulf %get3A_947, %get3A_952 : vector<16xf32>
        %add3A_956 = arith.addf %add3A_936, %mul3A_955 : vector<16xf32>
        %abs3A_957 = math.absf %get3A_947 : vector<16xf32>
        %mul3A_958 = arith.mulf %abs3A_957, %get3A_954 : vector<16xf32>
        %add3A_959 = arith.addf %add3A_939, %mul3A_958 : vector<16xf32>
        %mul3A_960 = arith.mulf %get3A_950, %get3A_952 : vector<16xf32>
        %add3A_961 = arith.addf %add3A_941, %mul3A_960 : vector<16xf32>
        %abs3A_962 = math.absf %get3A_950 : vector<16xf32>
        %mul3A_963 = arith.mulf %abs3A_962, %get3A_954 : vector<16xf32>
        %add3A_964 = arith.addf %add3A_944, %mul3A_963 : vector<16xf32>
        %get3A_965 = arith.index_cast %scan3A_244 : i32 to index
        %get3A_966 = arith.constant 576 : index
        %get3A_967 = tpu.vector_load %arg14[%get3A_965, %get3A_966] {strides = array<i32>} : memref<16x785xf32, #tpu.memory_space<vmem>>, vector<16xf32>,
        %get3A_968 = arith.index_cast %scan3A_244 : i32 to index
        %get3A_969 = arith.constant 576 : index
        %get3A_970 = tpu.vector_load %arg15[%get3A_968, %get3A_969] {strides = array<i32>} : memref<16x785xf32, #tpu.memory_space<vmem>>, vector<16xf32>,
        %get3A_971 = arith.constant 576 : index
        %get3A_972 = tpu.vector_load %arg10[%get3A_971] {strides = array<i32>} : memref<784xf32, #tpu.memory_space<vmem>>, vector<16xf32>,
        %get3A_973 = arith.constant 576 : index
        %get3A_974 = tpu.vector_load %arg11[%get3A_973] {strides = array<i32>} : memref<784xf32, #tpu.memory_space<vmem>>, vector<16xf32>,
        %mul3A_975 = arith.mulf %get3A_967, %get3A_972 : vector<16xf32>
        %add3A_976 = arith.addf %add3A_956, %mul3A_975 : vector<16xf32>
        %abs3A_977 = math.absf %get3A_967 : vector<16xf32>
        %mul3A_978 = arith.mulf %abs3A_977, %get3A_974 : vector<16xf32>
        %add3A_979 = arith.addf %add3A_959, %mul3A_978 : vector<16xf32>
        %mul3A_980 = arith.mulf %get3A_970, %get3A_972 : vector<16xf32>
        %add3A_981 = arith.addf %add3A_961, %mul3A_980 : vector<16xf32>
        %abs3A_982 = math.absf %get3A_970 : vector<16xf32>
        %mul3A_983 = arith.mulf %abs3A_982, %get3A_974 : vector<16xf32>
        %add3A_984 = arith.addf %add3A_964, %mul3A_983 : vector<16xf32>
        %get3A_985 = arith.index_cast %scan3A_244 : i32 to index
        %get3A_986 = arith.constant 592 : index
        %get3A_987 = tpu.vector_load %arg14[%get3A_985, %get3A_986] {strides = array<i32>} : memref<16x785xf32, #tpu.memory_space<vmem>>, vector<16xf32>,
        %get3A_988 = arith.index_cast %scan3A_244 : i32 to index
        %get3A_989 = arith.constant 592 : index
        %get3A_990 = tpu.vector_load %arg15[%get3A_988, %get3A_989] {strides = array<i32>} : memref<16x785xf32, #tpu.memory_space<vmem>>, vector<16xf32>,
        %get3A_991 = arith.constant 592 : index
        %get3A_992 = tpu.vector_load %arg10[%get3A_991] {strides = array<i32>} : memref<784xf32, #tpu.memory_space<vmem>>, vector<16xf32>,
        %get3A_993 = arith.constant 592 : index
        %get3A_994 = tpu.vector_load %arg11[%get3A_993] {strides = array<i32>} : memref<784xf32, #tpu.memory_space<vmem>>, vector<16xf32>,
        %mul3A_995 = arith.mulf %get3A_987, %get3A_992 : vector<16xf32>
        %add3A_996 = arith.addf %add3A_976, %mul3A_995 : vector<16xf32>
        %abs3A_997 = math.absf %get3A_987 : vector<16xf32>
        %mul3A_998 = arith.mulf %abs3A_997, %get3A_994 : vector<16xf32>
        %add3A_999 = arith.addf %add3A_979, %mul3A_998 : vector<16xf32>
        %mul3A_1000 = arith.mulf %get3A_990, %get3A_992 : vector<16xf32>
        %add3A_1001 = arith.addf %add3A_981, %mul3A_1000 : vector<16xf32>
        %abs3A_1002 = math.absf %get3A_990 : vector<16xf32>
        %mul3A_1003 = arith.mulf %abs3A_1002, %get3A_994 : vector<16xf32>
        %add3A_1004 = arith.addf %add3A_984, %mul3A_1003 : vector<16xf32>
        %get3A_1005 = arith.index_cast %scan3A_244 : i32 to index
        %get3A_1006 = arith.constant 608 : index
        %get3A_1007 = tpu.vector_load %arg14[%get3A_1005, %get3A_1006] {strides = array<i32>} : memref<16x785xf32, #tpu.memory_space<vmem>>, vector<16xf32>,
        %get3A_1008 = arith.index_cast %scan3A_244 : i32 to index
        %get3A_1009 = arith.constant 608 : index
        %get3A_1010 = tpu.vector_load %arg15[%get3A_1008, %get3A_1009] {strides = array<i32>} : memref<16x785xf32, #tpu.memory_space<vmem>>, vector<16xf32>,
        %get3A_1011 = arith.constant 608 : index
        %get3A_1012 = tpu.vector_load %arg10[%get3A_1011] {strides = array<i32>} : memref<784xf32, #tpu.memory_space<vmem>>, vector<16xf32>,
        %get3A_1013 = arith.constant 608 : index
        %get3A_1014 = tpu.vector_load %arg11[%get3A_1013] {strides = array<i32>} : memref<784xf32, #tpu.memory_space<vmem>>, vector<16xf32>,
        %mul3A_1015 = arith.mulf %get3A_1007, %get3A_1012 : vector<16xf32>
        %add3A_1016 = arith.addf %add3A_996, %mul3A_1015 : vector<16xf32>
        %abs3A_1017 = math.absf %get3A_1007 : vector<16xf32>
        %mul3A_1018 = arith.mulf %abs3A_1017, %get3A_1014 : vector<16xf32>
        %add3A_1019 = arith.addf %add3A_999, %mul3A_1018 : vector<16xf32>
        %mul3A_1020 = arith.mulf %get3A_1010, %get3A_1012 : vector<16xf32>
        %add3A_1021 = arith.addf %add3A_1001, %mul3A_1020 : vector<16xf32>
        %abs3A_1022 = math.absf %get3A_1010 : vector<16xf32>
        %mul3A_1023 = arith.mulf %abs3A_1022, %get3A_1014 : vector<16xf32>
        %add3A_1024 = arith.addf %add3A_1004, %mul3A_1023 : vector<16xf32>
        %get3A_1025 = arith.index_cast %scan3A_244 : i32 to index
        %get3A_1026 = arith.constant 624 : index
        %get3A_1027 = tpu.vector_load %arg14[%get3A_1025, %get3A_1026] {strides = array<i32>} : memref<16x785xf32, #tpu.memory_space<vmem>>, vector<16xf32>,
        %get3A_1028 = arith.index_cast %scan3A_244 : i32 to index
        %get3A_1029 = arith.constant 624 : index
        %get3A_1030 = tpu.vector_load %arg15[%get3A_1028, %get3A_1029] {strides = array<i32>} : memref<16x785xf32, #tpu.memory_space<vmem>>, vector<16xf32>,
        %get3A_1031 = arith.constant 624 : index
        %get3A_1032 = tpu.vector_load %arg10[%get3A_1031] {strides = array<i32>} : memref<784xf32, #tpu.memory_space<vmem>>, vector<16xf32>,
        %get3A_1033 = arith.constant 624 : index
        %get3A_1034 = tpu.vector_load %arg11[%get3A_1033] {strides = array<i32>} : memref<784xf32, #tpu.memory_space<vmem>>, vector<16xf32>,
        %mul3A_1035 = arith.mulf %get3A_1027, %get3A_1032 : vector<16xf32>
        %add3A_1036 = arith.addf %add3A_1016, %mul3A_1035 : vector<16xf32>
        %abs3A_1037 = math.absf %get3A_1027 : vector<16xf32>
        %mul3A_1038 = arith.mulf %abs3A_1037, %get3A_1034 : vector<16xf32>
        %add3A_1039 = arith.addf %add3A_1019, %mul3A_1038 : vector<16xf32>
        %mul3A_1040 = arith.mulf %get3A_1030, %get3A_1032 : vector<16xf32>
        %add3A_1041 = arith.addf %add3A_1021, %mul3A_1040 : vector<16xf32>
        %abs3A_1042 = math.absf %get3A_1030 : vector<16xf32>
        %mul3A_1043 = arith.mulf %abs3A_1042, %get3A_1034 : vector<16xf32>
        %add3A_1044 = arith.addf %add3A_1024, %mul3A_1043 : vector<16xf32>
        %get3A_1045 = arith.index_cast %scan3A_244 : i32 to index
        %get3A_1046 = arith.constant 640 : index
        %get3A_1047 = tpu.vector_load %arg14[%get3A_1045, %get3A_1046] {strides = array<i32>} : memref<16x785xf32, #tpu.memory_space<vmem>>, vector<16xf32>,
        %get3A_1048 = arith.index_cast %scan3A_244 : i32 to index
        %get3A_1049 = arith.constant 640 : index
        %get3A_1050 = tpu.vector_load %arg15[%get3A_1048, %get3A_1049] {strides = array<i32>} : memref<16x785xf32, #tpu.memory_space<vmem>>, vector<16xf32>,
        %get3A_1051 = arith.constant 640 : index
        %get3A_1052 = tpu.vector_load %arg10[%get3A_1051] {strides = array<i32>} : memref<784xf32, #tpu.memory_space<vmem>>, vector<16xf32>,
        %get3A_1053 = arith.constant 640 : index
        %get3A_1054 = tpu.vector_load %arg11[%get3A_1053] {strides = array<i32>} : memref<784xf32, #tpu.memory_space<vmem>>, vector<16xf32>,
        %mul3A_1055 = arith.mulf %get3A_1047, %get3A_1052 : vector<16xf32>
        %add3A_1056 = arith.addf %add3A_1036, %mul3A_1055 : vector<16xf32>
        %abs3A_1057 = math.absf %get3A_1047 : vector<16xf32>
        %mul3A_1058 = arith.mulf %abs3A_1057, %get3A_1054 : vector<16xf32>
        %add3A_1059 = arith.addf %add3A_1039, %mul3A_1058 : vector<16xf32>
        %mul3A_1060 = arith.mulf %get3A_1050, %get3A_1052 : vector<16xf32>
        %add3A_1061 = arith.addf %add3A_1041, %mul3A_1060 : vector<16xf32>
        %abs3A_1062 = math.absf %get3A_1050 : vector<16xf32>
        %mul3A_1063 = arith.mulf %abs3A_1062, %get3A_1054 : vector<16xf32>
        %add3A_1064 = arith.addf %add3A_1044, %mul3A_1063 : vector<16xf32>
        %get3A_1065 = arith.index_cast %scan3A_244 : i32 to index
        %get3A_1066 = arith.constant 656 : index
        %get3A_1067 = tpu.vector_load %arg14[%get3A_1065, %get3A_1066] {strides = array<i32>} : memref<16x785xf32, #tpu.memory_space<vmem>>, vector<16xf32>,
        %get3A_1068 = arith.index_cast %scan3A_244 : i32 to index
        %get3A_1069 = arith.constant 656 : index
        %get3A_1070 = tpu.vector_load %arg15[%get3A_1068, %get3A_1069] {strides = array<i32>} : memref<16x785xf32, #tpu.memory_space<vmem>>, vector<16xf32>,
        %get3A_1071 = arith.constant 656 : index
        %get3A_1072 = tpu.vector_load %arg10[%get3A_1071] {strides = array<i32>} : memref<784xf32, #tpu.memory_space<vmem>>, vector<16xf32>,
        %get3A_1073 = arith.constant 656 : index
        %get3A_1074 = tpu.vector_load %arg11[%get3A_1073] {strides = array<i32>} : memref<784xf32, #tpu.memory_space<vmem>>, vector<16xf32>,
        %mul3A_1075 = arith.mulf %get3A_1067, %get3A_1072 : vector<16xf32>
        %add3A_1076 = arith.addf %add3A_1056, %mul3A_1075 : vector<16xf32>
        %abs3A_1077 = math.absf %get3A_1067 : vector<16xf32>
        %mul3A_1078 = arith.mulf %abs3A_1077, %get3A_1074 : vector<16xf32>
        %add3A_1079 = arith.addf %add3A_1059, %mul3A_1078 : vector<16xf32>
        %mul3A_1080 = arith.mulf %get3A_1070, %get3A_1072 : vector<16xf32>
        %add3A_1081 = arith.addf %add3A_1061, %mul3A_1080 : vector<16xf32>
        %abs3A_1082 = math.absf %get3A_1070 : vector<16xf32>
        %mul3A_1083 = arith.mulf %abs3A_1082, %get3A_1074 : vector<16xf32>
        %add3A_1084 = arith.addf %add3A_1064, %mul3A_1083 : vector<16xf32>
        %get3A_1085 = arith.index_cast %scan3A_244 : i32 to index
        %get3A_1086 = arith.constant 672 : index
        %get3A_1087 = tpu.vector_load %arg14[%get3A_1085, %get3A_1086] {strides = array<i32>} : memref<16x785xf32, #tpu.memory_space<vmem>>, vector<16xf32>,
        %get3A_1088 = arith.index_cast %scan3A_244 : i32 to index
        %get3A_1089 = arith.constant 672 : index
        %get3A_1090 = tpu.vector_load %arg15[%get3A_1088, %get3A_1089] {strides = array<i32>} : memref<16x785xf32, #tpu.memory_space<vmem>>, vector<16xf32>,
        %get3A_1091 = arith.constant 672 : index
        %get3A_1092 = tpu.vector_load %arg10[%get3A_1091] {strides = array<i32>} : memref<784xf32, #tpu.memory_space<vmem>>, vector<16xf32>,
        %get3A_1093 = arith.constant 672 : index
        %get3A_1094 = tpu.vector_load %arg11[%get3A_1093] {strides = array<i32>} : memref<784xf32, #tpu.memory_space<vmem>>, vector<16xf32>,
        %mul3A_1095 = arith.mulf %get3A_1087, %get3A_1092 : vector<16xf32>
        %add3A_1096 = arith.addf %add3A_1076, %mul3A_1095 : vector<16xf32>
        %abs3A_1097 = math.absf %get3A_1087 : vector<16xf32>
        %mul3A_1098 = arith.mulf %abs3A_1097, %get3A_1094 : vector<16xf32>
        %add3A_1099 = arith.addf %add3A_1079, %mul3A_1098 : vector<16xf32>
        %mul3A_1100 = arith.mulf %get3A_1090, %get3A_1092 : vector<16xf32>
        %add3A_1101 = arith.addf %add3A_1081, %mul3A_1100 : vector<16xf32>
        %abs3A_1102 = math.absf %get3A_1090 : vector<16xf32>
        %mul3A_1103 = arith.mulf %abs3A_1102, %get3A_1094 : vector<16xf32>
        %add3A_1104 = arith.addf %add3A_1084, %mul3A_1103 : vector<16xf32>
        %get3A_1105 = arith.index_cast %scan3A_244 : i32 to index
        %get3A_1106 = arith.constant 688 : index
        %get3A_1107 = tpu.vector_load %arg14[%get3A_1105, %get3A_1106] {strides = array<i32>} : memref<16x785xf32, #tpu.memory_space<vmem>>, vector<16xf32>,
        %get3A_1108 = arith.index_cast %scan3A_244 : i32 to index
        %get3A_1109 = arith.constant 688 : index
        %get3A_1110 = tpu.vector_load %arg15[%get3A_1108, %get3A_1109] {strides = array<i32>} : memref<16x785xf32, #tpu.memory_space<vmem>>, vector<16xf32>,
        %get3A_1111 = arith.constant 688 : index
        %get3A_1112 = tpu.vector_load %arg10[%get3A_1111] {strides = array<i32>} : memref<784xf32, #tpu.memory_space<vmem>>, vector<16xf32>,
        %get3A_1113 = arith.constant 688 : index
        %get3A_1114 = tpu.vector_load %arg11[%get3A_1113] {strides = array<i32>} : memref<784xf32, #tpu.memory_space<vmem>>, vector<16xf32>,
        %mul3A_1115 = arith.mulf %get3A_1107, %get3A_1112 : vector<16xf32>
        %add3A_1116 = arith.addf %add3A_1096, %mul3A_1115 : vector<16xf32>
        %abs3A_1117 = math.absf %get3A_1107 : vector<16xf32>
        %mul3A_1118 = arith.mulf %abs3A_1117, %get3A_1114 : vector<16xf32>
        %add3A_1119 = arith.addf %add3A_1099, %mul3A_1118 : vector<16xf32>
        %mul3A_1120 = arith.mulf %get3A_1110, %get3A_1112 : vector<16xf32>
        %add3A_1121 = arith.addf %add3A_1101, %mul3A_1120 : vector<16xf32>
        %abs3A_1122 = math.absf %get3A_1110 : vector<16xf32>
        %mul3A_1123 = arith.mulf %abs3A_1122, %get3A_1114 : vector<16xf32>
        %add3A_1124 = arith.addf %add3A_1104, %mul3A_1123 : vector<16xf32>
        %get3A_1125 = arith.index_cast %scan3A_244 : i32 to index
        %get3A_1126 = arith.constant 704 : index
        %get3A_1127 = tpu.vector_load %arg14[%get3A_1125, %get3A_1126] {strides = array<i32>} : memref<16x785xf32, #tpu.memory_space<vmem>>, vector<16xf32>,
        %get3A_1128 = arith.index_cast %scan3A_244 : i32 to index
        %get3A_1129 = arith.constant 704 : index
        %get3A_1130 = tpu.vector_load %arg15[%get3A_1128, %get3A_1129] {strides = array<i32>} : memref<16x785xf32, #tpu.memory_space<vmem>>, vector<16xf32>,
        %get3A_1131 = arith.constant 704 : index
        %get3A_1132 = tpu.vector_load %arg10[%get3A_1131] {strides = array<i32>} : memref<784xf32, #tpu.memory_space<vmem>>, vector<16xf32>,
        %get3A_1133 = arith.constant 704 : index
        %get3A_1134 = tpu.vector_load %arg11[%get3A_1133] {strides = array<i32>} : memref<784xf32, #tpu.memory_space<vmem>>, vector<16xf32>,
        %mul3A_1135 = arith.mulf %get3A_1127, %get3A_1132 : vector<16xf32>
        %add3A_1136 = arith.addf %add3A_1116, %mul3A_1135 : vector<16xf32>
        %abs3A_1137 = math.absf %get3A_1127 : vector<16xf32>
        %mul3A_1138 = arith.mulf %abs3A_1137, %get3A_1134 : vector<16xf32>
        %add3A_1139 = arith.addf %add3A_1119, %mul3A_1138 : vector<16xf32>
        %mul3A_1140 = arith.mulf %get3A_1130, %get3A_1132 : vector<16xf32>
        %add3A_1141 = arith.addf %add3A_1121, %mul3A_1140 : vector<16xf32>
        %abs3A_1142 = math.absf %get3A_1130 : vector<16xf32>
        %mul3A_1143 = arith.mulf %abs3A_1142, %get3A_1134 : vector<16xf32>
        %add3A_1144 = arith.addf %add3A_1124, %mul3A_1143 : vector<16xf32>
        %get3A_1145 = arith.index_cast %scan3A_244 : i32 to index
        %get3A_1146 = arith.constant 720 : index
        %get3A_1147 = tpu.vector_load %arg14[%get3A_1145, %get3A_1146] {strides = array<i32>} : memref<16x785xf32, #tpu.memory_space<vmem>>, vector<16xf32>,
        %get3A_1148 = arith.index_cast %scan3A_244 : i32 to index
        %get3A_1149 = arith.constant 720 : index
        %get3A_1150 = tpu.vector_load %arg15[%get3A_1148, %get3A_1149] {strides = array<i32>} : memref<16x785xf32, #tpu.memory_space<vmem>>, vector<16xf32>,
        %get3A_1151 = arith.constant 720 : index
        %get3A_1152 = tpu.vector_load %arg10[%get3A_1151] {strides = array<i32>} : memref<784xf32, #tpu.memory_space<vmem>>, vector<16xf32>,
        %get3A_1153 = arith.constant 720 : index
        %get3A_1154 = tpu.vector_load %arg11[%get3A_1153] {strides = array<i32>} : memref<784xf32, #tpu.memory_space<vmem>>, vector<16xf32>,
        %mul3A_1155 = arith.mulf %get3A_1147, %get3A_1152 : vector<16xf32>
        %add3A_1156 = arith.addf %add3A_1136, %mul3A_1155 : vector<16xf32>
        %abs3A_1157 = math.absf %get3A_1147 : vector<16xf32>
        %mul3A_1158 = arith.mulf %abs3A_1157, %get3A_1154 : vector<16xf32>
        %add3A_1159 = arith.addf %add3A_1139, %mul3A_1158 : vector<16xf32>
        %mul3A_1160 = arith.mulf %get3A_1150, %get3A_1152 : vector<16xf32>
        %add3A_1161 = arith.addf %add3A_1141, %mul3A_1160 : vector<16xf32>
        %abs3A_1162 = math.absf %get3A_1150 : vector<16xf32>
        %mul3A_1163 = arith.mulf %abs3A_1162, %get3A_1154 : vector<16xf32>
        %add3A_1164 = arith.addf %add3A_1144, %mul3A_1163 : vector<16xf32>
        %get3A_1165 = arith.index_cast %scan3A_244 : i32 to index
        %get3A_1166 = arith.constant 736 : index
        %get3A_1167 = tpu.vector_load %arg14[%get3A_1165, %get3A_1166] {strides = array<i32>} : memref<16x785xf32, #tpu.memory_space<vmem>>, vector<16xf32>,
        %get3A_1168 = arith.index_cast %scan3A_244 : i32 to index
        %get3A_1169 = arith.constant 736 : index
        %get3A_1170 = tpu.vector_load %arg15[%get3A_1168, %get3A_1169] {strides = array<i32>} : memref<16x785xf32, #tpu.memory_space<vmem>>, vector<16xf32>,
        %get3A_1171 = arith.constant 736 : index
        %get3A_1172 = tpu.vector_load %arg10[%get3A_1171] {strides = array<i32>} : memref<784xf32, #tpu.memory_space<vmem>>, vector<16xf32>,
        %get3A_1173 = arith.constant 736 : index
        %get3A_1174 = tpu.vector_load %arg11[%get3A_1173] {strides = array<i32>} : memref<784xf32, #tpu.memory_space<vmem>>, vector<16xf32>,
        %mul3A_1175 = arith.mulf %get3A_1167, %get3A_1172 : vector<16xf32>
        %add3A_1176 = arith.addf %add3A_1156, %mul3A_1175 : vector<16xf32>
        %abs3A_1177 = math.absf %get3A_1167 : vector<16xf32>
        %mul3A_1178 = arith.mulf %abs3A_1177, %get3A_1174 : vector<16xf32>
        %add3A_1179 = arith.addf %add3A_1159, %mul3A_1178 : vector<16xf32>
        %mul3A_1180 = arith.mulf %get3A_1170, %get3A_1172 : vector<16xf32>
        %add3A_1181 = arith.addf %add3A_1161, %mul3A_1180 : vector<16xf32>
        %abs3A_1182 = math.absf %get3A_1170 : vector<16xf32>
        %mul3A_1183 = arith.mulf %abs3A_1182, %get3A_1174 : vector<16xf32>
        %add3A_1184 = arith.addf %add3A_1164, %mul3A_1183 : vector<16xf32>
        %get3A_1185 = arith.index_cast %scan3A_244 : i32 to index
        %get3A_1186 = arith.constant 752 : index
        %get3A_1187 = tpu.vector_load %arg14[%get3A_1185, %get3A_1186] {strides = array<i32>} : memref<16x785xf32, #tpu.memory_space<vmem>>, vector<16xf32>,
        %get3A_1188 = arith.index_cast %scan3A_244 : i32 to index
        %get3A_1189 = arith.constant 752 : index
        %get3A_1190 = tpu.vector_load %arg15[%get3A_1188, %get3A_1189] {strides = array<i32>} : memref<16x785xf32, #tpu.memory_space<vmem>>, vector<16xf32>,
        %get3A_1191 = arith.constant 752 : index
        %get3A_1192 = tpu.vector_load %arg10[%get3A_1191] {strides = array<i32>} : memref<784xf32, #tpu.memory_space<vmem>>, vector<16xf32>,
        %get3A_1193 = arith.constant 752 : index
        %get3A_1194 = tpu.vector_load %arg11[%get3A_1193] {strides = array<i32>} : memref<784xf32, #tpu.memory_space<vmem>>, vector<16xf32>,
        %mul3A_1195 = arith.mulf %get3A_1187, %get3A_1192 : vector<16xf32>
        %add3A_1196 = arith.addf %add3A_1176, %mul3A_1195 : vector<16xf32>
        %abs3A_1197 = math.absf %get3A_1187 : vector<16xf32>
        %mul3A_1198 = arith.mulf %abs3A_1197, %get3A_1194 : vector<16xf32>
        %add3A_1199 = arith.addf %add3A_1179, %mul3A_1198 : vector<16xf32>
        %mul3A_1200 = arith.mulf %get3A_1190, %get3A_1192 : vector<16xf32>
        %add3A_1201 = arith.addf %add3A_1181, %mul3A_1200 : vector<16xf32>
        %abs3A_1202 = math.absf %get3A_1190 : vector<16xf32>
        %mul3A_1203 = arith.mulf %abs3A_1202, %get3A_1194 : vector<16xf32>
        %add3A_1204 = arith.addf %add3A_1184, %mul3A_1203 : vector<16xf32>
        %get3A_1205 = arith.index_cast %scan3A_244 : i32 to index
        %get3A_1206 = arith.constant 768 : index
        %get3A_1207 = tpu.vector_load %arg14[%get3A_1205, %get3A_1206] {strides = array<i32>} : memref<16x785xf32, #tpu.memory_space<vmem>>, vector<16xf32>,
        %get3A_1208 = arith.index_cast %scan3A_244 : i32 to index
        %get3A_1209 = arith.constant 768 : index
        %get3A_1210 = tpu.vector_load %arg15[%get3A_1208, %get3A_1209] {strides = array<i32>} : memref<16x785xf32, #tpu.memory_space<vmem>>, vector<16xf32>,
        %get3A_1211 = arith.constant 768 : index
        %get3A_1212 = tpu.vector_load %arg10[%get3A_1211] {strides = array<i32>} : memref<784xf32, #tpu.memory_space<vmem>>, vector<16xf32>,
        %get3A_1213 = arith.constant 768 : index
        %get3A_1214 = tpu.vector_load %arg11[%get3A_1213] {strides = array<i32>} : memref<784xf32, #tpu.memory_space<vmem>>, vector<16xf32>,
        %mul3A_1215 = arith.mulf %get3A_1207, %get3A_1212 : vector<16xf32>
        %add3A_1216 = arith.addf %add3A_1196, %mul3A_1215 : vector<16xf32>
        %abs3A_1217 = math.absf %get3A_1207 : vector<16xf32>
        %mul3A_1218 = arith.mulf %abs3A_1217, %get3A_1214 : vector<16xf32>
        %add3A_1219 = arith.addf %add3A_1199, %mul3A_1218 : vector<16xf32>
        %mul3A_1220 = arith.mulf %get3A_1210, %get3A_1212 : vector<16xf32>
        %add3A_1221 = arith.addf %add3A_1201, %mul3A_1220 : vector<16xf32>
        %abs3A_1222 = math.absf %get3A_1210 : vector<16xf32>
        %mul3A_1223 = arith.mulf %abs3A_1222, %get3A_1214 : vector<16xf32>
        %add3A_1224 = arith.addf %add3A_1204, %mul3A_1223 : vector<16xf32>
        %eq3A_1225 = arith.constant 15 : i32
        %eq3A_1226 = vector.broadcast %eq3A_1225 : i32 to vector<16xi32>
        %eq3A_1227 = arith.cmpi eq, %iota3A, %eq3A_1226 : vector<16xi32>
        %get3A_1228 = arith.index_cast %scan3A_244 : i32 to index
        %get3A_1229 = arith.constant 769 : index
        %get3A_1230 = tpu.vector_load %arg14[%get3A_1228, %get3A_1229] {strides = array<i32>} : memref<16x785xf32, #tpu.memory_space<vmem>>, vector<16xf32>,
        %get3A_1231 = arith.index_cast %scan3A_244 : i32 to index
        %get3A_1232 = arith.constant 769 : index
        %get3A_1233 = tpu.vector_load %arg15[%get3A_1231, %get3A_1232] {strides = array<i32>} : memref<16x785xf32, #tpu.memory_space<vmem>>, vector<16xf32>,
        %select_n3A_1234 = arith.select %eq3A_1227, %get3A_1230, %broadcast_in_dim3A_33 : vector<16xi1>, vector<16xf32>
        %add3A_1235 = arith.addf %add3A_1216, %select_n3A_1234 : vector<16xf32>
        %select_n3A_1236 = arith.select %eq3A_1227, %get3A_1233, %broadcast_in_dim3A_33 : vector<16xi1>, vector<16xf32>
        %add3A_1237 = arith.addf %add3A_1221, %select_n3A_1236 : vector<16xf32>
        %swap3A_1238 = arith.constant 0 : index
        %swap3A_1239 = tpu.vector_load %arg18[%swap3A_1238] {strides = array<i32>} : memref<64xf32, #tpu.memory_space<vmem>>, vector<16xf32>,
        tpu.vector_store %arg18[%swap3A_1238], %add3A_1235 {strides = array<i32>} : memref<64xf32, #tpu.memory_space<vmem>>, vector<16xf32>,
        %swap3A_1240 = arith.constant 16 : index
        %swap3A_1241 = tpu.vector_load %arg18[%swap3A_1240] {strides = array<i32>} : memref<64xf32, #tpu.memory_space<vmem>>, vector<16xf32>,
        tpu.vector_store %arg18[%swap3A_1240], %add3A_1219 {strides = array<i32>} : memref<64xf32, #tpu.memory_space<vmem>>, vector<16xf32>,
        %swap3A_1242 = arith.constant 32 : index
        %swap3A_1243 = tpu.vector_load %arg18[%swap3A_1242] {strides = array<i32>} : memref<64xf32, #tpu.memory_space<vmem>>, vector<16xf32>,
        tpu.vector_store %arg18[%swap3A_1242], %add3A_1237 {strides = array<i32>} : memref<64xf32, #tpu.memory_space<vmem>>, vector<16xf32>,
        %swap3A_1244 = arith.constant 48 : index
        %swap3A_1245 = tpu.vector_load %arg18[%swap3A_1244] {strides = array<i32>} : memref<64xf32, #tpu.memory_space<vmem>>, vector<16xf32>,
        tpu.vector_store %arg18[%swap3A_1244], %add3A_1224 {strides = array<i32>} : memref<64xf32, #tpu.memory_space<vmem>>, vector<16xf32>,
        %gather3A = tpu.vector_load_idx %arg18[%xor3A_35] : memref<64xf32, #tpu.memory_space<vmem>>[vector<16xi32>], vector<16xf32>,
        %add3A_1246 = arith.addf %add3A_1235, %gather3A : vector<16xf32>
        %gather3A_1247 = tpu.vector_load_idx %arg18[%xor3A_38] : memref<64xf32, #tpu.memory_space<vmem>>[vector<16xi32>], vector<16xf32>,
        %add3A_1248 = arith.addf %add3A_1219, %gather3A_1247 : vector<16xf32>
        %gather3A_1249 = tpu.vector_load_idx %arg18[%xor3A_41] : memref<64xf32, #tpu.memory_space<vmem>>[vector<16xi32>], vector<16xf32>,
        %add3A_1250 = arith.addf %add3A_1237, %gather3A_1249 : vector<16xf32>
        %gather3A_1251 = tpu.vector_load_idx %arg18[%xor3A_44] : memref<64xf32, #tpu.memory_space<vmem>>[vector<16xi32>], vector<16xf32>,
        %add3A_1252 = arith.addf %add3A_1224, %gather3A_1251 : vector<16xf32>
        %swap3A_1253 = arith.constant 0 : index
        %swap3A_1254 = tpu.vector_load %arg18[%swap3A_1253] {strides = array<i32>} : memref<64xf32, #tpu.memory_space<vmem>>, vector<16xf32>,
        tpu.vector_store %arg18[%swap3A_1253], %add3A_1246 {strides = array<i32>} : memref<64xf32, #tpu.memory_space<vmem>>, vector<16xf32>,
        %swap3A_1255 = arith.constant 16 : index
        %swap3A_1256 = tpu.vector_load %arg18[%swap3A_1255] {strides = array<i32>} : memref<64xf32, #tpu.memory_space<vmem>>, vector<16xf32>,
        tpu.vector_store %arg18[%swap3A_1255], %add3A_1248 {strides = array<i32>} : memref<64xf32, #tpu.memory_space<vmem>>, vector<16xf32>,
        %swap3A_1257 = arith.constant 32 : index
        %swap3A_1258 = tpu.vector_load %arg18[%swap3A_1257] {strides = array<i32>} : memref<64xf32, #tpu.memory_space<vmem>>, vector<16xf32>,
        tpu.vector_store %arg18[%swap3A_1257], %add3A_1250 {strides = array<i32>} : memref<64xf32, #tpu.memory_space<vmem>>, vector<16xf32>,
        %swap3A_1259 = arith.constant 48 : index
        %swap3A_1260 = tpu.vector_load %arg18[%swap3A_1259] {strides = array<i32>} : memref<64xf32, #tpu.memory_space<vmem>>, vector<16xf32>,
        tpu.vector_store %arg18[%swap3A_1259], %add3A_1252 {strides = array<i32>} : memref<64xf32, #tpu.memory_space<vmem>>, vector<16xf32>,
        %gather3A_1261 = tpu.vector_load_idx %arg18[%xor3A_47] : memref<64xf32, #tpu.memory_space<vmem>>[vector<16xi32>], vector<16xf32>,
        %add3A_1262 = arith.addf %add3A_1246, %gather3A_1261 : vector<16xf32>
        %gather3A_1263 = tpu.vector_load_idx %arg18[%xor3A_50] : memref<64xf32, #tpu.memory_space<vmem>>[vector<16xi32>], vector<16xf32>,
        %add3A_1264 = arith.addf %add3A_1248, %gather3A_1263 : vector<16xf32>
        %gather3A_1265 = tpu.vector_load_idx %arg18[%xor3A_53] : memref<64xf32, #tpu.memory_space<vmem>>[vector<16xi32>], vector<16xf32>,
        %add3A_1266 = arith.addf %add3A_1250, %gather3A_1265 : vector<16xf32>
        %gather3A_1267 = tpu.vector_load_idx %arg18[%xor3A_56] : memref<64xf32, #tpu.memory_space<vmem>>[vector<16xi32>], vector<16xf32>,
        %add3A_1268 = arith.addf %add3A_1252, %gather3A_1267 : vector<16xf32>
        %swap3A_1269 = arith.constant 0 : index
        %swap3A_1270 = tpu.vector_load %arg18[%swap3A_1269] {strides = array<i32>} : memref<64xf32, #tpu.memory_space<vmem>>, vector<16xf32>,
        tpu.vector_store %arg18[%swap3A_1269], %add3A_1262 {strides = array<i32>} : memref<64xf32, #tpu.memory_space<vmem>>, vector<16xf32>,
        %swap3A_1271 = arith.constant 16 : index
        %swap3A_1272 = tpu.vector_load %arg18[%swap3A_1271] {strides = array<i32>} : memref<64xf32, #tpu.memory_space<vmem>>, vector<16xf32>,
        tpu.vector_store %arg18[%swap3A_1271], %add3A_1264 {strides = array<i32>} : memref<64xf32, #tpu.memory_space<vmem>>, vector<16xf32>,
        %swap3A_1273 = arith.constant 32 : index
        %swap3A_1274 = tpu.vector_load %arg18[%swap3A_1273] {strides = array<i32>} : memref<64xf32, #tpu.memory_space<vmem>>, vector<16xf32>,
        tpu.vector_store %arg18[%swap3A_1273], %add3A_1266 {strides = array<i32>} : memref<64xf32, #tpu.memory_space<vmem>>, vector<16xf32>,
        %swap3A_1275 = arith.constant 48 : index
        %swap3A_1276 = tpu.vector_load %arg18[%swap3A_1275] {strides = array<i32>} : memref<64xf32, #tpu.memory_space<vmem>>, vector<16xf32>,
        tpu.vector_store %arg18[%swap3A_1275], %add3A_1268 {strides = array<i32>} : memref<64xf32, #tpu.memory_space<vmem>>, vector<16xf32>,
        %gather3A_1277 = tpu.vector_load_idx %arg18[%xor3A_59] : memref<64xf32, #tpu.memory_space<vmem>>[vector<16xi32>], vector<16xf32>,
        %add3A_1278 = arith.addf %add3A_1262, %gather3A_1277 : vector<16xf32>
        %gather3A_1279 = tpu.vector_load_idx %arg18[%xor3A_62] : memref<64xf32, #tpu.memory_space<vmem>>[vector<16xi32>], vector<16xf32>,
        %add3A_1280 = arith.addf %add3A_1264, %gather3A_1279 : vector<16xf32>
        %gather3A_1281 = tpu.vector_load_idx %arg18[%xor3A_65] : memref<64xf32, #tpu.memory_space<vmem>>[vector<16xi32>], vector<16xf32>,
        %add3A_1282 = arith.addf %add3A_1266, %gather3A_1281 : vector<16xf32>
        %gather3A_1283 = tpu.vector_load_idx %arg18[%xor3A_68] : memref<64xf32, #tpu.memory_space<vmem>>[vector<16xi32>], vector<16xf32>,
        %add3A_1284 = arith.addf %add3A_1268, %gather3A_1283 : vector<16xf32>
        %swap3A_1285 = arith.constant 0 : index
        %swap3A_1286 = tpu.vector_load %arg18[%swap3A_1285] {strides = array<i32>} : memref<64xf32, #tpu.memory_space<vmem>>, vector<16xf32>,
        tpu.vector_store %arg18[%swap3A_1285], %add3A_1278 {strides = array<i32>} : memref<64xf32, #tpu.memory_space<vmem>>, vector<16xf32>,
        %swap3A_1287 = arith.constant 16 : index
        %swap3A_1288 = tpu.vector_load %arg18[%swap3A_1287] {strides = array<i32>} : memref<64xf32, #tpu.memory_space<vmem>>, vector<16xf32>,
        tpu.vector_store %arg18[%swap3A_1287], %add3A_1280 {strides = array<i32>} : memref<64xf32, #tpu.memory_space<vmem>>, vector<16xf32>,
        %swap3A_1289 = arith.constant 32 : index
        %swap3A_1290 = tpu.vector_load %arg18[%swap3A_1289] {strides = array<i32>} : memref<64xf32, #tpu.memory_space<vmem>>, vector<16xf32>,
        tpu.vector_store %arg18[%swap3A_1289], %add3A_1282 {strides = array<i32>} : memref<64xf32, #tpu.memory_space<vmem>>, vector<16xf32>,
        %swap3A_1291 = arith.constant 48 : index
        %swap3A_1292 = tpu.vector_load %arg18[%swap3A_1291] {strides = array<i32>} : memref<64xf32, #tpu.memory_space<vmem>>, vector<16xf32>,
        tpu.vector_store %arg18[%swap3A_1291], %add3A_1284 {strides = array<i32>} : memref<64xf32, #tpu.memory_space<vmem>>, vector<16xf32>,
        %gather3A_1293 = tpu.vector_load_idx %arg18[%xor3A_71] : memref<64xf32, #tpu.memory_space<vmem>>[vector<16xi32>], vector<16xf32>,
        %add3A_1294 = arith.addf %add3A_1278, %gather3A_1293 : vector<16xf32>
        %gather3A_1295 = tpu.vector_load_idx %arg18[%xor3A_74] : memref<64xf32, #tpu.memory_space<vmem>>[vector<16xi32>], vector<16xf32>,
        %add3A_1296 = arith.addf %add3A_1280, %gather3A_1295 : vector<16xf32>
        %gather3A_1297 = tpu.vector_load_idx %arg18[%xor3A_77] : memref<64xf32, #tpu.memory_space<vmem>>[vector<16xi32>], vector<16xf32>,
        %add3A_1298 = arith.addf %add3A_1282, %gather3A_1297 : vector<16xf32>
        %gather3A_1299 = tpu.vector_load_idx %arg18[%xor3A_80] : memref<64xf32, #tpu.memory_space<vmem>>[vector<16xi32>], vector<16xf32>,
        %add3A_1300 = arith.addf %add3A_1284, %gather3A_1299 : vector<16xf32>
        %sub3A_1301 = arith.subf %add3A_1294, %add3A_1296 : vector<16xf32>
        %add3A_1302 = arith.addf %add3A_1294, %add3A_1296 : vector<16xf32>
        %add3A_1303 = arith.addf %add3A_1298, %add3A_1300 : vector<16xf32>
        %sub3A_1304 = arith.subf %add3A_1298, %add3A_1300 : vector<16xf32>
        %broadcast_in_dim3A_1305 = arith.constant 0.000000e+00 : f32
        %broadcast_in_dim3A_1306 = vector.broadcast %broadcast_in_dim3A_1305 : f32 to vector<16xf32>
        %broadcast_in_dim3A_1307 = arith.constant 1.000000e+00 : f32
        %broadcast_in_dim3A_1308 = vector.broadcast %broadcast_in_dim3A_1307 : f32 to vector<16xf32>
        %le3A = arith.cmpf ole, %add3A_1303, %broadcast_in_dim3A_1306 : vector<16xf32>
        %lt3A_1309 = arith.cmpf olt, %sub3A_1301, %broadcast_in_dim3A_1306 : vector<16xf32>
        %gt3A = arith.cmpf ogt, %add3A_1303, %broadcast_in_dim3A_1306 : vector<16xf32>
        %and3A_1310 = arith.andi %lt3A_1309, %gt3A : vector<16xi1>
        %abs3A_1311 = math.absf %sub3A_1301 : vector<16xf32>
        %abs3A_1312 = math.absf %add3A_1303 : vector<16xf32>
        %gt3A_1313 = arith.cmpf ogt, %abs3A_1311, %abs3A_1312 : vector<16xf32>
        %le3A_1314 = arith.cmpf ole, %add3A_1302, %broadcast_in_dim3A_1306 : vector<16xf32>
        %or3A = arith.ori %gt3A_1313, %le3A_1314 : vector<16xi1>
        %and3A_1315 = arith.andi %and3A_1310, %or3A : vector<16xi1>
        %abs3A_1316 = math.absf %sub3A_1301 : vector<16xf32>
        %abs3A_1317 = math.absf %add3A_1303 : vector<16xf32>
        %le3A_1318 = arith.cmpf ole, %abs3A_1316, %abs3A_1317 : vector<16xf32>
        %and3A_1319 = arith.andi %and3A_1310, %le3A_1318 : vector<16xi1>
        %sub3A_1320 = arith.subf %add3A_1302, %sub3A_1301 : vector<16xf32>
        %select_n3A_1321 = arith.select %and3A_1310, %sub3A_1320, %broadcast_in_dim3A_1308 : vector<16xi1>, vector<16xf32>
        %lt3A_1322 = arith.cmpf olt, %add3A_1302, %broadcast_in_dim3A_1306 : vector<16xf32>
        %div3A_1323 = arith.divf %add3A_1302, %select_n3A_1321 : vector<16xf32>
        %select_n3A_1324 = arith.select %lt3A_1322, %broadcast_in_dim3A_1306, %div3A_1323 : vector<16xi1>, vector<16xf32>
        %or3A_1325 = arith.ori %le3A, %and3A_1315 : vector<16xi1>
        %select_n3A_1326 = arith.select %or3A_1325, %broadcast_in_dim3A_1306, %broadcast_in_dim3A_1308 : vector<16xi1>, vector<16xf32>
        %select_n3A_1327 = arith.select %and3A_1319, %select_n3A_1324, %select_n3A_1326 : vector<16xi1>, vector<16xf32>
        %le3A_1328 = arith.cmpf ole, %sub3A_1304, %broadcast_in_dim3A_1306 : vector<16xf32>
        %and3A_1329 = arith.andi %and3A_1310, %le3A_1328 : vector<16xi1>
        %sub3A_1330 = arith.subf %add3A_1303, %sub3A_1304 : vector<16xf32>
        %select_n3A_1331 = arith.select %and3A_1329, %sub3A_1330, %broadcast_in_dim3A_1308 : vector<16xi1>, vector<16xf32>
        %div3A_1332 = arith.divf %add3A_1303, %select_n3A_1331 : vector<16xf32>
        %select_n3A_1333 = arith.select %le3A, %broadcast_in_dim3A_1306, %broadcast_in_dim3A_1308 : vector<16xi1>, vector<16xf32>
        %select_n3A_1334 = arith.select %and3A_1329, %div3A_1332, %select_n3A_1333 : vector<16xi1>, vector<16xf32>
        %mul3A_1335 = arith.mulf %div3A_1332, %sub3A_1304 : vector<16xf32>
        %select_n3A_1336 = arith.select %and3A_1329, %mul3A_1335, %broadcast_in_dim3A_1306 : vector<16xi1>, vector<16xf32>
        %get3A_1337 = arith.index_cast %scan3A_244 : i32 to index
        %get3A_1338 = arith.constant 0 : index
        %get3A_1339 = tpu.vector_load %arg14[%get3A_1337, %get3A_1338] {strides = array<i32>} : memref<16x785xf32, #tpu.memory_space<vmem>>, vector<16xf32>,
        %get3A_1340 = arith.index_cast %scan3A_244 : i32 to index
        %get3A_1341 = arith.constant 0 : index
        %get3A_1342 = tpu.vector_load %arg15[%get3A_1340, %get3A_1341] {strides = array<i32>} : memref<16x785xf32, #tpu.memory_space<vmem>>, vector<16xf32>,
        %mul3A_1343 = arith.mulf %select_n3A_1327, %get3A_1339 : vector<16xf32>
        %swap3A_1344 = arith.index_cast %scan3A_244 : i32 to index
        %swap3A_1345 = arith.constant 0 : index
        %swap3A_1346 = tpu.vector_load %arg14[%swap3A_1344, %swap3A_1345] {strides = array<i32>} : memref<16x785xf32, #tpu.memory_space<vmem>>, vector<16xf32>,
        tpu.vector_store %arg14[%swap3A_1344, %swap3A_1345], %mul3A_1343 {strides = array<i32>} : memref<16x785xf32, #tpu.memory_space<vmem>>, vector<16xf32>,
        %mul3A_1347 = arith.mulf %select_n3A_1334, %get3A_1342 : vector<16xf32>
        %swap3A_1348 = arith.index_cast %scan3A_244 : i32 to index
        %swap3A_1349 = arith.constant 0 : index
        %swap3A_1350 = tpu.vector_load %arg15[%swap3A_1348, %swap3A_1349] {strides = array<i32>} : memref<16x785xf32, #tpu.memory_space<vmem>>, vector<16xf32>,
        tpu.vector_store %arg15[%swap3A_1348, %swap3A_1349], %mul3A_1347 {strides = array<i32>} : memref<16x785xf32, #tpu.memory_space<vmem>>, vector<16xf32>,
        %get3A_1351 = arith.index_cast %scan3A_244 : i32 to index
        %get3A_1352 = arith.constant 16 : index
        %get3A_1353 = tpu.vector_load %arg14[%get3A_1351, %get3A_1352] {strides = array<i32>} : memref<16x785xf32, #tpu.memory_space<vmem>>, vector<16xf32>,
        %get3A_1354 = arith.index_cast %scan3A_244 : i32 to index
        %get3A_1355 = arith.constant 16 : index
        %get3A_1356 = tpu.vector_load %arg15[%get3A_1354, %get3A_1355] {strides = array<i32>} : memref<16x785xf32, #tpu.memory_space<vmem>>, vector<16xf32>,
        %mul3A_1357 = arith.mulf %select_n3A_1327, %get3A_1353 : vector<16xf32>
        %swap3A_1358 = arith.index_cast %scan3A_244 : i32 to index
        %swap3A_1359 = arith.constant 16 : index
        %swap3A_1360 = tpu.vector_load %arg14[%swap3A_1358, %swap3A_1359] {strides = array<i32>} : memref<16x785xf32, #tpu.memory_space<vmem>>, vector<16xf32>,
        tpu.vector_store %arg14[%swap3A_1358, %swap3A_1359], %mul3A_1357 {strides = array<i32>} : memref<16x785xf32, #tpu.memory_space<vmem>>, vector<16xf32>,
        %mul3A_1361 = arith.mulf %select_n3A_1334, %get3A_1356 : vector<16xf32>
        %swap3A_1362 = arith.index_cast %scan3A_244 : i32 to index
        %swap3A_1363 = arith.constant 16 : index
        %swap3A_1364 = tpu.vector_load %arg15[%swap3A_1362, %swap3A_1363] {strides = array<i32>} : memref<16x785xf32, #tpu.memory_space<vmem>>, vector<16xf32>,
        tpu.vector_store %arg15[%swap3A_1362, %swap3A_1363], %mul3A_1361 {strides = array<i32>} : memref<16x785xf32, #tpu.memory_space<vmem>>, vector<16xf32>,
        %get3A_1365 = arith.index_cast %scan3A_244 : i32 to index
        %get3A_1366 = arith.constant 32 : index
        %get3A_1367 = tpu.vector_load %arg14[%get3A_1365, %get3A_1366] {strides = array<i32>} : memref<16x785xf32, #tpu.memory_space<vmem>>, vector<16xf32>,
        %get3A_1368 = arith.index_cast %scan3A_244 : i32 to index
        %get3A_1369 = arith.constant 32 : index
        %get3A_1370 = tpu.vector_load %arg15[%get3A_1368, %get3A_1369] {strides = array<i32>} : memref<16x785xf32, #tpu.memory_space<vmem>>, vector<16xf32>,
        %mul3A_1371 = arith.mulf %select_n3A_1327, %get3A_1367 : vector<16xf32>
        %swap3A_1372 = arith.index_cast %scan3A_244 : i32 to index
        %swap3A_1373 = arith.constant 32 : index
        %swap3A_1374 = tpu.vector_load %arg14[%swap3A_1372, %swap3A_1373] {strides = array<i32>} : memref<16x785xf32, #tpu.memory_space<vmem>>, vector<16xf32>,
        tpu.vector_store %arg14[%swap3A_1372, %swap3A_1373], %mul3A_1371 {strides = array<i32>} : memref<16x785xf32, #tpu.memory_space<vmem>>, vector<16xf32>,
        %mul3A_1375 = arith.mulf %select_n3A_1334, %get3A_1370 : vector<16xf32>
        %swap3A_1376 = arith.index_cast %scan3A_244 : i32 to index
        %swap3A_1377 = arith.constant 32 : index
        %swap3A_1378 = tpu.vector_load %arg15[%swap3A_1376, %swap3A_1377] {strides = array<i32>} : memref<16x785xf32, #tpu.memory_space<vmem>>, vector<16xf32>,
        tpu.vector_store %arg15[%swap3A_1376, %swap3A_1377], %mul3A_1375 {strides = array<i32>} : memref<16x785xf32, #tpu.memory_space<vmem>>, vector<16xf32>,
        %get3A_1379 = arith.index_cast %scan3A_244 : i32 to index
        %get3A_1380 = arith.constant 48 : index
        %get3A_1381 = tpu.vector_load %arg14[%get3A_1379, %get3A_1380] {strides = array<i32>} : memref<16x785xf32, #tpu.memory_space<vmem>>, vector<16xf32>,
        %get3A_1382 = arith.index_cast %scan3A_244 : i32 to index
        %get3A_1383 = arith.constant 48 : index
        %get3A_1384 = tpu.vector_load %arg15[%get3A_1382, %get3A_1383] {strides = array<i32>} : memref<16x785xf32, #tpu.memory_space<vmem>>, vector<16xf32>,
        %mul3A_1385 = arith.mulf %select_n3A_1327, %get3A_1381 : vector<16xf32>
        %swap3A_1386 = arith.index_cast %scan3A_244 : i32 to index
        %swap3A_1387 = arith.constant 48 : index
        %swap3A_1388 = tpu.vector_load %arg14[%swap3A_1386, %swap3A_1387] {strides = array<i32>} : memref<16x785xf32, #tpu.memory_space<vmem>>, vector<16xf32>,
        tpu.vector_store %arg14[%swap3A_1386, %swap3A_1387], %mul3A_1385 {strides = array<i32>} : memref<16x785xf32, #tpu.memory_space<vmem>>, vector<16xf32>,
        %mul3A_1389 = arith.mulf %select_n3A_1334, %get3A_1384 : vector<16xf32>
        %swap3A_1390 = arith.index_cast %scan3A_244 : i32 to index
        %swap3A_1391 = arith.constant 48 : index
        %swap3A_1392 = tpu.vector_load %arg15[%swap3A_1390, %swap3A_1391] {strides = array<i32>} : memref<16x785xf32, #tpu.memory_space<vmem>>, vector<16xf32>,
        tpu.vector_store %arg15[%swap3A_1390, %swap3A_1391], %mul3A_1389 {strides = array<i32>} : memref<16x785xf32, #tpu.memory_space<vmem>>, vector<16xf32>,
        %get3A_1393 = arith.index_cast %scan3A_244 : i32 to index
        %get3A_1394 = arith.constant 64 : index
        %get3A_1395 = tpu.vector_load %arg14[%get3A_1393, %get3A_1394] {strides = array<i32>} : memref<16x785xf32, #tpu.memory_space<vmem>>, vector<16xf32>,
        %get3A_1396 = arith.index_cast %scan3A_244 : i32 to index
        %get3A_1397 = arith.constant 64 : index
        %get3A_1398 = tpu.vector_load %arg15[%get3A_1396, %get3A_1397] {strides = array<i32>} : memref<16x785xf32, #tpu.memory_space<vmem>>, vector<16xf32>,
        %mul3A_1399 = arith.mulf %select_n3A_1327, %get3A_1395 : vector<16xf32>
        %swap3A_1400 = arith.index_cast %scan3A_244 : i32 to index
        %swap3A_1401 = arith.constant 64 : index
        %swap3A_1402 = tpu.vector_load %arg14[%swap3A_1400, %swap3A_1401] {strides = array<i32>} : memref<16x785xf32, #tpu.memory_space<vmem>>, vector<16xf32>,
        tpu.vector_store %arg14[%swap3A_1400, %swap3A_1401], %mul3A_1399 {strides = array<i32>} : memref<16x785xf32, #tpu.memory_space<vmem>>, vector<16xf32>,
        %mul3A_1403 = arith.mulf %select_n3A_1334, %get3A_1398 : vector<16xf32>
        %swap3A_1404 = arith.index_cast %scan3A_244 : i32 to index
        %swap3A_1405 = arith.constant 64 : index
        %swap3A_1406 = tpu.vector_load %arg15[%swap3A_1404, %swap3A_1405] {strides = array<i32>} : memref<16x785xf32, #tpu.memory_space<vmem>>, vector<16xf32>,
        tpu.vector_store %arg15[%swap3A_1404, %swap3A_1405], %mul3A_1403 {strides = array<i32>} : memref<16x785xf32, #tpu.memory_space<vmem>>, vector<16xf32>,
        %get3A_1407 = arith.index_cast %scan3A_244 : i32 to index
        %get3A_1408 = arith.constant 80 : index
        %get3A_1409 = tpu.vector_load %arg14[%get3A_1407, %get3A_1408] {strides = array<i32>} : memref<16x785xf32, #tpu.memory_space<vmem>>, vector<16xf32>,
        %get3A_1410 = arith.index_cast %scan3A_244 : i32 to index
        %get3A_1411 = arith.constant 80 : index
        %get3A_1412 = tpu.vector_load %arg15[%get3A_1410, %get3A_1411] {strides = array<i32>} : memref<16x785xf32, #tpu.memory_space<vmem>>, vector<16xf32>,
        %mul3A_1413 = arith.mulf %select_n3A_1327, %get3A_1409 : vector<16xf32>
        %swap3A_1414 = arith.index_cast %scan3A_244 : i32 to index
        %swap3A_1415 = arith.constant 80 : index
        %swap3A_1416 = tpu.vector_load %arg14[%swap3A_1414, %swap3A_1415] {strides = array<i32>} : memref<16x785xf32, #tpu.memory_space<vmem>>, vector<16xf32>,
        tpu.vector_store %arg14[%swap3A_1414, %swap3A_1415], %mul3A_1413 {strides = array<i32>} : memref<16x785xf32, #tpu.memory_space<vmem>>, vector<16xf32>,
        %mul3A_1417 = arith.mulf %select_n3A_1334, %get3A_1412 : vector<16xf32>
        %swap3A_1418 = arith.index_cast %scan3A_244 : i32 to index
        %swap3A_1419 = arith.constant 80 : index
        %swap3A_1420 = tpu.vector_load %arg15[%swap3A_1418, %swap3A_1419] {strides = array<i32>} : memref<16x785xf32, #tpu.memory_space<vmem>>, vector<16xf32>,
        tpu.vector_store %arg15[%swap3A_1418, %swap3A_1419], %mul3A_1417 {strides = array<i32>} : memref<16x785xf32, #tpu.memory_space<vmem>>, vector<16xf32>,
        %get3A_1421 = arith.index_cast %scan3A_244 : i32 to index
        %get3A_1422 = arith.constant 96 : index
        %get3A_1423 = tpu.vector_load %arg14[%get3A_1421, %get3A_1422] {strides = array<i32>} : memref<16x785xf32, #tpu.memory_space<vmem>>, vector<16xf32>,
        %get3A_1424 = arith.index_cast %scan3A_244 : i32 to index
        %get3A_1425 = arith.constant 96 : index
        %get3A_1426 = tpu.vector_load %arg15[%get3A_1424, %get3A_1425] {strides = array<i32>} : memref<16x785xf32, #tpu.memory_space<vmem>>, vector<16xf32>,
        %mul3A_1427 = arith.mulf %select_n3A_1327, %get3A_1423 : vector<16xf32>
        %swap3A_1428 = arith.index_cast %scan3A_244 : i32 to index
        %swap3A_1429 = arith.constant 96 : index
        %swap3A_1430 = tpu.vector_load %arg14[%swap3A_1428, %swap3A_1429] {strides = array<i32>} : memref<16x785xf32, #tpu.memory_space<vmem>>, vector<16xf32>,
        tpu.vector_store %arg14[%swap3A_1428, %swap3A_1429], %mul3A_1427 {strides = array<i32>} : memref<16x785xf32, #tpu.memory_space<vmem>>, vector<16xf32>,
        %mul3A_1431 = arith.mulf %select_n3A_1334, %get3A_1426 : vector<16xf32>
        %swap3A_1432 = arith.index_cast %scan3A_244 : i32 to index
        %swap3A_1433 = arith.constant 96 : index
        %swap3A_1434 = tpu.vector_load %arg15[%swap3A_1432, %swap3A_1433] {strides = array<i32>} : memref<16x785xf32, #tpu.memory_space<vmem>>, vector<16xf32>,
        tpu.vector_store %arg15[%swap3A_1432, %swap3A_1433], %mul3A_1431 {strides = array<i32>} : memref<16x785xf32, #tpu.memory_space<vmem>>, vector<16xf32>,
        %get3A_1435 = arith.index_cast %scan3A_244 : i32 to index
        %get3A_1436 = arith.constant 112 : index
        %get3A_1437 = tpu.vector_load %arg14[%get3A_1435, %get3A_1436] {strides = array<i32>} : memref<16x785xf32, #tpu.memory_space<vmem>>, vector<16xf32>,
        %get3A_1438 = arith.index_cast %scan3A_244 : i32 to index
        %get3A_1439 = arith.constant 112 : index
        %get3A_1440 = tpu.vector_load %arg15[%get3A_1438, %get3A_1439] {strides = array<i32>} : memref<16x785xf32, #tpu.memory_space<vmem>>, vector<16xf32>,
        %mul3A_1441 = arith.mulf %select_n3A_1327, %get3A_1437 : vector<16xf32>
        %swap3A_1442 = arith.index_cast %scan3A_244 : i32 to index
        %swap3A_1443 = arith.constant 112 : index
        %swap3A_1444 = tpu.vector_load %arg14[%swap3A_1442, %swap3A_1443] {strides = array<i32>} : memref<16x785xf32, #tpu.memory_space<vmem>>, vector<16xf32>,
        tpu.vector_store %arg14[%swap3A_1442, %swap3A_1443], %mul3A_1441 {strides = array<i32>} : memref<16x785xf32, #tpu.memory_space<vmem>>, vector<16xf32>,
        %mul3A_1445 = arith.mulf %select_n3A_1334, %get3A_1440 : vector<16xf32>
        %swap3A_1446 = arith.index_cast %scan3A_244 : i32 to index
        %swap3A_1447 = arith.constant 112 : index
        %swap3A_1448 = tpu.vector_load %arg15[%swap3A_1446, %swap3A_1447] {strides = array<i32>} : memref<16x785xf32, #tpu.memory_space<vmem>>, vector<16xf32>,
        tpu.vector_store %arg15[%swap3A_1446, %swap3A_1447], %mul3A_1445 {strides = array<i32>} : memref<16x785xf32, #tpu.memory_space<vmem>>, vector<16xf32>,
        %get3A_1449 = arith.index_cast %scan3A_244 : i32 to index
        %get3A_1450 = arith.constant 128 : index
        %get3A_1451 = tpu.vector_load %arg14[%get3A_1449, %get3A_1450] {strides = array<i32>} : memref<16x785xf32, #tpu.memory_space<vmem>>, vector<16xf32>,
        %get3A_1452 = arith.index_cast %scan3A_244 : i32 to index
        %get3A_1453 = arith.constant 128 : index
        %get3A_1454 = tpu.vector_load %arg15[%get3A_1452, %get3A_1453] {strides = array<i32>} : memref<16x785xf32, #tpu.memory_space<vmem>>, vector<16xf32>,
        %mul3A_1455 = arith.mulf %select_n3A_1327, %get3A_1451 : vector<16xf32>
        %swap3A_1456 = arith.index_cast %scan3A_244 : i32 to index
        %swap3A_1457 = arith.constant 128 : index
        %swap3A_1458 = tpu.vector_load %arg14[%swap3A_1456, %swap3A_1457] {strides = array<i32>} : memref<16x785xf32, #tpu.memory_space<vmem>>, vector<16xf32>,
        tpu.vector_store %arg14[%swap3A_1456, %swap3A_1457], %mul3A_1455 {strides = array<i32>} : memref<16x785xf32, #tpu.memory_space<vmem>>, vector<16xf32>,
        %mul3A_1459 = arith.mulf %select_n3A_1334, %get3A_1454 : vector<16xf32>
        %swap3A_1460 = arith.index_cast %scan3A_244 : i32 to index
        %swap3A_1461 = arith.constant 128 : index
        %swap3A_1462 = tpu.vector_load %arg15[%swap3A_1460, %swap3A_1461] {strides = array<i32>} : memref<16x785xf32, #tpu.memory_space<vmem>>, vector<16xf32>,
        tpu.vector_store %arg15[%swap3A_1460, %swap3A_1461], %mul3A_1459 {strides = array<i32>} : memref<16x785xf32, #tpu.memory_space<vmem>>, vector<16xf32>,
        %get3A_1463 = arith.index_cast %scan3A_244 : i32 to index
        %get3A_1464 = arith.constant 144 : index
        %get3A_1465 = tpu.vector_load %arg14[%get3A_1463, %get3A_1464] {strides = array<i32>} : memref<16x785xf32, #tpu.memory_space<vmem>>, vector<16xf32>,
        %get3A_1466 = arith.index_cast %scan3A_244 : i32 to index
        %get3A_1467 = arith.constant 144 : index
        %get3A_1468 = tpu.vector_load %arg15[%get3A_1466, %get3A_1467] {strides = array<i32>} : memref<16x785xf32, #tpu.memory_space<vmem>>, vector<16xf32>,
        %mul3A_1469 = arith.mulf %select_n3A_1327, %get3A_1465 : vector<16xf32>
        %swap3A_1470 = arith.index_cast %scan3A_244 : i32 to index
        %swap3A_1471 = arith.constant 144 : index
        %swap3A_1472 = tpu.vector_load %arg14[%swap3A_1470, %swap3A_1471] {strides = array<i32>} : memref<16x785xf32, #tpu.memory_space<vmem>>, vector<16xf32>,
        tpu.vector_store %arg14[%swap3A_1470, %swap3A_1471], %mul3A_1469 {strides = array<i32>} : memref<16x785xf32, #tpu.memory_space<vmem>>, vector<16xf32>,
        %mul3A_1473 = arith.mulf %select_n3A_1334, %get3A_1468 : vector<16xf32>
        %swap3A_1474 = arith.index_cast %scan3A_244 : i32 to index
        %swap3A_1475 = arith.constant 144 : index
        %swap3A_1476 = tpu.vector_load %arg15[%swap3A_1474, %swap3A_1475] {strides = array<i32>} : memref<16x785xf32, #tpu.memory_space<vmem>>, vector<16xf32>,
        tpu.vector_store %arg15[%swap3A_1474, %swap3A_1475], %mul3A_1473 {strides = array<i32>} : memref<16x785xf32, #tpu.memory_space<vmem>>, vector<16xf32>,
        %get3A_1477 = arith.index_cast %scan3A_244 : i32 to index
        %get3A_1478 = arith.constant 160 : index
        %get3A_1479 = tpu.vector_load %arg14[%get3A_1477, %get3A_1478] {strides = array<i32>} : memref<16x785xf32, #tpu.memory_space<vmem>>, vector<16xf32>,
        %get3A_1480 = arith.index_cast %scan3A_244 : i32 to index
        %get3A_1481 = arith.constant 160 : index
        %get3A_1482 = tpu.vector_load %arg15[%get3A_1480, %get3A_1481] {strides = array<i32>} : memref<16x785xf32, #tpu.memory_space<vmem>>, vector<16xf32>,
        %mul3A_1483 = arith.mulf %select_n3A_1327, %get3A_1479 : vector<16xf32>
        %swap3A_1484 = arith.index_cast %scan3A_244 : i32 to index
        %swap3A_1485 = arith.constant 160 : index
        %swap3A_1486 = tpu.vector_load %arg14[%swap3A_1484, %swap3A_1485] {strides = array<i32>} : memref<16x785xf32, #tpu.memory_space<vmem>>, vector<16xf32>,
        tpu.vector_store %arg14[%swap3A_1484, %swap3A_1485], %mul3A_1483 {strides = array<i32>} : memref<16x785xf32, #tpu.memory_space<vmem>>, vector<16xf32>,
        %mul3A_1487 = arith.mulf %select_n3A_1334, %get3A_1482 : vector<16xf32>
        %swap3A_1488 = arith.index_cast %scan3A_244 : i32 to index
        %swap3A_1489 = arith.constant 160 : index
        %swap3A_1490 = tpu.vector_load %arg15[%swap3A_1488, %swap3A_1489] {strides = array<i32>} : memref<16x785xf32, #tpu.memory_space<vmem>>, vector<16xf32>,
        tpu.vector_store %arg15[%swap3A_1488, %swap3A_1489], %mul3A_1487 {strides = array<i32>} : memref<16x785xf32, #tpu.memory_space<vmem>>, vector<16xf32>,
        %get3A_1491 = arith.index_cast %scan3A_244 : i32 to index
        %get3A_1492 = arith.constant 176 : index
        %get3A_1493 = tpu.vector_load %arg14[%get3A_1491, %get3A_1492] {strides = array<i32>} : memref<16x785xf32, #tpu.memory_space<vmem>>, vector<16xf32>,
        %get3A_1494 = arith.index_cast %scan3A_244 : i32 to index
        %get3A_1495 = arith.constant 176 : index
        %get3A_1496 = tpu.vector_load %arg15[%get3A_1494, %get3A_1495] {strides = array<i32>} : memref<16x785xf32, #tpu.memory_space<vmem>>, vector<16xf32>,
        %mul3A_1497 = arith.mulf %select_n3A_1327, %get3A_1493 : vector<16xf32>
        %swap3A_1498 = arith.index_cast %scan3A_244 : i32 to index
        %swap3A_1499 = arith.constant 176 : index
        %swap3A_1500 = tpu.vector_load %arg14[%swap3A_1498, %swap3A_1499] {strides = array<i32>} : memref<16x785xf32, #tpu.memory_space<vmem>>, vector<16xf32>,
        tpu.vector_store %arg14[%swap3A_1498, %swap3A_1499], %mul3A_1497 {strides = array<i32>} : memref<16x785xf32, #tpu.memory_space<vmem>>, vector<16xf32>,
        %mul3A_1501 = arith.mulf %select_n3A_1334, %get3A_1496 : vector<16xf32>
        %swap3A_1502 = arith.index_cast %scan3A_244 : i32 to index
        %swap3A_1503 = arith.constant 176 : index
        %swap3A_1504 = tpu.vector_load %arg15[%swap3A_1502, %swap3A_1503] {strides = array<i32>} : memref<16x785xf32, #tpu.memory_space<vmem>>, vector<16xf32>,
        tpu.vector_store %arg15[%swap3A_1502, %swap3A_1503], %mul3A_1501 {strides = array<i32>} : memref<16x785xf32, #tpu.memory_space<vmem>>, vector<16xf32>,
        %get3A_1505 = arith.index_cast %scan3A_244 : i32 to index
        %get3A_1506 = arith.constant 192 : index
        %get3A_1507 = tpu.vector_load %arg14[%get3A_1505, %get3A_1506] {strides = array<i32>} : memref<16x785xf32, #tpu.memory_space<vmem>>, vector<16xf32>,
        %get3A_1508 = arith.index_cast %scan3A_244 : i32 to index
        %get3A_1509 = arith.constant 192 : index
        %get3A_1510 = tpu.vector_load %arg15[%get3A_1508, %get3A_1509] {strides = array<i32>} : memref<16x785xf32, #tpu.memory_space<vmem>>, vector<16xf32>,
        %mul3A_1511 = arith.mulf %select_n3A_1327, %get3A_1507 : vector<16xf32>
        %swap3A_1512 = arith.index_cast %scan3A_244 : i32 to index
        %swap3A_1513 = arith.constant 192 : index
        %swap3A_1514 = tpu.vector_load %arg14[%swap3A_1512, %swap3A_1513] {strides = array<i32>} : memref<16x785xf32, #tpu.memory_space<vmem>>, vector<16xf32>,
        tpu.vector_store %arg14[%swap3A_1512, %swap3A_1513], %mul3A_1511 {strides = array<i32>} : memref<16x785xf32, #tpu.memory_space<vmem>>, vector<16xf32>,
        %mul3A_1515 = arith.mulf %select_n3A_1334, %get3A_1510 : vector<16xf32>
        %swap3A_1516 = arith.index_cast %scan3A_244 : i32 to index
        %swap3A_1517 = arith.constant 192 : index
        %swap3A_1518 = tpu.vector_load %arg15[%swap3A_1516, %swap3A_1517] {strides = array<i32>} : memref<16x785xf32, #tpu.memory_space<vmem>>, vector<16xf32>,
        tpu.vector_store %arg15[%swap3A_1516, %swap3A_1517], %mul3A_1515 {strides = array<i32>} : memref<16x785xf32, #tpu.memory_space<vmem>>, vector<16xf32>,
        %get3A_1519 = arith.index_cast %scan3A_244 : i32 to index
        %get3A_1520 = arith.constant 208 : index
        %get3A_1521 = tpu.vector_load %arg14[%get3A_1519, %get3A_1520] {strides = array<i32>} : memref<16x785xf32, #tpu.memory_space<vmem>>, vector<16xf32>,
        %get3A_1522 = arith.index_cast %scan3A_244 : i32 to index
        %get3A_1523 = arith.constant 208 : index
        %get3A_1524 = tpu.vector_load %arg15[%get3A_1522, %get3A_1523] {strides = array<i32>} : memref<16x785xf32, #tpu.memory_space<vmem>>, vector<16xf32>,
        %mul3A_1525 = arith.mulf %select_n3A_1327, %get3A_1521 : vector<16xf32>
        %swap3A_1526 = arith.index_cast %scan3A_244 : i32 to index
        %swap3A_1527 = arith.constant 208 : index
        %swap3A_1528 = tpu.vector_load %arg14[%swap3A_1526, %swap3A_1527] {strides = array<i32>} : memref<16x785xf32, #tpu.memory_space<vmem>>, vector<16xf32>,
        tpu.vector_store %arg14[%swap3A_1526, %swap3A_1527], %mul3A_1525 {strides = array<i32>} : memref<16x785xf32, #tpu.memory_space<vmem>>, vector<16xf32>,
        %mul3A_1529 = arith.mulf %select_n3A_1334, %get3A_1524 : vector<16xf32>
        %swap3A_1530 = arith.index_cast %scan3A_244 : i32 to index
        %swap3A_1531 = arith.constant 208 : index
        %swap3A_1532 = tpu.vector_load %arg15[%swap3A_1530, %swap3A_1531] {strides = array<i32>} : memref<16x785xf32, #tpu.memory_space<vmem>>, vector<16xf32>,
        tpu.vector_store %arg15[%swap3A_1530, %swap3A_1531], %mul3A_1529 {strides = array<i32>} : memref<16x785xf32, #tpu.memory_space<vmem>>, vector<16xf32>,
        %get3A_1533 = arith.index_cast %scan3A_244 : i32 to index
        %get3A_1534 = arith.constant 224 : index
        %get3A_1535 = tpu.vector_load %arg14[%get3A_1533, %get3A_1534] {strides = array<i32>} : memref<16x785xf32, #tpu.memory_space<vmem>>, vector<16xf32>,
        %get3A_1536 = arith.index_cast %scan3A_244 : i32 to index
        %get3A_1537 = arith.constant 224 : index
        %get3A_1538 = tpu.vector_load %arg15[%get3A_1536, %get3A_1537] {strides = array<i32>} : memref<16x785xf32, #tpu.memory_space<vmem>>, vector<16xf32>,
        %mul3A_1539 = arith.mulf %select_n3A_1327, %get3A_1535 : vector<16xf32>
        %swap3A_1540 = arith.index_cast %scan3A_244 : i32 to index
        %swap3A_1541 = arith.constant 224 : index
        %swap3A_1542 = tpu.vector_load %arg14[%swap3A_1540, %swap3A_1541] {strides = array<i32>} : memref<16x785xf32, #tpu.memory_space<vmem>>, vector<16xf32>,
        tpu.vector_store %arg14[%swap3A_1540, %swap3A_1541], %mul3A_1539 {strides = array<i32>} : memref<16x785xf32, #tpu.memory_space<vmem>>, vector<16xf32>,
        %mul3A_1543 = arith.mulf %select_n3A_1334, %get3A_1538 : vector<16xf32>
        %swap3A_1544 = arith.index_cast %scan3A_244 : i32 to index
        %swap3A_1545 = arith.constant 224 : index
        %swap3A_1546 = tpu.vector_load %arg15[%swap3A_1544, %swap3A_1545] {strides = array<i32>} : memref<16x785xf32, #tpu.memory_space<vmem>>, vector<16xf32>,
        tpu.vector_store %arg15[%swap3A_1544, %swap3A_1545], %mul3A_1543 {strides = array<i32>} : memref<16x785xf32, #tpu.memory_space<vmem>>, vector<16xf32>,
        %get3A_1547 = arith.index_cast %scan3A_244 : i32 to index
        %get3A_1548 = arith.constant 240 : index
        %get3A_1549 = tpu.vector_load %arg14[%get3A_1547, %get3A_1548] {strides = array<i32>} : memref<16x785xf32, #tpu.memory_space<vmem>>, vector<16xf32>,
        %get3A_1550 = arith.index_cast %scan3A_244 : i32 to index
        %get3A_1551 = arith.constant 240 : index
        %get3A_1552 = tpu.vector_load %arg15[%get3A_1550, %get3A_1551] {strides = array<i32>} : memref<16x785xf32, #tpu.memory_space<vmem>>, vector<16xf32>,
        %mul3A_1553 = arith.mulf %select_n3A_1327, %get3A_1549 : vector<16xf32>
        %swap3A_1554 = arith.index_cast %scan3A_244 : i32 to index
        %swap3A_1555 = arith.constant 240 : index
        %swap3A_1556 = tpu.vector_load %arg14[%swap3A_1554, %swap3A_1555] {strides = array<i32>} : memref<16x785xf32, #tpu.memory_space<vmem>>, vector<16xf32>,
        tpu.vector_store %arg14[%swap3A_1554, %swap3A_1555], %mul3A_1553 {strides = array<i32>} : memref<16x785xf32, #tpu.memory_space<vmem>>, vector<16xf32>,
        %mul3A_1557 = arith.mulf %select_n3A_1334, %get3A_1552 : vector<16xf32>
        %swap3A_1558 = arith.index_cast %scan3A_244 : i32 to index
        %swap3A_1559 = arith.constant 240 : index
        %swap3A_1560 = tpu.vector_load %arg15[%swap3A_1558, %swap3A_1559] {strides = array<i32>} : memref<16x785xf32, #tpu.memory_space<vmem>>, vector<16xf32>,
        tpu.vector_store %arg15[%swap3A_1558, %swap3A_1559], %mul3A_1557 {strides = array<i32>} : memref<16x785xf32, #tpu.memory_space<vmem>>, vector<16xf32>,
        %get3A_1561 = arith.index_cast %scan3A_244 : i32 to index
        %get3A_1562 = arith.constant 256 : index
        %get3A_1563 = tpu.vector_load %arg14[%get3A_1561, %get3A_1562] {strides = array<i32>} : memref<16x785xf32, #tpu.memory_space<vmem>>, vector<16xf32>,
        %get3A_1564 = arith.index_cast %scan3A_244 : i32 to index
        %get3A_1565 = arith.constant 256 : index
        %get3A_1566 = tpu.vector_load %arg15[%get3A_1564, %get3A_1565] {strides = array<i32>} : memref<16x785xf32, #tpu.memory_space<vmem>>, vector<16xf32>,
        %mul3A_1567 = arith.mulf %select_n3A_1327, %get3A_1563 : vector<16xf32>
        %swap3A_1568 = arith.index_cast %scan3A_244 : i32 to index
        %swap3A_1569 = arith.constant 256 : index
        %swap3A_1570 = tpu.vector_load %arg14[%swap3A_1568, %swap3A_1569] {strides = array<i32>} : memref<16x785xf32, #tpu.memory_space<vmem>>, vector<16xf32>,
        tpu.vector_store %arg14[%swap3A_1568, %swap3A_1569], %mul3A_1567 {strides = array<i32>} : memref<16x785xf32, #tpu.memory_space<vmem>>, vector<16xf32>,
        %mul3A_1571 = arith.mulf %select_n3A_1334, %get3A_1566 : vector<16xf32>
        %swap3A_1572 = arith.index_cast %scan3A_244 : i32 to index
        %swap3A_1573 = arith.constant 256 : index
        %swap3A_1574 = tpu.vector_load %arg15[%swap3A_1572, %swap3A_1573] {strides = array<i32>} : memref<16x785xf32, #tpu.memory_space<vmem>>, vector<16xf32>,
        tpu.vector_store %arg15[%swap3A_1572, %swap3A_1573], %mul3A_1571 {strides = array<i32>} : memref<16x785xf32, #tpu.memory_space<vmem>>, vector<16xf32>,
        %get3A_1575 = arith.index_cast %scan3A_244 : i32 to index
        %get3A_1576 = arith.constant 272 : index
        %get3A_1577 = tpu.vector_load %arg14[%get3A_1575, %get3A_1576] {strides = array<i32>} : memref<16x785xf32, #tpu.memory_space<vmem>>, vector<16xf32>,
        %get3A_1578 = arith.index_cast %scan3A_244 : i32 to index
        %get3A_1579 = arith.constant 272 : index
        %get3A_1580 = tpu.vector_load %arg15[%get3A_1578, %get3A_1579] {strides = array<i32>} : memref<16x785xf32, #tpu.memory_space<vmem>>, vector<16xf32>,
        %mul3A_1581 = arith.mulf %select_n3A_1327, %get3A_1577 : vector<16xf32>
        %swap3A_1582 = arith.index_cast %scan3A_244 : i32 to index
        %swap3A_1583 = arith.constant 272 : index
        %swap3A_1584 = tpu.vector_load %arg14[%swap3A_1582, %swap3A_1583] {strides = array<i32>} : memref<16x785xf32, #tpu.memory_space<vmem>>, vector<16xf32>,
        tpu.vector_store %arg14[%swap3A_1582, %swap3A_1583], %mul3A_1581 {strides = array<i32>} : memref<16x785xf32, #tpu.memory_space<vmem>>, vector<16xf32>,
        %mul3A_1585 = arith.mulf %select_n3A_1334, %get3A_1580 : vector<16xf32>
        %swap3A_1586 = arith.index_cast %scan3A_244 : i32 to index
        %swap3A_1587 = arith.constant 272 : index
        %swap3A_1588 = tpu.vector_load %arg15[%swap3A_1586, %swap3A_1587] {strides = array<i32>} : memref<16x785xf32, #tpu.memory_space<vmem>>, vector<16xf32>,
        tpu.vector_store %arg15[%swap3A_1586, %swap3A_1587], %mul3A_1585 {strides = array<i32>} : memref<16x785xf32, #tpu.memory_space<vmem>>, vector<16xf32>,
        %get3A_1589 = arith.index_cast %scan3A_244 : i32 to index
        %get3A_1590 = arith.constant 288 : index
        %get3A_1591 = tpu.vector_load %arg14[%get3A_1589, %get3A_1590] {strides = array<i32>} : memref<16x785xf32, #tpu.memory_space<vmem>>, vector<16xf32>,
        %get3A_1592 = arith.index_cast %scan3A_244 : i32 to index
        %get3A_1593 = arith.constant 288 : index
        %get3A_1594 = tpu.vector_load %arg15[%get3A_1592, %get3A_1593] {strides = array<i32>} : memref<16x785xf32, #tpu.memory_space<vmem>>, vector<16xf32>,
        %mul3A_1595 = arith.mulf %select_n3A_1327, %get3A_1591 : vector<16xf32>
        %swap3A_1596 = arith.index_cast %scan3A_244 : i32 to index
        %swap3A_1597 = arith.constant 288 : index
        %swap3A_1598 = tpu.vector_load %arg14[%swap3A_1596, %swap3A_1597] {strides = array<i32>} : memref<16x785xf32, #tpu.memory_space<vmem>>, vector<16xf32>,
        tpu.vector_store %arg14[%swap3A_1596, %swap3A_1597], %mul3A_1595 {strides = array<i32>} : memref<16x785xf32, #tpu.memory_space<vmem>>, vector<16xf32>,
        %mul3A_1599 = arith.mulf %select_n3A_1334, %get3A_1594 : vector<16xf32>
        %swap3A_1600 = arith.index_cast %scan3A_244 : i32 to index
        %swap3A_1601 = arith.constant 288 : index
        %swap3A_1602 = tpu.vector_load %arg15[%swap3A_1600, %swap3A_1601] {strides = array<i32>} : memref<16x785xf32, #tpu.memory_space<vmem>>, vector<16xf32>,
        tpu.vector_store %arg15[%swap3A_1600, %swap3A_1601], %mul3A_1599 {strides = array<i32>} : memref<16x785xf32, #tpu.memory_space<vmem>>, vector<16xf32>,
        %get3A_1603 = arith.index_cast %scan3A_244 : i32 to index
        %get3A_1604 = arith.constant 304 : index
        %get3A_1605 = tpu.vector_load %arg14[%get3A_1603, %get3A_1604] {strides = array<i32>} : memref<16x785xf32, #tpu.memory_space<vmem>>, vector<16xf32>,
        %get3A_1606 = arith.index_cast %scan3A_244 : i32 to index
        %get3A_1607 = arith.constant 304 : index
        %get3A_1608 = tpu.vector_load %arg15[%get3A_1606, %get3A_1607] {strides = array<i32>} : memref<16x785xf32, #tpu.memory_space<vmem>>, vector<16xf32>,
        %mul3A_1609 = arith.mulf %select_n3A_1327, %get3A_1605 : vector<16xf32>
        %swap3A_1610 = arith.index_cast %scan3A_244 : i32 to index
        %swap3A_1611 = arith.constant 304 : index
        %swap3A_1612 = tpu.vector_load %arg14[%swap3A_1610, %swap3A_1611] {strides = array<i32>} : memref<16x785xf32, #tpu.memory_space<vmem>>, vector<16xf32>,
        tpu.vector_store %arg14[%swap3A_1610, %swap3A_1611], %mul3A_1609 {strides = array<i32>} : memref<16x785xf32, #tpu.memory_space<vmem>>, vector<16xf32>,
        %mul3A_1613 = arith.mulf %select_n3A_1334, %get3A_1608 : vector<16xf32>
        %swap3A_1614 = arith.index_cast %scan3A_244 : i32 to index
        %swap3A_1615 = arith.constant 304 : index
        %swap3A_1616 = tpu.vector_load %arg15[%swap3A_1614, %swap3A_1615] {strides = array<i32>} : memref<16x785xf32, #tpu.memory_space<vmem>>, vector<16xf32>,
        tpu.vector_store %arg15[%swap3A_1614, %swap3A_1615], %mul3A_1613 {strides = array<i32>} : memref<16x785xf32, #tpu.memory_space<vmem>>, vector<16xf32>,
        %get3A_1617 = arith.index_cast %scan3A_244 : i32 to index
        %get3A_1618 = arith.constant 320 : index
        %get3A_1619 = tpu.vector_load %arg14[%get3A_1617, %get3A_1618] {strides = array<i32>} : memref<16x785xf32, #tpu.memory_space<vmem>>, vector<16xf32>,
        %get3A_1620 = arith.index_cast %scan3A_244 : i32 to index
        %get3A_1621 = arith.constant 320 : index
        %get3A_1622 = tpu.vector_load %arg15[%get3A_1620, %get3A_1621] {strides = array<i32>} : memref<16x785xf32, #tpu.memory_space<vmem>>, vector<16xf32>,
        %mul3A_1623 = arith.mulf %select_n3A_1327, %get3A_1619 : vector<16xf32>
        %swap3A_1624 = arith.index_cast %scan3A_244 : i32 to index
        %swap3A_1625 = arith.constant 320 : index
        %swap3A_1626 = tpu.vector_load %arg14[%swap3A_1624, %swap3A_1625] {strides = array<i32>} : memref<16x785xf32, #tpu.memory_space<vmem>>, vector<16xf32>,
        tpu.vector_store %arg14[%swap3A_1624, %swap3A_1625], %mul3A_1623 {strides = array<i32>} : memref<16x785xf32, #tpu.memory_space<vmem>>, vector<16xf32>,
        %mul3A_1627 = arith.mulf %select_n3A_1334, %get3A_1622 : vector<16xf32>
        %swap3A_1628 = arith.index_cast %scan3A_244 : i32 to index
        %swap3A_1629 = arith.constant 320 : index
        %swap3A_1630 = tpu.vector_load %arg15[%swap3A_1628, %swap3A_1629] {strides = array<i32>} : memref<16x785xf32, #tpu.memory_space<vmem>>, vector<16xf32>,
        tpu.vector_store %arg15[%swap3A_1628, %swap3A_1629], %mul3A_1627 {strides = array<i32>} : memref<16x785xf32, #tpu.memory_space<vmem>>, vector<16xf32>,
        %get3A_1631 = arith.index_cast %scan3A_244 : i32 to index
        %get3A_1632 = arith.constant 336 : index
        %get3A_1633 = tpu.vector_load %arg14[%get3A_1631, %get3A_1632] {strides = array<i32>} : memref<16x785xf32, #tpu.memory_space<vmem>>, vector<16xf32>,
        %get3A_1634 = arith.index_cast %scan3A_244 : i32 to index
        %get3A_1635 = arith.constant 336 : index
        %get3A_1636 = tpu.vector_load %arg15[%get3A_1634, %get3A_1635] {strides = array<i32>} : memref<16x785xf32, #tpu.memory_space<vmem>>, vector<16xf32>,
        %mul3A_1637 = arith.mulf %select_n3A_1327, %get3A_1633 : vector<16xf32>
        %swap3A_1638 = arith.index_cast %scan3A_244 : i32 to index
        %swap3A_1639 = arith.constant 336 : index
        %swap3A_1640 = tpu.vector_load %arg14[%swap3A_1638, %swap3A_1639] {strides = array<i32>} : memref<16x785xf32, #tpu.memory_space<vmem>>, vector<16xf32>,
        tpu.vector_store %arg14[%swap3A_1638, %swap3A_1639], %mul3A_1637 {strides = array<i32>} : memref<16x785xf32, #tpu.memory_space<vmem>>, vector<16xf32>,
        %mul3A_1641 = arith.mulf %select_n3A_1334, %get3A_1636 : vector<16xf32>
        %swap3A_1642 = arith.index_cast %scan3A_244 : i32 to index
        %swap3A_1643 = arith.constant 336 : index
        %swap3A_1644 = tpu.vector_load %arg15[%swap3A_1642, %swap3A_1643] {strides = array<i32>} : memref<16x785xf32, #tpu.memory_space<vmem>>, vector<16xf32>,
        tpu.vector_store %arg15[%swap3A_1642, %swap3A_1643], %mul3A_1641 {strides = array<i32>} : memref<16x785xf32, #tpu.memory_space<vmem>>, vector<16xf32>,
        %get3A_1645 = arith.index_cast %scan3A_244 : i32 to index
        %get3A_1646 = arith.constant 352 : index
        %get3A_1647 = tpu.vector_load %arg14[%get3A_1645, %get3A_1646] {strides = array<i32>} : memref<16x785xf32, #tpu.memory_space<vmem>>, vector<16xf32>,
        %get3A_1648 = arith.index_cast %scan3A_244 : i32 to index
        %get3A_1649 = arith.constant 352 : index
        %get3A_1650 = tpu.vector_load %arg15[%get3A_1648, %get3A_1649] {strides = array<i32>} : memref<16x785xf32, #tpu.memory_space<vmem>>, vector<16xf32>,
        %mul3A_1651 = arith.mulf %select_n3A_1327, %get3A_1647 : vector<16xf32>
        %swap3A_1652 = arith.index_cast %scan3A_244 : i32 to index
        %swap3A_1653 = arith.constant 352 : index
        %swap3A_1654 = tpu.vector_load %arg14[%swap3A_1652, %swap3A_1653] {strides = array<i32>} : memref<16x785xf32, #tpu.memory_space<vmem>>, vector<16xf32>,
        tpu.vector_store %arg14[%swap3A_1652, %swap3A_1653], %mul3A_1651 {strides = array<i32>} : memref<16x785xf32, #tpu.memory_space<vmem>>, vector<16xf32>,
        %mul3A_1655 = arith.mulf %select_n3A_1334, %get3A_1650 : vector<16xf32>
        %swap3A_1656 = arith.index_cast %scan3A_244 : i32 to index
        %swap3A_1657 = arith.constant 352 : index
        %swap3A_1658 = tpu.vector_load %arg15[%swap3A_1656, %swap3A_1657] {strides = array<i32>} : memref<16x785xf32, #tpu.memory_space<vmem>>, vector<16xf32>,
        tpu.vector_store %arg15[%swap3A_1656, %swap3A_1657], %mul3A_1655 {strides = array<i32>} : memref<16x785xf32, #tpu.memory_space<vmem>>, vector<16xf32>,
        %get3A_1659 = arith.index_cast %scan3A_244 : i32 to index
        %get3A_1660 = arith.constant 368 : index
        %get3A_1661 = tpu.vector_load %arg14[%get3A_1659, %get3A_1660] {strides = array<i32>} : memref<16x785xf32, #tpu.memory_space<vmem>>, vector<16xf32>,
        %get3A_1662 = arith.index_cast %scan3A_244 : i32 to index
        %get3A_1663 = arith.constant 368 : index
        %get3A_1664 = tpu.vector_load %arg15[%get3A_1662, %get3A_1663] {strides = array<i32>} : memref<16x785xf32, #tpu.memory_space<vmem>>, vector<16xf32>,
        %mul3A_1665 = arith.mulf %select_n3A_1327, %get3A_1661 : vector<16xf32>
        %swap3A_1666 = arith.index_cast %scan3A_244 : i32 to index
        %swap3A_1667 = arith.constant 368 : index
        %swap3A_1668 = tpu.vector_load %arg14[%swap3A_1666, %swap3A_1667] {strides = array<i32>} : memref<16x785xf32, #tpu.memory_space<vmem>>, vector<16xf32>,
        tpu.vector_store %arg14[%swap3A_1666, %swap3A_1667], %mul3A_1665 {strides = array<i32>} : memref<16x785xf32, #tpu.memory_space<vmem>>, vector<16xf32>,
        %mul3A_1669 = arith.mulf %select_n3A_1334, %get3A_1664 : vector<16xf32>
        %swap3A_1670 = arith.index_cast %scan3A_244 : i32 to index
        %swap3A_1671 = arith.constant 368 : index
        %swap3A_1672 = tpu.vector_load %arg15[%swap3A_1670, %swap3A_1671] {strides = array<i32>} : memref<16x785xf32, #tpu.memory_space<vmem>>, vector<16xf32>,
        tpu.vector_store %arg15[%swap3A_1670, %swap3A_1671], %mul3A_1669 {strides = array<i32>} : memref<16x785xf32, #tpu.memory_space<vmem>>, vector<16xf32>,
        %get3A_1673 = arith.index_cast %scan3A_244 : i32 to index
        %get3A_1674 = arith.constant 384 : index
        %get3A_1675 = tpu.vector_load %arg14[%get3A_1673, %get3A_1674] {strides = array<i32>} : memref<16x785xf32, #tpu.memory_space<vmem>>, vector<16xf32>,
        %get3A_1676 = arith.index_cast %scan3A_244 : i32 to index
        %get3A_1677 = arith.constant 384 : index
        %get3A_1678 = tpu.vector_load %arg15[%get3A_1676, %get3A_1677] {strides = array<i32>} : memref<16x785xf32, #tpu.memory_space<vmem>>, vector<16xf32>,
        %mul3A_1679 = arith.mulf %select_n3A_1327, %get3A_1675 : vector<16xf32>
        %swap3A_1680 = arith.index_cast %scan3A_244 : i32 to index
        %swap3A_1681 = arith.constant 384 : index
        %swap3A_1682 = tpu.vector_load %arg14[%swap3A_1680, %swap3A_1681] {strides = array<i32>} : memref<16x785xf32, #tpu.memory_space<vmem>>, vector<16xf32>,
        tpu.vector_store %arg14[%swap3A_1680, %swap3A_1681], %mul3A_1679 {strides = array<i32>} : memref<16x785xf32, #tpu.memory_space<vmem>>, vector<16xf32>,
        %mul3A_1683 = arith.mulf %select_n3A_1334, %get3A_1678 : vector<16xf32>
        %swap3A_1684 = arith.index_cast %scan3A_244 : i32 to index
        %swap3A_1685 = arith.constant 384 : index
        %swap3A_1686 = tpu.vector_load %arg15[%swap3A_1684, %swap3A_1685] {strides = array<i32>} : memref<16x785xf32, #tpu.memory_space<vmem>>, vector<16xf32>,
        tpu.vector_store %arg15[%swap3A_1684, %swap3A_1685], %mul3A_1683 {strides = array<i32>} : memref<16x785xf32, #tpu.memory_space<vmem>>, vector<16xf32>,
        %get3A_1687 = arith.index_cast %scan3A_244 : i32 to index
        %get3A_1688 = arith.constant 400 : index
        %get3A_1689 = tpu.vector_load %arg14[%get3A_1687, %get3A_1688] {strides = array<i32>} : memref<16x785xf32, #tpu.memory_space<vmem>>, vector<16xf32>,
        %get3A_1690 = arith.index_cast %scan3A_244 : i32 to index
        %get3A_1691 = arith.constant 400 : index
        %get3A_1692 = tpu.vector_load %arg15[%get3A_1690, %get3A_1691] {strides = array<i32>} : memref<16x785xf32, #tpu.memory_space<vmem>>, vector<16xf32>,
        %mul3A_1693 = arith.mulf %select_n3A_1327, %get3A_1689 : vector<16xf32>
        %swap3A_1694 = arith.index_cast %scan3A_244 : i32 to index
        %swap3A_1695 = arith.constant 400 : index
        %swap3A_1696 = tpu.vector_load %arg14[%swap3A_1694, %swap3A_1695] {strides = array<i32>} : memref<16x785xf32, #tpu.memory_space<vmem>>, vector<16xf32>,
        tpu.vector_store %arg14[%swap3A_1694, %swap3A_1695], %mul3A_1693 {strides = array<i32>} : memref<16x785xf32, #tpu.memory_space<vmem>>, vector<16xf32>,
        %mul3A_1697 = arith.mulf %select_n3A_1334, %get3A_1692 : vector<16xf32>
        %swap3A_1698 = arith.index_cast %scan3A_244 : i32 to index
        %swap3A_1699 = arith.constant 400 : index
        %swap3A_1700 = tpu.vector_load %arg15[%swap3A_1698, %swap3A_1699] {strides = array<i32>} : memref<16x785xf32, #tpu.memory_space<vmem>>, vector<16xf32>,
        tpu.vector_store %arg15[%swap3A_1698, %swap3A_1699], %mul3A_1697 {strides = array<i32>} : memref<16x785xf32, #tpu.memory_space<vmem>>, vector<16xf32>,
        %get3A_1701 = arith.index_cast %scan3A_244 : i32 to index
        %get3A_1702 = arith.constant 416 : index
        %get3A_1703 = tpu.vector_load %arg14[%get3A_1701, %get3A_1702] {strides = array<i32>} : memref<16x785xf32, #tpu.memory_space<vmem>>, vector<16xf32>,
        %get3A_1704 = arith.index_cast %scan3A_244 : i32 to index
        %get3A_1705 = arith.constant 416 : index
        %get3A_1706 = tpu.vector_load %arg15[%get3A_1704, %get3A_1705] {strides = array<i32>} : memref<16x785xf32, #tpu.memory_space<vmem>>, vector<16xf32>,
        %mul3A_1707 = arith.mulf %select_n3A_1327, %get3A_1703 : vector<16xf32>
        %swap3A_1708 = arith.index_cast %scan3A_244 : i32 to index
        %swap3A_1709 = arith.constant 416 : index
        %swap3A_1710 = tpu.vector_load %arg14[%swap3A_1708, %swap3A_1709] {strides = array<i32>} : memref<16x785xf32, #tpu.memory_space<vmem>>, vector<16xf32>,
        tpu.vector_store %arg14[%swap3A_1708, %swap3A_1709], %mul3A_1707 {strides = array<i32>} : memref<16x785xf32, #tpu.memory_space<vmem>>, vector<16xf32>,
        %mul3A_1711 = arith.mulf %select_n3A_1334, %get3A_1706 : vector<16xf32>
        %swap3A_1712 = arith.index_cast %scan3A_244 : i32 to index
        %swap3A_1713 = arith.constant 416 : index
        %swap3A_1714 = tpu.vector_load %arg15[%swap3A_1712, %swap3A_1713] {strides = array<i32>} : memref<16x785xf32, #tpu.memory_space<vmem>>, vector<16xf32>,
        tpu.vector_store %arg15[%swap3A_1712, %swap3A_1713], %mul3A_1711 {strides = array<i32>} : memref<16x785xf32, #tpu.memory_space<vmem>>, vector<16xf32>,
        %get3A_1715 = arith.index_cast %scan3A_244 : i32 to index
        %get3A_1716 = arith.constant 432 : index
        %get3A_1717 = tpu.vector_load %arg14[%get3A_1715, %get3A_1716] {strides = array<i32>} : memref<16x785xf32, #tpu.memory_space<vmem>>, vector<16xf32>,
        %get3A_1718 = arith.index_cast %scan3A_244 : i32 to index
        %get3A_1719 = arith.constant 432 : index
        %get3A_1720 = tpu.vector_load %arg15[%get3A_1718, %get3A_1719] {strides = array<i32>} : memref<16x785xf32, #tpu.memory_space<vmem>>, vector<16xf32>,
        %mul3A_1721 = arith.mulf %select_n3A_1327, %get3A_1717 : vector<16xf32>
        %swap3A_1722 = arith.index_cast %scan3A_244 : i32 to index
        %swap3A_1723 = arith.constant 432 : index
        %swap3A_1724 = tpu.vector_load %arg14[%swap3A_1722, %swap3A_1723] {strides = array<i32>} : memref<16x785xf32, #tpu.memory_space<vmem>>, vector<16xf32>,
        tpu.vector_store %arg14[%swap3A_1722, %swap3A_1723], %mul3A_1721 {strides = array<i32>} : memref<16x785xf32, #tpu.memory_space<vmem>>, vector<16xf32>,
        %mul3A_1725 = arith.mulf %select_n3A_1334, %get3A_1720 : vector<16xf32>
        %swap3A_1726 = arith.index_cast %scan3A_244 : i32 to index
        %swap3A_1727 = arith.constant 432 : index
        %swap3A_1728 = tpu.vector_load %arg15[%swap3A_1726, %swap3A_1727] {strides = array<i32>} : memref<16x785xf32, #tpu.memory_space<vmem>>, vector<16xf32>,
        tpu.vector_store %arg15[%swap3A_1726, %swap3A_1727], %mul3A_1725 {strides = array<i32>} : memref<16x785xf32, #tpu.memory_space<vmem>>, vector<16xf32>,
        %get3A_1729 = arith.index_cast %scan3A_244 : i32 to index
        %get3A_1730 = arith.constant 448 : index
        %get3A_1731 = tpu.vector_load %arg14[%get3A_1729, %get3A_1730] {strides = array<i32>} : memref<16x785xf32, #tpu.memory_space<vmem>>, vector<16xf32>,
        %get3A_1732 = arith.index_cast %scan3A_244 : i32 to index
        %get3A_1733 = arith.constant 448 : index
        %get3A_1734 = tpu.vector_load %arg15[%get3A_1732, %get3A_1733] {strides = array<i32>} : memref<16x785xf32, #tpu.memory_space<vmem>>, vector<16xf32>,
        %mul3A_1735 = arith.mulf %select_n3A_1327, %get3A_1731 : vector<16xf32>
        %swap3A_1736 = arith.index_cast %scan3A_244 : i32 to index
        %swap3A_1737 = arith.constant 448 : index
        %swap3A_1738 = tpu.vector_load %arg14[%swap3A_1736, %swap3A_1737] {strides = array<i32>} : memref<16x785xf32, #tpu.memory_space<vmem>>, vector<16xf32>,
        tpu.vector_store %arg14[%swap3A_1736, %swap3A_1737], %mul3A_1735 {strides = array<i32>} : memref<16x785xf32, #tpu.memory_space<vmem>>, vector<16xf32>,
        %mul3A_1739 = arith.mulf %select_n3A_1334, %get3A_1734 : vector<16xf32>
        %swap3A_1740 = arith.index_cast %scan3A_244 : i32 to index
        %swap3A_1741 = arith.constant 448 : index
        %swap3A_1742 = tpu.vector_load %arg15[%swap3A_1740, %swap3A_1741] {strides = array<i32>} : memref<16x785xf32, #tpu.memory_space<vmem>>, vector<16xf32>,
        tpu.vector_store %arg15[%swap3A_1740, %swap3A_1741], %mul3A_1739 {strides = array<i32>} : memref<16x785xf32, #tpu.memory_space<vmem>>, vector<16xf32>,
        %get3A_1743 = arith.index_cast %scan3A_244 : i32 to index
        %get3A_1744 = arith.constant 464 : index
        %get3A_1745 = tpu.vector_load %arg14[%get3A_1743, %get3A_1744] {strides = array<i32>} : memref<16x785xf32, #tpu.memory_space<vmem>>, vector<16xf32>,
        %get3A_1746 = arith.index_cast %scan3A_244 : i32 to index
        %get3A_1747 = arith.constant 464 : index
        %get3A_1748 = tpu.vector_load %arg15[%get3A_1746, %get3A_1747] {strides = array<i32>} : memref<16x785xf32, #tpu.memory_space<vmem>>, vector<16xf32>,
        %mul3A_1749 = arith.mulf %select_n3A_1327, %get3A_1745 : vector<16xf32>
        %swap3A_1750 = arith.index_cast %scan3A_244 : i32 to index
        %swap3A_1751 = arith.constant 464 : index
        %swap3A_1752 = tpu.vector_load %arg14[%swap3A_1750, %swap3A_1751] {strides = array<i32>} : memref<16x785xf32, #tpu.memory_space<vmem>>, vector<16xf32>,
        tpu.vector_store %arg14[%swap3A_1750, %swap3A_1751], %mul3A_1749 {strides = array<i32>} : memref<16x785xf32, #tpu.memory_space<vmem>>, vector<16xf32>,
        %mul3A_1753 = arith.mulf %select_n3A_1334, %get3A_1748 : vector<16xf32>
        %swap3A_1754 = arith.index_cast %scan3A_244 : i32 to index
        %swap3A_1755 = arith.constant 464 : index
        %swap3A_1756 = tpu.vector_load %arg15[%swap3A_1754, %swap3A_1755] {strides = array<i32>} : memref<16x785xf32, #tpu.memory_space<vmem>>, vector<16xf32>,
        tpu.vector_store %arg15[%swap3A_1754, %swap3A_1755], %mul3A_1753 {strides = array<i32>} : memref<16x785xf32, #tpu.memory_space<vmem>>, vector<16xf32>,
        %get3A_1757 = arith.index_cast %scan3A_244 : i32 to index
        %get3A_1758 = arith.constant 480 : index
        %get3A_1759 = tpu.vector_load %arg14[%get3A_1757, %get3A_1758] {strides = array<i32>} : memref<16x785xf32, #tpu.memory_space<vmem>>, vector<16xf32>,
        %get3A_1760 = arith.index_cast %scan3A_244 : i32 to index
        %get3A_1761 = arith.constant 480 : index
        %get3A_1762 = tpu.vector_load %arg15[%get3A_1760, %get3A_1761] {strides = array<i32>} : memref<16x785xf32, #tpu.memory_space<vmem>>, vector<16xf32>,
        %mul3A_1763 = arith.mulf %select_n3A_1327, %get3A_1759 : vector<16xf32>
        %swap3A_1764 = arith.index_cast %scan3A_244 : i32 to index
        %swap3A_1765 = arith.constant 480 : index
        %swap3A_1766 = tpu.vector_load %arg14[%swap3A_1764, %swap3A_1765] {strides = array<i32>} : memref<16x785xf32, #tpu.memory_space<vmem>>, vector<16xf32>,
        tpu.vector_store %arg14[%swap3A_1764, %swap3A_1765], %mul3A_1763 {strides = array<i32>} : memref<16x785xf32, #tpu.memory_space<vmem>>, vector<16xf32>,
        %mul3A_1767 = arith.mulf %select_n3A_1334, %get3A_1762 : vector<16xf32>
        %swap3A_1768 = arith.index_cast %scan3A_244 : i32 to index
        %swap3A_1769 = arith.constant 480 : index
        %swap3A_1770 = tpu.vector_load %arg15[%swap3A_1768, %swap3A_1769] {strides = array<i32>} : memref<16x785xf32, #tpu.memory_space<vmem>>, vector<16xf32>,
        tpu.vector_store %arg15[%swap3A_1768, %swap3A_1769], %mul3A_1767 {strides = array<i32>} : memref<16x785xf32, #tpu.memory_space<vmem>>, vector<16xf32>,
        %get3A_1771 = arith.index_cast %scan3A_244 : i32 to index
        %get3A_1772 = arith.constant 496 : index
        %get3A_1773 = tpu.vector_load %arg14[%get3A_1771, %get3A_1772] {strides = array<i32>} : memref<16x785xf32, #tpu.memory_space<vmem>>, vector<16xf32>,
        %get3A_1774 = arith.index_cast %scan3A_244 : i32 to index
        %get3A_1775 = arith.constant 496 : index
        %get3A_1776 = tpu.vector_load %arg15[%get3A_1774, %get3A_1775] {strides = array<i32>} : memref<16x785xf32, #tpu.memory_space<vmem>>, vector<16xf32>,
        %mul3A_1777 = arith.mulf %select_n3A_1327, %get3A_1773 : vector<16xf32>
        %swap3A_1778 = arith.index_cast %scan3A_244 : i32 to index
        %swap3A_1779 = arith.constant 496 : index
        %swap3A_1780 = tpu.vector_load %arg14[%swap3A_1778, %swap3A_1779] {strides = array<i32>} : memref<16x785xf32, #tpu.memory_space<vmem>>, vector<16xf32>,
        tpu.vector_store %arg14[%swap3A_1778, %swap3A_1779], %mul3A_1777 {strides = array<i32>} : memref<16x785xf32, #tpu.memory_space<vmem>>, vector<16xf32>,
        %mul3A_1781 = arith.mulf %select_n3A_1334, %get3A_1776 : vector<16xf32>
        %swap3A_1782 = arith.index_cast %scan3A_244 : i32 to index
        %swap3A_1783 = arith.constant 496 : index
        %swap3A_1784 = tpu.vector_load %arg15[%swap3A_1782, %swap3A_1783] {strides = array<i32>} : memref<16x785xf32, #tpu.memory_space<vmem>>, vector<16xf32>,
        tpu.vector_store %arg15[%swap3A_1782, %swap3A_1783], %mul3A_1781 {strides = array<i32>} : memref<16x785xf32, #tpu.memory_space<vmem>>, vector<16xf32>,
        %get3A_1785 = arith.index_cast %scan3A_244 : i32 to index
        %get3A_1786 = arith.constant 512 : index
        %get3A_1787 = tpu.vector_load %arg14[%get3A_1785, %get3A_1786] {strides = array<i32>} : memref<16x785xf32, #tpu.memory_space<vmem>>, vector<16xf32>,
        %get3A_1788 = arith.index_cast %scan3A_244 : i32 to index
        %get3A_1789 = arith.constant 512 : index
        %get3A_1790 = tpu.vector_load %arg15[%get3A_1788, %get3A_1789] {strides = array<i32>} : memref<16x785xf32, #tpu.memory_space<vmem>>, vector<16xf32>,
        %mul3A_1791 = arith.mulf %select_n3A_1327, %get3A_1787 : vector<16xf32>
        %swap3A_1792 = arith.index_cast %scan3A_244 : i32 to index
        %swap3A_1793 = arith.constant 512 : index
        %swap3A_1794 = tpu.vector_load %arg14[%swap3A_1792, %swap3A_1793] {strides = array<i32>} : memref<16x785xf32, #tpu.memory_space<vmem>>, vector<16xf32>,
        tpu.vector_store %arg14[%swap3A_1792, %swap3A_1793], %mul3A_1791 {strides = array<i32>} : memref<16x785xf32, #tpu.memory_space<vmem>>, vector<16xf32>,
        %mul3A_1795 = arith.mulf %select_n3A_1334, %get3A_1790 : vector<16xf32>
        %swap3A_1796 = arith.index_cast %scan3A_244 : i32 to index
        %swap3A_1797 = arith.constant 512 : index
        %swap3A_1798 = tpu.vector_load %arg15[%swap3A_1796, %swap3A_1797] {strides = array<i32>} : memref<16x785xf32, #tpu.memory_space<vmem>>, vector<16xf32>,
        tpu.vector_store %arg15[%swap3A_1796, %swap3A_1797], %mul3A_1795 {strides = array<i32>} : memref<16x785xf32, #tpu.memory_space<vmem>>, vector<16xf32>,
        %get3A_1799 = arith.index_cast %scan3A_244 : i32 to index
        %get3A_1800 = arith.constant 528 : index
        %get3A_1801 = tpu.vector_load %arg14[%get3A_1799, %get3A_1800] {strides = array<i32>} : memref<16x785xf32, #tpu.memory_space<vmem>>, vector<16xf32>,
        %get3A_1802 = arith.index_cast %scan3A_244 : i32 to index
        %get3A_1803 = arith.constant 528 : index
        %get3A_1804 = tpu.vector_load %arg15[%get3A_1802, %get3A_1803] {strides = array<i32>} : memref<16x785xf32, #tpu.memory_space<vmem>>, vector<16xf32>,
        %mul3A_1805 = arith.mulf %select_n3A_1327, %get3A_1801 : vector<16xf32>
        %swap3A_1806 = arith.index_cast %scan3A_244 : i32 to index
        %swap3A_1807 = arith.constant 528 : index
        %swap3A_1808 = tpu.vector_load %arg14[%swap3A_1806, %swap3A_1807] {strides = array<i32>} : memref<16x785xf32, #tpu.memory_space<vmem>>, vector<16xf32>,
        tpu.vector_store %arg14[%swap3A_1806, %swap3A_1807], %mul3A_1805 {strides = array<i32>} : memref<16x785xf32, #tpu.memory_space<vmem>>, vector<16xf32>,
        %mul3A_1809 = arith.mulf %select_n3A_1334, %get3A_1804 : vector<16xf32>
        %swap3A_1810 = arith.index_cast %scan3A_244 : i32 to index
        %swap3A_1811 = arith.constant 528 : index
        %swap3A_1812 = tpu.vector_load %arg15[%swap3A_1810, %swap3A_1811] {strides = array<i32>} : memref<16x785xf32, #tpu.memory_space<vmem>>, vector<16xf32>,
        tpu.vector_store %arg15[%swap3A_1810, %swap3A_1811], %mul3A_1809 {strides = array<i32>} : memref<16x785xf32, #tpu.memory_space<vmem>>, vector<16xf32>,
        %get3A_1813 = arith.index_cast %scan3A_244 : i32 to index
        %get3A_1814 = arith.constant 544 : index
        %get3A_1815 = tpu.vector_load %arg14[%get3A_1813, %get3A_1814] {strides = array<i32>} : memref<16x785xf32, #tpu.memory_space<vmem>>, vector<16xf32>,
        %get3A_1816 = arith.index_cast %scan3A_244 : i32 to index
        %get3A_1817 = arith.constant 544 : index
        %get3A_1818 = tpu.vector_load %arg15[%get3A_1816, %get3A_1817] {strides = array<i32>} : memref<16x785xf32, #tpu.memory_space<vmem>>, vector<16xf32>,
        %mul3A_1819 = arith.mulf %select_n3A_1327, %get3A_1815 : vector<16xf32>
        %swap3A_1820 = arith.index_cast %scan3A_244 : i32 to index
        %swap3A_1821 = arith.constant 544 : index
        %swap3A_1822 = tpu.vector_load %arg14[%swap3A_1820, %swap3A_1821] {strides = array<i32>} : memref<16x785xf32, #tpu.memory_space<vmem>>, vector<16xf32>,
        tpu.vector_store %arg14[%swap3A_1820, %swap3A_1821], %mul3A_1819 {strides = array<i32>} : memref<16x785xf32, #tpu.memory_space<vmem>>, vector<16xf32>,
        %mul3A_1823 = arith.mulf %select_n3A_1334, %get3A_1818 : vector<16xf32>
        %swap3A_1824 = arith.index_cast %scan3A_244 : i32 to index
        %swap3A_1825 = arith.constant 544 : index
        %swap3A_1826 = tpu.vector_load %arg15[%swap3A_1824, %swap3A_1825] {strides = array<i32>} : memref<16x785xf32, #tpu.memory_space<vmem>>, vector<16xf32>,
        tpu.vector_store %arg15[%swap3A_1824, %swap3A_1825], %mul3A_1823 {strides = array<i32>} : memref<16x785xf32, #tpu.memory_space<vmem>>, vector<16xf32>,
        %get3A_1827 = arith.index_cast %scan3A_244 : i32 to index
        %get3A_1828 = arith.constant 560 : index
        %get3A_1829 = tpu.vector_load %arg14[%get3A_1827, %get3A_1828] {strides = array<i32>} : memref<16x785xf32, #tpu.memory_space<vmem>>, vector<16xf32>,
        %get3A_1830 = arith.index_cast %scan3A_244 : i32 to index
        %get3A_1831 = arith.constant 560 : index
        %get3A_1832 = tpu.vector_load %arg15[%get3A_1830, %get3A_1831] {strides = array<i32>} : memref<16x785xf32, #tpu.memory_space<vmem>>, vector<16xf32>,
        %mul3A_1833 = arith.mulf %select_n3A_1327, %get3A_1829 : vector<16xf32>
        %swap3A_1834 = arith.index_cast %scan3A_244 : i32 to index
        %swap3A_1835 = arith.constant 560 : index
        %swap3A_1836 = tpu.vector_load %arg14[%swap3A_1834, %swap3A_1835] {strides = array<i32>} : memref<16x785xf32, #tpu.memory_space<vmem>>, vector<16xf32>,
        tpu.vector_store %arg14[%swap3A_1834, %swap3A_1835], %mul3A_1833 {strides = array<i32>} : memref<16x785xf32, #tpu.memory_space<vmem>>, vector<16xf32>,
        %mul3A_1837 = arith.mulf %select_n3A_1334, %get3A_1832 : vector<16xf32>
        %swap3A_1838 = arith.index_cast %scan3A_244 : i32 to index
        %swap3A_1839 = arith.constant 560 : index
        %swap3A_1840 = tpu.vector_load %arg15[%swap3A_1838, %swap3A_1839] {strides = array<i32>} : memref<16x785xf32, #tpu.memory_space<vmem>>, vector<16xf32>,
        tpu.vector_store %arg15[%swap3A_1838, %swap3A_1839], %mul3A_1837 {strides = array<i32>} : memref<16x785xf32, #tpu.memory_space<vmem>>, vector<16xf32>,
        %get3A_1841 = arith.index_cast %scan3A_244 : i32 to index
        %get3A_1842 = arith.constant 576 : index
        %get3A_1843 = tpu.vector_load %arg14[%get3A_1841, %get3A_1842] {strides = array<i32>} : memref<16x785xf32, #tpu.memory_space<vmem>>, vector<16xf32>,
        %get3A_1844 = arith.index_cast %scan3A_244 : i32 to index
        %get3A_1845 = arith.constant 576 : index
        %get3A_1846 = tpu.vector_load %arg15[%get3A_1844, %get3A_1845] {strides = array<i32>} : memref<16x785xf32, #tpu.memory_space<vmem>>, vector<16xf32>,
        %mul3A_1847 = arith.mulf %select_n3A_1327, %get3A_1843 : vector<16xf32>
        %swap3A_1848 = arith.index_cast %scan3A_244 : i32 to index
        %swap3A_1849 = arith.constant 576 : index
        %swap3A_1850 = tpu.vector_load %arg14[%swap3A_1848, %swap3A_1849] {strides = array<i32>} : memref<16x785xf32, #tpu.memory_space<vmem>>, vector<16xf32>,
        tpu.vector_store %arg14[%swap3A_1848, %swap3A_1849], %mul3A_1847 {strides = array<i32>} : memref<16x785xf32, #tpu.memory_space<vmem>>, vector<16xf32>,
        %mul3A_1851 = arith.mulf %select_n3A_1334, %get3A_1846 : vector<16xf32>
        %swap3A_1852 = arith.index_cast %scan3A_244 : i32 to index
        %swap3A_1853 = arith.constant 576 : index
        %swap3A_1854 = tpu.vector_load %arg15[%swap3A_1852, %swap3A_1853] {strides = array<i32>} : memref<16x785xf32, #tpu.memory_space<vmem>>, vector<16xf32>,
        tpu.vector_store %arg15[%swap3A_1852, %swap3A_1853], %mul3A_1851 {strides = array<i32>} : memref<16x785xf32, #tpu.memory_space<vmem>>, vector<16xf32>,
        %get3A_1855 = arith.index_cast %scan3A_244 : i32 to index
        %get3A_1856 = arith.constant 592 : index
        %get3A_1857 = tpu.vector_load %arg14[%get3A_1855, %get3A_1856] {strides = array<i32>} : memref<16x785xf32, #tpu.memory_space<vmem>>, vector<16xf32>,
        %get3A_1858 = arith.index_cast %scan3A_244 : i32 to index
        %get3A_1859 = arith.constant 592 : index
        %get3A_1860 = tpu.vector_load %arg15[%get3A_1858, %get3A_1859] {strides = array<i32>} : memref<16x785xf32, #tpu.memory_space<vmem>>, vector<16xf32>,
        %mul3A_1861 = arith.mulf %select_n3A_1327, %get3A_1857 : vector<16xf32>
        %swap3A_1862 = arith.index_cast %scan3A_244 : i32 to index
        %swap3A_1863 = arith.constant 592 : index
        %swap3A_1864 = tpu.vector_load %arg14[%swap3A_1862, %swap3A_1863] {strides = array<i32>} : memref<16x785xf32, #tpu.memory_space<vmem>>, vector<16xf32>,
        tpu.vector_store %arg14[%swap3A_1862, %swap3A_1863], %mul3A_1861 {strides = array<i32>} : memref<16x785xf32, #tpu.memory_space<vmem>>, vector<16xf32>,
        %mul3A_1865 = arith.mulf %select_n3A_1334, %get3A_1860 : vector<16xf32>
        %swap3A_1866 = arith.index_cast %scan3A_244 : i32 to index
        %swap3A_1867 = arith.constant 592 : index
        %swap3A_1868 = tpu.vector_load %arg15[%swap3A_1866, %swap3A_1867] {strides = array<i32>} : memref<16x785xf32, #tpu.memory_space<vmem>>, vector<16xf32>,
        tpu.vector_store %arg15[%swap3A_1866, %swap3A_1867], %mul3A_1865 {strides = array<i32>} : memref<16x785xf32, #tpu.memory_space<vmem>>, vector<16xf32>,
        %get3A_1869 = arith.index_cast %scan3A_244 : i32 to index
        %get3A_1870 = arith.constant 608 : index
        %get3A_1871 = tpu.vector_load %arg14[%get3A_1869, %get3A_1870] {strides = array<i32>} : memref<16x785xf32, #tpu.memory_space<vmem>>, vector<16xf32>,
        %get3A_1872 = arith.index_cast %scan3A_244 : i32 to index
        %get3A_1873 = arith.constant 608 : index
        %get3A_1874 = tpu.vector_load %arg15[%get3A_1872, %get3A_1873] {strides = array<i32>} : memref<16x785xf32, #tpu.memory_space<vmem>>, vector<16xf32>,
        %mul3A_1875 = arith.mulf %select_n3A_1327, %get3A_1871 : vector<16xf32>
        %swap3A_1876 = arith.index_cast %scan3A_244 : i32 to index
        %swap3A_1877 = arith.constant 608 : index
        %swap3A_1878 = tpu.vector_load %arg14[%swap3A_1876, %swap3A_1877] {strides = array<i32>} : memref<16x785xf32, #tpu.memory_space<vmem>>, vector<16xf32>,
        tpu.vector_store %arg14[%swap3A_1876, %swap3A_1877], %mul3A_1875 {strides = array<i32>} : memref<16x785xf32, #tpu.memory_space<vmem>>, vector<16xf32>,
        %mul3A_1879 = arith.mulf %select_n3A_1334, %get3A_1874 : vector<16xf32>
        %swap3A_1880 = arith.index_cast %scan3A_244 : i32 to index
        %swap3A_1881 = arith.constant 608 : index
        %swap3A_1882 = tpu.vector_load %arg15[%swap3A_1880, %swap3A_1881] {strides = array<i32>} : memref<16x785xf32, #tpu.memory_space<vmem>>, vector<16xf32>,
        tpu.vector_store %arg15[%swap3A_1880, %swap3A_1881], %mul3A_1879 {strides = array<i32>} : memref<16x785xf32, #tpu.memory_space<vmem>>, vector<16xf32>,
        %get3A_1883 = arith.index_cast %scan3A_244 : i32 to index
        %get3A_1884 = arith.constant 624 : index
        %get3A_1885 = tpu.vector_load %arg14[%get3A_1883, %get3A_1884] {strides = array<i32>} : memref<16x785xf32, #tpu.memory_space<vmem>>, vector<16xf32>,
        %get3A_1886 = arith.index_cast %scan3A_244 : i32 to index
        %get3A_1887 = arith.constant 624 : index
        %get3A_1888 = tpu.vector_load %arg15[%get3A_1886, %get3A_1887] {strides = array<i32>} : memref<16x785xf32, #tpu.memory_space<vmem>>, vector<16xf32>,
        %mul3A_1889 = arith.mulf %select_n3A_1327, %get3A_1885 : vector<16xf32>
        %swap3A_1890 = arith.index_cast %scan3A_244 : i32 to index
        %swap3A_1891 = arith.constant 624 : index
        %swap3A_1892 = tpu.vector_load %arg14[%swap3A_1890, %swap3A_1891] {strides = array<i32>} : memref<16x785xf32, #tpu.memory_space<vmem>>, vector<16xf32>,
        tpu.vector_store %arg14[%swap3A_1890, %swap3A_1891], %mul3A_1889 {strides = array<i32>} : memref<16x785xf32, #tpu.memory_space<vmem>>, vector<16xf32>,
        %mul3A_1893 = arith.mulf %select_n3A_1334, %get3A_1888 : vector<16xf32>
        %swap3A_1894 = arith.index_cast %scan3A_244 : i32 to index
        %swap3A_1895 = arith.constant 624 : index
        %swap3A_1896 = tpu.vector_load %arg15[%swap3A_1894, %swap3A_1895] {strides = array<i32>} : memref<16x785xf32, #tpu.memory_space<vmem>>, vector<16xf32>,
        tpu.vector_store %arg15[%swap3A_1894, %swap3A_1895], %mul3A_1893 {strides = array<i32>} : memref<16x785xf32, #tpu.memory_space<vmem>>, vector<16xf32>,
        %get3A_1897 = arith.index_cast %scan3A_244 : i32 to index
        %get3A_1898 = arith.constant 640 : index
        %get3A_1899 = tpu.vector_load %arg14[%get3A_1897, %get3A_1898] {strides = array<i32>} : memref<16x785xf32, #tpu.memory_space<vmem>>, vector<16xf32>,
        %get3A_1900 = arith.index_cast %scan3A_244 : i32 to index
        %get3A_1901 = arith.constant 640 : index
        %get3A_1902 = tpu.vector_load %arg15[%get3A_1900, %get3A_1901] {strides = array<i32>} : memref<16x785xf32, #tpu.memory_space<vmem>>, vector<16xf32>,
        %mul3A_1903 = arith.mulf %select_n3A_1327, %get3A_1899 : vector<16xf32>
        %swap3A_1904 = arith.index_cast %scan3A_244 : i32 to index
        %swap3A_1905 = arith.constant 640 : index
        %swap3A_1906 = tpu.vector_load %arg14[%swap3A_1904, %swap3A_1905] {strides = array<i32>} : memref<16x785xf32, #tpu.memory_space<vmem>>, vector<16xf32>,
        tpu.vector_store %arg14[%swap3A_1904, %swap3A_1905], %mul3A_1903 {strides = array<i32>} : memref<16x785xf32, #tpu.memory_space<vmem>>, vector<16xf32>,
        %mul3A_1907 = arith.mulf %select_n3A_1334, %get3A_1902 : vector<16xf32>
        %swap3A_1908 = arith.index_cast %scan3A_244 : i32 to index
        %swap3A_1909 = arith.constant 640 : index
        %swap3A_1910 = tpu.vector_load %arg15[%swap3A_1908, %swap3A_1909] {strides = array<i32>} : memref<16x785xf32, #tpu.memory_space<vmem>>, vector<16xf32>,
        tpu.vector_store %arg15[%swap3A_1908, %swap3A_1909], %mul3A_1907 {strides = array<i32>} : memref<16x785xf32, #tpu.memory_space<vmem>>, vector<16xf32>,
        %get3A_1911 = arith.index_cast %scan3A_244 : i32 to index
        %get3A_1912 = arith.constant 656 : index
        %get3A_1913 = tpu.vector_load %arg14[%get3A_1911, %get3A_1912] {strides = array<i32>} : memref<16x785xf32, #tpu.memory_space<vmem>>, vector<16xf32>,
        %get3A_1914 = arith.index_cast %scan3A_244 : i32 to index
        %get3A_1915 = arith.constant 656 : index
        %get3A_1916 = tpu.vector_load %arg15[%get3A_1914, %get3A_1915] {strides = array<i32>} : memref<16x785xf32, #tpu.memory_space<vmem>>, vector<16xf32>,
        %mul3A_1917 = arith.mulf %select_n3A_1327, %get3A_1913 : vector<16xf32>
        %swap3A_1918 = arith.index_cast %scan3A_244 : i32 to index
        %swap3A_1919 = arith.constant 656 : index
        %swap3A_1920 = tpu.vector_load %arg14[%swap3A_1918, %swap3A_1919] {strides = array<i32>} : memref<16x785xf32, #tpu.memory_space<vmem>>, vector<16xf32>,
        tpu.vector_store %arg14[%swap3A_1918, %swap3A_1919], %mul3A_1917 {strides = array<i32>} : memref<16x785xf32, #tpu.memory_space<vmem>>, vector<16xf32>,
        %mul3A_1921 = arith.mulf %select_n3A_1334, %get3A_1916 : vector<16xf32>
        %swap3A_1922 = arith.index_cast %scan3A_244 : i32 to index
        %swap3A_1923 = arith.constant 656 : index
        %swap3A_1924 = tpu.vector_load %arg15[%swap3A_1922, %swap3A_1923] {strides = array<i32>} : memref<16x785xf32, #tpu.memory_space<vmem>>, vector<16xf32>,
        tpu.vector_store %arg15[%swap3A_1922, %swap3A_1923], %mul3A_1921 {strides = array<i32>} : memref<16x785xf32, #tpu.memory_space<vmem>>, vector<16xf32>,
        %get3A_1925 = arith.index_cast %scan3A_244 : i32 to index
        %get3A_1926 = arith.constant 672 : index
        %get3A_1927 = tpu.vector_load %arg14[%get3A_1925, %get3A_1926] {strides = array<i32>} : memref<16x785xf32, #tpu.memory_space<vmem>>, vector<16xf32>,
        %get3A_1928 = arith.index_cast %scan3A_244 : i32 to index
        %get3A_1929 = arith.constant 672 : index
        %get3A_1930 = tpu.vector_load %arg15[%get3A_1928, %get3A_1929] {strides = array<i32>} : memref<16x785xf32, #tpu.memory_space<vmem>>, vector<16xf32>,
        %mul3A_1931 = arith.mulf %select_n3A_1327, %get3A_1927 : vector<16xf32>
        %swap3A_1932 = arith.index_cast %scan3A_244 : i32 to index
        %swap3A_1933 = arith.constant 672 : index
        %swap3A_1934 = tpu.vector_load %arg14[%swap3A_1932, %swap3A_1933] {strides = array<i32>} : memref<16x785xf32, #tpu.memory_space<vmem>>, vector<16xf32>,
        tpu.vector_store %arg14[%swap3A_1932, %swap3A_1933], %mul3A_1931 {strides = array<i32>} : memref<16x785xf32, #tpu.memory_space<vmem>>, vector<16xf32>,
        %mul3A_1935 = arith.mulf %select_n3A_1334, %get3A_1930 : vector<16xf32>
        %swap3A_1936 = arith.index_cast %scan3A_244 : i32 to index
        %swap3A_1937 = arith.constant 672 : index
        %swap3A_1938 = tpu.vector_load %arg15[%swap3A_1936, %swap3A_1937] {strides = array<i32>} : memref<16x785xf32, #tpu.memory_space<vmem>>, vector<16xf32>,
        tpu.vector_store %arg15[%swap3A_1936, %swap3A_1937], %mul3A_1935 {strides = array<i32>} : memref<16x785xf32, #tpu.memory_space<vmem>>, vector<16xf32>,
        %get3A_1939 = arith.index_cast %scan3A_244 : i32 to index
        %get3A_1940 = arith.constant 688 : index
        %get3A_1941 = tpu.vector_load %arg14[%get3A_1939, %get3A_1940] {strides = array<i32>} : memref<16x785xf32, #tpu.memory_space<vmem>>, vector<16xf32>,
        %get3A_1942 = arith.index_cast %scan3A_244 : i32 to index
        %get3A_1943 = arith.constant 688 : index
        %get3A_1944 = tpu.vector_load %arg15[%get3A_1942, %get3A_1943] {strides = array<i32>} : memref<16x785xf32, #tpu.memory_space<vmem>>, vector<16xf32>,
        %mul3A_1945 = arith.mulf %select_n3A_1327, %get3A_1941 : vector<16xf32>
        %swap3A_1946 = arith.index_cast %scan3A_244 : i32 to index
        %swap3A_1947 = arith.constant 688 : index
        %swap3A_1948 = tpu.vector_load %arg14[%swap3A_1946, %swap3A_1947] {strides = array<i32>} : memref<16x785xf32, #tpu.memory_space<vmem>>, vector<16xf32>,
        tpu.vector_store %arg14[%swap3A_1946, %swap3A_1947], %mul3A_1945 {strides = array<i32>} : memref<16x785xf32, #tpu.memory_space<vmem>>, vector<16xf32>,
        %mul3A_1949 = arith.mulf %select_n3A_1334, %get3A_1944 : vector<16xf32>
        %swap3A_1950 = arith.index_cast %scan3A_244 : i32 to index
        %swap3A_1951 = arith.constant 688 : index
        %swap3A_1952 = tpu.vector_load %arg15[%swap3A_1950, %swap3A_1951] {strides = array<i32>} : memref<16x785xf32, #tpu.memory_space<vmem>>, vector<16xf32>,
        tpu.vector_store %arg15[%swap3A_1950, %swap3A_1951], %mul3A_1949 {strides = array<i32>} : memref<16x785xf32, #tpu.memory_space<vmem>>, vector<16xf32>,
        %get3A_1953 = arith.index_cast %scan3A_244 : i32 to index
        %get3A_1954 = arith.constant 704 : index
        %get3A_1955 = tpu.vector_load %arg14[%get3A_1953, %get3A_1954] {strides = array<i32>} : memref<16x785xf32, #tpu.memory_space<vmem>>, vector<16xf32>,
        %get3A_1956 = arith.index_cast %scan3A_244 : i32 to index
        %get3A_1957 = arith.constant 704 : index
        %get3A_1958 = tpu.vector_load %arg15[%get3A_1956, %get3A_1957] {strides = array<i32>} : memref<16x785xf32, #tpu.memory_space<vmem>>, vector<16xf32>,
        %mul3A_1959 = arith.mulf %select_n3A_1327, %get3A_1955 : vector<16xf32>
        %swap3A_1960 = arith.index_cast %scan3A_244 : i32 to index
        %swap3A_1961 = arith.constant 704 : index
        %swap3A_1962 = tpu.vector_load %arg14[%swap3A_1960, %swap3A_1961] {strides = array<i32>} : memref<16x785xf32, #tpu.memory_space<vmem>>, vector<16xf32>,
        tpu.vector_store %arg14[%swap3A_1960, %swap3A_1961], %mul3A_1959 {strides = array<i32>} : memref<16x785xf32, #tpu.memory_space<vmem>>, vector<16xf32>,
        %mul3A_1963 = arith.mulf %select_n3A_1334, %get3A_1958 : vector<16xf32>
        %swap3A_1964 = arith.index_cast %scan3A_244 : i32 to index
        %swap3A_1965 = arith.constant 704 : index
        %swap3A_1966 = tpu.vector_load %arg15[%swap3A_1964, %swap3A_1965] {strides = array<i32>} : memref<16x785xf32, #tpu.memory_space<vmem>>, vector<16xf32>,
        tpu.vector_store %arg15[%swap3A_1964, %swap3A_1965], %mul3A_1963 {strides = array<i32>} : memref<16x785xf32, #tpu.memory_space<vmem>>, vector<16xf32>,
        %get3A_1967 = arith.index_cast %scan3A_244 : i32 to index
        %get3A_1968 = arith.constant 720 : index
        %get3A_1969 = tpu.vector_load %arg14[%get3A_1967, %get3A_1968] {strides = array<i32>} : memref<16x785xf32, #tpu.memory_space<vmem>>, vector<16xf32>,
        %get3A_1970 = arith.index_cast %scan3A_244 : i32 to index
        %get3A_1971 = arith.constant 720 : index
        %get3A_1972 = tpu.vector_load %arg15[%get3A_1970, %get3A_1971] {strides = array<i32>} : memref<16x785xf32, #tpu.memory_space<vmem>>, vector<16xf32>,
        %mul3A_1973 = arith.mulf %select_n3A_1327, %get3A_1969 : vector<16xf32>
        %swap3A_1974 = arith.index_cast %scan3A_244 : i32 to index
        %swap3A_1975 = arith.constant 720 : index
        %swap3A_1976 = tpu.vector_load %arg14[%swap3A_1974, %swap3A_1975] {strides = array<i32>} : memref<16x785xf32, #tpu.memory_space<vmem>>, vector<16xf32>,
        tpu.vector_store %arg14[%swap3A_1974, %swap3A_1975], %mul3A_1973 {strides = array<i32>} : memref<16x785xf32, #tpu.memory_space<vmem>>, vector<16xf32>,
        %mul3A_1977 = arith.mulf %select_n3A_1334, %get3A_1972 : vector<16xf32>
        %swap3A_1978 = arith.index_cast %scan3A_244 : i32 to index
        %swap3A_1979 = arith.constant 720 : index
        %swap3A_1980 = tpu.vector_load %arg15[%swap3A_1978, %swap3A_1979] {strides = array<i32>} : memref<16x785xf32, #tpu.memory_space<vmem>>, vector<16xf32>,
        tpu.vector_store %arg15[%swap3A_1978, %swap3A_1979], %mul3A_1977 {strides = array<i32>} : memref<16x785xf32, #tpu.memory_space<vmem>>, vector<16xf32>,
        %get3A_1981 = arith.index_cast %scan3A_244 : i32 to index
        %get3A_1982 = arith.constant 736 : index
        %get3A_1983 = tpu.vector_load %arg14[%get3A_1981, %get3A_1982] {strides = array<i32>} : memref<16x785xf32, #tpu.memory_space<vmem>>, vector<16xf32>,
        %get3A_1984 = arith.index_cast %scan3A_244 : i32 to index
        %get3A_1985 = arith.constant 736 : index
        %get3A_1986 = tpu.vector_load %arg15[%get3A_1984, %get3A_1985] {strides = array<i32>} : memref<16x785xf32, #tpu.memory_space<vmem>>, vector<16xf32>,
        %mul3A_1987 = arith.mulf %select_n3A_1327, %get3A_1983 : vector<16xf32>
        %swap3A_1988 = arith.index_cast %scan3A_244 : i32 to index
        %swap3A_1989 = arith.constant 736 : index
        %swap3A_1990 = tpu.vector_load %arg14[%swap3A_1988, %swap3A_1989] {strides = array<i32>} : memref<16x785xf32, #tpu.memory_space<vmem>>, vector<16xf32>,
        tpu.vector_store %arg14[%swap3A_1988, %swap3A_1989], %mul3A_1987 {strides = array<i32>} : memref<16x785xf32, #tpu.memory_space<vmem>>, vector<16xf32>,
        %mul3A_1991 = arith.mulf %select_n3A_1334, %get3A_1986 : vector<16xf32>
        %swap3A_1992 = arith.index_cast %scan3A_244 : i32 to index
        %swap3A_1993 = arith.constant 736 : index
        %swap3A_1994 = tpu.vector_load %arg15[%swap3A_1992, %swap3A_1993] {strides = array<i32>} : memref<16x785xf32, #tpu.memory_space<vmem>>, vector<16xf32>,
        tpu.vector_store %arg15[%swap3A_1992, %swap3A_1993], %mul3A_1991 {strides = array<i32>} : memref<16x785xf32, #tpu.memory_space<vmem>>, vector<16xf32>,
        %get3A_1995 = arith.index_cast %scan3A_244 : i32 to index
        %get3A_1996 = arith.constant 752 : index
        %get3A_1997 = tpu.vector_load %arg14[%get3A_1995, %get3A_1996] {strides = array<i32>} : memref<16x785xf32, #tpu.memory_space<vmem>>, vector<16xf32>,
        %get3A_1998 = arith.index_cast %scan3A_244 : i32 to index
        %get3A_1999 = arith.constant 752 : index
        %get3A_2000 = tpu.vector_load %arg15[%get3A_1998, %get3A_1999] {strides = array<i32>} : memref<16x785xf32, #tpu.memory_space<vmem>>, vector<16xf32>,
        %mul3A_2001 = arith.mulf %select_n3A_1327, %get3A_1997 : vector<16xf32>
        %swap3A_2002 = arith.index_cast %scan3A_244 : i32 to index
        %swap3A_2003 = arith.constant 752 : index
        %swap3A_2004 = tpu.vector_load %arg14[%swap3A_2002, %swap3A_2003] {strides = array<i32>} : memref<16x785xf32, #tpu.memory_space<vmem>>, vector<16xf32>,
        tpu.vector_store %arg14[%swap3A_2002, %swap3A_2003], %mul3A_2001 {strides = array<i32>} : memref<16x785xf32, #tpu.memory_space<vmem>>, vector<16xf32>,
        %mul3A_2005 = arith.mulf %select_n3A_1334, %get3A_2000 : vector<16xf32>
        %swap3A_2006 = arith.index_cast %scan3A_244 : i32 to index
        %swap3A_2007 = arith.constant 752 : index
        %swap3A_2008 = tpu.vector_load %arg15[%swap3A_2006, %swap3A_2007] {strides = array<i32>} : memref<16x785xf32, #tpu.memory_space<vmem>>, vector<16xf32>,
        tpu.vector_store %arg15[%swap3A_2006, %swap3A_2007], %mul3A_2005 {strides = array<i32>} : memref<16x785xf32, #tpu.memory_space<vmem>>, vector<16xf32>,
        %get3A_2009 = arith.index_cast %scan3A_244 : i32 to index
        %get3A_2010 = arith.constant 768 : index
        %get3A_2011 = tpu.vector_load %arg14[%get3A_2009, %get3A_2010] {strides = array<i32>} : memref<16x785xf32, #tpu.memory_space<vmem>>, vector<16xf32>,
        %get3A_2012 = arith.index_cast %scan3A_244 : i32 to index
        %get3A_2013 = arith.constant 768 : index
        %get3A_2014 = tpu.vector_load %arg15[%get3A_2012, %get3A_2013] {strides = array<i32>} : memref<16x785xf32, #tpu.memory_space<vmem>>, vector<16xf32>,
        %mul3A_2015 = arith.mulf %select_n3A_1327, %get3A_2011 : vector<16xf32>
        %swap3A_2016 = arith.index_cast %scan3A_244 : i32 to index
        %swap3A_2017 = arith.constant 768 : index
        %swap3A_2018 = tpu.vector_load %arg14[%swap3A_2016, %swap3A_2017] {strides = array<i32>} : memref<16x785xf32, #tpu.memory_space<vmem>>, vector<16xf32>,
        tpu.vector_store %arg14[%swap3A_2016, %swap3A_2017], %mul3A_2015 {strides = array<i32>} : memref<16x785xf32, #tpu.memory_space<vmem>>, vector<16xf32>,
        %mul3A_2019 = arith.mulf %select_n3A_1334, %get3A_2014 : vector<16xf32>
        %swap3A_2020 = arith.index_cast %scan3A_244 : i32 to index
        %swap3A_2021 = arith.constant 768 : index
        %swap3A_2022 = tpu.vector_load %arg15[%swap3A_2020, %swap3A_2021] {strides = array<i32>} : memref<16x785xf32, #tpu.memory_space<vmem>>, vector<16xf32>,
        tpu.vector_store %arg15[%swap3A_2020, %swap3A_2021], %mul3A_2019 {strides = array<i32>} : memref<16x785xf32, #tpu.memory_space<vmem>>, vector<16xf32>,
        %get3A_2023 = arith.index_cast %scan3A_244 : i32 to index
        %get3A_2024 = arith.constant 769 : index
        %get3A_2025 = tpu.vector_load %arg14[%get3A_2023, %get3A_2024] {strides = array<i32>} : memref<16x785xf32, #tpu.memory_space<vmem>>, vector<16xf32>,
        %get3A_2026 = arith.index_cast %scan3A_244 : i32 to index
        %get3A_2027 = arith.constant 769 : index
        %get3A_2028 = tpu.vector_load %arg15[%get3A_2026, %get3A_2027] {strides = array<i32>} : memref<16x785xf32, #tpu.memory_space<vmem>>, vector<16xf32>,
        %mul3A_2029 = arith.mulf %select_n3A_1327, %get3A_2025 : vector<16xf32>
        %select_n3A_2030 = arith.select %eq3A_1227, %mul3A_2029, %get3A_2025 : vector<16xi1>, vector<16xf32>
        %swap3A_2031 = arith.index_cast %scan3A_244 : i32 to index
        %swap3A_2032 = arith.constant 769 : index
        %swap3A_2033 = tpu.vector_load %arg14[%swap3A_2031, %swap3A_2032] {strides = array<i32>} : memref<16x785xf32, #tpu.memory_space<vmem>>, vector<16xf32>,
        tpu.vector_store %arg14[%swap3A_2031, %swap3A_2032], %select_n3A_2030 {strides = array<i32>} : memref<16x785xf32, #tpu.memory_space<vmem>>, vector<16xf32>,
        %mul3A_2034 = arith.mulf %select_n3A_1334, %get3A_2028 : vector<16xf32>
        %sub3A_2035 = arith.subf %mul3A_2034, %select_n3A_1336 : vector<16xf32>
        %select_n3A_2036 = arith.select %eq3A_1227, %sub3A_2035, %get3A_2028 : vector<16xi1>, vector<16xf32>
        %swap3A_2037 = arith.index_cast %scan3A_244 : i32 to index
        %swap3A_2038 = arith.constant 769 : index
        %swap3A_2039 = tpu.vector_load %arg15[%swap3A_2037, %swap3A_2038] {strides = array<i32>} : memref<16x785xf32, #tpu.memory_space<vmem>>, vector<16xf32>,
        tpu.vector_store %arg15[%swap3A_2037, %swap3A_2038], %select_n3A_2036 {strides = array<i32>} : memref<16x785xf32, #tpu.memory_space<vmem>>, vector<16xf32>,
        %eq3A_2040 = vector.broadcast %scan3A_244 : i32 to vector<16xi32>
        %eq3A_2041 = arith.cmpi eq, %iota3A, %eq3A_2040 : vector<16xi32>
        %mul3A_2042 = arith.mulf %select_n3A_1327, %sub3A_1301 : vector<16xf32>
        %select_n3A_2043 = arith.select %eq3A_2041, %mul3A_2042, %scan3A_245 : vector<16xi1>, vector<16xf32>
        %mul3A_2044 = arith.mulf %select_n3A_1334, %add3A_1303 : vector<16xf32>
        %sub3A_2045 = arith.subf %mul3A_2044, %select_n3A_1336 : vector<16xf32>
        %select_n3A_2046 = arith.select %eq3A_2041, %sub3A_2045, %scan3A_246 : vector<16xi1>, vector<16xf32>
        scf.yield %select_n3A_2043, %select_n3A_2046 : vector<16xf32>, vector<16xf32>
      }
      %scan3A_216 = arith.constant 16 : i32
      %mul3A_217 = arith.constant 16 : i32
      %mul3A_218 = arith.muli %add3A_152, %mul3A_217 : i32
      %swap3A_219 = arith.index_cast %mul3A_218 : i32 to index
      %swap3A_220 = tpu.vector_load %arg16[%swap3A_219] {strides = array<i32>} : memref<512xf32, #tpu.memory_space<vmem>>, vector<16xf32>,
      tpu.vector_store %arg16[%swap3A_219], %scan3A_215#0 {strides = array<i32>} : memref<512xf32, #tpu.memory_space<vmem>>, vector<16xf32>,
      %mul3A_221 = arith.constant 16 : i32
      %mul3A_222 = arith.muli %add3A_152, %mul3A_221 : i32
      %swap3A_223 = arith.index_cast %mul3A_222 : i32 to index
      %swap3A_224 = tpu.vector_load %arg17[%swap3A_223] {strides = array<i32>} : memref<512xf32, #tpu.memory_space<vmem>>, vector<16xf32>,
      tpu.vector_store %arg17[%swap3A_223], %scan3A_215#1 {strides = array<i32>} : memref<512xf32, #tpu.memory_space<vmem>>, vector<16xf32>,
      %mul3A_225 = arith.constant 16 : i32
      %mul3A_226 = arith.muli %add3A_152, %mul3A_225 : i32
      %add3A_227 = arith.addi %mul3A_32, %mul3A_226 : i32
      %dma_start3A_228 = arith.constant 0 : i32
      %dma_start3A_229 = tpu.memref_slice %arg6[%select_n3A, %add3A_227, %dma_start3A_228] : memref<8x2048x785xf32, #tpu.memory_space<hbm>> -> memref<1x16x785xf32, #tpu.memory_space<hbm>>
      %dma_start3A_230 = tpu.memref_squeeze %dma_start3A_229 : memref<1x16x785xf32, #tpu.memory_space<hbm>> -> memref<16x785xf32, #tpu.memory_space<hbm>>
      %dma_start3A_231 = arith.constant 0 : i32
      %dma_start3A_232 = tpu.memref_slice %arg6[%select_n3A, %add3A_227, %dma_start3A_231] : memref<8x2048x785xf32, #tpu.memory_space<hbm>> -> memref<1x16x785xf32, #tpu.memory_space<hbm>>
      %dma_start3A_233 = tpu.memref_squeeze %dma_start3A_232 : memref<1x16x785xf32, #tpu.memory_space<hbm>> -> memref<16x785xf32, #tpu.memory_space<hbm>>
      tpu.enqueue_dma source(%arg14 : memref<16x785xf32, #tpu.memory_space<vmem>>) target(%dma_start3A_233 : memref<16x785xf32, #tpu.memory_space<hbm>>) target_semaphore(%arg25 : memref<!tpu.dma_semaphore, #tpu.memory_space<semaphore_mem>>)
      %dma_start3A_234 = arith.constant 0 : i32
      %dma_start3A_235 = tpu.memref_slice %arg7[%select_n3A, %add3A_227, %dma_start3A_234] : memref<8x2048x785xf32, #tpu.memory_space<hbm>> -> memref<1x16x785xf32, #tpu.memory_space<hbm>>
      %dma_start3A_236 = tpu.memref_squeeze %dma_start3A_235 : memref<1x16x785xf32, #tpu.memory_space<hbm>> -> memref<16x785xf32, #tpu.memory_space<hbm>>
      %dma_start3A_237 = arith.constant 0 : i32
      %dma_start3A_238 = tpu.memref_slice %arg7[%select_n3A, %add3A_227, %dma_start3A_237] : memref<8x2048x785xf32, #tpu.memory_space<hbm>> -> memref<1x16x785xf32, #tpu.memory_space<hbm>>
      %dma_start3A_239 = tpu.memref_squeeze %dma_start3A_238 : memref<1x16x785xf32, #tpu.memory_space<hbm>> -> memref<16x785xf32, #tpu.memory_space<hbm>>
      tpu.enqueue_dma source(%arg15 : memref<16x785xf32, #tpu.memory_space<vmem>>) target(%dma_start3A_239 : memref<16x785xf32, #tpu.memory_space<hbm>>) target_semaphore(%arg26 : memref<!tpu.dma_semaphore, #tpu.memory_space<semaphore_mem>>)
      %lt3A_240 = arith.constant 15 : i32
      %lt3A_241 = arith.cmpi slt, %scan3A_145, %lt3A_240 : i32
      %convert_element_type3A = arith.extui %lt3A_241 : i1 to i32
      %cond3A = arith.constant 0 : i32
      %cond3A_242 = arith.cmpi ne, %convert_element_type3A, %cond3A : i32
      scf.if %cond3A_242 {
        %mul3A_244 = arith.constant 16 : i32
        %mul3A_245 = arith.muli %mul3A_148, %mul3A_244 : i32
        %add3A_246 = arith.addi %mul3A_32, %mul3A_245 : i32
        %dma_wait3A_247 = arith.constant 0 : i32
        %dma_wait3A_248 = tpu.memref_slice %arg6[%select_n3A, %add3A_246, %dma_wait3A_247] : memref<8x2048x785xf32, #tpu.memory_space<hbm>> -> memref<1x16x785xf32, #tpu.memory_space<hbm>>
        %dma_wait3A_249 = tpu.memref_squeeze %dma_wait3A_248 : memref<1x16x785xf32, #tpu.memory_space<hbm>> -> memref<16x785xf32, #tpu.memory_space<hbm>>
        %dma_wait3A_250 = arith.constant 0 : i32
        %dma_wait3A_251 = tpu.memref_slice %arg6[%select_n3A, %add3A_246, %dma_wait3A_250] : memref<8x2048x785xf32, #tpu.memory_space<hbm>> -> memref<1x16x785xf32, #tpu.memory_space<hbm>>
        %dma_wait3A_252 = tpu.memref_squeeze %dma_wait3A_251 : memref<1x16x785xf32, #tpu.memory_space<hbm>> -> memref<16x785xf32, #tpu.memory_space<hbm>>
        tpu.wait_dma2 semaphore(%arg23 : memref<!tpu.dma_semaphore, #tpu.memory_space<semaphore_mem>>) src(%arg12 : memref<16x785xf32, #tpu.memory_space<vmem>>) dst(%dma_wait3A_252 : memref<16x785xf32, #tpu.memory_space<hbm>>)
        %dma_wait3A_253 = arith.constant 0 : i32
        %dma_wait3A_254 = tpu.memref_slice %arg7[%select_n3A, %add3A_246, %dma_wait3A_253] : memref<8x2048x785xf32, #tpu.memory_space<hbm>> -> memref<1x16x785xf32, #tpu.memory_space<hbm>>
        %dma_wait3A_255 = tpu.memref_squeeze %dma_wait3A_254 : memref<1x16x785xf32, #tpu.memory_space<hbm>> -> memref<16x785xf32, #tpu.memory_space<hbm>>
        %dma_wait3A_256 = arith.constant 0 : i32
        %dma_wait3A_257 = tpu.memref_slice %arg7[%select_n3A, %add3A_246, %dma_wait3A_256] : memref<8x2048x785xf32, #tpu.memory_space<hbm>> -> memref<1x16x785xf32, #tpu.memory_space<hbm>>
        %dma_wait3A_258 = tpu.memref_squeeze %dma_wait3A_257 : memref<1x16x785xf32, #tpu.memory_space<hbm>> -> memref<16x785xf32, #tpu.memory_space<hbm>>
        tpu.wait_dma2 semaphore(%arg24 : memref<!tpu.dma_semaphore, #tpu.memory_space<semaphore_mem>>) src(%arg13 : memref<16x785xf32, #tpu.memory_space<vmem>>) dst(%dma_wait3A_258 : memref<16x785xf32, #tpu.memory_space<hbm>>)
        %add3A_259 = arith.constant 2 : i32
        %add3A_260 = arith.addi %mul3A_148, %add3A_259 : i32
        %mul3A_261 = arith.constant 16 : i32
        %mul3A_262 = arith.muli %add3A_260, %mul3A_261 : i32
        %add3A_263 = arith.addi %mul3A_32, %mul3A_262 : i32
        %dma_start3A_264 = arith.constant 0 : i32
        %dma_start3A_265 = tpu.memref_slice %arg4[%select_n3A, %add3A_263, %dma_start3A_264] : memref<8x2048x785xf32, #tpu.memory_space<hbm>> -> memref<1x16x785xf32, #tpu.memory_space<hbm>>
        %dma_start3A_266 = tpu.memref_squeeze %dma_start3A_265 : memref<1x16x785xf32, #tpu.memory_space<hbm>> -> memref<16x785xf32, #tpu.memory_space<hbm>>
        %dma_start3A_267 = arith.constant 0 : i32
        %dma_start3A_268 = tpu.memref_slice %arg4[%select_n3A, %add3A_263, %dma_start3A_267] : memref<8x2048x785xf32, #tpu.memory_space<hbm>> -> memref<1x16x785xf32, #tpu.memory_space<hbm>>
        %dma_start3A_269 = tpu.memref_squeeze %dma_start3A_268 : memref<1x16x785xf32, #tpu.memory_space<hbm>> -> memref<16x785xf32, #tpu.memory_space<hbm>>
        tpu.enqueue_dma source(%dma_start3A_269 : memref<16x785xf32, #tpu.memory_space<hbm>>) target(%arg12 : memref<16x785xf32, #tpu.memory_space<vmem>>) target_semaphore(%arg19 : memref<!tpu.dma_semaphore, #tpu.memory_space<semaphore_mem>>)
        %dma_start3A_270 = arith.constant 0 : i32
        %dma_start3A_271 = tpu.memref_slice %arg5[%select_n3A, %add3A_263, %dma_start3A_270] : memref<8x2048x785xf32, #tpu.memory_space<hbm>> -> memref<1x16x785xf32, #tpu.memory_space<hbm>>
        %dma_start3A_272 = tpu.memref_squeeze %dma_start3A_271 : memref<1x16x785xf32, #tpu.memory_space<hbm>> -> memref<16x785xf32, #tpu.memory_space<hbm>>
        %dma_start3A_273 = arith.constant 0 : i32
        %dma_start3A_274 = tpu.memref_slice %arg5[%select_n3A, %add3A_263, %dma_start3A_273] : memref<8x2048x785xf32, #tpu.memory_space<hbm>> -> memref<1x16x785xf32, #tpu.memory_space<hbm>>
        %dma_start3A_275 = tpu.memref_squeeze %dma_start3A_274 : memref<1x16x785xf32, #tpu.memory_space<hbm>> -> memref<16x785xf32, #tpu.memory_space<hbm>>
        tpu.enqueue_dma source(%dma_start3A_275 : memref<16x785xf32, #tpu.memory_space<hbm>>) target(%arg13 : memref<16x785xf32, #tpu.memory_space<vmem>>) target_semaphore(%arg20 : memref<!tpu.dma_semaphore, #tpu.memory_space<semaphore_mem>>)
        %mul3A_276 = arith.constant 16 : i32
        %mul3A_277 = arith.muli %add3A_152, %mul3A_276 : i32
        %add3A_278 = arith.addi %mul3A_32, %mul3A_277 : i32
        %dma_wait3A_279 = arith.constant 0 : i32
        %dma_wait3A_280 = tpu.memref_slice %arg6[%select_n3A, %add3A_278, %dma_wait3A_279] : memref<8x2048x785xf32, #tpu.memory_space<hbm>> -> memref<1x16x785xf32, #tpu.memory_space<hbm>>
        %dma_wait3A_281 = tpu.memref_squeeze %dma_wait3A_280 : memref<1x16x785xf32, #tpu.memory_space<hbm>> -> memref<16x785xf32, #tpu.memory_space<hbm>>
        %dma_wait3A_282 = arith.constant 0 : i32
        %dma_wait3A_283 = tpu.memref_slice %arg6[%select_n3A, %add3A_278, %dma_wait3A_282] : memref<8x2048x785xf32, #tpu.memory_space<hbm>> -> memref<1x16x785xf32, #tpu.memory_space<hbm>>
        %dma_wait3A_284 = tpu.memref_squeeze %dma_wait3A_283 : memref<1x16x785xf32, #tpu.memory_space<hbm>> -> memref<16x785xf32, #tpu.memory_space<hbm>>
        tpu.wait_dma2 semaphore(%arg25 : memref<!tpu.dma_semaphore, #tpu.memory_space<semaphore_mem>>) src(%arg14 : memref<16x785xf32, #tpu.memory_space<vmem>>) dst(%dma_wait3A_284 : memref<16x785xf32, #tpu.memory_space<hbm>>)
        %dma_wait3A_285 = arith.constant 0 : i32
        %dma_wait3A_286 = tpu.memref_slice %arg7[%select_n3A, %add3A_278, %dma_wait3A_285] : memref<8x2048x785xf32, #tpu.memory_space<hbm>> -> memref<1x16x785xf32, #tpu.memory_space<hbm>>
        %dma_wait3A_287 = tpu.memref_squeeze %dma_wait3A_286 : memref<1x16x785xf32, #tpu.memory_space<hbm>> -> memref<16x785xf32, #tpu.memory_space<hbm>>
        %dma_wait3A_288 = arith.constant 0 : i32
        %dma_wait3A_289 = tpu.memref_slice %arg7[%select_n3A, %add3A_278, %dma_wait3A_288] : memref<8x2048x785xf32, #tpu.memory_space<hbm>> -> memref<1x16x785xf32, #tpu.memory_space<hbm>>
        %dma_wait3A_290 = tpu.memref_squeeze %dma_wait3A_289 : memref<1x16x785xf32, #tpu.memory_space<hbm>> -> memref<16x785xf32, #tpu.memory_space<hbm>>
        tpu.wait_dma2 semaphore(%arg26 : memref<!tpu.dma_semaphore, #tpu.memory_space<semaphore_mem>>) src(%arg15 : memref<16x785xf32, #tpu.memory_space<vmem>>) dst(%dma_wait3A_290 : memref<16x785xf32, #tpu.memory_space<hbm>>)
        %add3A_291 = arith.constant 2 : i32
        %add3A_292 = arith.addi %add3A_152, %add3A_291 : i32
        %mul3A_293 = arith.constant 16 : i32
        %mul3A_294 = arith.muli %add3A_292, %mul3A_293 : i32
        %add3A_295 = arith.addi %mul3A_32, %mul3A_294 : i32
        %dma_start3A_296 = arith.constant 0 : i32
        %dma_start3A_297 = tpu.memref_slice %arg4[%select_n3A, %add3A_295, %dma_start3A_296] : memref<8x2048x785xf32, #tpu.memory_space<hbm>> -> memref<1x16x785xf32, #tpu.memory_space<hbm>>
        %dma_start3A_298 = tpu.memref_squeeze %dma_start3A_297 : memref<1x16x785xf32, #tpu.memory_space<hbm>> -> memref<16x785xf32, #tpu.memory_space<hbm>>
        %dma_start3A_299 = arith.constant 0 : i32
        %dma_start3A_300 = tpu.memref_slice %arg4[%select_n3A, %add3A_295, %dma_start3A_299] : memref<8x2048x785xf32, #tpu.memory_space<hbm>> -> memref<1x16x785xf32, #tpu.memory_space<hbm>>
        %dma_start3A_301 = tpu.memref_squeeze %dma_start3A_300 : memref<1x16x785xf32, #tpu.memory_space<hbm>> -> memref<16x785xf32, #tpu.memory_space<hbm>>
        tpu.enqueue_dma source(%dma_start3A_301 : memref<16x785xf32, #tpu.memory_space<hbm>>) target(%arg14 : memref<16x785xf32, #tpu.memory_space<vmem>>) target_semaphore(%arg21 : memref<!tpu.dma_semaphore, #tpu.memory_space<semaphore_mem>>)
        %dma_start3A_302 = arith.constant 0 : i32
        %dma_start3A_303 = tpu.memref_slice %arg5[%select_n3A, %add3A_295, %dma_start3A_302] : memref<8x2048x785xf32, #tpu.memory_space<hbm>> -> memref<1x16x785xf32, #tpu.memory_space<hbm>>
        %dma_start3A_304 = tpu.memref_squeeze %dma_start3A_303 : memref<1x16x785xf32, #tpu.memory_space<hbm>> -> memref<16x785xf32, #tpu.memory_space<hbm>>
        %dma_start3A_305 = arith.constant 0 : i32
        %dma_start3A_306 = tpu.memref_slice %arg5[%select_n3A, %add3A_295, %dma_start3A_305] : memref<8x2048x785xf32, #tpu.memory_space<hbm>> -> memref<1x16x785xf32, #tpu.memory_space<hbm>>
        %dma_start3A_307 = tpu.memref_squeeze %dma_start3A_306 : memref<1x16x785xf32, #tpu.memory_space<hbm>> -> memref<16x785xf32, #tpu.memory_space<hbm>>
        tpu.enqueue_dma source(%dma_start3A_307 : memref<16x785xf32, #tpu.memory_space<hbm>>) target(%arg15 : memref<16x785xf32, #tpu.memory_space<vmem>>) target_semaphore(%arg22 : memref<!tpu.dma_semaphore, #tpu.memory_space<semaphore_mem>>)
      } else {
      }
      %scan3A_243 = arith.constant 0 : i32
      scf.yield %scan3A_243 : i32
    }
    %scan3A_113 = arith.constant 16 : i32
    %add3A_114 = arith.constant 480 : i32
    %add3A_115 = arith.addi %mul3A_32, %add3A_114 : i32
    %dma_wait3A = arith.constant 0 : i32
    %dma_wait3A_116 = tpu.memref_slice %arg6[%select_n3A, %add3A_115, %dma_wait3A] : memref<8x2048x785xf32, #tpu.memory_space<hbm>> -> memref<1x16x785xf32, #tpu.memory_space<hbm>>
    %dma_wait3A_117 = tpu.memref_squeeze %dma_wait3A_116 : memref<1x16x785xf32, #tpu.memory_space<hbm>> -> memref<16x785xf32, #tpu.memory_space<hbm>>
    %dma_wait3A_118 = arith.constant 0 : i32
    %dma_wait3A_119 = tpu.memref_slice %arg6[%select_n3A, %add3A_115, %dma_wait3A_118] : memref<8x2048x785xf32, #tpu.memory_space<hbm>> -> memref<1x16x785xf32, #tpu.memory_space<hbm>>
    %dma_wait3A_120 = tpu.memref_squeeze %dma_wait3A_119 : memref<1x16x785xf32, #tpu.memory_space<hbm>> -> memref<16x785xf32, #tpu.memory_space<hbm>>
    tpu.wait_dma2 semaphore(%arg23 : memref<!tpu.dma_semaphore, #tpu.memory_space<semaphore_mem>>) src(%arg12 : memref<16x785xf32, #tpu.memory_space<vmem>>) dst(%dma_wait3A_120 : memref<16x785xf32, #tpu.memory_space<hbm>>)
    %dma_wait3A_121 = arith.constant 0 : i32
    %dma_wait3A_122 = tpu.memref_slice %arg7[%select_n3A, %add3A_115, %dma_wait3A_121] : memref<8x2048x785xf32, #tpu.memory_space<hbm>> -> memref<1x16x785xf32, #tpu.memory_space<hbm>>
    %dma_wait3A_123 = tpu.memref_squeeze %dma_wait3A_122 : memref<1x16x785xf32, #tpu.memory_space<hbm>> -> memref<16x785xf32, #tpu.memory_space<hbm>>
    %dma_wait3A_124 = arith.constant 0 : i32
    %dma_wait3A_125 = tpu.memref_slice %arg7[%select_n3A, %add3A_115, %dma_wait3A_124] : memref<8x2048x785xf32, #tpu.memory_space<hbm>> -> memref<1x16x785xf32, #tpu.memory_space<hbm>>
    %dma_wait3A_126 = tpu.memref_squeeze %dma_wait3A_125 : memref<1x16x785xf32, #tpu.memory_space<hbm>> -> memref<16x785xf32, #tpu.memory_space<hbm>>
    tpu.wait_dma2 semaphore(%arg24 : memref<!tpu.dma_semaphore, #tpu.memory_space<semaphore_mem>>) src(%arg13 : memref<16x785xf32, #tpu.memory_space<vmem>>) dst(%dma_wait3A_126 : memref<16x785xf32, #tpu.memory_space<hbm>>)
    %add3A_127 = arith.constant 496 : i32
    %add3A_128 = arith.addi %mul3A_32, %add3A_127 : i32
    %dma_wait3A_129 = arith.constant 0 : i32
    %dma_wait3A_130 = tpu.memref_slice %arg6[%select_n3A, %add3A_128, %dma_wait3A_129] : memref<8x2048x785xf32, #tpu.memory_space<hbm>> -> memref<1x16x785xf32, #tpu.memory_space<hbm>>
    %dma_wait3A_131 = tpu.memref_squeeze %dma_wait3A_130 : memref<1x16x785xf32, #tpu.memory_space<hbm>> -> memref<16x785xf32, #tpu.memory_space<hbm>>
    %dma_wait3A_132 = arith.constant 0 : i32
    %dma_wait3A_133 = tpu.memref_slice %arg6[%select_n3A, %add3A_128, %dma_wait3A_132] : memref<8x2048x785xf32, #tpu.memory_space<hbm>> -> memref<1x16x785xf32, #tpu.memory_space<hbm>>
    %dma_wait3A_134 = tpu.memref_squeeze %dma_wait3A_133 : memref<1x16x785xf32, #tpu.memory_space<hbm>> -> memref<16x785xf32, #tpu.memory_space<hbm>>
    tpu.wait_dma2 semaphore(%arg25 : memref<!tpu.dma_semaphore, #tpu.memory_space<semaphore_mem>>) src(%arg14 : memref<16x785xf32, #tpu.memory_space<vmem>>) dst(%dma_wait3A_134 : memref<16x785xf32, #tpu.memory_space<hbm>>)
    %dma_wait3A_135 = arith.constant 0 : i32
    %dma_wait3A_136 = tpu.memref_slice %arg7[%select_n3A, %add3A_128, %dma_wait3A_135] : memref<8x2048x785xf32, #tpu.memory_space<hbm>> -> memref<1x16x785xf32, #tpu.memory_space<hbm>>
    %dma_wait3A_137 = tpu.memref_squeeze %dma_wait3A_136 : memref<1x16x785xf32, #tpu.memory_space<hbm>> -> memref<16x785xf32, #tpu.memory_space<hbm>>
    %dma_wait3A_138 = arith.constant 0 : i32
    %dma_wait3A_139 = tpu.memref_slice %arg7[%select_n3A, %add3A_128, %dma_wait3A_138] : memref<8x2048x785xf32, #tpu.memory_space<hbm>> -> memref<1x16x785xf32, #tpu.memory_space<hbm>>
    %dma_wait3A_140 = tpu.memref_squeeze %dma_wait3A_139 : memref<1x16x785xf32, #tpu.memory_space<hbm>> -> memref<16x785xf32, #tpu.memory_space<hbm>>
    tpu.wait_dma2 semaphore(%arg26 : memref<!tpu.dma_semaphore, #tpu.memory_space<semaphore_mem>>) src(%arg15 : memref<16x785xf32, #tpu.memory_space<vmem>>) dst(%dma_wait3A_140 : memref<16x785xf32, #tpu.memory_space<hbm>>)
    %mul3A_141 = arith.constant 512 : i32
    %mul3A_142 = arith.muli %add3A, %mul3A_141 : i32
    "tpu.region"() ({
      %run_scoped3A = tpu.sem_alloc : memref<!tpu.dma_semaphore, #tpu.memory_space<semaphore_mem>>
      %dma_start3A_145 = tpu.memref_slice %arg8[%mul3A_142] : memref<16384xf32, #tpu.memory_space<hbm>> -> memref<512xf32, #tpu.memory_space<hbm>>
      %dma_start3A_146 = tpu.memref_slice %arg8[%mul3A_142] : memref<16384xf32, #tpu.memory_space<hbm>> -> memref<512xf32, #tpu.memory_space<hbm>>
      tpu.enqueue_dma source(%arg16 : memref<512xf32, #tpu.memory_space<vmem>>) target(%dma_start3A_146 : memref<512xf32, #tpu.memory_space<hbm>>) target_semaphore(%run_scoped3A : memref<!tpu.dma_semaphore, #tpu.memory_space<semaphore_mem>>)
      %dma_wait3A_147 = tpu.memref_slice %arg8[%mul3A_142] : memref<16384xf32, #tpu.memory_space<hbm>> -> memref<512xf32, #tpu.memory_space<hbm>>
      %dma_wait3A_148 = tpu.memref_slice %arg8[%mul3A_142] : memref<16384xf32, #tpu.memory_space<hbm>> -> memref<512xf32, #tpu.memory_space<hbm>>
      tpu.wait_dma2 semaphore(%run_scoped3A : memref<!tpu.dma_semaphore, #tpu.memory_space<semaphore_mem>>) src(%arg16 : memref<512xf32, #tpu.memory_space<vmem>>) dst(%dma_wait3A_148 : memref<512xf32, #tpu.memory_space<hbm>>)
      tpu.yield
    }) : () -> ()
    %mul3A_143 = arith.constant 512 : i32
    %mul3A_144 = arith.muli %add3A, %mul3A_143 : i32
    "tpu.region"() ({
      %run_scoped3A = tpu.sem_alloc : memref<!tpu.dma_semaphore, #tpu.memory_space<semaphore_mem>>
      %dma_start3A_145 = tpu.memref_slice %arg9[%mul3A_144] : memref<16384xf32, #tpu.memory_space<hbm>> -> memref<512xf32, #tpu.memory_space<hbm>>
      %dma_start3A_146 = tpu.memref_slice %arg9[%mul3A_144] : memref<16384xf32, #tpu.memory_space<hbm>> -> memref<512xf32, #tpu.memory_space<hbm>>
      tpu.enqueue_dma source(%arg17 : memref<512xf32, #tpu.memory_space<vmem>>) target(%dma_start3A_146 : memref<512xf32, #tpu.memory_space<hbm>>) target_semaphore(%run_scoped3A : memref<!tpu.dma_semaphore, #tpu.memory_space<semaphore_mem>>)
      %dma_wait3A_147 = tpu.memref_slice %arg9[%mul3A_144] : memref<16384xf32, #tpu.memory_space<hbm>> -> memref<512xf32, #tpu.memory_space<hbm>>
      %dma_wait3A_148 = tpu.memref_slice %arg9[%mul3A_144] : memref<16384xf32, #tpu.memory_space<hbm>> -> memref<512xf32, #tpu.memory_space<hbm>>
      tpu.wait_dma2 semaphore(%run_scoped3A : memref<!tpu.dma_semaphore, #tpu.memory_space<semaphore_mem>>) src(%arg17 : memref<512xf32, #tpu.memory_space<vmem>>) dst(%dma_wait3A_148 : memref<512xf32, #tpu.memory_space<hbm>>)
      tpu.yield
    }) : () -> ()
    return
  }
}

</mosaic_0001>

<sc_bundles>
// kernel: kernel.3.cloned.1.call-start
scs
__scs_entry_jumppad:
0x0: {  	(pc) =	sbr.rel $0x88, $3  }
0x1: {  	(tag) =	ssettag $0x0;
	lr =	simm.s32 $0x1  }
0x2: {  	[smem:$0x3F9D] =	sst lr;
	_ =	strace $0xD0000000  }
0x3: {  	_ = 	snop  }
0x4: {  	_ = 	snop  }
0x5: {  	_ = 	snop  }
0x6: {  	_ = 	snop  }
0x7: {  	_ = 	snop  }
__scs_overlays_trampoline_lowered:
0x8: {  	[smem:$0x3FAC] =	sst s0  }
0x9: {  	[smem:$0x3FAD] =	sst s1  }
0xa: {  	[smem:$0x3FAE] =	sst s2  }
0xb: {  	[smem:$0x3FAF] =	sst s3  }
0xc: {  	[smem:$0x3FB0] =	sst s4  }
0xd: {  	[smem:$0x3FB1] =	sst s5  }
0xe: {  	[smem:$0x3FB2] =	sst s6  }
0xf: {  	[smem:$0x3FB3] =	sst s7  }
0x10: {  	[smem:$0x3FB4] =	sst s8  }
0x11: {  	[smem:$0x3FB5] =	sst s9;
	s0 =	simm.s32 @!p0 $0x0  }
0x12: {  	s1 =	sld [smem:$0x3F9B];
	s0 =	simm.s32 @p0 $0x1  }
0x13: {  	[smem:$0x3FB6] =	sst s0;
	s0 =	simm.s32 @!p1 $0x0  }
0x14: {  	s2 =	sld [smem:$0x3F9A];
	s0 =	simm.s32 @p1 $0x1  }
0x15: {  	[smem:$0x3FB7] =	sst s0;
	s0 =	simm.s32 @!p2 $0x0  }
0x16: {  	s3 =	sld [smem:$0x3FDB];
	s0 =	simm.s32 @p2 $0x1  }
0x17: {  	s4 =	simm.s32 $0x1BF5;
	[smem:$0x3FB9] =	sst s0  }
0x18: {  	s0 =	sld [smem:$0x3F9C];
	_ =	swait.ge [sflag:s4], $0x0  }
0x19: {  	s7 =	sld [smem:$0x3F9D]  }
0x1a: {  	s8 =	sadd.s32 $0xFFFFE003, lr  }
0x1b: {  	s9 =	sadd.s32 $0xFFFFFEF7, lr;
	s5 =	simm.s32 $0xFFFFFFFF;
	p2 =	slt.u32 s8, $0xFFFFF086  }
0x1c: {  	p1 =	slt.u32 s9, $0xF7A;
	s5 =	simm.s32 @!p2 $0x0  }
0x1d: {  	s5 =	simm.s32 @p1 $0x1;
	p0 =	seq.s32 s7, s2  }
0x1e: {  	s7 =	smul.u32 @!p0 $0xF7A, s2;
	p2 =	seq.s32 @!p0 s5, $0x0  }
0x1f: {  	s9 =	smul.u32 $0xF7A, s1;
	s8 =	simm.s32 @!p0 $0x1BF5;
	p2 =	por !p2, p0  }
0x20: {  	[sflag:s8] =	ssyncset.s32 @!p0 $0xFFFFF086;
	s6 =	sadd.s32 @!p0 s3, s7;
	s7 =	simm.s32 @!p0 $0x108  }
0x21: {  	s3 =	sadd.s32 s3, s9;
	s6 =	sadd.s32 @!p0 $0x88, s6;
	s7 =	simm.s32 @p2 $0x1082  }
0x22: {  	[simem:s7], [sflag:s8] =	dma.local @!p0 [hbm:s6], $0xF7A  }
0x23: {  	s9 =	sor.u32 $0xD0000000, s2;
	s6 =	simm.s32 $0x108;
	_ =	swait.ge @!p0 [sflag:s8], $0x0  }
0x24: {  	s3 =	sadd.s32 $0x88, s3;
	s6 =	simm.s32 @!p1 $0x1082;
	[sflag:s4] =	ssyncset.s32 $0xFFFFF086  }
0x25: {  	[simem:s6], [sflag:s4] =	dma.local [hbm:s3], $0xF7A  }
0x26: {  	[smem:$0x3F9D] =	sst s1;
	(tag) =	ssettag s2;
	_ =	strace s9  }
0x27: {  	s1 =	sld [smem:$0x3FAD]  }
0x28: {  	s2 =	sld [smem:$0x3FAE]  }
0x29: {  	s4 =	sld [smem:$0x3FB0]  }
0x2a: {  	p0 =	seq.s32 s5, $0x0;
	s5 =	sld [smem:$0x3FB1]  }
0x2b: {  	s6 =	sld [smem:$0x3FB2]  }
0x2c: {  	s7 =	sld [smem:$0x3FB3]  }
0x2d: {  	s3 =	simm.s32 $0x108;
	s8 =	sld [smem:$0x3FB4]  }
0x2e: {  	s3 =	simm.s32 @!p0 $0x1082;
	s9 =	sld [smem:$0x3FB5]  }
0x2f: {  	lr =	sadd.s32 s0, s3;
	s0 =	sld [smem:$0x3FAC]  }
0x30: {  	s3 =	sld [smem:$0x3FAF]  }
0x31: {  	[smem:$0x3FB8] =	sst s10  }
0x32: {  	s10 =	sld [smem:$0x3FB6];
	_ =	sdelay $0x3  }
0x33: {  	p0 =	seq.s32 s10, $0x1;
	s10 =	sld [smem:$0x3FB8];
	_ =	sdelay $0x3  }
0x34: {  	[smem:$0x3FB8] =	sst s10  }
0x35: {  	s10 =	sld [smem:$0x3FB7];
	_ =	sdelay $0x3  }
0x36: {  	p1 =	seq.s32 s10, $0x1;
	s10 =	sld [smem:$0x3FB8];
	_ =	sdelay $0x3  }
0x37: {  	[smem:$0x3FB8] =	sst s10  }
0x38: {  	s10 =	sld [smem:$0x3FB9]  }
0x39: {  	_ = 	snop;
	(pc) =	sbr.ind lr, $3  }
0x3a: {  	_ = 	snop  }
0x3b: {  	_ = 	snop  }
0x3c: {  	p2 =	seq.s32 s10, $0x1;
	s10 =	sld [smem:$0x3FB8]  }
0x3d: {  	_ =	shalt  }
0x3e: {  	_ =	shalt  }
0x3f: {  	_ =	shalt  }
0x40: {  	_ =	shalt  }
0x41: {  	_ =	shalt  }
0x42: {  	_ =	shalt  }
0x43: {  	_ =	shalt  }
0x44: {  	_ =	shalt  }
0x45: {  	_ =	shalt  }
0x46: {  	_ =	shalt  }
0x47: {  	_ =	shalt  }
0x48: {  	_ =	shalt  }
0x49: {  	_ =	shalt  }
0x4a: {  	_ =	shalt  }
0x4b: {  	_ =	shalt  }
0x4c: {  	_ =	shalt  }
0x4d: {  	_ =	shalt  }
0x4e: {  	_ =	shalt  }
0x4f: {  	_ =	shalt  }
0x50: {  	_ =	shalt  }
0x51: {  	_ =	shalt  }
0x52: {  	_ =	shalt  }
0x53: {  	_ =	shalt  }
0x54: {  	_ =	shalt  }
0x55: {  	_ =	shalt  }
0x56: {  	_ =	shalt  }
0x57: {  	_ =	shalt  }
0x58: {  	_ =	shalt  }
0x59: {  	_ =	shalt  }
0x5a: {  	_ =	shalt  }
0x5b: {  	_ =	shalt  }
0x5c: {  	_ =	shalt  }
0x5d: {  	_ =	shalt  }
0x5e: {  	_ =	shalt  }
0x5f: {  	_ =	shalt  }
0x60: {  	_ =	shalt  }
0x61: {  	_ =	shalt  }
0x62: {  	_ =	shalt  }
0x63: {  	_ =	shalt  }
0x64: {  	_ =	shalt  }
0x65: {  	_ =	shalt  }
0x66: {  	_ =	shalt  }
0x67: {  	_ =	shalt  }
0x68: {  	_ =	shalt  }
0x69: {  	_ =	shalt  }
0x6a: {  	_ =	shalt  }
0x6b: {  	_ =	shalt  }
0x6c: {  	_ =	shalt  }
0x6d: {  	_ =	shalt  }
0x6e: {  	_ =	shalt  }
0x6f: {  	_ =	shalt  }
0x70: {  	_ =	shalt  }
0x71: {  	_ =	shalt  }
0x72: {  	_ =	shalt  }
0x73: {  	_ =	shalt  }
0x74: {  	_ =	shalt  }
0x75: {  	_ =	shalt  }
0x76: {  	_ =	shalt  }
0x77: {  	_ =	shalt  }
0x78: {  	_ =	shalt  }
0x79: {  	_ =	shalt  }
0x7a: {  	_ =	shalt  }
0x7b: {  	_ =	shalt  }
0x7c: {  	_ =	shalt  }
0x7d: {  	_ =	shalt  }
0x7e: {  	_ =	shalt  }
0x7f: {  	_ =	shalt  }
0x80: {  	_ =	shalt  }
0x81: {  	_ =	shalt  }
0x82: {  	_ =	shalt  }
0x83: {  	_ =	shalt  }
0x84: {  	_ =	shalt  }
0x85: {  	_ =	shalt  }
0x86: {  	_ =	shalt  }
0x87: {  	_ =	shalt  }
.Lfunc_end0:
.L_simem_size_0:
called_computation_lowered:
.L_overlay_start_0:
0x88: {  	s2 =	sld [smem:$0x3FD9]  }
0x89: {  	s3 =	sld [smem:$0x3FFE];
	_ =	sdelay $0x1  }
0x8a: {  	s1 =	srdreg.scid  }
0x8b: {  	s0 =	sand.u32 $0x1, s1  }
0x8c: {  	s14 =	sshll.u32 s0, $0xA;
	s2 =	sadd.s32 s3, s2  }
0x8d: {  	s2 =	sadd.s32 s2, s14  }
0x8e: {  	[smem:$0x3FC4] =	sst s2  }
0x8f: {  	_ = 	snop  }
0x90: {  	s2 =	sld [smem:$0x3FD0];
	_ =	sdelay $0x2  }
0x91: {  	s15 =	simm.s32 $0xA;
	s4 =	simm.s32 $0x10  }
0x92: {  	[smem:s4], [sflag:s15] =	dma.local [hbm:s2], $0x1  }
0x93: {  	_ =	swait.eq [sflag:s15], $0x1  }
0x94: {  	s16 =	sld [smem:$0x10]  }
0x95: {  	s17 =	sld [smem:$0x11];
	[sflag:s15] =	ssyncset.done $0x0  }
0x96: {  	s5 =	sld [smem:$0x12];
	[sflag:s15] =	ssyncadd.s32 $0xFFFFFFFF  }
0x97: {  	s18 =	sld [smem:$0x13];
	(tm) =	ssettm $0x1  }
0x98: {  	s6 =	sld [smem:$0x3FFB];
	_ =	sdelay $0x3  }
0x99: {  	_ =	strace s6  }
0x9a: {  	s6 =	sld [smem:$0x3FFC];
	_ =	sdelay $0x3  }
0x9b: {  	_ =	strace s6  }
0x9c: {  	s6 =	sld [smem:$0x3FFD];
	_ =	sdelay $0x3  }
0x9d: {  	_ =	strace s6  }
0x9e: {  	_ =	strace $0x8FFFFFFF  }
0x9f: {  	s19 =	sld [smem:$0x3FDB];
	_ =	sdelay $0x1  }
0xa0: {  	s7 =	simm.s32 $_scs_section_size  }
0xa1: {  	s8 =	simm.s32 $_size__tile_overlayer_lowered;
	s9 =	simm.s32 $_tile_overlayer_lowered  }
0xa2: {  	s22 =	simm.s32 $0x1BFF;
	s21 =	sshll.u32 s9, $0x1;
	s6 =	sadd.s32 s7, s19  }
0xa3: {  	s10 =	simm.s32 $0x0;
	s20 =	sshll.u32 s8, $0x1;
	s8 =	sadd.s32 s21, s6  }
0xa4: {  	[timem:s10], [sflag:s22] =	dma.local [hbm:s8], s20  }
0xa5: {  	_ =	swait.ge [sflag:s22], s20  }
0xa6: {  	s7 =	ssub.s32 $0x0, s20;
	[sflag:s22] =	ssyncset.done $0x0  }
0xa7: {  	[sflag:s22] =	ssyncadd.s32 s7;
	_ =	sdelay $0x1  }
0xa8: {  	s23 =	simm.s32 $0x1B8B  }
0xa9: {  	_ =	swait.ge [sflag:s23], $0x1  }
0xaa: {  	[sflag:s23] =	ssyncset.done $0x0  }
0xab: {  	s25 =	simm.s32 $0x1B8E;
	s24 =	sld [smem:$0x3FFE];
	[sflag:s23] =	ssyncadd.s32 $0xFFFFFFFF  }
0xac: {  	s26 =	simm.s32 $execute0_lowered;
	[smem:$0x3FD2] =	sst s25  }
0xad: {  	s8 =	sshll.u32 s26, $0x1;
	_ =	strace $0x80000046;
	[dreg:$0x1] =	wrdreg $0xFFFFFFFF  }
0xae: {  	s28 =	simm.s32 $_size_execute0_lowered;
	s6 =	sadd.s32 s6, s8;
	[dreg:$0x0] =	wrdreg $0x0  }
0xaf: {  	s8 =	sshll.u32 s28, $0x1;
	[dreg:$0x2] =	wrdreg s6  }
0xb0: {  	[dreg:$0x3] =	wrdreg s8  }
0xb1: {  	[dreg:$0x4] =	wrdreg $0xC0  }
0xb2: {  	_ =	task [dreg:s10], $0x5FFFF  }
0xb3: {  	[dreg:$0x1] =	wrdreg $0xFFFFFFFF  }
0xb4: {  	[dreg:$0x0] =	wrdreg $0x60  }
0xb5: {  	[dreg:$0x2] =	wrdreg s16  }
0xb6: {  	[dreg:$0x3] =	wrdreg s5  }
0xb7: {  	[dreg:$0x4] =	wrdreg s24  }
0xb8: {  	[dreg:$0x5] =	wrdreg s18  }
0xb9: {  	[dreg:$0x6] =	wrdreg s17  }
0xba: {  	[dreg:$0x7] =	wrdreg $0x9  }
0xbb: {  	_ =	task.clear_ibuf [dreg:s10], $0x8FFFF;
	_ =	strace $0x90000046  }
0xbc: {  	s29 =	simm.s32 $0x9;
	_ =	strace $0x80000048  }
0xbd: {  	_ =	swait.ge [sflag:s29], $0x1  }
0xbe: {  	[sflag:s29] =	ssyncadd.s32 $0xFFFFFFFF  }
0xbf: {  	_ =	strace $0x90000048  }
0xc0: {  	_ =	sfence  }
0xc1: {  	s30 =	sld [smem:$0x0];
	_ =	sdelay $0x2  }
0xc2: {  	s31 =	sshll.u32 s1, $0xD;
	s1 =	sshrl.u32 s1, $0x2  }
0xc3: {  	s3 =	sand.u32 $0x4000, s31;
	s1 =	sadd.s32 s1, s30  }
0xc4: {  	s0 =	sor.u32 s3, s0;
	s1 =	sshll.u32 s1, $0x11  }
0xc5: {  	s0 =	sor.u32 s1, s0  }
0xc6: {  	s0 =	sadd.s32 $0x8F2B, s0  }
0xc7: {  	[sflag:s0] =	ssyncadd.remote.s32 $0x1  }
0xc8: {  	_ =	sfence.sel $0xFFFF  }
0xc9: {  	[dreg:$0x0] =	wrdreg $0xFFFFFFFF;
	(pc) =	sbr.abs _section_cstart, $3  }
0xca: {  	[dreg:$0x1] =	wrdreg $0xFFFFFFFF  }
0xcb: {  	_ =	task.clear_ibuf [dreg:s10], $0x2FFFF;
	_ =	strace $0x9FFFFFFF  }
0xcc: {  	(tm) =	ssettm $0x7FFFFFFF  }
0xcd: {  	_ =	shalt  }
tec
execute0_lowered:
.L_overlay_start_1:
0x0: {  	(tag) =	ssettag $0x1  }
0x1: {  	v0 =	vimm.s32 $0xFEDCBA98  }
0x2: {  	v1 =	vimm.s32 $0x76543210;
	v2 =	vimm.s32 $0x13121110;
	v3 =	vimm.s32 $0x17161514  }
0x3: {  	vm1 =	vcmask $0x1F10;
	v54 =	vimm.s32 $0x1B1A1918;
	v55 =	vimm.s32 $0x1F1E1D1C  }
0x4: {  	v6 =	vimm.s32 $0x23222120;
	v56 =	vimm.s32 $0x27262524;
	v57 =	vimm.s32 $0x2B2A2928  }
0x5: {  	v9 =	vimm.s32 $0x2F2E2D2C;
	v13 =	vimm.s32 $0x33323130;
	v14 =	vimm.s32 $0x37363534  }
0x6: {  	v15 =	vimm.s32 $0x3B3A3938;
	v16 =	vimm.s32 $0x3F3E3D3C;
	v17 =	vimm.s32 $0xBA98FEDC  }
0x7: {  	v18 =	vimm.s32 $0x32107654;
	v19 =	vimm.s32 $0x11101312;
	v20 =	vimm.s32 $0x15141716  }
0x8: {  	v21 =	vimm.s32 $0x29282B2A;
	v22 =	vimm.s32 $0x2D2C2F2E;
	v29 =	vimm.s32 $0x21202322  }
0x9: {  	v30 =	vimm.s32 $0x25242726;
	v31 =	vimm.s32 $0x39383B3A;
	v32 =	vimm.s32 $0x3D3C3F3E  }
0xa: {  	v41 =	vimm.s32 $0x31303332;
	v42 =	vimm.s32 $0x35343736;
	v43 =	vimm.s32 $0xEFCDAB89  }
0xb: {  	v45 =	vimm.s32 $0x67452301;
	v48 =	vimm.s32 $0x1A1B1819;
	v49 =	vimm.s32 $0x1E1F1C1D  }
0xc: {  	v51 =	vimm.s32 $0x12131011;
	v52 =	vimm.s32 $0x16171415;
	v53 =	vimm.s32 $0x2A2B2829  }
0xd: {  	vm0 =	vmmov $0x7fff;
	v0 =	vunpack.c.l.s4.s8 v0;
	v1 =	vunpack.c.l.s4.s8 v1  }
0xe: {  	v4 =	vunpack.c.0.s8.s32 v2;
	v5 =	vunpack.c.0.s8.s32 v3;
	v7 =	vunpack.c.0.s8.s32 v54  }
0xf: {  	v8 =	vunpack.c.0.s8.s32 v55;
	v6 =	vunpack.c.0.s8.s32 v6;
	v10 =	vunpack.c.0.s8.s32 v56  }
0x10: {  	v11 =	vunpack.c.0.s8.s32 v57;
	v9 =	vunpack.c.0.s8.s32 v9;
	v13 =	vunpack.c.0.s8.s32 v13  }
0x11: {  	v14 =	vunpack.c.0.s8.s32 v14;
	v15 =	vunpack.c.0.s8.s32 v15;
	v16 =	vunpack.c.0.s8.s32 v16  }
0x12: {  	v17 =	vunpack.c.l.s4.s8 v17;
	v18 =	vunpack.c.l.s4.s8 v18;
	v23 =	vunpack.c.0.s8.s32 v21  }
0x13: {  	v24 =	vunpack.c.0.s8.s32 v22;
	v44 =	vunpack.c.l.s4.s8 v43;
	v55 =	vimm.s32 $0x22232021  }
0x14: {  	v47 =	vunpack.c.l.s4.s8 v45;
	v54 =	vimm.s32 $0x2E2F2C2D;
	v56 =	vunpack.c.0.s8.s32 v55  }
0x15: {  	v0 =	vunpack.c.0.s8.s32 v0;
	v1 =	vunpack.c.0.s8.s32 v1;
	v58 =	vsel vm1, v5, v4  }
0x16: {  	v59 =	vsel vm1, v8, v7;
	v60 =	vsel vm1, v10, v6;
	v12 =	vsel vm1, v9, v11  }
0x17: {  	v61 =	vsel vm1, v14, v13;
	v62 =	vsel vm1, v16, v15;
	v17 =	vunpack.c.0.s8.s32 v17  }
0x18: {  	v18 =	vunpack.c.0.s8.s32 v18;
	v7 =	vsel vm1, v7, v8;
	v4 =	vsel vm1, v4, v5  }
0x19: {  	v63 =	vsel vm1, v11, v9;
	v6 =	vsel vm1, v6, v10;
	v2 =	vsel vm1, v15, v16  }
0x1a: {  	v3 =	vsel vm1, v13, v14;
	v13 =	vunpack.c.0.s8.s32 v19;
	v14 =	vunpack.c.0.s8.s32 v20  }
0x1b: {  	s2 =	rddreg [dreg:$0x2];
	v28 =	vsel vm1, v24, v23;
	v9 =	vunpack.c.0.s8.s32 v29;
	v34 =	vcombine.low v59, v58  }
0x1c: {  	s0 =	rddreg [dreg:$0x3];
	v15 =	vunpack.c.0.s8.s32 v42;
	v35 =	vcombine.low v12, v60;
	v36 =	vcombine.low v62, v61  }
0x1d: {  	s1 =	rddreg [dreg:$0x4];
	v19 =	vimm.s32 $0x26272425;
	v37 =	vcombine.low v4, v7;
	v38 =	vcombine.low v6, v63  }
0x1e: {  	s3 =	srdreg.scid;
	s6 =	stileid.u32;
	s29 =	simm.s32 $0xEB00;
	v39 =	vcombine.low v3, v2;
	v57 =	vunpack.c.0.s8.s32 v19;
	v59 =	vimm.s32 $0x3A3B3839  }
0x1f: {  	s4 =	simm.s32 $0x0;
	s28 =	simm.s32 $0x2;
	s3 =	sand.u32 $0x1, s3;
	v60 =	vimm.s32 $0x3E3F3C3D;
	v61 =	vimm.s32 $0x32333031;
	v62 =	vimm.s32 $0x36373435  }
0x20: {  	s5 =	sshll.u32 s6, $0x1;
	s19 =	sshrl.u32 s6, $0x1;
	[smem:$0x7FF] =	sst s4;
	v0 =	vand.u32 $0xF, v0;
	v12 =	vcombine.low v18, v17;
	v17 =	vimm.s32 $0x19181B1A  }
0x21: {  	s6 =	sadd.s32 $0x1200, s2;
	s7 =	sadd.s32 $0x1C1200, s2;
	s8 =	sadd.s32 $0x381200, s2;
	v18 =	vimm.s32 $0x1D1C1F1E;
	v27 =	vsel vm1, v14, v13;
	v13 =	vunpack.c.0.s8.s32 v32  }
0x22: {  	s9 =	sadd.s32 $0x541200, s2;
	s11 =	sor.u32 s3, s5;
	s5 =	smul.u32 $0x1C0000, s19;
	v14 =	vunpack.c.0.s8.s32 v41;
	v19 =	vunpack.c.0.s8.s32 v62;
	v33 =	vcombine.low v0, v1  }
0x23: {  	s30 =	simm.s32 $0x3;
	s31 =	simm.s32 $0x4;
	_ =	strace $0x80000047;
	v0 =	vimm.s32 $0xDCFE98BA;
	v1 =	vimm.s32 $0x54761032;
	v10 =	vunpack.c.0.s8.s32 v17  }
0x24: {  	s3 =	ssub.s32 $0x2, s3;
	s19 =	simm.s32 $0x9;
	s10 =	sand.u32 $0x3, s11;
	v11 =	vunpack.c.0.s8.s32 v18;
	v17 =	vunpack.c.0.s8.s32 v49;
	v18 =	vunpack.c.0.s8.s32 v61  }
0x25: {  	s20 =	sshrl.u32 s3, $0x1;
	s24 =	sshll.u32 s11, $0x6;
	s12 =	smul.u32 $0x70000, s10;
	v7 =	vunpack.c.l.s4.s8 v0;
	v8 =	vunpack.c.l.s4.s8 v1;
	v46 =	vsel vm1, v15, v14  }
0x26: {  	s2 =	ssub.s32 s3, s20;
	s10 =	sshll.u32 s10, $0x9;
	s0 =	sadd.s32 s0, s24;
	v14 =	vunpack.c.0.s8.s32 v47;
	v15 =	vunpack.c.0.s8.s32 v48;
	v45 =	vand.u32 $0xF, v12  }
0x27: {  	s25 =	sadd.s32 s1, s24;
	s24 =	simm.s32 $0x7700;
	s1 =	simm.s32 $0x8;
	v26 =	vsel vm1, v11, v10;
	v10 =	vunpack.c.0.s8.s32 v30;
	v11 =	vunpack.c.0.s8.s32 v31  }
0x28: {  	s20 =	simm.s32 $0x0;
	s15 =	sor.u32 $0x20, s10;
	[dreg:$0xa] =	wrdreg s0;
	v63 =	vsel vm1, v19, v18;
	v7 =	vunpack.c.0.s8.s32 v7;
	v8 =	vunpack.c.0.s8.s32 v8  }
0x29: {  	s16 =	sor.u32 $0x30, s10;
	[dreg:$0xb] =	wrdreg s25;
	s26 =	smax.u32 s2, $0x1;
	v40 =	vcombine.low v27, v26;
	v50 =	vsel vm1, v17, v15;
	v15 =	vunpack.c.0.s8.s32 v53  }
0x2a: {  	s25 =	simm.s32 $0xAF00;
	s2 =	simm.s32 $0x6;
	s12 =	sadd.s32 s5, s12;
	v17 =	vunpack.c.0.s8.s32 v54;
	v9 =	vsel vm1, v10, v9;
	v11 =	vsel vm1, v13, v11  }
0x2b: {  	s0 =	simm.s32 $0x7;
	[dreg:$0xc] =	wrdreg s26;
	s21 =	sshrl.u32 s12, $0x3;
	v10 =	vunpack.c.0.s8.s32 v44;
	v13 =	vunpack.c.0.s8.s32 v52;
	v25 =	vcombine.low v8, v7  }
.Ltmp0:
0x2c: {  	s12 =	sor.u32 $0x3800, s12;
	s13 =	sadd.s32 s6, s21;
	v41 =	vcombine.low v9, v28;
	v42 =	vcombine.low v46, v11;
	v11 =	vunpack.c.0.s8.s32 v51;
	(pc) =	sbr.rel .LBB2_1-.Ltmp0, $4  }
0x2d: {  	s12 =	sshrl.u32 s12, $0x3;
	s3 =	sadd.s32 s7, s21;
	[dreg:$0x6] =	wrdreg s13;
	v58 =	vsel vm1, v17, v15;
	v15 =	vunpack.c.0.s8.s32 v59;
	v17 =	vunpack.c.0.s8.s32 v60  }
0x2e: {  	s26 =	simm.s32 $0x1;
	[dreg:$0x7] =	wrdreg s3;
	s22 =	sadd.s32 s6, s12;
	v14 =	vcombine.low v14, v10;
	v11 =	vsel vm1, v13, v11;
	v13 =	vsel vm1, v57, v56  }
0x2f: {  	s21 =	simm.s32 $0x700;
	s23 =	sadd.s32 s7, s12;
	[dreg:$0x8] =	wrdreg s22;
	v15 =	vsel vm1, v17, v15;
	v46 =	vand.u32 $0xF, v25;
	v43 =	vcombine.low v11, v50  }
0x30: {  	s3 =	simm.s32 $0x5;
	[dreg:$0x9] =	wrdreg s23;
	s22 =	simm.s32 $0x3F00;
	v44 =	vcombine.low v13, v58;
	v47 =	vand.u32 $0xF, v14;
	v48 =	vcombine.low v63, v15  }
.LBB2_8:
0x31: {  	_ =	swait.ge [sflag:s0], $0x3800  }
0x32: {  	[sflag:s0] =	ssyncset.done $0x0  }
0x33: {  	[sflag:s0] =	ssyncadd.s32 $0xFFFFC800  }
0x34: {  	_ =	swait.ge [sflag:s1], $0x3800  }
0x35: {  	[sflag:s1] =	ssyncset.done $0x0  }
0x36: {  	s12 =	simm.s32 $0xE700;
	s11 =	rddreg [dreg:$0xa];
	[sflag:s1] =	ssyncadd.s32 $0xFFFFC800  }
0x37: {  	[hbm4b:s11+s4] =	stream.linear.scatter [tilespmem:s12], [sflag:$0x9], $0x200, $0x38;
	[tilespmem:$0xEB80] =	vst v63  }
0x38: {  	_ =	swait.ge [sflag:s19], $0x200  }
0x39: {  	[sflag:s19] =	ssyncset.done $0x0  }
0x3a: {  	s18 =	simm.s32 $0xE900;
	s17 =	rddreg [dreg:$0xb];
	[sflag:s19] =	ssyncadd.s32 $0xFFFFFE00  }
0x3b: {  	[hbm4b:s17+s4] =	stream.linear.scatter [tilespmem:s18], [sflag:$0x9], $0x200, $0x38;
	[tilespmem:$0xEB80] =	vst v63  }
0x3c: {  	_ =	swait.ge [sflag:s19], $0x200  }
0x3d: {  	s20 =	sadd.s32 $0x1, s20;
	s23 =	rddreg [dreg:$0xc]  }
0x3e: {  	p0 =	sne.s32 s20, s23  }
.Ltmp1:
0x3f: {  	_ = 	snop;
	(pc) =	sbr.rel @!p0 .LBB2_9-.Ltmp1, $3  }
0x40: {  	_ =	sdelay $0x1  }
0x41: {  	[sflag:s19] =	ssyncset.done $0x0  }
0x42: {  	[sflag:s19] =	ssyncadd.s32 $0xFFFFFE00  }
.LBB2_1:
0x43: {  	s11 =	rddreg [dreg:$0x0]  }
0x44: {  	[tilespmem:s4], [sflag:$0x9] =	stream.linear.gather [hbm4b:s11+s4], $0x380, $0x38;
	[tilespmem:$0xEB80] =	vst v63  }
0x45: {  	_ =	swait.ge [sflag:s19], $0x380  }
0x46: {  	[sflag:s19] =	ssyncset.done $0x0  }
0x47: {  	[sflag:s19] =	ssyncadd.s32 $0xFFFFFC80  }
0x48: {  	s12 =	simm.s32 $0x380;
	s13 =	rddreg [dreg:$0x1]  }
0x49: {  	[tilespmem:s12], [sflag:$0x9] =	stream.linear.gather [hbm4b:s13+s4], $0x380, $0x38;
	[tilespmem:$0xEB80] =	vst v63  }
0x4a: {  	_ =	swait.ge [sflag:s19], $0x380  }
0x4b: {  	[sflag:s19] =	ssyncset.done $0x0  }
0x4c: {  	s14 =	rddreg [dreg:$0x6];
	[sflag:s19] =	ssyncadd.s32 $0xFFFFFC80  }
0x4d: {  	[tilespmem:s21], [sflag:$0x1] =	stream.linear.gather [hbm4b:s14+s4], $0x3800, $0x38;
	[tilespmem:$0xEB80] =	vst v63  }
0x4e: {  	s17 =	rddreg [dreg:$0x7]  }
0x4f: {  	[tilespmem:s22], [sflag:$0x2] =	stream.linear.gather [hbm4b:s17+s4], $0x3800, $0x38;
	[tilespmem:$0xEB80] =	vst v63  }
0x50: {  	s18 =	rddreg [dreg:$0x8]  }
0x51: {  	[tilespmem:s24], [sflag:$0x3] =	stream.linear.gather [hbm4b:s18+s4], $0x3800, $0x38;
	[tilespmem:$0xEB80] =	vst v63  }
0x52: {  	s11 =	simm.s32 $0x0;
	s23 =	rddreg [dreg:$0x9]  }
0x53: {  	[tilespmem:s25], [sflag:$0x4] =	stream.linear.gather [hbm4b:s23+s4], $0x3800, $0x38;
	[tilespmem:$0xEB80] =	vst v63  }
.LBB2_2:
0x54: {  	_ =	swait.ge [sflag:s26], $0x3800  }
0x55: {  	[sflag:s26] =	ssyncset.done $0x0  }
0x56: {  	[sflag:s26] =	ssyncadd.s32 $0xFFFFC800  }
0x57: {  	_ =	swait.ge [sflag:s28], $0x3800  }
0x58: {  	[sflag:s28] =	ssyncset.done $0x0  }
0x59: {  	v18 =	vimm.f32 $0.0e+00;
	s12 =	simm.s32 $0x0;
	v19 =	vimm.f32 $0.0e+00;
	s13 =	simm.s32 $0x0;
	[sflag:s28] =	ssyncadd.s32 $0xFFFFC800  }
.LBB2_3:
0x5a: {  	v24 =	vld [tilespmem:$0x0]  }
0x5b: {  	v25 =	vld [tilespmem:$0x380]  }
0x5c: {  	v28 =	vld [tilespmem:$0x10]  }
0x5d: {  	v29 =	vld [tilespmem:$0x390]  }
0x5e: {  	v32 =	vld [tilespmem:$0x20]  }
0x5f: {  	v1 =	vmov v33;
	v33 =	vld [tilespmem:$0x3A0]  }
0x60: {  	v4 =	vmov v36;
	v36 =	vld [tilespmem:$0x30]  }
0x61: {  	v5 =	vmov v37;
	v37 =	vld [tilespmem:$0x3B0]  }
0x62: {  	v8 =	vmov v40;
	v40 =	vld [tilespmem:$0x40]  }
0x63: {  	v9 =	vmov v41;
	v41 =	vld [tilespmem:$0x3C0]  }
0x64: {  	v12 =	vmov v44;
	v44 =	vld [tilespmem:$0x50]  }
0x65: {  	v13 =	vmov v45;
	v45 =	vld [tilespmem:$0x3D0]  }
0x66: {  	v16 =	vmov v48;
	v48 =	vld [tilespmem:$0x60]  }
0x67: {  	v49 =	vld [tilespmem:$0x3E0]  }
0x68: {  	v52 =	vld [tilespmem:$0x70]  }
0x69: {  	v53 =	vld [tilespmem:$0x3F0]  }
0x6a: {  	v56 =	vld [tilespmem:$0x80]  }
0x6b: {  	v57 =	vld [tilespmem:$0x400]  }
0x6c: {  	s14 =	sshrl.u32 s13, $0x3;
	v59 =	vld [tilespmem:$0x90]  }
0x6d: {  	v61 =	vld [tilespmem:$0x410];
	s14 =	smul.u32 $0x1C00, s14  }
0x6e: {  	s17 =	sand.u32 $0x380, s12;
	v63 =	vld [tilespmem:$0xA0]  }
0x6f: {  	v17 =	vld [tilespmem:$0x420];
	s14 =	sor.u32 s17, s14  }
0x70: {  	v20 =	vld [tilespmem:s14+$0x700]  }
0x71: {  	v22 =	vld [tilespmem:s14+$0x3F00]  }
0x72: {  	v26 =	vld [tilespmem:s14+$0x710]  }
0x73: {  	v27 =	vld [tilespmem:s14+$0x3F10]  }
0x74: {  	v30 =	vld [tilespmem:s14+$0x720]  }
0x75: {  	v31 =	vld [tilespmem:s14+$0x3F20]  }
0x76: {  	v2 =	vmov v34;
	v34 =	vld [tilespmem:s14+$0x730]  }
0x77: {  	v3 =	vmov v35;
	v35 =	vld [tilespmem:s14+$0x3F30]  }
0x78: {  	v6 =	vmov v38;
	v38 =	vld [tilespmem:s14+$0x740]  }
0x79: {  	v7 =	vmov v39;
	v39 =	vld [tilespmem:s14+$0x3F40]  }
0x7a: {  	v10 =	vmov v42;
	v42 =	vld [tilespmem:s14+$0x750]  }
0x7b: {  	v11 =	vmov v43;
	v43 =	vld [tilespmem:s14+$0x3F50]  }
0x7c: {  	v14 =	vmov v46;
	v46 =	vld [tilespmem:s14+$0x760]  }
0x7d: {  	v15 =	vmov v47;
	v47 =	vld [tilespmem:s14+$0x3F60]  }
0x7e: {  	v50 =	vld [tilespmem:s14+$0x770]  }
0x7f: {  	v51 =	vld [tilespmem:s14+$0x3F70]  }
0x80: {  	v54 =	vld [tilespmem:s14+$0xB00]  }
0x81: {  	v55 =	vld [tilespmem:s14+$0x4300];
	v60 =	vmul.f32 v24, v20;
	v20 =	vand.u32 $0x7FFFFFFF, v20  }
0x82: {  	v58 =	vld [tilespmem:s14+$0xB10];
	v24 =	vmul.f32 v24, v22;
	v22 =	vand.u32 $0x7FFFFFFF, v22;
	v62 =	vmul.f32 v25, v20  }
0x83: {  	v23 =	vld [tilespmem:s14+$0x4310];
	v22 =	vmul.f32 v25, v22;
	v25 =	vand.u32 $0x7FFFFFFF, v26;
	v26 =	vmul.f32 v28, v26  }
0x84: {  	v21 =	vld [tilespmem:s14+$0xB20];
	v28 =	vmul.f32 v28, v27;
	v60 =	vadd.f32 $0.0e+00, v60;
	v24 =	vadd.f32 $0.0e+00, v24  }
0x85: {  	v20 =	vld [tilespmem:s14+$0x4320];
	v25 =	vmul.f32 v29, v25;
	v0 =	vadd.f32 $0.0e+00, v22;
	v22 =	vand.u32 $0x7FFFFFFF, v27  }
0x86: {  	v62 =	vadd.f32 $0.0e+00, v62;
	v27 =	vld [tilespmem:s14+$0xB30];
	v26 =	vadd.f32 v26, v60;
	v29 =	vmul.f32 v29, v22  }
0x87: {  	v22 =	vld [tilespmem:s14+$0x4330];
	v24 =	vadd.f32 v28, v24;
	v28 =	vmul.f32 v32, v30;
	v30 =	vand.u32 $0x7FFFFFFF, v30  }
0x88: {  	v60 =	vld [tilespmem:$0xB0];
	v25 =	vadd.f32 v25, v62;
	v0 =	vadd.f32 v29, v0;
	v29 =	vmul.f32 v33, v30  }
0x89: {  	v62 =	vld [tilespmem:$0x430];
	v30 =	vand.u32 $0x7FFFFFFF, v31;
	v26 =	vadd.f32 v28, v26;
	v28 =	vmul.f32 v32, v31  }
0x8a: {  	v31 =	vld [tilespmem:s14+$0xB40];
	v32 =	vand.u32 $0x7FFFFFFF, v34;
	v25 =	vadd.f32 v29, v25;
	v29 =	vmul.f32 v36, v34  }
0x8b: {  	v30 =	vmul.f32 v33, v30;
	v33 =	vld [tilespmem:s14+$0x4340];
	v24 =	vadd.f32 v28, v24;
	v28 =	vmul.f32 v37, v32  }
0x8c: {  	v34 =	vld [tilespmem:$0x440];
	v26 =	vadd.f32 v29, v26;
	v29 =	vmul.f32 v36, v35  }
0x8d: {  	v0 =	vadd.f32 v30, v0;
	v30 =	vld [tilespmem:$0xC0];
	v36 =	vand.u32 $0x7FFFFFFF, v35;
	v25 =	vadd.f32 v28, v25  }
0x8e: {  	v35 =	vld [tilespmem:s14+$0xB50];
	v28 =	vmul.f32 v37, v36;
	v37 =	vand.u32 $0x7FFFFFFF, v38;
	v24 =	vadd.f32 v29, v24  }
0x8f: {  	v36 =	vld [tilespmem:s14+$0x4350];
	v29 =	vmul.f32 v40, v38;
	v32 =	vmul.f32 v41, v37;
	v37 =	vand.u32 $0x7FFFFFFF, v43  }
0x90: {  	v38 =	vld [tilespmem:$0xD0];
	v0 =	vadd.f32 v28, v0;
	v28 =	vmul.f32 v40, v39;
	v40 =	vand.u32 $0x7FFFFFFF, v39  }
0x91: {  	v39 =	vld [tilespmem:s14+$0xB60];
	v26 =	vadd.f32 v29, v26;
	v25 =	vadd.f32 v32, v25;
	v29 =	vmul.f32 v41, v40  }
0x92: {  	v32 =	vld [tilespmem:$0x450];
	v24 =	vadd.f32 v28, v24;
	v28 =	vmul.f32 v44, v42;
	v42 =	vand.u32 $0x7FFFFFFF, v42  }
0x93: {  	v37 =	vmul.f32 v45, v37;
	v40 =	vld [tilespmem:s14+$0x4360];
	v0 =	vadd.f32 v29, v0;
	v29 =	vmul.f32 v45, v42  }
0x94: {  	v41 =	vld [tilespmem:$0xE0];
	v45 =	vmul.f32 v48, v46;
	v26 =	vadd.f32 v28, v26;
	v28 =	vmul.f32 v44, v43  }
0x95: {  	v46 =	vand.u32 $0x7FFFFFFF, v46;
	v43 =	vld [tilespmem:$0x460];
	v25 =	vadd.f32 v29, v25;
	v0 =	vadd.f32 v37, v0  }
0x96: {  	v44 =	vld [tilespmem:s14+$0x4370];
	v29 =	vmul.f32 v48, v47;
	v48 =	vand.u32 $0x7FFFFFFF, v47;
	v24 =	vadd.f32 v28, v24  }
0x97: {  	v37 =	vld [tilespmem:s14+$0xB70];
	v28 =	vmul.f32 v49, v46;
	v48 =	vmul.f32 v49, v48;
	v49 =	vand.u32 $0x7FFFFFFF, v50  }
0x98: {  	v26 =	vadd.f32 v45, v26;
	v45 =	vld [tilespmem:$0xF0];
	v42 =	vmul.f32 v53, v49  }
0x99: {  	v46 =	vld [tilespmem:$0x470];
	v25 =	vadd.f32 v28, v25;
	v24 =	vadd.f32 v29, v24;
	v29 =	vmul.f32 v52, v50  }
0x9a: {  	v49 =	vld [tilespmem:$0x100];
	v0 =	vadd.f32 v48, v0;
	v28 =	vmul.f32 v52, v51;
	v52 =	vand.u32 $0x7FFFFFFF, v51  }
0x9b: {  	v48 =	vld [tilespmem:s14+$0xF00];
	v26 =	vadd.f32 v29, v26;
	v25 =	vadd.f32 v42, v25;
	v29 =	vmul.f32 v53, v52  }
0x9c: {  	v50 =	vld [tilespmem:$0x480];
	v24 =	vadd.f32 v28, v24;
	v52 =	vmul.f32 v56, v54;
	v53 =	vand.u32 $0x7FFFFFFF, v54  }
0x9d: {  	v51 =	vld [tilespmem:s14+$0xF10];
	v54 =	vand.u32 $0x7FFFFFFF, v55;
	v28 =	vmul.f32 v56, v55;
	v56 =	vmul.f32 v59, v58  }
0x9e: {  	v42 =	vld [tilespmem:s14+$0x4700];
	v59 =	vmul.f32 v59, v23;
	v23 =	vand.u32 $0x7FFFFFFF, v23;
	v47 =	vmul.f32 v57, v54  }
0x9f: {  	v55 =	vld [tilespmem:$0x120];
	v23 =	vmul.f32 v61, v23;
	v0 =	vadd.f32 v29, v0;
	v29 =	vmul.f32 v57, v53  }
0xa0: {  	v54 =	vld [tilespmem:s14+$0xF20];
	v26 =	vadd.f32 v52, v26;
	v57 =	vand.u32 $0x7FFFFFFF, v58;
	v24 =	vadd.f32 v28, v24  }
0xa1: {  	v53 =	vld [tilespmem:s14+$0x4710];
	v58 =	vmul.f32 v61, v57;
	v61 =	vand.u32 $0x7FFFFFFF, v21;
	v21 =	vmul.f32 v63, v21  }
0xa2: {  	v52 =	vld [tilespmem:$0x490];
	v63 =	vmul.f32 v63, v20;
	v20 =	vand.u32 $0x7FFFFFFF, v20;
	v25 =	vadd.f32 v29, v25  }
0xa3: {  	v57 =	vmul.f32 v60, v27;
	v0 =	vadd.f32 v47, v0;
	v47 =	vld [tilespmem:$0x110];
	v26 =	vadd.f32 v56, v26  }
0xa4: {  	v24 =	vadd.f32 v59, v24;
	v28 =	vmul.f32 v17, v61;
	v29 =	vld [tilespmem:s14+$0x4720];
	v17 =	vmul.f32 v17, v20  }
0xa5: {  	v20 =	vld [tilespmem:$0x4A0];
	v59 =	vand.u32 $0x7FFFFFFF, v22;
	v22 =	vmul.f32 v60, v22;
	v60 =	vand.u32 $0x7FFFFFFF, v35  }
0xa6: {  	v56 =	vld [tilespmem:$0x4B0];
	v61 =	vmul.f32 v62, v59;
	v25 =	vadd.f32 v58, v25;
	v0 =	vadd.f32 v23, v0  }
0xa7: {  	v21 =	vadd.f32 v21, v26;
	v23 =	vadd.f32 v63, v24;
	v58 =	vand.u32 $0x7FFFFFFF, v27;
	v27 =	vld [tilespmem:s14+$0xF30]  }
0xa8: {  	v26 =	vld [tilespmem:$0x130];
	v25 =	vadd.f32 v28, v25;
	v0 =	vadd.f32 v17, v0;
	v17 =	vmul.f32 v62, v58  }
0xa9: {  	v24 =	vld [tilespmem:s14+$0xF40];
	v21 =	vadd.f32 v57, v21;
	v62 =	vmul.f32 v30, v31;
	v31 =	vand.u32 $0x7FFFFFFF, v31  }
0xaa: {  	v28 =	vld [tilespmem:s14+$0x4730];
	v22 =	vadd.f32 v22, v23;
	v57 =	vmul.f32 v30, v33;
	v58 =	vand.u32 $0x7FFFFFFF, v33  }
0xab: {  	v33 =	vld [tilespmem:$0x140];
	v30 =	vmul.f32 v32, v60;
	v60 =	vand.u32 $0x7FFFFFFF, v40;
	v63 =	vmul.f32 v34, v31  }
0xac: {  	v31 =	vld [tilespmem:s14+$0x4740];
	v59 =	vmul.f32 v34, v58;
	v58 =	vand.u32 $0x7FFFFFFF, v39;
	v17 =	vadd.f32 v17, v25  }
0xad: {  	v34 =	vld [tilespmem:$0x4C0];
	v0 =	vadd.f32 v61, v0;
	v21 =	vadd.f32 v62, v21;
	v61 =	vmul.f32 v38, v35  }
0xae: {  	v22 =	vadd.f32 v57, v22;
	v62 =	vmul.f32 v38, v36;
	v57 =	vmul.f32 v41, v39;
	v35 =	vld [tilespmem:$0x150]  }
0xaf: {  	v39 =	vld [tilespmem:s14+$0xF60];
	v17 =	vadd.f32 v63, v17;
	v0 =	vadd.f32 v59, v0;
	v63 =	vand.u32 $0x7FFFFFFF, v36  }
0xb0: {  	v25 =	vld [tilespmem:s14+$0x4B20];
	v21 =	vadd.f32 v61, v21;
	v59 =	vmul.f32 v43, v58;
	v61 =	vmul.f32 v41, v40  }
0xb1: {  	v36 =	vld [tilespmem:s14+$0xF50];
	v22 =	vadd.f32 v62, v22;
	v62 =	vmul.f32 v45, v37;
	v45 =	vmul.f32 v45, v44  }
0xb2: {  	v37 =	vand.u32 $0x7FFFFFFF, v37;
	v40 =	vld [tilespmem:s14+$0x4760];
	v38 =	vmul.f32 v32, v63;
	v32 =	vmul.f32 v43, v60  }
0xb3: {  	v41 =	vld [tilespmem:$0x4E0];
	v63 =	vmul.f32 v46, v37;
	v60 =	vmul.f32 v49, v48;
	v17 =	vadd.f32 v30, v17  }
0xb4: {  	v43 =	vld [tilespmem:s14+$0xF70];
	v21 =	vadd.f32 v57, v21;
	v22 =	vadd.f32 v61, v22;
	v57 =	vand.u32 $0x7FFFFFFF, v44  }
0xb5: {  	v30 =	vld [tilespmem:s14+$0x4750];
	v61 =	vmul.f32 v49, v42;
	v42 =	vand.u32 $0x7FFFFFFF, v42;
	v0 =	vadd.f32 v38, v0  }
0xb6: {  	v44 =	vld [tilespmem:s14+$0x4770];
	v58 =	vmul.f32 v46, v57;
	v57 =	vand.u32 $0x7FFFFFFF, v51;
	v17 =	vadd.f32 v59, v17  }
0xb7: {  	v49 =	vld [tilespmem:s14+$0x4B10];
	v21 =	vadd.f32 v62, v21;
	v59 =	vand.u32 $0x7FFFFFFF, v48;
	v22 =	vadd.f32 v45, v22  }
0xb8: {  	v38 =	vld [tilespmem:$0x4D0];
	v62 =	vmul.f32 v50, v42;
	v0 =	vadd.f32 v32, v0;
	v37 =	vmul.f32 v50, v59  }
0xb9: {  	v46 =	vld [tilespmem:s14+$0x1300];
	v59 =	vand.u32 $0x7FFFFFFF, v53;
	v17 =	vadd.f32 v63, v17;
	v21 =	vadd.f32 v60, v21  }
0xba: {  	v45 =	vld [tilespmem:$0x170];
	v22 =	vadd.f32 v61, v22;
	v63 =	vmul.f32 v47, v51;
	v60 =	vmul.f32 v47, v53  }
0xbb: {  	v48 =	vld [tilespmem:s14+$0x4B00];
	v42 =	vmul.f32 v52, v59;
	v61 =	vmul.f32 v55, v54;
	v53 =	vand.u32 $0x7FFFFFFF, v27  }
0xbc: {  	v32 =	vld [tilespmem:$0x160];
	v0 =	vadd.f32 v58, v0;
	v58 =	vmul.f32 v52, v57;
	v52 =	vmul.f32 v55, v29  }
0xbd: {  	v50 =	vld [tilespmem:$0x500];
	v29 =	vand.u32 $0x7FFFFFFF, v29;
	v23 =	vmul.f32 v56, v53;
	v17 =	vadd.f32 v37, v17  }
0xbe: {  	v47 =	vld [tilespmem:$0x180];
	v55 =	vand.u32 $0x7FFFFFFF, v28;
	v21 =	vadd.f32 v63, v21;
	v22 =	vadd.f32 v60, v22  }
0xbf: {  	v51 =	vld [tilespmem:$0x520];
	v57 =	vmul.f32 v56, v55;
	v60 =	vand.u32 $0x7FFFFFFF, v31;
	v0 =	vadd.f32 v62, v0  }
0xc0: {  	v37 =	vld [tilespmem:$0x4F0];
	v62 =	vand.u32 $0x7FFFFFFF, v54;
	v54 =	vmul.f32 v26, v27;
	v17 =	vadd.f32 v58, v17  }
0xc1: {  	v27 =	vld [tilespmem:$0x510];
	v63 =	vmul.f32 v20, v62;
	v21 =	vadd.f32 v61, v21;
	v20 =	vmul.f32 v20, v29  }
0xc2: {  	v29 =	vld [tilespmem:$0x190];
	v22 =	vadd.f32 v52, v22;
	v58 =	vmul.f32 v33, v24;
	v61 =	vmul.f32 v33, v31  }
0xc3: {  	v24 =	vand.u32 $0x7FFFFFFF, v24;
	v31 =	vld [tilespmem:s14+$0x1330];
	v62 =	vmul.f32 v35, v36;
	v52 =	vmul.f32 v35, v30  }
0xc4: {  	v30 =	vand.u32 $0x7FFFFFFF, v30;
	v33 =	vld [tilespmem:$0x530];
	v55 =	vmul.f32 v32, v39;
	v56 =	vmul.f32 v32, v40  }
0xc5: {  	v35 =	vld [tilespmem:s14+$0x1340];
	v0 =	vadd.f32 v42, v0;
	v59 =	vmul.f32 v34, v24;
	v24 =	vmul.f32 v34, v60  }
0xc6: {  	v42 =	vld [tilespmem:s14+$0x1310];
	v53 =	vmul.f32 v38, v30;
	v60 =	vand.u32 $0x7FFFFFFF, v43;
	v17 =	vadd.f32 v63, v17  }
0xc7: {  	v34 =	vld [tilespmem:s14+$0x4B30];
	v21 =	vadd.f32 v54, v21;
	v63 =	vand.u32 $0x7FFFFFFF, v36;
	v54 =	vand.u32 $0x7FFFFFFF, v39  }
0xc8: {  	v39 =	vld [tilespmem:s14+$0x1350];
	v0 =	vadd.f32 v20, v0;
	v20 =	vmul.f32 v26, v28;
	v36 =	vmul.f32 v38, v63  }
0xc9: {  	v28 =	vld [tilespmem:s14+$0x1320];
	v30 =	vmul.f32 v41, v54;
	v63 =	vmul.f32 v45, v44;
	v17 =	vadd.f32 v23, v17  }
0xca: {  	v26 =	vld [tilespmem:$0x1A0];
	v54 =	vmul.f32 v47, v48;
	v21 =	vadd.f32 v58, v21;
	v20 =	vadd.f32 v20, v22  }
0xcb: {  	v38 =	vld [tilespmem:$0x1C0];
	v0 =	vadd.f32 v57, v0;
	v57 =	vand.u32 $0x7FFFFFFF, v40;
	v17 =	vadd.f32 v59, v17  }
0xcc: {  	v40 =	vld [tilespmem:s14+$0x4B50];
	v21 =	vadd.f32 v62, v21;
	v58 =	vmul.f32 v41, v57;
	v59 =	vmul.f32 v45, v43  }
0xcd: {  	v62 =	vand.u32 $0x7FFFFFFF, v44;
	v45 =	vmul.f32 v47, v46;
	v43 =	vld [tilespmem:$0x550];
	v57 =	vand.u32 $0x7FFFFFFF, v42  }
0xce: {  	v44 =	vld [tilespmem:s14+$0x4B60];
	v20 =	vadd.f32 v61, v20;
	v0 =	vadd.f32 v24, v0;
	v61 =	vmul.f32 v37, v60  }
0xcf: {  	v24 =	vld [tilespmem:$0x1B0];
	v32 =	vmul.f32 v37, v62;
	v41 =	vmul.f32 v27, v57;
	v60 =	vand.u32 $0x7FFFFFFF, v49  }
0xd0: {  	v37 =	vld [tilespmem:$0x1D0];
	v17 =	vadd.f32 v36, v17;
	v21 =	vadd.f32 v55, v21;
	v55 =	vand.u32 $0x7FFFFFFF, v48  }
0xd1: {  	v36 =	vld [tilespmem:s14+$0x4B40];
	v62 =	vmul.f32 v26, v28;
	v28 =	vand.u32 $0x7FFFFFFF, v28;
	v20 =	vadd.f32 v52, v20  }
0xd2: {  	v0 =	vadd.f32 v53, v0;
	v52 =	vand.u32 $0x7FFFFFFF, v46;
	v46 =	vld [tilespmem:s14+$0x1370];
	v17 =	vadd.f32 v30, v17  }
0xd3: {  	v30 =	vld [tilespmem:$0x540];
	v21 =	vadd.f32 v59, v21;
	v53 =	vmul.f32 v50, v52;
	v59 =	vmul.f32 v29, v49  }
0xd4: {  	v52 =	vmul.f32 v26, v25;
	v26 =	vld [tilespmem:s14+$0x1700];
	v20 =	vadd.f32 v56, v20;
	v0 =	vadd.f32 v58, v0  }
0xd5: {  	v56 =	vmul.f32 v50, v55;
	v58 =	vmul.f32 v29, v42;
	v42 =	vld [tilespmem:$0x560];
	v50 =	vand.u32 $0x7FFFFFFF, v25  }
0xd6: {  	v29 =	vld [tilespmem:$0x1F0];
	v55 =	vand.u32 $0x7FFFFFFF, v31;
	v17 =	vadd.f32 v61, v17;
	v21 =	vadd.f32 v45, v21  }
0xd7: {  	v25 =	vld [tilespmem:$0x200];
	v61 =	vmul.f32 v27, v60;
	v57 =	vmul.f32 v24, v34;
	v60 =	vand.u32 $0x7FFFFFFF, v35  }
0xd8: {  	v45 =	vld [tilespmem:$0x1E0];
	v20 =	vadd.f32 v63, v20;
	v0 =	vadd.f32 v32, v0;
	v63 =	vmul.f32 v51, v28  }
0xd9: {  	v27 =	vld [tilespmem:s14+$0x4B70];
	v17 =	vadd.f32 v53, v17;
	v21 =	vadd.f32 v58, v21;
	v53 =	vmul.f32 v51, v50  }
0xda: {  	v32 =	vld [tilespmem:s14+$0x1360];
	v58 =	vand.u32 $0x7FFFFFFF, v34;
	v51 =	vmul.f32 v37, v39;
	v20 =	vadd.f32 v54, v20  }
0xdb: {  	v28 =	vld [tilespmem:$0x580];
	v0 =	vadd.f32 v56, v0;
	v54 =	vmul.f32 v24, v31;
	v56 =	vmul.f32 v33, v55  }
0xdc: {  	v34 =	vld [tilespmem:s14+$0x4F10];
	v24 =	vmul.f32 v30, v60;
	v55 =	vmul.f32 v37, v40;
	v17 =	vadd.f32 v41, v17  }
0xdd: {  	v31 =	vld [tilespmem:s14+$0x4F00];
	v21 =	vadd.f32 v62, v21;
	v62 =	vmul.f32 v38, v36;
	v20 =	vadd.f32 v59, v20  }
0xde: {  	v37 =	vld [tilespmem:$0x220];
	v0 =	vadd.f32 v61, v0;
	v59 =	vmul.f32 v33, v58;
	v61 =	vmul.f32 v38, v35  }
0xdf: {  	v41 =	vld [tilespmem:$0x570];
	v58 =	vmul.f32 v45, v44;
	v17 =	vadd.f32 v63, v17;
	v21 =	vadd.f32 v54, v21  }
0xe0: {  	v33 =	vld [tilespmem:s14+$0x1710];
	v63 =	vand.u32 $0x7FFFFFFF, v36;
	v54 =	vand.u32 $0x7FFFFFFF, v40;
	v20 =	vadd.f32 v52, v20  }
0xe1: {  	v35 =	vld [tilespmem:s14+$0x1720];
	v0 =	vadd.f32 v53, v0;
	v50 =	vmul.f32 v30, v63;
	v52 =	vand.u32 $0x7FFFFFFF, v39  }
0xe2: {  	v38 =	vld [tilespmem:s14+$0x4F20];
	v30 =	vmul.f32 v43, v54;
	v63 =	vmul.f32 v29, v27;
	v27 =	vand.u32 $0x7FFFFFFF, v27  }
0xe3: {  	v36 =	vld [tilespmem:$0x210];
	v17 =	vadd.f32 v56, v17;
	v21 =	vadd.f32 v61, v21;
	v53 =	vmul.f32 v43, v52  }
0xe4: {  	v40 =	vld [tilespmem:s14+$0x4F30];
	v56 =	vmul.f32 v45, v32;
	v32 =	vand.u32 $0x7FFFFFFF, v32;
	v61 =	vand.u32 $0x7FFFFFFF, v46  }
0xe5: {  	v39 =	vld [tilespmem:$0x5A0];
	v54 =	vmul.f32 v25, v31;
	v20 =	vadd.f32 v57, v20;
	v0 =	vadd.f32 v59, v0  }
0xe6: {  	v43 =	vld [tilespmem:$0x5B0];
	v57 =	vmul.f32 v42, v32;
	v59 =	vand.u32 $0x7FFFFFFF, v44;
	v32 =	vmul.f32 v41, v61  }
0xe7: {  	v17 =	vadd.f32 v24, v17;
	v24 =	vld [tilespmem:$0x590];
	v21 =	vadd.f32 v51, v21;
	v60 =	vmul.f32 v42, v59  }
0xe8: {  	v42 =	vld [tilespmem:$0x230];
	v51 =	vmul.f32 v25, v26;
	v26 =	vand.u32 $0x7FFFFFFF, v26;
	v20 =	vadd.f32 v62, v20  }
0xe9: {  	v25 =	vld [tilespmem:$0x250];
	v0 =	vadd.f32 v50, v0;
	v62 =	vmul.f32 v29, v46;
	v50 =	vmul.f32 v41, v27  }
0xea: {  	v29 =	vld [tilespmem:s14+$0x1740];
	v52 =	vmul.f32 v28, v26;
	v59 =	vmul.f32 v36, v34;
	v17 =	vadd.f32 v53, v17  }
0xeb: {  	v27 =	vld [tilespmem:s14+$0x4F40];
	v21 =	vadd.f32 v56, v21;
	v53 =	vand.u32 $0x7FFFFFFF, v31;
	v56 =	vmul.f32 v36, v33  }
0xec: {  	v26 =	vld [tilespmem:s14+$0x1750];
	v20 =	vadd.f32 v55, v20;
	v0 =	vadd.f32 v30, v0;
	v55 =	vmul.f32 v28, v53  }
0xed: {  	v41 =	vld [tilespmem:$0x5C0];
	v17 =	vadd.f32 v57, v17;
	v21 =	vadd.f32 v62, v21;
	v57 =	vand.u32 $0x7FFFFFFF, v33  }
0xee: {  	v31 =	vld [tilespmem:s14+$0x4F50];
	v62 =	vand.u32 $0x7FFFFFFF, v35;
	v20 =	vadd.f32 v58, v20;
	v0 =	vadd.f32 v60, v0  }
0xef: {  	v30 =	vld [tilespmem:s14+$0x1730];
	v58 =	vmul.f32 v24, v57;
	v60 =	vand.u32 $0x7FFFFFFF, v34;
	v17 =	vadd.f32 v32, v17  }
0xf0: {  	v36 =	vld [tilespmem:$0x260];
	v21 =	vadd.f32 v51, v21;
	v61 =	vmul.f32 v24, v60;
	v24 =	vmul.f32 v39, v62  }
0xf1: {  	v28 =	vld [tilespmem:s14+$0x1760];
	v51 =	vand.u32 $0x7FFFFFFF, v38;
	v62 =	vmul.f32 v25, v26;
	v20 =	vadd.f32 v63, v20  }
0xf2: {  	v33 =	vld [tilespmem:$0x5D0];
	v0 =	vadd.f32 v50, v0;
	v63 =	vmul.f32 v37, v35;
	v50 =	vmul.f32 v37, v38  }
0xf3: {  	v32 =	vld [tilespmem:$0x240];
	v17 =	vadd.f32 v52, v17;
	v21 =	vadd.f32 v56, v21;
	v52 =	vmul.f32 v39, v51  }
0xf4: {  	v34 =	vld [tilespmem:s14+$0x4F60];
	v53 =	vmul.f32 v42, v30;
	v30 =	vand.u32 $0x7FFFFFFF, v30;
	v56 =	vmul.f32 v42, v40  }
0xf5: {  	v35 =	vld [tilespmem:s14+$0x1770];
	v51 =	vand.u32 $0x7FFFFFFF, v31;
	v20 =	vadd.f32 v54, v20;
	v0 =	vadd.f32 v55, v0  }
0xf6: {  	v37 =	vld [tilespmem:s14+$0x4F70];
	v54 =	vmul.f32 v43, v30;
	v55 =	vand.u32 $0x7FFFFFFF, v40;
	v17 =	vadd.f32 v58, v17  }
0xf7: {  	v38 =	vld [tilespmem:$0x270];
	v21 =	vadd.f32 v63, v21;
	v30 =	vmul.f32 v43, v55;
	v20 =	vadd.f32 v59, v20  }
0xf8: {  	v39 =	vld [tilespmem:$0x5F0];
	v0 =	vadd.f32 v61, v0;
	v57 =	vmul.f32 v32, v29;
	v29 =	vand.u32 $0x7FFFFFFF, v29  }
0xf9: {  	v59 =	vmul.f32 v32, v27;
	v27 =	vand.u32 $0x7FFFFFFF, v27;
	v61 =	vand.u32 $0x7FFFFFFF, v26;
	v32 =	vld [tilespmem:$0x280]  }
0xfa: {  	v26 =	vld [tilespmem:s14+$0x1B20];
	v17 =	vadd.f32 v24, v17;
	v58 =	vmul.f32 v41, v29;
	v60 =	vmul.f32 v41, v27  }
0xfb: {  	v24 =	vld [tilespmem:$0x5E0];
	v21 =	vadd.f32 v53, v21;
	v63 =	vmul.f32 v33, v61;
	v53 =	vmul.f32 v36, v28  }
0xfc: {  	v29 =	vld [tilespmem:s14+$0x1B00];
	v61 =	vmul.f32 v38, v37;
	v20 =	vadd.f32 v50, v20;
	v0 =	vadd.f32 v52, v0  }
0xfd: {  	v27 =	vld [tilespmem:$0x600];
	v50 =	vmul.f32 v25, v31;
	v52 =	vmul.f32 v33, v51;
	v17 =	vadd.f32 v54, v17  }
0xfe: {  	v31 =	vld [tilespmem:s14+$0x1B10];
	v21 =	vadd.f32 v57, v21;
	v54 =	vand.u32 $0x7FFFFFFF, v28;
	v57 =	vmul.f32 v36, v34  }
0xff: {  	v25 =	vld [tilespmem:s14+$0x5310];
	v20 =	vadd.f32 v56, v20;
	v0 =	vadd.f32 v30, v0;
	v56 =	vand.u32 $0x7FFFFFFF, v34  }
0x100: {  	v33 =	vld [tilespmem:$0x610];
	v17 =	vadd.f32 v58, v17;
	v21 =	vadd.f32 v62, v21;
	v58 =	vmul.f32 v38, v35  }
0x101: {  	v28 =	vld [tilespmem:$0x290];
	v62 =	vand.u32 $0x7FFFFFFF, v37;
	v20 =	vadd.f32 v59, v20;
	v0 =	vadd.f32 v60, v0  }
0x102: {  	v30 =	vld [tilespmem:s14+$0x5300];
	v55 =	vmul.f32 v24, v54;
	v24 =	vmul.f32 v24, v56;
	v59 =	vand.u32 $0x7FFFFFFF, v35  }
0x103: {  	v36 =	vld [tilespmem:$0x620];
	v51 =	vmul.f32 v32, v29;
	v17 =	vadd.f32 v63, v17;
	v21 =	vadd.f32 v53, v21  }
0x104: {  	v34 =	vld [tilespmem:s14+$0x5330];
	v60 =	vmul.f32 v39, v59;
	v63 =	vmul.f32 v39, v62;
	v56 =	vand.u32 $0x7FFFFFFF, v31  }
0x105: {  	v37 =	vld [tilespmem:s14+$0x1B30];
	v20 =	vadd.f32 v50, v20;
	v0 =	vadd.f32 v52, v0;
	v50 =	vand.u32 $0x7FFFFFFF, v29  }
0x106: {  	v35 =	vld [tilespmem:s14+$0x5320];
	v59 =	vmul.f32 v28, v25;
	v17 =	vadd.f32 v55, v17;
	v21 =	vadd.f32 v58, v21  }
0x107: {  	v29 =	vld [tilespmem:$0x640];
	v52 =	vmul.f32 v27, v50;
	v53 =	vmul.f32 v32, v30;
	v30 =	vand.u32 $0x7FFFFFFF, v30  }
0x108: {  	v32 =	vld [tilespmem:$0x2B0];
	v55 =	vmul.f32 v28, v31;
	v58 =	vand.u32 $0x7FFFFFFF, v25;
	v20 =	vadd.f32 v57, v20  }
0x109: {  	v28 =	vld [tilespmem:$0x2C0];
	v0 =	vadd.f32 v24, v0;
	v54 =	vmul.f32 v27, v30;
	v57 =	vmul.f32 v33, v56  }
0x10a: {  	v24 =	vld [tilespmem:$0x2A0];
	v17 =	vadd.f32 v60, v17;
	v21 =	vadd.f32 v51, v21;
	v60 =	vmul.f32 v33, v58  }
0x10b: {  	v27 =	vld [tilespmem:$0x630];
	v50 =	vand.u32 $0x7FFFFFFF, v35;
	v20 =	vadd.f32 v61, v20;
	v0 =	vadd.f32 v63, v0  }
0x10c: {  	v30 =	vld [tilespmem:s14+$0x1B40];
	v51 =	vmul.f32 v36, v50;
	v17 =	vadd.f32 v52, v17;
	v21 =	vadd.f32 v55, v21  }
0x10d: {  	v25 =	vld [tilespmem:s14+$0x1B50];
	v52 =	vand.u32 $0x7FFFFFFF, v37;
	v55 =	vand.u32 $0x7FFFFFFF, v34;
	v20 =	vadd.f32 v53, v20  }
0x10e: {  	v33 =	vld [tilespmem:$0x2D0];
	v0 =	vadd.f32 v54, v0;
	v53 =	vmul.f32 v32, v37;
	v54 =	vmul.f32 v32, v34  }
0x10f: {  	v31 =	vld [tilespmem:s14+$0x5340];
	v17 =	vadd.f32 v57, v17;
	v61 =	vmul.f32 v24, v26;
	v63 =	vmul.f32 v24, v35  }
0x110: {  	v34 =	vld [tilespmem:s14+$0x1B60];
	v26 =	vand.u32 $0x7FFFFFFF, v26;
	v24 =	vmul.f32 v27, v52;
	v56 =	vmul.f32 v27, v55  }
0x111: {  	v35 =	vld [tilespmem:$0x650];
	v57 =	vmul.f32 v28, v30;
	v58 =	vand.u32 $0x7FFFFFFF, v30;
	v20 =	vadd.f32 v59, v20  }
0x112: {  	v52 =	vld [tilespmem:$0x2F0];
	v0 =	vadd.f32 v60, v0;
	v62 =	vmul.f32 v36, v26;
	v60 =	vmul.f32 v29, v58  }
0x113: {  	v26 =	vld [tilespmem:s14+$0x5350];
	v50 =	vmul.f32 v33, v25;
	v25 =	vand.u32 $0x7FFFFFFF, v25;
	v21 =	vadd.f32 v61, v21  }
0x114: {  	v59 =	vld [tilespmem:$0x2E0];
	v61 =	vand.u32 $0x7FFFFFFF, v31;
	v17 =	vadd.f32 v62, v17;
	v20 =	vadd.f32 v63, v20  }
0x115: {  	v0 =	vadd.f32 v51, v0;
	v62 =	vld [tilespmem:$0x660];
	v63 =	vmul.f32 v28, v31;
	v27 =	vmul.f32 v29, v61  }
0x116: {  	v28 =	vld [tilespmem:s14+$0x1B70];
	v21 =	vadd.f32 v53, v21;
	v55 =	vand.u32 $0x7FFFFFFF, v34;
	v17 =	vadd.f32 v24, v17  }
0x117: {  	v29 =	vld [tilespmem:s14+$0x5370];
	v20 =	vadd.f32 v54, v20;
	v0 =	vadd.f32 v56, v0;
	v51 =	vmul.f32 v35, v25  }
0x118: {  	v24 =	vld [tilespmem:s14+$0x5360];
	v21 =	vadd.f32 v57, v21;
	v53 =	vmul.f32 v33, v26;
	v26 =	vand.u32 $0x7FFFFFFF, v26  }
0x119: {  	v58 =	vld [tilespmem:$0x300];
	v57 =	vmul.f32 v59, v34;
	v17 =	vadd.f32 v60, v17;
	v20 =	vadd.f32 v63, v20  }
0x11a: {  	v56 =	vld [tilespmem:s14+$0x1F00];
	v0 =	vadd.f32 v27, v0;
	v54 =	vmul.f32 v35, v26;
	v21 =	vadd.f32 v50, v21  }
0x11b: {  	v27 =	vld [tilespmem:$0x670];
	v26 =	vmul.f32 v62, v55;
	v63 =	vmul.f32 v52, v28;
	v32 =	vand.u32 $0x7FFFFFFF, v28  }
0x11c: {  	v60 =	vld [tilespmem:s14+$0x5700];
	v25 =	vmul.f32 v52, v29;
	v52 =	vand.u32 $0x7FFFFFFF, v29;
	v17 =	vadd.f32 v51, v17  }
0x11d: {  	v50 =	vld [tilespmem:s14+$0x1F01];
	v20 =	vadd.f32 v53, v20;
	v59 =	vmul.f32 v59, v24;
	v24 =	vand.u32 $0x7FFFFFFF, v24  }
0x11e: {  	v0 =	vadd.f32 v54, v0;
	v21 =	vadd.f32 v57, v21;
	v61 =	vmul.f32 v62, v24;
	v62 =	vld [tilespmem:$0x680]  }
0x11f: {  	v54 =	vld [tilespmem:s14+$0x5701];
	v53 =	vmul.f32 v58, v56;
	v55 =	vand.u32 $0x7FFFFFFF, v56;
	v17 =	vadd.f32 v26, v17  }
0x120: {  	v20 =	vadd.f32 v59, v20;
	v51 =	vmul.f32 v27, v32;
	v21 =	vadd.f32 v63, v21  }
0x121: {  	v22 =	vmul.f32 v27, v52;
	v56 =	vmul.f32 v58, v60;
	v0 =	vadd.f32 v61, v0  }
0x122: {  	v59 =	vand.u32 $0x7FFFFFFF, v60;
	v20 =	vadd.f32 v25, v20;
	v21 =	vadd.f32 v53, v21  }
0x123: {  	v58 =	vsel vm0, $0x0, v50;
	v17 =	vadd.f32 v51, v17;
	v57 =	vmul.f32 v62, v55  }
0x124: {  	v61 =	vsel vm0, $0x0, v54;
	v20 =	vadd.f32 v56, v20;
	v21 =	vadd.f32 v58, v21  }
0x125: {  	v0 =	vadd.f32 v22, v0;
	v60 =	vmul.f32 v62, v59;
	v17 =	vadd.f32 v57, v17  }
0x126: {  	v20 =	vadd.f32 v61, v20;
	[tilespmem:$0xEB00] =	vst v21  }
0x127: {  	v0 =	vadd.f32 v60, v0;
	[tilespmem:$0xEB10] =	vst v17  }
0x128: {  	[tilespmem:$0xEB20] =	vst v20  }
0x129: {  	[tilespmem:$0xEB30] =	vst v0  }
0x12a: {  	v62 =	vld.idx.msk [tilespmem:v1+s29+$0x0], $0xffff  }
0x12b: {  	v63 =	vld.idx.msk [tilespmem:v2+s29+$0x0], $0xffff  }
0x12c: {  	v28 =	vld.idx.msk [tilespmem:v3+s29+$0x0], $0xffff  }
0x12d: {  	v29 =	vld.idx.msk [tilespmem:v4+s29+$0x0], $0xffff;
	_ =	sdelay $0x1  }
0x12e: {  	v21 =	vadd.f32 v62, v21  }
0x12f: {  	v17 =	vadd.f32 v63, v17  }
0x130: {  	v20 =	vadd.f32 v28, v20;
	[tilespmem:$0xEB00] =	vst v21  }
0x131: {  	v0 =	vadd.f32 v29, v0;
	[tilespmem:$0xEB10] =	vst v17  }
0x132: {  	[tilespmem:$0xEB20] =	vst v20  }
0x133: {  	[tilespmem:$0xEB30] =	vst v0  }
0x134: {  	v30 =	vld.idx.msk [tilespmem:v13+s29+$0x0], $0xffff  }
0x135: {  	v31 =	vld.idx.msk [tilespmem:v5+s29+$0x0], $0xffff  }
0x136: {  	v32 =	vld.idx.msk [tilespmem:v6+s29+$0x0], $0xffff  }
0x137: {  	v50 =	vld.idx.msk [tilespmem:v7+s29+$0x0], $0xffff;
	_ =	sdelay $0x1  }
0x138: {  	v21 =	vadd.f32 v30, v21  }
0x139: {  	v17 =	vadd.f32 v31, v17  }
0x13a: {  	v20 =	vadd.f32 v32, v20;
	[tilespmem:$0xEB00] =	vst v21  }
0x13b: {  	v0 =	vadd.f32 v50, v0;
	[tilespmem:$0xEB10] =	vst v17  }
0x13c: {  	[tilespmem:$0xEB20] =	vst v20  }
0x13d: {  	[tilespmem:$0xEB30] =	vst v0  }
0x13e: {  	v51 =	vld.idx.msk [tilespmem:v14+s29+$0x0], $0xffff  }
0x13f: {  	v52 =	vld.idx.msk [tilespmem:v8+s29+$0x0], $0xffff  }
0x140: {  	v53 =	vld.idx.msk [tilespmem:v9+s29+$0x0], $0xffff  }
0x141: {  	v54 =	vld.idx.msk [tilespmem:v10+s29+$0x0], $0xffff;
	_ =	sdelay $0x1  }
0x142: {  	v21 =	vadd.f32 v51, v21  }
0x143: {  	v17 =	vadd.f32 v52, v17  }
0x144: {  	v20 =	vadd.f32 v53, v20;
	[tilespmem:$0xEB00] =	vst v21  }
0x145: {  	v0 =	vadd.f32 v54, v0;
	[tilespmem:$0xEB10] =	vst v17  }
0x146: {  	[tilespmem:$0xEB20] =	vst v20  }
0x147: {  	[tilespmem:$0xEB30] =	vst v0  }
0x148: {  	v55 =	vld.idx.msk [tilespmem:v15+s29+$0x0], $0xffff  }
0x149: {  	v56 =	vld.idx.msk [tilespmem:v11+s29+$0x0], $0xffff  }
0x14a: {  	v57 =	vld.idx.msk [tilespmem:v12+s29+$0x0], $0xffff  }
0x14b: {  	v58 =	vld.idx.msk [tilespmem:v16+s29+$0x0], $0xffff;
	_ =	sdelay $0x3  }
0x14c: {  	v21 =	vadd.f32 v55, v21;
	v17 =	vadd.f32 v56, v17  }
0x14d: {  	v59 =	vadd.f32 v57, v20;
	v0 =	vadd.f32 v58, v0  }
0x14e: {  	v20 =	vsub.f32 v21, v17  }
0x14f: {  	v17 =	vadd.f32 v17, v21;
	v21 =	vadd.f32 v0, v59  }
0x150: {  	v22 =	vsub.f32 v59, v0  }
0x151: {  	vm1 =	vlt.f32 v20, $0.0e+00;
	vm2 =	vgt.f32 v21, $0.0e+00;
	v0 =	vsub.f32 v17, v20  }
0x152: {  	vm2 =	vmand vm1, vm2  }
0x153: {  	v60 =	vsub.f32 v21, v22;
	vm1 =	vle.f32 v22, $0.0e+00;
	v0 =	vnsel vm2, $0x3F800000, v0  }
0x154: {  	vm1 =	vmand vm1, vm2;
	(erf) = vrcp.f32 v0  }
0x155: {  	v0 =	vnsel vm1, $0x3F800000, v60  }
0x156: {  	(erf) = vrcp.f32 v0;
	_ =	sdelay $0x4  }
0x157: {  	v62 =	vld [tilespmem:s14+$0x700];
	v61 =	vand.u32 $0x7FFFFFFF, v21;
	v0 =	vand.u32 $0x7FFFFFFF, v20  }
0x158: {  	v63 =	vld [tilespmem:s14+$0x3F00];
	vm4 =	vle.f32 v17, $0.0e+00;
	vm3 =	vgt.f32 v0, v61  }
0x159: {  	v49 =	vimm.f32 $1.000000000e+00;
	v51 =	vld [tilespmem:s14+$0x710];
	vm5 =	vle.f32 v21, $0.0e+00;
	vm3 =	vmor vm4, vm3;
	v50 =	vpop (erf)  }
0x15a: {  	v52 =	vld [tilespmem:s14+$0x3F10];
	vm14 =	vle.f32 v0, v61;
	vm3 =	vmand vm2, vm3;
	v0 =	vmul.f32 v50, v17  }
0x15b: {  	v53 =	vld [tilespmem:s14+$0x720];
	vm15 =	vlt.f32 v17, $0.0e+00;
	vm2 =	vmand vm2, vm14;
	vm3 =	vmor vm5, vm3;
	v17 =	vpop (erf)  }
0x15c: {  	v55 =	vld [tilespmem:s14+$0x730];
	v54 =	vsel vm3, $0x0, v49;
	v25 =	vmul.f32 v17, v21;
	v0 =	vsel vm15, $0x0, v0  }
0x15d: {  	v17 =	vld [tilespmem:s14+$0x3F20];
	v23 =	vsel vm2, v0, v54;
	v0 =	vsel vm5, $0x0, v49  }
0x15e: {  	v56 =	vld [tilespmem:s14+$0x3F30];
	v24 =	vsel vm1, v25, v0;
	v0 =	vmul.f32 v23, v62  }
0x15f: {  	v57 =	vld [tilespmem:s14+$0x740];
	v27 =	vmul.f32 v24, v63  }
0x160: {  	v58 =	vld [tilespmem:s14+$0x3F40];
	v59 =	vmul.f32 v24, v52;
	[tilespmem:s14+$0x700] =	vst v0  }
0x161: {  	v60 =	vld [tilespmem:s14+$0x750];
	v0 =	vmul.f32 v23, v51;
	[tilespmem:s14+$0x3F00] =	vst v27  }
0x162: {  	v61 =	vld [tilespmem:s14+$0x3F50];
	v17 =	vmul.f32 v17, v24;
	[tilespmem:s14+$0x3F10] =	vst v59  }
0x163: {  	v50 =	vld [tilespmem:s14+$0x3F70];
	[tilespmem:s14+$0x710] =	vst v0;
	v0 =	vmul.f32 v53, v23  }
0x164: {  	v49 =	vld [tilespmem:s14+$0x770];
	[tilespmem:s14+$0x3F20] =	vst v17;
	v17 =	vmul.f32 v56, v24  }
0x165: {  	v63 =	vld [tilespmem:s14+$0x3F60];
	[tilespmem:s14+$0x720] =	vst v0;
	v0 =	vmul.f32 v55, v23  }
0x166: {  	v62 =	vld [tilespmem:s14+$0x760];
	[tilespmem:s14+$0x3F30] =	vst v17;
	v17 =	vmul.f32 v58, v24  }
0x167: {  	v54 =	vld [tilespmem:s14+$0x4310];
	[tilespmem:s14+$0x730] =	vst v0;
	v0 =	vmul.f32 v57, v23  }
0x168: {  	v52 =	vld [tilespmem:s14+$0x4300];
	[tilespmem:s14+$0x3F40] =	vst v17;
	v17 =	vmul.f32 v61, v24  }
0x169: {  	v51 =	vld [tilespmem:s14+$0xB00];
	[tilespmem:s14+$0x740] =	vst v0;
	v0 =	vmul.f32 v60, v23  }
0x16a: {  	v59 =	vld [tilespmem:s14+$0xB40];
	[tilespmem:s14+$0x3F50] =	vst v17;
	v17 =	vmul.f32 v63, v24  }
0x16b: {  	v53 =	vld [tilespmem:s14+$0xB10];
	[tilespmem:s14+$0x750] =	vst v0;
	v0 =	vmul.f32 v62, v23  }
0x16c: {  	v56 =	vld [tilespmem:s14+$0x4320];
	[tilespmem:s14+$0x3F60] =	vst v17;
	v17 =	vmul.f32 v50, v24  }
0x16d: {  	v55 =	vld [tilespmem:s14+$0xB20];
	[tilespmem:s14+$0x760] =	vst v0;
	v0 =	vmul.f32 v49, v23  }
0x16e: {  	v58 =	vld [tilespmem:s14+$0x4330];
	[tilespmem:s14+$0x3F70] =	vst v17;
	v17 =	vmul.f32 v52, v24  }
0x16f: {  	v57 =	vld [tilespmem:s14+$0xB30];
	[tilespmem:s14+$0x770] =	vst v0;
	v0 =	vmul.f32 v51, v23  }
0x170: {  	v61 =	vld [tilespmem:s14+$0xB50];
	[tilespmem:s14+$0x4300] =	vst v17;
	v17 =	vmul.f32 v54, v24  }
0x171: {  	v60 =	vld [tilespmem:s14+$0x4340];
	[tilespmem:s14+$0xB00] =	vst v0;
	v0 =	vmul.f32 v53, v23  }
0x172: {  	v63 =	vld [tilespmem:s14+$0xB60];
	[tilespmem:s14+$0x4310] =	vst v17;
	v17 =	vmul.f32 v56, v24  }
0x173: {  	v62 =	vld [tilespmem:s14+$0x4350];
	[tilespmem:s14+$0xB10] =	vst v0;
	v0 =	vmul.f32 v55, v23  }
0x174: {  	v50 =	vld [tilespmem:s14+$0xB70];
	[tilespmem:s14+$0x4320] =	vst v17;
	v17 =	vmul.f32 v58, v24  }
0x175: {  	v49 =	vld [tilespmem:s14+$0x4360];
	[tilespmem:s14+$0xB20] =	vst v0;
	v0 =	vmul.f32 v57, v23  }
0x176: {  	v52 =	vld [tilespmem:s14+$0xF00];
	[tilespmem:s14+$0x4330] =	vst v17;
	v17 =	vmul.f32 v60, v24  }
0x177: {  	v51 =	vld [tilespmem:s14+$0x4370];
	[tilespmem:s14+$0xB30] =	vst v0;
	v0 =	vmul.f32 v59, v23  }
0x178: {  	v54 =	vld [tilespmem:s14+$0xF10];
	[tilespmem:s14+$0x4340] =	vst v17;
	v17 =	vmul.f32 v62, v24  }
0x179: {  	v53 =	vld [tilespmem:s14+$0x4700];
	[tilespmem:s14+$0xB40] =	vst v0;
	v0 =	vmul.f32 v61, v23  }
0x17a: {  	v56 =	vld [tilespmem:s14+$0xF20];
	[tilespmem:s14+$0x4350] =	vst v17;
	v17 =	vmul.f32 v49, v24  }
0x17b: {  	v55 =	vld [tilespmem:s14+$0x4710];
	[tilespmem:s14+$0xB50] =	vst v0;
	v0 =	vmul.f32 v63, v23  }
0x17c: {  	v58 =	vld [tilespmem:s14+$0xF30];
	[tilespmem:s14+$0x4360] =	vst v17;
	v17 =	vmul.f32 v51, v24  }
0x17d: {  	v57 =	vld [tilespmem:s14+$0x4720];
	[tilespmem:s14+$0xB60] =	vst v0;
	v0 =	vmul.f32 v50, v23  }
0x17e: {  	v60 =	vld [tilespmem:s14+$0xF40];
	[tilespmem:s14+$0x4370] =	vst v17;
	v17 =	vmul.f32 v53, v24  }
0x17f: {  	v59 =	vld [tilespmem:s14+$0x4730];
	[tilespmem:s14+$0xB70] =	vst v0;
	v0 =	vmul.f32 v52, v23  }
0x180: {  	v62 =	vld [tilespmem:s14+$0xF50];
	[tilespmem:s14+$0x4700] =	vst v17;
	v17 =	vmul.f32 v55, v24  }
0x181: {  	v61 =	vld [tilespmem:s14+$0x4740];
	[tilespmem:s14+$0xF00] =	vst v0;
	v0 =	vmul.f32 v54, v23  }
0x182: {  	v49 =	vld [tilespmem:s14+$0xF60];
	[tilespmem:s14+$0x4710] =	vst v17;
	v17 =	vmul.f32 v57, v24  }
0x183: {  	v63 =	vld [tilespmem:s14+$0x4750];
	[tilespmem:s14+$0xF10] =	vst v0;
	v0 =	vmul.f32 v56, v23  }
0x184: {  	v51 =	vld [tilespmem:s14+$0xF70];
	[tilespmem:s14+$0x4720] =	vst v17;
	v17 =	vmul.f32 v59, v24  }
0x185: {  	v50 =	vld [tilespmem:s14+$0x4760];
	[tilespmem:s14+$0xF20] =	vst v0;
	v0 =	vmul.f32 v58, v23  }
0x186: {  	v53 =	vld [tilespmem:s14+$0x1300];
	[tilespmem:s14+$0x4730] =	vst v17;
	v17 =	vmul.f32 v61, v24  }
0x187: {  	v52 =	vld [tilespmem:s14+$0x4770];
	[tilespmem:s14+$0xF30] =	vst v0;
	v0 =	vmul.f32 v60, v23  }
0x188: {  	v55 =	vld [tilespmem:s14+$0x1310];
	[tilespmem:s14+$0x4740] =	vst v17;
	v17 =	vmul.f32 v63, v24  }
0x189: {  	v54 =	vld [tilespmem:s14+$0x4B00];
	[tilespmem:s14+$0xF40] =	vst v0;
	v0 =	vmul.f32 v62, v23  }
0x18a: {  	v57 =	vld [tilespmem:s14+$0x1320];
	[tilespmem:s14+$0x4750] =	vst v17;
	v17 =	vmul.f32 v50, v24  }
0x18b: {  	v56 =	vld [tilespmem:s14+$0x4B10];
	[tilespmem:s14+$0xF50] =	vst v0;
	v0 =	vmul.f32 v49, v23  }
0x18c: {  	v59 =	vld [tilespmem:s14+$0x1330];
	[tilespmem:s14+$0x4760] =	vst v17;
	v17 =	vmul.f32 v52, v24  }
0x18d: {  	v58 =	vld [tilespmem:s14+$0x4B20];
	[tilespmem:s14+$0xF60] =	vst v0;
	v0 =	vmul.f32 v51, v23  }
0x18e: {  	v61 =	vld [tilespmem:s14+$0x1340];
	[tilespmem:s14+$0x4770] =	vst v17;
	v17 =	vmul.f32 v54, v24  }
0x18f: {  	v60 =	vld [tilespmem:s14+$0x4B30];
	[tilespmem:s14+$0xF70] =	vst v0;
	v0 =	vmul.f32 v53, v23  }
0x190: {  	v63 =	vld [tilespmem:s14+$0x1350];
	[tilespmem:s14+$0x4B00] =	vst v17;
	v17 =	vmul.f32 v56, v24  }
0x191: {  	v62 =	vld [tilespmem:s14+$0x4B40];
	[tilespmem:s14+$0x1300] =	vst v0;
	v0 =	vmul.f32 v55, v23  }
0x192: {  	v50 =	vld [tilespmem:s14+$0x1360];
	[tilespmem:s14+$0x4B10] =	vst v17;
	v17 =	vmul.f32 v58, v24  }
0x193: {  	v49 =	vld [tilespmem:s14+$0x4B50];
	[tilespmem:s14+$0x1310] =	vst v0;
	v0 =	vmul.f32 v57, v23  }
0x194: {  	v52 =	vld [tilespmem:s14+$0x1370];
	[tilespmem:s14+$0x4B20] =	vst v17;
	v17 =	vmul.f32 v60, v24  }
0x195: {  	v51 =	vld [tilespmem:s14+$0x4B60];
	[tilespmem:s14+$0x1320] =	vst v0;
	v0 =	vmul.f32 v59, v23  }
0x196: {  	v54 =	vld [tilespmem:s14+$0x1700];
	[tilespmem:s14+$0x4B30] =	vst v17;
	v17 =	vmul.f32 v62, v24  }
0x197: {  	v53 =	vld [tilespmem:s14+$0x4B70];
	[tilespmem:s14+$0x1330] =	vst v0;
	v0 =	vmul.f32 v61, v23  }
0x198: {  	v56 =	vld [tilespmem:s14+$0x1710];
	[tilespmem:s14+$0x4B40] =	vst v17;
	v17 =	vmul.f32 v49, v24  }
0x199: {  	v55 =	vld [tilespmem:s14+$0x4F00];
	[tilespmem:s14+$0x1340] =	vst v0;
	v0 =	vmul.f32 v63, v23  }
0x19a: {  	v58 =	vld [tilespmem:s14+$0x1720];
	[tilespmem:s14+$0x4B50] =	vst v17;
	v17 =	vmul.f32 v51, v24  }
0x19b: {  	v57 =	vld [tilespmem:s14+$0x4F10];
	[tilespmem:s14+$0x1350] =	vst v0;
	v0 =	vmul.f32 v50, v23  }
0x19c: {  	v60 =	vld [tilespmem:s14+$0x1730];
	[tilespmem:s14+$0x4B60] =	vst v17;
	v17 =	vmul.f32 v53, v24  }
0x19d: {  	v59 =	vld [tilespmem:s14+$0x4F20];
	[tilespmem:s14+$0x1360] =	vst v0;
	v0 =	vmul.f32 v52, v23  }
0x19e: {  	v62 =	vld [tilespmem:s14+$0x1740];
	[tilespmem:s14+$0x4B70] =	vst v17;
	v17 =	vmul.f32 v55, v24  }
0x19f: {  	v61 =	vld [tilespmem:s14+$0x4F30];
	[tilespmem:s14+$0x1370] =	vst v0;
	v0 =	vmul.f32 v54, v23  }
0x1a0: {  	v49 =	vld [tilespmem:s14+$0x1750];
	[tilespmem:s14+$0x4F00] =	vst v17;
	v17 =	vmul.f32 v57, v24  }
0x1a1: {  	v63 =	vld [tilespmem:s14+$0x4F40];
	[tilespmem:s14+$0x1700] =	vst v0;
	v0 =	vmul.f32 v56, v23  }
0x1a2: {  	v51 =	vld [tilespmem:s14+$0x1760];
	[tilespmem:s14+$0x4F10] =	vst v17;
	v17 =	vmul.f32 v59, v24  }
0x1a3: {  	v50 =	vld [tilespmem:s14+$0x4F50];
	[tilespmem:s14+$0x1710] =	vst v0;
	v0 =	vmul.f32 v58, v23  }
0x1a4: {  	v53 =	vld [tilespmem:s14+$0x1770];
	[tilespmem:s14+$0x4F20] =	vst v17;
	v17 =	vmul.f32 v61, v24  }
0x1a5: {  	v52 =	vld [tilespmem:s14+$0x4F60];
	[tilespmem:s14+$0x1720] =	vst v0;
	v0 =	vmul.f32 v60, v23  }
0x1a6: {  	[tilespmem:s14+$0x4F30] =	vst v17;
	v17 =	vmul.f32 v63, v24;
	v63 =	vld [tilespmem:s14+$0x1B40]  }
0x1a7: {  	v55 =	vld [tilespmem:s14+$0x1B00];
	[tilespmem:s14+$0x1730] =	vst v0;
	v0 =	vmul.f32 v62, v23  }
0x1a8: {  	v54 =	vld [tilespmem:s14+$0x4F70];
	[tilespmem:s14+$0x4F40] =	vst v17;
	v17 =	vmul.f32 v50, v24  }
0x1a9: {  	v57 =	vld [tilespmem:s14+$0x1B10];
	[tilespmem:s14+$0x1740] =	vst v0;
	v0 =	vmul.f32 v49, v23  }
0x1aa: {  	v50 =	vld [tilespmem:s14+$0x5700];
	[tilespmem:s14+$0x4F50] =	vst v17;
	v17 =	vmul.f32 v52, v24  }
0x1ab: {  	v56 =	vld [tilespmem:s14+$0x5300];
	v30 =	vmul.f32 v63, v23;
	[tilespmem:s14+$0x1750] =	vst v0  }
0x1ac: {  	v59 =	vld [tilespmem:s14+$0x1B20];
	v0 =	vmul.f32 v51, v23;
	[tilespmem:s14+$0x4F60] =	vst v17  }
0x1ad: {  	v58 =	vld [tilespmem:s14+$0x5310];
	v17 =	vmul.f32 v54, v24;
	[tilespmem:s14+$0x1B40] =	vst v30  }
0x1ae: {  	v61 =	vld [tilespmem:s14+$0x1B30];
	[tilespmem:s14+$0x1760] =	vst v0;
	v0 =	vmul.f32 v53, v23  }
0x1af: {  	v60 =	vld [tilespmem:s14+$0x5320];
	v31 =	vmul.f32 v50, v24;
	[tilespmem:s14+$0x4F70] =	vst v17  }
0x1b0: {  	v62 =	vld [tilespmem:s14+$0x5330];
	[tilespmem:s14+$0x1770] =	vst v0;
	v0 =	vmul.f32 v55, v23  }
0x1b1: {  	v49 =	vld [tilespmem:s14+$0x1F00];
	v17 =	vmul.f32 v56, v24;
	[tilespmem:s14+$0x5700] =	vst v31  }
0x1b2: {  	v52 =	vld [tilespmem:s14+$0x1B50];
	[tilespmem:s14+$0x1B00] =	vst v0;
	v0 =	vmul.f32 v57, v23  }
0x1b3: {  	v51 =	vld [tilespmem:s14+$0x5340];
	[tilespmem:s14+$0x5300] =	vst v17;
	v17 =	vmul.f32 v58, v24  }
0x1b4: {  	v54 =	vld [tilespmem:s14+$0x1B70];
	[tilespmem:s14+$0x1B10] =	vst v0;
	v0 =	vmul.f32 v59, v23  }
0x1b5: {  	v53 =	vld [tilespmem:s14+$0x5350];
	[tilespmem:s14+$0x5310] =	vst v17;
	v17 =	vmul.f32 v60, v24  }
0x1b6: {  	v56 =	vld [tilespmem:s14+$0x5701];
	[tilespmem:s14+$0x1B20] =	vst v0;
	v0 =	vmul.f32 v61, v23  }
0x1b7: {  	v27 =	vmul.f32 v49, v23;
	[tilespmem:s14+$0x5320] =	vst v17;
	v17 =	vld [tilespmem:s14+$0x1B60]  }
0x1b8: {  	v29 =	vmul.f32 v62, v24;
	[tilespmem:s14+$0x1B30] =	vst v0;
	v0 =	vld [tilespmem:s14+$0x5360]  }
0x1b9: {  	v58 =	vld [tilespmem:s14+$0x5370];
	[tilespmem:s14+$0x1F00] =	vst v27;
	v26 =	vmul.f32 v51, v24  }
0x1ba: {  	[tilespmem:s14+$0x5330] =	vst v29;
	v55 =	vld [tilespmem:s14+$0x1F01];
	v57 =	vmul.f32 v52, v23  }
0x1bb: {  	v47 =	vmovc v15;
	v48 =	vmov v16;
	v45 =	vmov v13;
	v60 =	vmul.f32 v54, v23;
	[tilespmem:s14+$0x5340] =	vst v26  }
0x1bc: {  	v44 =	vmovc v12;
	v46 =	vmov v14;
	v22 =	vmul.f32 v25, v22;
	[tilespmem:s14+$0x1B50] =	vst v57;
	v17 =	vmul.f32 v17, v23  }
0x1bd: {  	v42 =	vmovc v10;
	v40 =	vmov v8;
	v21 =	vmul.f32 v24, v21;
	[tilespmem:s14+$0x1B70] =	vst v60;
	v0 =	vmul.f32 v0, v24  }
0x1be: {  	p0 =	sne.s32 s13, $0xF;
	v43 =	vmovc v11;
	v41 =	vmov v9;
	v59 =	vmul.f32 v53, v24;
	v61 =	vmul.f32 v56, v24;
	[tilespmem:s14+$0x1B60] =	vst v17  }
.Ltmp2:
0x1bf: {  	v38 =	vmovc v6;
	v22 =	vnsel vm1, $0x0, v22;
	v17 =	vmul.f32 v55, v23;
	[tilespmem:s14+$0x5360] =	vst v0;
	v0 =	vmul.f32 v58, v24;
	(pc) =	sbr.rel @p0 .LBB2_3-.Ltmp2, $4  }
0x1c0: {  	v20 =	vmul.f32 v23, v20;
	v21 =	vsub.f32 v21, v22;
	[tilespmem:s14+$0x5350] =	vst v59;
	v62 =	vsub.f32 v61, v22  }
0x1c1: {  	v39 =	vmovc v7;
	v37 =	vmovc v5;
	v63 =	vlaneseq.u32;
	v17 =	vsel vm0, v55, v17;
	[tilespmem:s14+$0x5370] =	vst v0;
	v0 =	vmov s13  }
0x1c2: {  	v36 =	vmovc v4;
	v34 =	vmov v2;
	[tilespmem:s14+$0x1F01] =	vst v17;
	v17 =	vsel vm0, v56, v62;
	vm1 =	veq.s32 v0, v63  }
0x1c3: {  	s12 =	sadd.s32 $0x80, s12;
	v33 =	vmovc v1;
	v35 =	vmov v3;
	[tilespmem:s14+$0x5701] =	vst v17;
	s13 =	sadd.s32 $0x1, s13;
	v19 =	vsel vm1, v20, v19;
	v18 =	vsel vm1, v21, v18  }
0x1c4: {  	s12 =	sshll.u32 s11, $0x5  }
0x1c5: {  	s13 =	sor.u32 s10, s12  }
0x1c6: {  	s14 =	sshrl.u32 s13, $0x3  }
0x1c7: {  	s14 =	smul.u32 $0x1C00, s14;
	_ =	sdelay $0x1  }
0x1c8: {  	s14 =	sadd.s32 s5, s14  }
0x1c9: {  	[tilespmem:s12+$0xE700] =	vst v19;
	s17 =	sshrl.u32 s14, $0x3  }
0x1ca: {  	[tilespmem:s12+$0xE900] =	vst v18;
	s14 =	simm.s32 $0x0;
	s18 =	sadd.s32 s8, s17  }
0x1cb: {  	[hbm4b:s18+s14] =	stream.linear.scatter [tilespmem:s21], [sflag:$0x5], $0x3800, $0x38;
	[tilespmem:$0xEB80] =	vst v63  }
0x1cc: {  	s17 =	sadd.s32 s9, s17  }
0x1cd: {  	[hbm4b:s17+s14] =	stream.linear.scatter [tilespmem:s22], [sflag:$0x6], $0x3800, $0x38;
	[tilespmem:$0xEB80] =	vst v63  }
0x1ce: {  	_ =	swait.ge [sflag:s30], $0x3800  }
0x1cf: {  	[sflag:s30] =	ssyncset.done $0x0  }
0x1d0: {  	[sflag:s30] =	ssyncadd.s32 $0xFFFFC800  }
0x1d1: {  	_ =	swait.ge [sflag:s31], $0x3800  }
0x1d2: {  	[sflag:s31] =	ssyncset.done $0x0  }
0x1d3: {  	v18 =	vimm.f32 $0.0e+00;
	v19 =	vimm.f32 $0.0e+00;
	s17 =	simm.s32 $0x0;
	[sflag:s31] =	ssyncadd.s32 $0xFFFFC800  }
.LBB2_5:
0x1d4: {  	v20 =	vld [tilespmem:$0x0]  }
0x1d5: {  	v22 =	vld [tilespmem:$0x380]  }
0x1d6: {  	v26 =	vld [tilespmem:$0x10]  }
0x1d7: {  	v27 =	vld [tilespmem:$0x390]  }
0x1d8: {  	v30 =	vld [tilespmem:$0x20]  }
0x1d9: {  	v31 =	vld [tilespmem:$0x3A0]  }
0x1da: {  	v34 =	vld [tilespmem:$0x30]  }
0x1db: {  	v35 =	vld [tilespmem:$0x3B0]  }
0x1dc: {  	v38 =	vld [tilespmem:$0x40]  }
0x1dd: {  	v39 =	vld [tilespmem:$0x3C0]  }
0x1de: {  	v42 =	vld [tilespmem:$0x50]  }
0x1df: {  	v43 =	vld [tilespmem:$0x3D0]  }
0x1e0: {  	v46 =	vld [tilespmem:$0x60]  }
0x1e1: {  	v47 =	vld [tilespmem:$0x3E0]  }
0x1e2: {  	v50 =	vld [tilespmem:$0x70]  }
0x1e3: {  	v51 =	vld [tilespmem:$0x3F0]  }
0x1e4: {  	v54 =	vld [tilespmem:$0x80]  }
0x1e5: {  	v55 =	vld [tilespmem:$0x400]  }
0x1e6: {  	s18 =	sshrl.u32 s17, $0x3;
	v57 =	vld [tilespmem:$0x90]  }
0x1e7: {  	v59 =	vld [tilespmem:$0x410];
	s18 =	smul.u32 $0x1C00, s18  }
0x1e8: {  	s23 =	sand.u32 $0x380, s14;
	v61 =	vld [tilespmem:$0xA0]  }
0x1e9: {  	v62 =	vld [tilespmem:$0x420];
	s18 =	sor.u32 s23, s18  }
0x1ea: {  	v0 =	vld [tilespmem:s18+$0x7700]  }
0x1eb: {  	v17 =	vld [tilespmem:s18+$0xAF00]  }
0x1ec: {  	v24 =	vld [tilespmem:s18+$0x7710]  }
0x1ed: {  	v25 =	vld [tilespmem:s18+$0xAF10]  }
0x1ee: {  	v28 =	vld [tilespmem:s18+$0x7720]  }
0x1ef: {  	v29 =	vld [tilespmem:s18+$0xAF20]  }
0x1f0: {  	v32 =	vld [tilespmem:s18+$0x7730]  }
0x1f1: {  	v33 =	vld [tilespmem:s18+$0xAF30]  }
0x1f2: {  	v36 =	vld [tilespmem:s18+$0x7740]  }
0x1f3: {  	v37 =	vld [tilespmem:s18+$0xAF40]  }
0x1f4: {  	v40 =	vld [tilespmem:s18+$0x7750]  }
0x1f5: {  	v41 =	vld [tilespmem:s18+$0xAF50]  }
0x1f6: {  	v44 =	vld [tilespmem:s18+$0x7760]  }
0x1f7: {  	v45 =	vld [tilespmem:s18+$0xAF60]  }
0x1f8: {  	v48 =	vld [tilespmem:s18+$0x7770]  }
0x1f9: {  	v49 =	vld [tilespmem:s18+$0xAF70]  }
0x1fa: {  	v52 =	vld [tilespmem:s18+$0x7B00]  }
0x1fb: {  	v53 =	vld [tilespmem:s18+$0xB300]  }
0x1fc: {  	v56 =	vld [tilespmem:s18+$0x7B10];
	v58 =	vmul.f32 v20, v0;
	v0 =	vand.u32 $0x7FFFFFFF, v0  }
0x1fd: {  	v23 =	vld [tilespmem:s18+$0xB310];
	v60 =	vmul.f32 v20, v17;
	v17 =	vand.u32 $0x7FFFFFFF, v17;
	v0 =	vmul.f32 v22, v0  }
0x1fe: {  	v21 =	vld [tilespmem:s18+$0x7B20];
	v17 =	vmul.f32 v22, v17;
	v22 =	vand.u32 $0x7FFFFFFF, v24;
	v24 =	vmul.f32 v26, v24  }
0x1ff: {  	v63 =	vld [tilespmem:s18+$0x7B30];
	v26 =	vmul.f32 v26, v25;
	v25 =	vand.u32 $0x7FFFFFFF, v25;
	v58 =	vadd.f32 $0.0e+00, v58  }
0x200: {  	v20 =	vld [tilespmem:s18+$0xB320];
	v60 =	vadd.f32 $0.0e+00, v60;
	v22 =	vmul.f32 v27, v22;
	v0 =	vadd.f32 $0.0e+00, v0  }
0x201: {  	v25 =	vmul.f32 v27, v25;
	v17 =	vadd.f32 $0.0e+00, v17;
	v24 =	vadd.f32 v24, v58;
	v58 =	vld [tilespmem:$0xB0]  }
0x202: {  	v27 =	vmul.f32 v30, v28;
	v28 =	vand.u32 $0x7FFFFFFF, v28;
	v26 =	vadd.f32 v26, v60;
	v60 =	vld [tilespmem:$0x430]  }
0x203: {  	v0 =	vadd.f32 v22, v0;
	v22 =	vld [tilespmem:s18+$0xB330];
	v17 =	vadd.f32 v25, v17;
	v25 =	vmul.f32 v31, v28  }
0x204: {  	v28 =	vand.u32 $0x7FFFFFFF, v29;
	v24 =	vadd.f32 v27, v24;
	v27 =	vmul.f32 v30, v29;
	v29 =	vld [tilespmem:s18+$0x7B40]  }
0x205: {  	v28 =	vmul.f32 v31, v28;
	v31 =	vld [tilespmem:s18+$0xB340]  }
0x206: {  	v30 =	vand.u32 $0x7FFFFFFF, v32;
	v0 =	vadd.f32 v25, v0;
	v25 =	vmul.f32 v34, v32;
	v32 =	vld [tilespmem:$0x440]  }
0x207: {  	v26 =	vadd.f32 v27, v26;
	v17 =	vadd.f32 v28, v17;
	v27 =	vmul.f32 v35, v30;
	v28 =	vld [tilespmem:$0xC0]  }
0x208: {  	v30 =	vand.u32 $0x7FFFFFFF, v33;
	v24 =	vadd.f32 v25, v24;
	v25 =	vmul.f32 v34, v33;
	v33 =	vld [tilespmem:s18+$0x7B50]  }
0x209: {  	v34 =	vld [tilespmem:s18+$0xB350];
	v0 =	vadd.f32 v27, v0;
	v27 =	vmul.f32 v35, v30;
	v30 =	vand.u32 $0x7FFFFFFF, v36  }
0x20a: {  	v25 =	vadd.f32 v25, v26;
	v26 =	vmul.f32 v38, v36;
	v30 =	vmul.f32 v39, v30;
	v36 =	vld [tilespmem:$0xD0]  }
0x20b: {  	v35 =	vand.u32 $0x7FFFFFFF, v37;
	v17 =	vadd.f32 v27, v17;
	v27 =	vmul.f32 v38, v37;
	v37 =	vld [tilespmem:s18+$0x7B60]  }
0x20c: {  	v38 =	vld [tilespmem:s18+$0xB360];
	v24 =	vadd.f32 v26, v24;
	v0 =	vadd.f32 v30, v0;
	v26 =	vmul.f32 v39, v35  }
0x20d: {  	v30 =	vld [tilespmem:$0x450];
	v25 =	vadd.f32 v27, v25;
	v27 =	vmul.f32 v42, v40;
	v40 =	vand.u32 $0x7FFFFFFF, v40  }
0x20e: {  	v39 =	vld [tilespmem:$0xE0];
	v17 =	vadd.f32 v26, v17;
	v26 =	vmul.f32 v43, v40;
	v40 =	vand.u32 $0x7FFFFFFF, v41  }
0x20f: {  	v24 =	vadd.f32 v27, v24;
	v27 =	vmul.f32 v42, v41;
	v35 =	vmul.f32 v43, v40;
	v41 =	vld [tilespmem:$0x460]  }
0x210: {  	v42 =	vld [tilespmem:s18+$0xB370];
	v0 =	vadd.f32 v26, v0;
	v26 =	vmul.f32 v46, v44;
	v44 =	vand.u32 $0x7FFFFFFF, v44  }
0x211: {  	v43 =	vld [tilespmem:$0xF0];
	v25 =	vadd.f32 v27, v25;
	v17 =	vadd.f32 v35, v17;
	v27 =	vmul.f32 v47, v44  }
0x212: {  	v35 =	vld [tilespmem:s18+$0x7B70];
	v24 =	vadd.f32 v26, v24;
	v26 =	vmul.f32 v46, v45;
	v46 =	vand.u32 $0x7FFFFFFF, v45  }
0x213: {  	v44 =	vld [tilespmem:$0x470];
	v0 =	vadd.f32 v27, v0;
	v27 =	vmul.f32 v47, v46;
	v47 =	vand.u32 $0x7FFFFFFF, v48  }
0x214: {  	v46 =	vld [tilespmem:s18+$0x7F00];
	v25 =	vadd.f32 v26, v25;
	v26 =	vmul.f32 v50, v48;
	v40 =	vmul.f32 v51, v47  }
0x215: {  	v48 =	vmul.f32 v50, v49;
	v49 =	vand.u32 $0x7FFFFFFF, v49;
	v47 =	vld [tilespmem:$0x100];
	v17 =	vadd.f32 v27, v17  }
0x216: {  	v50 =	vmul.f32 v51, v49;
	v27 =	vmul.f32 v54, v52;
	v51 =	vand.u32 $0x7FFFFFFF, v52;
	v49 =	vld [tilespmem:s18+$0x7F10]  }
0x217: {  	v52 =	vand.u32 $0x7FFFFFFF, v53;
	v24 =	vadd.f32 v26, v24;
	v0 =	vadd.f32 v40, v0;
	v40 =	vld [tilespmem:s18+$0xB700]  }
0x218: {  	v25 =	vadd.f32 v48, v25;
	v26 =	vmul.f32 v55, v51;
	v48 =	vld [tilespmem:$0x480];
	v45 =	vmul.f32 v55, v52  }
0x219: {  	v51 =	vld [tilespmem:s18+$0xB710];
	v17 =	vadd.f32 v50, v17;
	v24 =	vadd.f32 v27, v24;
	v27 =	vmul.f32 v54, v53  }
0x21a: {  	v52 =	vld [tilespmem:s18+$0x7F20];
	v0 =	vadd.f32 v26, v0;
	v26 =	vmul.f32 v57, v56;
	v54 =	vand.u32 $0x7FFFFFFF, v56  }
0x21b: {  	v50 =	vld [tilespmem:$0x490];
	v56 =	vmul.f32 v57, v23;
	v23 =	vand.u32 $0x7FFFFFFF, v23;
	v57 =	vand.u32 $0x7FFFFFFF, v21  }
0x21c: {  	v21 =	vmul.f32 v61, v21;
	v61 =	vmul.f32 v61, v20;
	v20 =	vand.u32 $0x7FFFFFFF, v20;
	v53 =	vld [tilespmem:$0x120]  }
0x21d: {  	v17 =	vadd.f32 v45, v17;
	v55 =	vmul.f32 v59, v54;
	v45 =	vld [tilespmem:$0x110];
	v23 =	vmul.f32 v59, v23  }
0x21e: {  	v59 =	vmul.f32 v62, v57;
	v20 =	vmul.f32 v62, v20;
	v54 =	vld [tilespmem:s18+$0x7F30]  }
0x21f: {  	v62 =	vmul.f32 v58, v63;
	v25 =	vadd.f32 v27, v25;
	v24 =	vadd.f32 v26, v24;
	v27 =	vld [tilespmem:s18+$0xB720]  }
0x220: {  	v57 =	vand.u32 $0x7FFFFFFF, v63;
	v26 =	vld [tilespmem:$0x130];
	v0 =	vadd.f32 v55, v0;
	v17 =	vadd.f32 v23, v17  }
0x221: {  	v63 =	vand.u32 $0x7FFFFFFF, v31;
	v55 =	vld [tilespmem:s18+$0xB730];
	v25 =	vadd.f32 v56, v25;
	v21 =	vadd.f32 v21, v24  }
0x222: {  	v24 =	vld [tilespmem:$0x4A0];
	v0 =	vadd.f32 v59, v0;
	v17 =	vadd.f32 v20, v17;
	v20 =	vmul.f32 v60, v57  }
0x223: {  	v56 =	vld [tilespmem:$0x4B0];
	v59 =	vand.u32 $0x7FFFFFFF, v22;
	v22 =	vmul.f32 v58, v22;
	v57 =	vmul.f32 v32, v63  }
0x224: {  	v58 =	vand.u32 $0x7FFFFFFF, v33;
	v23 =	vadd.f32 v61, v25;
	v60 =	vmul.f32 v60, v59;
	v25 =	vld [tilespmem:s18+$0x7F40]  }
0x225: {  	v21 =	vadd.f32 v62, v21;
	v62 =	vmul.f32 v28, v31;
	v31 =	vld [tilespmem:$0x140];
	v59 =	vmul.f32 v36, v33  }
0x226: {  	v33 =	vld [tilespmem:$0x150];
	v0 =	vadd.f32 v20, v0;
	v20 =	vmul.f32 v28, v29;
	v29 =	vand.u32 $0x7FFFFFFF, v29  }
0x227: {  	v63 =	vmul.f32 v39, v37;
	v61 =	vmul.f32 v32, v29;
	v29 =	vld [tilespmem:s18+$0xB740]  }
0x228: {  	v28 =	vmul.f32 v30, v58;
	v22 =	vadd.f32 v22, v23;
	v17 =	vadd.f32 v60, v17;
	v32 =	vld [tilespmem:$0x4C0]  }
0x229: {  	v60 =	vmul.f32 v36, v34;
	v36 =	vld [tilespmem:$0x4D0];
	v20 =	vadd.f32 v20, v21;
	v0 =	vadd.f32 v61, v0  }
0x22a: {  	v21 =	vadd.f32 v62, v22;
	v17 =	vadd.f32 v57, v17;
	v61 =	vand.u32 $0x7FFFFFFF, v34;
	v34 =	vld [tilespmem:s18+$0x7F50]  }
0x22b: {  	v57 =	vand.u32 $0x7FFFFFFF, v37;
	v37 =	vld [tilespmem:s18+$0x7F60];
	v20 =	vadd.f32 v59, v20;
	v62 =	vmul.f32 v30, v61  }
0x22c: {  	v58 =	vmul.f32 v41, v57;
	v59 =	vand.u32 $0x7FFFFFFF, v38;
	v0 =	vadd.f32 v28, v0;
	v28 =	vld [tilespmem:s18+$0xB750]  }
0x22d: {  	v61 =	vmul.f32 v43, v35;
	v21 =	vadd.f32 v60, v21;
	v60 =	vmul.f32 v39, v38;
	v38 =	vld [tilespmem:s18+$0xB760]  }
0x22e: {  	v35 =	vand.u32 $0x7FFFFFFF, v35;
	v57 =	vand.u32 $0x7FFFFFFF, v42;
	v30 =	vmul.f32 v41, v59;
	v39 =	vld [tilespmem:$0x4E0]  }
0x22f: {  	v59 =	vand.u32 $0x7FFFFFFF, v46;
	v41 =	vld [tilespmem:s18+$0x7F70];
	v17 =	vadd.f32 v62, v17;
	v62 =	vmul.f32 v44, v35  }
0x230: {  	v20 =	vadd.f32 v63, v20;
	v63 =	vmul.f32 v43, v42;
	v35 =	vmul.f32 v48, v59;
	v42 =	vld [tilespmem:s18+$0xB770]  }
0x231: {  	v43 =	vld [tilespmem:$0x170];
	v59 =	vmul.f32 v53, v52;
	v0 =	vadd.f32 v58, v0;
	v21 =	vadd.f32 v60, v21  }
0x232: {  	v58 =	vmul.f32 v44, v57;
	v60 =	vmul.f32 v47, v46;
	v44 =	vld [tilespmem:s18+$0x8300];
	v57 =	vand.u32 $0x7FFFFFFF, v51  }
0x233: {  	v46 =	vld [tilespmem:s18+$0xBB00];
	v17 =	vadd.f32 v30, v17;
	v20 =	vadd.f32 v61, v20;
	v61 =	vmul.f32 v47, v40  }
0x234: {  	v30 =	vld [tilespmem:$0x160];
	v40 =	vand.u32 $0x7FFFFFFF, v40;
	v0 =	vadd.f32 v62, v0;
	v21 =	vadd.f32 v63, v21  }
0x235: {  	v47 =	vld [tilespmem:s18+$0xBB10];
	v62 =	vmul.f32 v48, v40;
	v63 =	vmul.f32 v45, v49;
	v48 =	vand.u32 $0x7FFFFFFF, v49  }
0x236: {  	v40 =	vmul.f32 v50, v57;
	v17 =	vadd.f32 v58, v17;
	v58 =	vmul.f32 v45, v51;
	v45 =	vld [tilespmem:$0x180]  }
0x237: {  	v20 =	vadd.f32 v60, v20;
	v49 =	vmul.f32 v50, v48;
	v60 =	vand.u32 $0x7FFFFFFF, v52;
	v48 =	vld [tilespmem:$0x500]  }
0x238: {  	v51 =	vand.u32 $0x7FFFFFFF, v54;
	v52 =	vmul.f32 v26, v54;
	v50 =	vld [tilespmem:s18+$0x8320];
	v0 =	vadd.f32 v35, v0  }
0x239: {  	v54 =	vand.u32 $0x7FFFFFFF, v55;
	v35 =	vld [tilespmem:$0x4F0];
	v21 =	vadd.f32 v61, v21;
	v17 =	vadd.f32 v62, v17  }
0x23a: {  	v62 =	vmul.f32 v53, v27;
	v27 =	vand.u32 $0x7FFFFFFF, v27;
	v53 =	vmul.f32 v26, v55;
	v26 =	vld [tilespmem:$0x1A0]  }
0x23b: {  	v61 =	vmul.f32 v24, v60;
	v20 =	vadd.f32 v63, v20;
	v63 =	vmul.f32 v24, v27;
	v27 =	vld [tilespmem:$0x190]  }
0x23c: {  	v60 =	vmul.f32 v33, v34;
	v55 =	vmul.f32 v56, v54;
	v0 =	vadd.f32 v49, v0;
	v49 =	vld [tilespmem:$0x510]  }
0x23d: {  	v21 =	vadd.f32 v58, v21;
	v24 =	vmul.f32 v56, v51;
	v56 =	vmul.f32 v31, v25;
	v51 =	vld [tilespmem:$0x520]  }
0x23e: {  	v25 =	vand.u32 $0x7FFFFFFF, v25;
	v58 =	vand.u32 $0x7FFFFFFF, v29;
	v17 =	vadd.f32 v40, v17;
	v40 =	vld [tilespmem:s18+$0x8310]  }
0x23f: {  	v54 =	vmul.f32 v30, v37;
	v20 =	vadd.f32 v59, v20;
	v59 =	vmul.f32 v31, v29;
	v29 =	vld [tilespmem:s18+$0x8330]  }
0x240: {  	v57 =	vmul.f32 v32, v25;
	v25 =	vmul.f32 v32, v58;
	v32 =	vld [tilespmem:s18+$0xBB30]  }
0x241: {  	v31 =	vld [tilespmem:$0x530];
	v58 =	vmul.f32 v43, v41;
	v0 =	vadd.f32 v61, v0;
	v21 =	vadd.f32 v62, v21  }
0x242: {  	v61 =	vand.u32 $0x7FFFFFFF, v34;
	v34 =	vld [tilespmem:s18+$0xBB40];
	v17 =	vadd.f32 v63, v17;
	v20 =	vadd.f32 v52, v20  }
0x243: {  	v62 =	vmul.f32 v36, v61;
	v63 =	vmul.f32 v33, v28;
	v28 =	vand.u32 $0x7FFFFFFF, v28;
	v33 =	vld [tilespmem:s18+$0x8340]  }
0x244: {  	v61 =	vand.u32 $0x7FFFFFFF, v42;
	v0 =	vadd.f32 v24, v0;
	v24 =	vld [tilespmem:s18+$0xBB20];
	v21 =	vadd.f32 v53, v21  }
0x245: {  	v52 =	vmul.f32 v36, v28;
	v53 =	vand.u32 $0x7FFFFFFF, v37;
	v36 =	vld [tilespmem:$0x1C0];
	v17 =	vadd.f32 v55, v17  }
0x246: {  	v37 =	vld [tilespmem:s18+$0x8350];
	v20 =	vadd.f32 v56, v20;
	v28 =	vmul.f32 v39, v53;
	v55 =	vmul.f32 v30, v38  }
0x247: {  	v56 =	vand.u32 $0x7FFFFFFF, v38;
	v38 =	vld [tilespmem:s18+$0xBB50];
	v30 =	vmul.f32 v35, v61;
	v53 =	vmul.f32 v45, v46  }
0x248: {  	v61 =	vmul.f32 v26, v50;
	v21 =	vadd.f32 v59, v21;
	v59 =	vand.u32 $0x7FFFFFFF, v41;
	v41 =	vld [tilespmem:$0x550]  }
0x249: {  	v0 =	vadd.f32 v57, v0;
	v57 =	vmul.f32 v39, v56;
	v17 =	vadd.f32 v25, v17;
	v25 =	vld [tilespmem:$0x1B0]  }
0x24a: {  	v56 =	vand.u32 $0x7FFFFFFF, v40;
	v20 =	vadd.f32 v60, v20;
	v60 =	vmul.f32 v35, v59;
	v35 =	vld [tilespmem:$0x1D0]  }
0x24b: {  	v39 =	vmul.f32 v49, v56;
	v0 =	vadd.f32 v62, v0;
	v62 =	vmul.f32 v43, v42;
	v42 =	vld [tilespmem:s18+$0xBB60]  }
0x24c: {  	v59 =	vand.u32 $0x7FFFFFFF, v47;
	v56 =	vand.u32 $0x7FFFFFFF, v32;
	v21 =	vadd.f32 v63, v21;
	v43 =	vld [tilespmem:$0x1E0]  }
0x24d: {  	v63 =	vmul.f32 v45, v44;
	v44 =	vand.u32 $0x7FFFFFFF, v44;
	v45 =	vld [tilespmem:$0x1F0];
	v17 =	vadd.f32 v52, v17  }
0x24e: {  	v20 =	vadd.f32 v54, v20;
	v52 =	vmul.f32 v48, v44;
	v54 =	vand.u32 $0x7FFFFFFF, v46;
	v44 =	vld [tilespmem:s18+$0x8370]  }
0x24f: {  	v46 =	vld [tilespmem:$0x570];
	v0 =	vadd.f32 v28, v0;
	v21 =	vadd.f32 v55, v21;
	v55 =	vmul.f32 v48, v54  }
0x250: {  	v28 =	vld [tilespmem:$0x540];
	v48 =	vand.u32 $0x7FFFFFFF, v24;
	v17 =	vadd.f32 v57, v17;
	v20 =	vadd.f32 v58, v20  }
0x251: {  	v57 =	vmul.f32 v27, v40;
	v40 =	vld [tilespmem:$0x560];
	v58 =	vmul.f32 v27, v47;
	v47 =	vand.u32 $0x7FFFFFFF, v37  }
0x252: {  	v27 =	vld [tilespmem:s18+$0xBB70];
	v0 =	vadd.f32 v60, v0;
	v21 =	vadd.f32 v62, v21;
	v60 =	vmul.f32 v49, v59  }
0x253: {  	v62 =	vand.u32 $0x7FFFFFFF, v50;
	v50 =	vmul.f32 v26, v24;
	v26 =	vld [tilespmem:s18+$0x8700];
	v59 =	vmul.f32 v36, v33  }
0x254: {  	v24 =	vld [tilespmem:$0x200];
	v17 =	vadd.f32 v30, v17;
	v20 =	vadd.f32 v63, v20;
	v63 =	vmul.f32 v51, v62  }
0x255: {  	v30 =	vld [tilespmem:s18+$0x8360];
	v21 =	vadd.f32 v53, v21;
	v53 =	vmul.f32 v25, v29;
	v29 =	vand.u32 $0x7FFFFFFF, v29  }
0x256: {  	v0 =	vadd.f32 v52, v0;
	v52 =	vmul.f32 v51, v48;
	v54 =	vmul.f32 v31, v29;
	v29 =	vld [tilespmem:$0x580]  }
0x257: {  	v48 =	vmul.f32 v41, v47;
	v20 =	vadd.f32 v57, v20;
	v57 =	vmul.f32 v31, v56;
	v31 =	vld [tilespmem:s18+$0x8710]  }
0x258: {  	v51 =	vmul.f32 v35, v38;
	v17 =	vadd.f32 v55, v17;
	v55 =	vmul.f32 v25, v32;
	v32 =	vld [tilespmem:s18+$0xBF10]  }
0x259: {  	v0 =	vadd.f32 v39, v0;
	v21 =	vadd.f32 v58, v21;
	v39 =	vld [tilespmem:s18+$0xBF00];
	v58 =	vand.u32 $0x7FFFFFFF, v33  }
0x25a: {  	v33 =	vld [tilespmem:s18+$0x8720];
	v17 =	vadd.f32 v60, v17;
	v20 =	vadd.f32 v61, v20;
	v25 =	vmul.f32 v28, v58  }
0x25b: {  	v60 =	vmul.f32 v36, v34;
	v61 =	vand.u32 $0x7FFFFFFF, v34;
	v34 =	vld [tilespmem:$0x210];
	v58 =	vmul.f32 v45, v44  }
0x25c: {  	v36 =	vld [tilespmem:s18+$0xBF20];
	v0 =	vadd.f32 v63, v0;
	v21 =	vadd.f32 v50, v21;
	v62 =	vmul.f32 v28, v61  }
0x25d: {  	v63 =	vmul.f32 v35, v37;
	v50 =	vand.u32 $0x7FFFFFFF, v38;
	v35 =	vld [tilespmem:$0x220];
	v61 =	vmul.f32 v24, v26  }
0x25e: {  	v37 =	vld [tilespmem:$0x5A0];
	v26 =	vand.u32 $0x7FFFFFFF, v26;
	v17 =	vadd.f32 v52, v17;
	v20 =	vadd.f32 v53, v20  }
0x25f: {  	v38 =	vld [tilespmem:s18+$0xBF30];
	v28 =	vmul.f32 v41, v50;
	v52 =	vmul.f32 v43, v30;
	v30 =	vand.u32 $0x7FFFFFFF, v30  }
0x260: {  	v41 =	vld [tilespmem:$0x5B0];
	v0 =	vadd.f32 v54, v0;
	v21 =	vadd.f32 v55, v21;
	v53 =	vmul.f32 v40, v30  }
0x261: {  	v54 =	vmul.f32 v43, v42;
	v55 =	vand.u32 $0x7FFFFFFF, v42;
	v42 =	vld [tilespmem:s18+$0x8740];
	v47 =	vand.u32 $0x7FFFFFFF, v31  }
0x262: {  	v43 =	vld [tilespmem:$0x5C0];
	v17 =	vadd.f32 v57, v17;
	v20 =	vadd.f32 v59, v20;
	v56 =	vmul.f32 v40, v55  }
0x263: {  	v57 =	vand.u32 $0x7FFFFFFF, v44;
	v40 =	vld [tilespmem:$0x230];
	v59 =	vmul.f32 v45, v27;
	v27 =	vand.u32 $0x7FFFFFFF, v27  }
0x264: {  	v44 =	vmul.f32 v24, v39;
	v24 =	vld [tilespmem:$0x250];
	v0 =	vadd.f32 v25, v0;
	v30 =	vmul.f32 v46, v57  }
0x265: {  	v25 =	vld [tilespmem:$0x590];
	v21 =	vadd.f32 v60, v21;
	v60 =	vmul.f32 v46, v27;
	v46 =	vmul.f32 v34, v31  }
0x266: {  	v27 =	vld [tilespmem:s18+$0xBF40];
	v50 =	vmul.f32 v34, v32;
	v17 =	vadd.f32 v62, v17;
	v20 =	vadd.f32 v63, v20  }
0x267: {  	v31 =	vld [tilespmem:s18+$0xBF50];
	v62 =	vmul.f32 v29, v26;
	v63 =	vand.u32 $0x7FFFFFFF, v39;
	v55 =	vmul.f32 v35, v36  }
0x268: {  	v34 =	vld [tilespmem:s18+$0x8770];
	v0 =	vadd.f32 v48, v0;
	v21 =	vadd.f32 v51, v21;
	v45 =	vmul.f32 v29, v63  }
0x269: {  	v26 =	vld [tilespmem:s18+$0x8750];
	v51 =	vand.u32 $0x7FFFFFFF, v32;
	v17 =	vadd.f32 v28, v17;
	v20 =	vadd.f32 v52, v20  }
0x26a: {  	v39 =	vld [tilespmem:$0x5F0];
	v63 =	vand.u32 $0x7FFFFFFF, v42;
	v0 =	vadd.f32 v53, v0;
	v21 =	vadd.f32 v54, v21  }
0x26b: {  	v32 =	vld [tilespmem:$0x5D0];
	v53 =	vand.u32 $0x7FFFFFFF, v33;
	v54 =	vmul.f32 v35, v33;
	v17 =	vadd.f32 v56, v17  }
0x26c: {  	v28 =	vld [tilespmem:s18+$0x8730];
	v20 =	vadd.f32 v58, v20;
	v48 =	vmul.f32 v25, v47;
	v52 =	vmul.f32 v25, v51  }
0x26d: {  	v29 =	vld [tilespmem:s18+$0x8760];
	v25 =	vmul.f32 v37, v53;
	v56 =	vand.u32 $0x7FFFFFFF, v36;
	v51 =	vand.u32 $0x7FFFFFFF, v31  }
0x26e: {  	v33 =	vld [tilespmem:s18+$0xBF60];
	v0 =	vadd.f32 v30, v0;
	v21 =	vadd.f32 v59, v21;
	v57 =	vmul.f32 v37, v56  }
0x26f: {  	v35 =	vld [tilespmem:$0x260];
	v17 =	vadd.f32 v60, v17;
	v20 =	vadd.f32 v61, v20;
	v60 =	vand.u32 $0x7FFFFFFF, v38  }
0x270: {  	v36 =	vld [tilespmem:s18+$0xBF70];
	v61 =	vmul.f32 v40, v38;
	v53 =	vmul.f32 v32, v51;
	v0 =	vadd.f32 v62, v0  }
0x271: {  	v30 =	vld [tilespmem:$0x240];
	v21 =	vadd.f32 v44, v21;
	v58 =	vmul.f32 v40, v28;
	v28 =	vand.u32 $0x7FFFFFFF, v28  }
0x272: {  	v37 =	vld [tilespmem:$0x270];
	v44 =	vand.u32 $0x7FFFFFFF, v26;
	v17 =	vadd.f32 v45, v17;
	v59 =	vmul.f32 v41, v28  }
0x273: {  	v38 =	vld [tilespmem:s18+$0xC350];
	v20 =	vadd.f32 v46, v20;
	v28 =	vmul.f32 v41, v60;
	v41 =	vmul.f32 v43, v63  }
0x274: {  	v45 =	vld [tilespmem:$0x280];
	v46 =	vmul.f32 v24, v26;
	v47 =	vmul.f32 v32, v44;
	v0 =	vadd.f32 v48, v0  }
0x275: {  	v26 =	vld [tilespmem:s18+$0x8B20];
	v21 =	vadd.f32 v50, v21;
	v50 =	vmul.f32 v24, v31;
	v17 =	vadd.f32 v52, v17  }
0x276: {  	v48 =	vld [tilespmem:$0x600];
	v20 =	vadd.f32 v54, v20;
	v62 =	vmul.f32 v30, v42;
	v42 =	vmul.f32 v30, v27  }
0x277: {  	v24 =	vld [tilespmem:s18+$0xC310];
	v27 =	vand.u32 $0x7FFFFFFF, v27;
	v54 =	vmul.f32 v35, v29;
	v60 =	vmul.f32 v37, v34  }
0x278: {  	v30 =	vld [tilespmem:s18+$0xC300];
	v63 =	vmul.f32 v37, v36;
	v37 =	vand.u32 $0x7FFFFFFF, v36;
	v0 =	vadd.f32 v25, v0  }
0x279: {  	v52 =	vld [tilespmem:s18+$0x8B10];
	v21 =	vadd.f32 v55, v21;
	v43 =	vmul.f32 v43, v27;
	v55 =	vand.u32 $0x7FFFFFFF, v29  }
0x27a: {  	v25 =	vld [tilespmem:$0x5E0];
	v40 =	vmul.f32 v39, v37;
	v17 =	vadd.f32 v57, v17;
	v20 =	vadd.f32 v58, v20  }
0x27b: {  	v29 =	vld [tilespmem:$0x290];
	v57 =	vand.u32 $0x7FFFFFFF, v33;
	v0 =	vadd.f32 v59, v0;
	v21 =	vadd.f32 v61, v21  }
0x27c: {  	v58 =	vld [tilespmem:$0x610];
	v59 =	vmul.f32 v35, v33;
	v61 =	vand.u32 $0x7FFFFFFF, v34;
	v17 =	vadd.f32 v28, v17  }
0x27d: {  	v37 =	vld [tilespmem:s18+$0x8F00];
	v20 =	vadd.f32 v62, v20;
	v62 =	vmul.f32 v39, v61;
	v0 =	vadd.f32 v41, v0  }
0x27e: {  	v28 =	vld [tilespmem:s18+$0x8B00];
	v21 =	vadd.f32 v42, v21;
	v51 =	vand.u32 $0x7FFFFFFF, v52;
	v17 =	vadd.f32 v43, v17  }
0x27f: {  	v34 =	vld [tilespmem:s18+$0xC320];
	v20 =	vadd.f32 v46, v20;
	v56 =	vmul.f32 v25, v55;
	v25 =	vmul.f32 v25, v57  }
0x280: {  	v35 =	vld [tilespmem:$0x620];
	v0 =	vadd.f32 v47, v0;
	v21 =	vadd.f32 v50, v21;
	v50 =	vmul.f32 v29, v52  }
0x281: {  	v33 =	vld [tilespmem:s18+$0xC330];
	v17 =	vadd.f32 v53, v17;
	v20 =	vadd.f32 v54, v20;
	v53 =	vmul.f32 v58, v51  }
0x282: {  	v42 =	vld [tilespmem:s18+$0x8B30];
	v54 =	vand.u32 $0x7FFFFFFF, v24;
	v0 =	vadd.f32 v56, v0;
	v21 =	vadd.f32 v59, v21  }
0x283: {  	v46 =	vld [tilespmem:$0x2B0];
	v41 =	vand.u32 $0x7FFFFFFF, v28;
	v43 =	vmul.f32 v45, v28;
	v45 =	vmul.f32 v45, v30  }
0x284: {  	v52 =	vld [tilespmem:s18+$0x8B40];
	v30 =	vand.u32 $0x7FFFFFFF, v30;
	v56 =	vmul.f32 v29, v24;
	v57 =	vmul.f32 v58, v54  }
0x285: {  	v58 =	vld [tilespmem:$0x2C0];
	v17 =	vadd.f32 v25, v17;
	v20 =	vadd.f32 v60, v20;
	v44 =	vmul.f32 v48, v41  }
0x286: {  	v25 =	vld [tilespmem:$0x2A0];
	v47 =	vmul.f32 v48, v30;
	v0 =	vadd.f32 v62, v0;
	v21 =	vadd.f32 v63, v21  }
0x287: {  	v48 =	vld [tilespmem:$0x630];
	v17 =	vadd.f32 v40, v17;
	v20 =	vadd.f32 v43, v20;
	v40 =	vand.u32 $0x7FFFFFFF, v42  }
0x288: {  	v60 =	vld [tilespmem:$0x640];
	v42 =	vmul.f32 v46, v42;
	v0 =	vadd.f32 v44, v0;
	v21 =	vadd.f32 v45, v21  }
0x289: {  	v55 =	vld [tilespmem:s18+$0xC340];
	v44 =	vmul.f32 v46, v33;
	v33 =	vand.u32 $0x7FFFFFFF, v33;
	v17 =	vadd.f32 v47, v17  }
0x28a: {  	v41 =	vld [tilespmem:$0x2D0];
	v20 =	vadd.f32 v50, v20;
	v50 =	vand.u32 $0x7FFFFFFF, v52;
	v0 =	vadd.f32 v53, v0  }
0x28b: {  	v62 =	vld [tilespmem:s18+$0x8B50];
	v59 =	vmul.f32 v25, v26;
	v26 =	vand.u32 $0x7FFFFFFF, v26;
	v63 =	vmul.f32 v25, v34  }
0x28c: {  	v51 =	vld [tilespmem:$0x2E0];
	v21 =	vadd.f32 v56, v21;
	v25 =	vmul.f32 v48, v40;
	v46 =	vmul.f32 v48, v33  }
0x28d: {  	v43 =	vld [tilespmem:$0x650];
	v34 =	vand.u32 $0x7FFFFFFF, v34;
	v48 =	vmul.f32 v58, v52;
	v52 =	vmul.f32 v60, v50  }
0x28e: {  	v45 =	vld [tilespmem:s18+$0x8B60];
	v53 =	vand.u32 $0x7FFFFFFF, v55;
	v55 =	vmul.f32 v58, v55;
	v61 =	vmul.f32 v35, v26  }
0x28f: {  	v54 =	vld [tilespmem:$0x660];
	v17 =	vadd.f32 v57, v17;
	v39 =	vmul.f32 v35, v34;
	v27 =	vmul.f32 v60, v53  }
0x290: {  	v47 =	vld [tilespmem:s18+$0xC360];
	v57 =	vmul.f32 v41, v62;
	v24 =	vand.u32 $0x7FFFFFFF, v62;
	v26 =	vand.u32 $0x7FFFFFFF, v38  }
0x291: {  	v56 =	vld [tilespmem:s18+$0x8B70];
	v53 =	vand.u32 $0x7FFFFFFF, v37;
	v20 =	vadd.f32 v59, v20;
	v21 =	vadd.f32 v63, v21  }
0x292: {  	v60 =	vld [tilespmem:$0x2F0];
	v59 =	vmul.f32 v43, v24;
	v63 =	vmul.f32 v43, v26;
	v0 =	vadd.f32 v61, v0  }
0x293: {  	v62 =	vld [tilespmem:$0x670];
	v17 =	vadd.f32 v39, v17;
	v61 =	vmul.f32 v41, v38;
	v36 =	vand.u32 $0x7FFFFFFF, v45  }
0x294: {  	v58 =	vld [tilespmem:s18+$0xC370];
	v38 =	vmul.f32 v51, v45;
	v20 =	vadd.f32 v42, v20;
	v21 =	vadd.f32 v44, v21  }
0x295: {  	v26 =	vmul.f32 v54, v36;
	v40 =	vmul.f32 v51, v47;
	v0 =	vadd.f32 v25, v0  }
0x296: {  	v43 =	vld [tilespmem:$0x680];
	v17 =	vadd.f32 v46, v17;
	v25 =	vand.u32 $0x7FFFFFFF, v47;
	v45 =	vand.u32 $0x7FFFFFFF, v56  }
0x297: {  	v39 =	vld [tilespmem:$0x300];
	v20 =	vadd.f32 v48, v20;
	v21 =	vadd.f32 v55, v21;
	v42 =	vmul.f32 v54, v25  }
0x298: {  	v41 =	vld [tilespmem:s18+$0xC700];
	v44 =	vmul.f32 v60, v56;
	v47 =	vmul.f32 v62, v45;
	v0 =	vadd.f32 v52, v0  }
0x299: {  	v24 =	vmul.f32 v60, v58;
	v48 =	vand.u32 $0x7FFFFFFF, v58;
	v17 =	vadd.f32 v27, v17  }
0x29a: {  	v52 =	vmul.f32 v62, v48;
	v20 =	vadd.f32 v57, v20;
	v0 =	vadd.f32 v59, v0  }
0x29b: {  	v55 =	vmul.f32 v43, v53;
	v21 =	vadd.f32 v61, v21;
	v17 =	vadd.f32 v63, v17  }
0x29c: {  	v46 =	vld [tilespmem:s18+$0x8F01];
	v50 =	vmul.f32 v39, v37;
	v20 =	vadd.f32 v38, v20;
	v0 =	vadd.f32 v26, v0  }
0x29d: {  	v51 =	vld [tilespmem:s18+$0xC701];
	v54 =	vmul.f32 v39, v41;
	v21 =	vadd.f32 v40, v21;
	v17 =	vadd.f32 v42, v17  }
0x29e: {  	v57 =	vand.u32 $0x7FFFFFFF, v41;
	v20 =	vadd.f32 v44, v20;
	v0 =	vadd.f32 v47, v0  }
0x29f: {  	v58 =	vmul.f32 v43, v57;
	v21 =	vadd.f32 v24, v21;
	v17 =	vadd.f32 v52, v17  }
0x2a0: {  	v20 =	vadd.f32 v50, v20;
	v0 =	vadd.f32 v55, v0  }
0x2a1: {  	v56 =	vsel vm0, $0x0, v46;
	v21 =	vadd.f32 v54, v21;
	v17 =	vadd.f32 v58, v17  }
0x2a2: {  	v59 =	vsel vm0, $0x0, v51;
	v20 =	vadd.f32 v56, v20;
	[tilespmem:$0xEB10] =	vst v0  }
0x2a3: {  	v21 =	vadd.f32 v59, v21;
	[tilespmem:$0xEB30] =	vst v17  }
0x2a4: {  	[tilespmem:$0xEB00] =	vst v20  }
0x2a5: {  	[tilespmem:$0xEB20] =	vst v21  }
0x2a6: {  	v60 =	vld.idx.msk [tilespmem:v1+s29+$0x0], $0xffff  }
0x2a7: {  	v61 =	vld.idx.msk [tilespmem:v2+s29+$0x0], $0xffff  }
0x2a8: {  	v62 =	vld.idx.msk [tilespmem:v3+s29+$0x0], $0xffff  }
0x2a9: {  	v63 =	vld.idx.msk [tilespmem:v4+s29+$0x0], $0xffff;
	_ =	sdelay $0x1  }
0x2aa: {  	v20 =	vadd.f32 v60, v20  }
0x2ab: {  	v0 =	vadd.f32 v61, v0  }
0x2ac: {  	v21 =	vadd.f32 v62, v21;
	[tilespmem:$0xEB00] =	vst v20  }
0x2ad: {  	v17 =	vadd.f32 v63, v17;
	[tilespmem:$0xEB10] =	vst v0  }
0x2ae: {  	[tilespmem:$0xEB20] =	vst v21  }
0x2af: {  	[tilespmem:$0xEB30] =	vst v17  }
0x2b0: {  	v28 =	vld.idx.msk [tilespmem:v13+s29+$0x0], $0xffff  }
0x2b1: {  	v29 =	vld.idx.msk [tilespmem:v5+s29+$0x0], $0xffff  }
0x2b2: {  	v30 =	vld.idx.msk [tilespmem:v6+s29+$0x0], $0xffff  }
0x2b3: {  	v31 =	vld.idx.msk [tilespmem:v7+s29+$0x0], $0xffff;
	_ =	sdelay $0x1  }
0x2b4: {  	v20 =	vadd.f32 v28, v20  }
0x2b5: {  	v0 =	vadd.f32 v29, v0  }
0x2b6: {  	v21 =	vadd.f32 v30, v21;
	[tilespmem:$0xEB00] =	vst v20  }
0x2b7: {  	v17 =	vadd.f32 v31, v17;
	[tilespmem:$0xEB10] =	vst v0  }
0x2b8: {  	[tilespmem:$0xEB20] =	vst v21  }
0x2b9: {  	[tilespmem:$0xEB30] =	vst v17  }
0x2ba: {  	v32 =	vld.idx.msk [tilespmem:v14+s29+$0x0], $0xffff  }
0x2bb: {  	v33 =	vld.idx.msk [tilespmem:v8+s29+$0x0], $0xffff  }
0x2bc: {  	v34 =	vld.idx.msk [tilespmem:v9+s29+$0x0], $0xffff  }
0x2bd: {  	v35 =	vld.idx.msk [tilespmem:v10+s29+$0x0], $0xffff;
	_ =	sdelay $0x1  }
0x2be: {  	v20 =	vadd.f32 v32, v20  }
0x2bf: {  	v0 =	vadd.f32 v33, v0  }
0x2c0: {  	v21 =	vadd.f32 v34, v21;
	[tilespmem:$0xEB00] =	vst v20  }
0x2c1: {  	v17 =	vadd.f32 v35, v17;
	[tilespmem:$0xEB10] =	vst v0  }
0x2c2: {  	[tilespmem:$0xEB20] =	vst v21  }
0x2c3: {  	[tilespmem:$0xEB30] =	vst v17  }
0x2c4: {  	v36 =	vld.idx.msk [tilespmem:v15+s29+$0x0], $0xffff  }
0x2c5: {  	v37 =	vld.idx.msk [tilespmem:v11+s29+$0x0], $0xffff  }
0x2c6: {  	v38 =	vld.idx.msk [tilespmem:v12+s29+$0x0], $0xffff  }
0x2c7: {  	v39 =	vld.idx.msk [tilespmem:v16+s29+$0x0], $0xffff;
	_ =	sdelay $0x3  }
0x2c8: {  	v22 =	vadd.f32 v36, v20;
	v0 =	vadd.f32 v37, v0  }
0x2c9: {  	v40 =	vadd.f32 v38, v21;
	v17 =	vadd.f32 v39, v17  }
0x2ca: {  	v20 =	vsub.f32 v22, v0  }
0x2cb: {  	v0 =	vadd.f32 v0, v22;
	v21 =	vadd.f32 v17, v40  }
0x2cc: {  	v22 =	vsub.f32 v40, v17  }
0x2cd: {  	vm1 =	vlt.f32 v20, $0.0e+00;
	vm2 =	vgt.f32 v21, $0.0e+00;
	v17 =	vsub.f32 v0, v20  }
0x2ce: {  	vm2 =	vmand vm1, vm2  }
0x2cf: {  	v23 =	vsub.f32 v21, v22;
	vm1 =	vle.f32 v22, $0.0e+00;
	v17 =	vnsel vm2, $0x3F800000, v17  }
0x2d0: {  	vm1 =	vmand vm1, vm2;
	(erf) = vrcp.f32 v17  }
0x2d1: {  	v17 =	vnsel vm1, $0x3F800000, v23  }
0x2d2: {  	(erf) = vrcp.f32 v17;
	_ =	sdelay $0x4  }
0x2d3: {  	v42 =	vld [tilespmem:s18+$0x7700];
	v41 =	vand.u32 $0x7FFFFFFF, v21;
	v17 =	vand.u32 $0x7FFFFFFF, v20  }
0x2d4: {  	v43 =	vld [tilespmem:s18+$0xAF00];
	vm4 =	vle.f32 v0, $0.0e+00;
	vm3 =	vgt.f32 v17, v41  }
0x2d5: {  	v49 =	vimm.f32 $1.000000000e+00;
	v45 =	vld [tilespmem:s18+$0x7710];
	vm5 =	vle.f32 v21, $0.0e+00;
	vm3 =	vmor vm4, vm3;
	v44 =	vpop (erf)  }
0x2d6: {  	v46 =	vld [tilespmem:s18+$0xAF10];
	vm14 =	vle.f32 v17, v41;
	vm3 =	vmand vm2, vm3;
	v17 =	vmul.f32 v44, v0  }
0x2d7: {  	v47 =	vld [tilespmem:s18+$0x7720];
	vm15 =	vlt.f32 v0, $0.0e+00;
	vm2 =	vmand vm2, vm14;
	vm3 =	vmor vm5, vm3;
	v0 =	vpop (erf)  }
0x2d8: {  	v50 =	vld [tilespmem:s18+$0xAF30];
	v48 =	vsel vm3, $0x0, v49;
	v25 =	vmul.f32 v0, v21;
	v17 =	vsel vm15, $0x0, v17  }
0x2d9: {  	v0 =	vld [tilespmem:s18+$0xAF20];
	v23 =	vsel vm2, v17, v48;
	v17 =	vsel vm5, $0x0, v49  }
0x2da: {  	v51 =	vld [tilespmem:s18+$0x7740];
	v24 =	vsel vm1, v25, v17;
	v17 =	vmul.f32 v23, v42  }
0x2db: {  	v52 =	vld [tilespmem:s18+$0xAF40];
	v27 =	vmul.f32 v24, v43  }
0x2dc: {  	v49 =	vld [tilespmem:s18+$0x7730];
	v53 =	vmul.f32 v24, v46;
	[tilespmem:s18+$0x7700] =	vst v17  }
0x2dd: {  	v54 =	vld [tilespmem:s18+$0x7750];
	v17 =	vmul.f32 v23, v45;
	[tilespmem:s18+$0xAF00] =	vst v27  }
0x2de: {  	v55 =	vld [tilespmem:s18+$0xAF50];
	v0 =	vmul.f32 v0, v24;
	[tilespmem:s18+$0xAF10] =	vst v53  }
0x2df: {  	v56 =	vld [tilespmem:s18+$0x7760];
	[tilespmem:s18+$0x7710] =	vst v17;
	v17 =	vmul.f32 v47, v23  }
0x2e0: {  	v57 =	vld [tilespmem:s18+$0xAF60];
	[tilespmem:s18+$0xAF20] =	vst v0;
	v0 =	vmul.f32 v50, v24  }
0x2e1: {  	v58 =	vld [tilespmem:s18+$0x7770];
	[tilespmem:s18+$0x7720] =	vst v17;
	v17 =	vmul.f32 v49, v23  }
0x2e2: {  	v59 =	vld [tilespmem:s18+$0xAF70];
	[tilespmem:s18+$0xAF30] =	vst v0;
	v0 =	vmul.f32 v52, v24  }
0x2e3: {  	v60 =	vld [tilespmem:s18+$0x7B00];
	[tilespmem:s18+$0x7730] =	vst v17;
	v17 =	vmul.f32 v51, v23  }
0x2e4: {  	v61 =	vld [tilespmem:s18+$0xB300];
	[tilespmem:s18+$0xAF40] =	vst v0;
	v0 =	vmul.f32 v55, v24  }
0x2e5: {  	v62 =	vld [tilespmem:s18+$0x7B10];
	[tilespmem:s18+$0x7740] =	vst v17;
	v17 =	vmul.f32 v54, v23  }
0x2e6: {  	v63 =	vld [tilespmem:s18+$0xB310];
	[tilespmem:s18+$0xAF50] =	vst v0;
	v0 =	vmul.f32 v57, v24  }
0x2e7: {  	v36 =	vld [tilespmem:s18+$0x7B20];
	[tilespmem:s18+$0x7750] =	vst v17;
	v17 =	vmul.f32 v56, v23  }
0x2e8: {  	v37 =	vld [tilespmem:s18+$0xB320];
	[tilespmem:s18+$0xAF60] =	vst v0;
	v0 =	vmul.f32 v59, v24  }
0x2e9: {  	v38 =	vld [tilespmem:s18+$0x7B30];
	[tilespmem:s18+$0x7760] =	vst v17;
	v17 =	vmul.f32 v58, v23  }
0x2ea: {  	v39 =	vld [tilespmem:s18+$0xB330];
	[tilespmem:s18+$0xAF70] =	vst v0;
	v0 =	vmul.f32 v61, v24  }
0x2eb: {  	v40 =	vld [tilespmem:s18+$0x7B40];
	[tilespmem:s18+$0x7770] =	vst v17;
	v17 =	vmul.f32 v60, v23  }
0x2ec: {  	v41 =	vld [tilespmem:s18+$0xB340];
	[tilespmem:s18+$0xB300] =	vst v0;
	v0 =	vmul.f32 v63, v24  }
0x2ed: {  	v44 =	vld [tilespmem:s18+$0x7B60];
	[tilespmem:s18+$0x7B00] =	vst v17;
	v17 =	vmul.f32 v62, v23  }
0x2ee: {  	v48 =	vld [tilespmem:s18+$0x7F00];
	[tilespmem:s18+$0xB310] =	vst v0;
	v0 =	vmul.f32 v37, v24  }
0x2ef: {  	v43 =	vld [tilespmem:s18+$0xB350];
	[tilespmem:s18+$0x7B10] =	vst v17;
	v17 =	vmul.f32 v36, v23  }
0x2f0: {  	v42 =	vld [tilespmem:s18+$0x7B50];
	[tilespmem:s18+$0xB320] =	vst v0;
	v0 =	vmul.f32 v39, v24  }
0x2f1: {  	v45 =	vld [tilespmem:s18+$0xB360];
	[tilespmem:s18+$0x7B20] =	vst v17;
	v17 =	vmul.f32 v38, v23  }
0x2f2: {  	v46 =	vld [tilespmem:s18+$0x7B70];
	[tilespmem:s18+$0xB330] =	vst v0;
	v0 =	vmul.f32 v41, v24  }
0x2f3: {  	v47 =	vld [tilespmem:s18+$0xB370];
	[tilespmem:s18+$0x7B30] =	vst v17;
	v17 =	vmul.f32 v40, v23  }
0x2f4: {  	v53 =	vld [tilespmem:s18+$0xB720];
	[tilespmem:s18+$0xB340] =	vst v0;
	v0 =	vmul.f32 v43, v24  }
0x2f5: {  	v49 =	vld [tilespmem:s18+$0xB700];
	[tilespmem:s18+$0x7B40] =	vst v17;
	v17 =	vmul.f32 v42, v23  }
0x2f6: {  	v50 =	vld [tilespmem:s18+$0x7F10];
	[tilespmem:s18+$0xB350] =	vst v0;
	v0 =	vmul.f32 v45, v24  }
0x2f7: {  	v51 =	vld [tilespmem:s18+$0xB710];
	[tilespmem:s18+$0x7B50] =	vst v17;
	v17 =	vmul.f32 v44, v23  }
0x2f8: {  	v52 =	vld [tilespmem:s18+$0x7F20];
	[tilespmem:s18+$0xB360] =	vst v0;
	v0 =	vmul.f32 v47, v24  }
0x2f9: {  	v55 =	vld [tilespmem:s18+$0xB730];
	[tilespmem:s18+$0x7B60] =	vst v17;
	v17 =	vmul.f32 v46, v23  }
0x2fa: {  	v54 =	vld [tilespmem:s18+$0x7F30];
	[tilespmem:s18+$0xB370] =	vst v0;
	v0 =	vmul.f32 v49, v24  }
0x2fb: {  	v57 =	vld [tilespmem:s18+$0xB740];
	[tilespmem:s18+$0x7B70] =	vst v17;
	v17 =	vmul.f32 v48, v23  }
0x2fc: {  	v56 =	vld [tilespmem:s18+$0x7F40];
	[tilespmem:s18+$0xB700] =	vst v0;
	v0 =	vmul.f32 v51, v24  }
0x2fd: {  	v59 =	vld [tilespmem:s18+$0xB750];
	[tilespmem:s18+$0x7F00] =	vst v17;
	v17 =	vmul.f32 v50, v23  }
0x2fe: {  	v58 =	vld [tilespmem:s18+$0x7F50];
	[tilespmem:s18+$0xB710] =	vst v0;
	v0 =	vmul.f32 v53, v24  }
0x2ff: {  	v61 =	vld [tilespmem:s18+$0xB760];
	[tilespmem:s18+$0x7F10] =	vst v17;
	v17 =	vmul.f32 v52, v23  }
0x300: {  	v60 =	vld [tilespmem:s18+$0x7F60];
	[tilespmem:s18+$0xB720] =	vst v0;
	v0 =	vmul.f32 v55, v24  }
0x301: {  	v63 =	vld [tilespmem:s18+$0xB770];
	[tilespmem:s18+$0x7F20] =	vst v17;
	v17 =	vmul.f32 v54, v23  }
0x302: {  	v62 =	vld [tilespmem:s18+$0x7F70];
	[tilespmem:s18+$0xB730] =	vst v0;
	v0 =	vmul.f32 v57, v24  }
0x303: {  	v37 =	vld [tilespmem:s18+$0xBB00];
	[tilespmem:s18+$0x7F30] =	vst v17;
	v17 =	vmul.f32 v56, v23  }
0x304: {  	v36 =	vld [tilespmem:s18+$0x8300];
	[tilespmem:s18+$0xB740] =	vst v0;
	v0 =	vmul.f32 v59, v24  }
0x305: {  	v39 =	vld [tilespmem:s18+$0xBB10];
	[tilespmem:s18+$0x7F40] =	vst v17;
	v17 =	vmul.f32 v58, v23  }
0x306: {  	v38 =	vld [tilespmem:s18+$0x8310];
	[tilespmem:s18+$0xB750] =	vst v0;
	v0 =	vmul.f32 v61, v24  }
0x307: {  	v41 =	vld [tilespmem:s18+$0xBB20];
	[tilespmem:s18+$0x7F50] =	vst v17;
	v17 =	vmul.f32 v60, v23  }
0x308: {  	v40 =	vld [tilespmem:s18+$0x8320];
	[tilespmem:s18+$0xB760] =	vst v0;
	v0 =	vmul.f32 v63, v24  }
0x309: {  	v43 =	vld [tilespmem:s18+$0xBB30];
	[tilespmem:s18+$0x7F60] =	vst v17;
	v17 =	vmul.f32 v62, v23  }
0x30a: {  	v42 =	vld [tilespmem:s18+$0x8330];
	[tilespmem:s18+$0xB770] =	vst v0;
	v0 =	vmul.f32 v37, v24  }
0x30b: {  	v45 =	vld [tilespmem:s18+$0xBB40];
	[tilespmem:s18+$0x7F70] =	vst v17;
	v17 =	vmul.f32 v36, v23  }
0x30c: {  	v44 =	vld [tilespmem:s18+$0x8340];
	[tilespmem:s18+$0xBB00] =	vst v0;
	v0 =	vmul.f32 v39, v24  }
0x30d: {  	v47 =	vld [tilespmem:s18+$0xBB50];
	[tilespmem:s18+$0x8300] =	vst v17;
	v17 =	vmul.f32 v38, v23  }
0x30e: {  	v46 =	vld [tilespmem:s18+$0x8350];
	[tilespmem:s18+$0xBB10] =	vst v0;
	v0 =	vmul.f32 v41, v24  }
0x30f: {  	v49 =	vld [tilespmem:s18+$0xBB60];
	[tilespmem:s18+$0x8310] =	vst v17;
	v17 =	vmul.f32 v40, v23  }
0x310: {  	v48 =	vld [tilespmem:s18+$0x8360];
	[tilespmem:s18+$0xBB20] =	vst v0;
	v0 =	vmul.f32 v43, v24  }
0x311: {  	v51 =	vld [tilespmem:s18+$0xBB70];
	[tilespmem:s18+$0x8320] =	vst v17;
	v17 =	vmul.f32 v42, v23  }
0x312: {  	v50 =	vld [tilespmem:s18+$0x8370];
	[tilespmem:s18+$0xBB30] =	vst v0;
	v0 =	vmul.f32 v45, v24  }
0x313: {  	v53 =	vld [tilespmem:s18+$0xBF00];
	[tilespmem:s18+$0x8330] =	vst v17;
	v17 =	vmul.f32 v44, v23  }
0x314: {  	v52 =	vld [tilespmem:s18+$0x8700];
	[tilespmem:s18+$0xBB40] =	vst v0;
	v0 =	vmul.f32 v47, v24  }
0x315: {  	v55 =	vld [tilespmem:s18+$0xBF10];
	[tilespmem:s18+$0x8340] =	vst v17;
	v17 =	vmul.f32 v46, v23  }
0x316: {  	[tilespmem:s18+$0xBB50] =	vst v0;
	v0 =	vmul.f32 v49, v24;
	v49 =	vld [tilespmem:s18+$0x8F00]  }
0x317: {  	v54 =	vld [tilespmem:s18+$0x8710];
	[tilespmem:s18+$0x8350] =	vst v17;
	v17 =	vmul.f32 v48, v23  }
0x318: {  	v57 =	vld [tilespmem:s18+$0xBF20];
	[tilespmem:s18+$0xBB60] =	vst v0;
	v0 =	vmul.f32 v51, v24  }
0x319: {  	v56 =	vld [tilespmem:s18+$0x8720];
	[tilespmem:s18+$0x8360] =	vst v17;
	v17 =	vmul.f32 v50, v23  }
0x31a: {  	v59 =	vld [tilespmem:s18+$0xBF30];
	[tilespmem:s18+$0xBB70] =	vst v0;
	v0 =	vmul.f32 v53, v24  }
0x31b: {  	v58 =	vld [tilespmem:s18+$0x8730];
	v27 =	vmul.f32 v49, v23;
	[tilespmem:s18+$0x8370] =	vst v17  }
0x31c: {  	v50 =	vld [tilespmem:s18+$0xC700];
	v17 =	vmul.f32 v52, v23;
	[tilespmem:s18+$0xBF00] =	vst v0  }
0x31d: {  	v61 =	vld [tilespmem:s18+$0xBF40];
	v0 =	vmul.f32 v55, v24;
	[tilespmem:s18+$0x8F00] =	vst v27  }
0x31e: {  	v60 =	vld [tilespmem:s18+$0x8740];
	[tilespmem:s18+$0x8700] =	vst v17;
	v17 =	vmul.f32 v54, v23  }
0x31f: {  	v63 =	vld [tilespmem:s18+$0xBF50];
	[tilespmem:s18+$0xBF10] =	vst v0;
	v0 =	vmul.f32 v57, v24  }
0x320: {  	v62 =	vld [tilespmem:s18+$0x8750];
	[tilespmem:s18+$0x8710] =	vst v17;
	v17 =	vmul.f32 v56, v23  }
0x321: {  	v37 =	vld [tilespmem:s18+$0xBF60];
	v31 =	vmul.f32 v50, v24;
	[tilespmem:s18+$0xBF20] =	vst v0  }
0x322: {  	v36 =	vld [tilespmem:s18+$0x8760];
	[tilespmem:s18+$0x8720] =	vst v17;
	v17 =	vmul.f32 v58, v23  }
0x323: {  	v39 =	vld [tilespmem:s18+$0xBF70];
	v0 =	vmul.f32 v59, v24;
	[tilespmem:s18+$0xC700] =	vst v31  }
0x324: {  	v38 =	vld [tilespmem:s18+$0x8770];
	[tilespmem:s18+$0x8730] =	vst v17;
	v17 =	vmul.f32 v60, v23  }
0x325: {  	v41 =	vld [tilespmem:s18+$0xC300];
	[tilespmem:s18+$0xBF30] =	vst v0;
	v0 =	vmul.f32 v61, v24  }
0x326: {  	v40 =	vld [tilespmem:s18+$0x8B00];
	[tilespmem:s18+$0x8740] =	vst v17;
	v17 =	vmul.f32 v62, v23  }
0x327: {  	v43 =	vld [tilespmem:s18+$0xC310];
	[tilespmem:s18+$0xBF40] =	vst v0;
	v0 =	vmul.f32 v63, v24  }
0x328: {  	v42 =	vld [tilespmem:s18+$0x8B10];
	[tilespmem:s18+$0x8750] =	vst v17;
	v17 =	vmul.f32 v36, v23  }
0x329: {  	v45 =	vld [tilespmem:s18+$0xC320];
	[tilespmem:s18+$0xBF50] =	vst v0;
	v0 =	vmul.f32 v37, v24  }
0x32a: {  	v44 =	vld [tilespmem:s18+$0x8B20];
	[tilespmem:s18+$0x8760] =	vst v17;
	v17 =	vmul.f32 v38, v23  }
0x32b: {  	v47 =	vld [tilespmem:s18+$0xC330];
	[tilespmem:s18+$0xBF60] =	vst v0;
	v0 =	vmul.f32 v39, v24  }
0x32c: {  	v46 =	vld [tilespmem:s18+$0x8B30];
	[tilespmem:s18+$0x8770] =	vst v17;
	v17 =	vmul.f32 v40, v23  }
0x32d: {  	v48 =	vld [tilespmem:s18+$0x8B40];
	[tilespmem:s18+$0xBF70] =	vst v0;
	v0 =	vmul.f32 v41, v24  }
0x32e: {  	v51 =	vld [tilespmem:s18+$0xC340];
	[tilespmem:s18+$0x8B00] =	vst v17;
	v17 =	vmul.f32 v42, v23  }
0x32f: {  	v53 =	vld [tilespmem:s18+$0xC350];
	[tilespmem:s18+$0xC300] =	vst v0;
	v0 =	vmul.f32 v43, v24  }
0x330: {  	v52 =	vld [tilespmem:s18+$0x8B50];
	[tilespmem:s18+$0x8B10] =	vst v17;
	v17 =	vmul.f32 v44, v23  }
0x331: {  	v54 =	vld [tilespmem:s18+$0x8B70];
	[tilespmem:s18+$0xC310] =	vst v0;
	v0 =	vmul.f32 v45, v24  }
0x332: {  	v55 =	vld [tilespmem:s18+$0x8F01];
	[tilespmem:s18+$0x8B20] =	vst v17;
	v17 =	vmul.f32 v46, v23  }
0x333: {  	v29 =	vmul.f32 v47, v24;
	[tilespmem:s18+$0xC320] =	vst v0;
	v0 =	vld [tilespmem:s18+$0x8B60]  }
0x334: {  	v30 =	vmul.f32 v48, v23;
	[tilespmem:s18+$0x8B30] =	vst v17;
	v17 =	vld [tilespmem:s18+$0xC360]  }
0x335: {  	[tilespmem:s18+$0xC330] =	vst v29;
	v26 =	vmul.f32 v51, v24;
	v56 =	vld [tilespmem:s18+$0xC701]  }
0x336: {  	[tilespmem:s18+$0x8B40] =	vst v30;
	v59 =	vmul.f32 v53, v24;
	v58 =	vld [tilespmem:s18+$0xC370]  }
0x337: {  	[tilespmem:s18+$0xC340] =	vst v26;
	v57 =	vmul.f32 v52, v23  }
0x338: {  	v22 =	vmul.f32 v25, v22;
	[tilespmem:s18+$0xC350] =	vst v59;
	v0 =	vmul.f32 v0, v23  }
0x339: {  	v21 =	vmul.f32 v24, v21;
	[tilespmem:s18+$0x8B50] =	vst v57;
	v17 =	vmul.f32 v17, v24  }
0x33a: {  	p0 =	sne.s32 s17, $0xF;
	v60 =	vmul.f32 v54, v23;
	v61 =	vmul.f32 v56, v24;
	[tilespmem:s18+$0x8B60] =	vst v0  }
.Ltmp3:
0x33b: {  	v22 =	vnsel vm1, $0x0, v22;
	v0 =	vmul.f32 v55, v23;
	[tilespmem:s18+$0xC360] =	vst v17;
	v17 =	vmul.f32 v58, v24;
	(pc) =	sbr.rel @p0 .LBB2_5-.Ltmp3, $4  }
0x33c: {  	v20 =	vmul.f32 v23, v20;
	v21 =	vsub.f32 v21, v22;
	[tilespmem:s18+$0x8B70] =	vst v60;
	v62 =	vsub.f32 v61, v22  }
0x33d: {  	v63 =	vlaneseq.u32;
	v0 =	vsel vm0, v55, v0;
	[tilespmem:s18+$0xC370] =	vst v17;
	v17 =	vmov s17  }
0x33e: {  	[tilespmem:s18+$0x8F01] =	vst v0;
	v0 =	vsel vm0, v56, v62;
	vm1 =	veq.s32 v17, v63  }
0x33f: {  	s14 =	sadd.s32 $0x80, s14;
	[tilespmem:s18+$0xC701] =	vst v0;
	s17 =	sadd.s32 $0x1, s17;
	v19 =	vsel vm1, v20, v19;
	v18 =	vsel vm1, v21, v18  }
0x340: {  	s13 =	sor.u32 $0x10, s13  }
0x341: {  	s13 =	sshrl.u32 s13, $0x3  }
0x342: {  	s13 =	smul.u32 $0x1C00, s13;
	_ =	sdelay $0x1  }
0x343: {  	s13 =	sadd.s32 s5, s13  }
0x344: {  	[tilespmem:s12+$0xE710] =	vst v19;
	s13 =	sshrl.u32 s13, $0x3  }
0x345: {  	[tilespmem:s12+$0xE910] =	vst v18;
	s14 =	sadd.s32 s8, s13  }
0x346: {  	[hbm4b:s14+s4] =	stream.linear.scatter [tilespmem:s24], [sflag:$0x7], $0x3800, $0x38;
	[tilespmem:$0xEB80] =	vst v63  }
0x347: {  	s13 =	sadd.s32 s9, s13  }
0x348: {  	[hbm4b:s13+s4] =	stream.linear.scatter [tilespmem:s25], [sflag:$0x8], $0x3800, $0x38;
	[tilespmem:$0xEB80] =	vst v63  }
0x349: {  	p0 =	seq.s32 s11, $0xF;
	_ =	swait.ge [sflag:s3], $0x3800  }
.Ltmp4:
0x34a: {  	[sflag:s3] =	ssyncset.done $0x0;
	(pc) =	sbr.rel @p0 .LBB2_8-.Ltmp4, $4  }
0x34b: {  	v48 =	vmov v16;
	[sflag:s3] =	ssyncadd.s32 $0xFFFFC800  }
0x34c: {  	v47 =	vmovc v15;
	v44 =	vmovc v12;
	v45 =	vmov v13;
	v46 =	vmov v14;
	v40 =	vmov v8;
	_ =	swait.ge [sflag:s2], $0x3800  }
0x34d: {  	v41 =	vmovc v9;
	v42 =	vmovc v10;
	v43 =	vmov v11;
	v39 =	vmov v7;
	v38 =	vmov v6;
	[sflag:s2] =	ssyncset.done $0x0  }
0x34e: {  	v36 =	vmovc v4;
	v37 =	vmovc v5;
	v34 =	vmov v2;
	v35 =	vmov v3;
	v33 =	vmov v1;
	[sflag:s2] =	ssyncadd.s32 $0xFFFFC800  }
0x34f: {  	s13 =	sadd.s32 s12, s15  }
0x350: {  	s13 =	sshrl.u32 s13, $0x3  }
0x351: {  	s13 =	smul.u32 $0x1C00, s13;
	_ =	sdelay $0x1  }
0x352: {  	s13 =	sadd.s32 s5, s13  }
0x353: {  	s13 =	sshrl.u32 s13, $0x3  }
0x354: {  	s14 =	sadd.s32 s6, s13  }
0x355: {  	[tilespmem:s21], [sflag:$0x1] =	stream.linear.gather [hbm4b:s14+s4], $0x3800, $0x38;
	[tilespmem:$0xEB80] =	vst v63  }
0x356: {  	s18 =	sadd.s32 s12, s16;
	s13 =	sadd.s32 s7, s13  }
0x357: {  	[tilespmem:s22], [sflag:$0x2] =	stream.linear.gather [hbm4b:s13+s4], $0x3800, $0x38;
	[tilespmem:$0xEB80] =	vst v63  }
0x358: {  	s12 =	sshrl.u32 s18, $0x3;
	_ =	swait.ge [sflag:s0], $0x3800  }
0x359: {  	s12 =	smul.u32 $0x1C00, s12;
	[sflag:s0] =	ssyncset.done $0x0  }
0x35a: {  	[sflag:s0] =	ssyncadd.s32 $0xFFFFC800  }
0x35b: {  	s12 =	sadd.s32 s5, s12;
	_ =	swait.ge [sflag:s1], $0x3800  }
.Ltmp5:
0x35c: {  	s12 =	sshrl.u32 s12, $0x3;
	[sflag:s1] =	ssyncset.done $0x0;
	(pc) =	sbr.rel .LBB2_2-.Ltmp5, $4  }
0x35d: {  	s23 =	sadd.s32 s6, s12;
	[sflag:s1] =	ssyncadd.s32 $0xFFFFC800  }
0x35e: {  	[tilespmem:s24], [sflag:$0x3] =	stream.linear.gather [hbm4b:s23+s4], $0x3800, $0x38;
	[tilespmem:$0xEB80] =	vst v63  }
0x35f: {  	s11 =	sadd.s32 $0x1, s11;
	s12 =	sadd.s32 s7, s12  }
0x360: {  	[tilespmem:s25], [sflag:$0x4] =	stream.linear.gather [hbm4b:s12+s4], $0x3800, $0x38;
	[tilespmem:$0xEB80] =	vst v63  }
.LBB2_9:
0x361: {  	_ =	sfence.sel $0x180000  }
0x362: {  	[bflag:$0x0] =	sbarrier.arrive $0xFFFF  }
0x363: {  	_ =	strace $0x90000047  }
0x364: {  	s0 =	stileid.u32;
	[bflag:$0x2] =	sbarrier.arrive $0xFFFF  }
0x365: {  	p0 =	sne.s32 s0, $0x0;
	s0 =	rddreg [dreg:$0x5]  }
0x366: {  	s0 =	sadd.s32 @!p0 $0x100000, s0  }
0x367: {  	[sflag:s0] =	ssyncadd.tile.s32 @!p0 $0x1;
	_ =	shalt  }
.Lfunc_end2:
_tile_overlayer_lowered:
.L_overlay_start_2:
0x368: {  	(tag) =	ssettag $0x2  }
0x369: {  	s0 =	rddreg [dreg:$0x0];
	s2 =	stileid.u32  }
0x36a: {  	s1 =	rddreg [dreg:$0x1];
	p0 =	sne.s32 s2, $0x0  }
0x36b: {  	s3 =	rddreg [dreg:$0x2];
	[bflag:$0x3] =	sbarrier.arrive $0xFFFF;
	s2 =	simm.s32 @!p0 $0x1C09  }
0x36c: {  	[timem:s3], [sflag:s2] =	dma.local @!p0 [hbm:s0], s1  }
0x36d: {  	s0 =	simm.s32 @!p0 $0x9  }
0x36e: {  	_ =	swait.ge @!p0 [sflag:s0], s1  }
0x36f: {  	s1 =	ssub.s32 @!p0 $0x0, s1;
	[sflag:s0] =	ssyncset.done @!p0 $0x0  }
0x370: {  	[sflag:s0] =	ssyncadd.s32 @!p0 s1  }
0x371: {  	[bflag:$0x3] =	sbarrier.arrive $0xFFFF  }
0x372: {  	_ =	shalt  }

</sc_bundles>
